<compile_context>
chip_gen: v7x
topology: tpu7x:2x2x1
jax: 0.10.2.dev20260603
libtpu: 0.0.44.dev20260713+nightly
codegen_flags: <defaults>
</compile_context>

<pallas_src>
import jax
import jax.numpy as jnp
from jax import lax
from jax.experimental import pallas as pl
from jax.experimental.pallas import tpu as pltpu
from jax.experimental.pallas import tpu_sc as plsc

N = 10000
E = 320000
D_IN = 128
D_HID = 128
D_OUT = 40
POWER1 = 8

NW = 32
NS = 16
CPW = D_HID // NW
CHUNK = 16000
NCHUNK = E // CHUNK
STEPS = CHUNK // 16
PKC = 2560
NPKC = E // PKC
NPAD = 10112


def _mm_in_body(x_ref, w_ref, b_ref, o_ref):
    o_ref[...] = (
        jnp.dot(x_ref[...], w_ref[...], preferred_element_type=jnp.float32)
        + b_ref[...]
    )


def _lin_in(x, W, b):
    return pl.pallas_call(
        _mm_in_body,
        grid=(10,),
        in_specs=[
            pl.BlockSpec((N // 10, D_IN), lambda i: (i, 0)),
            pl.BlockSpec((D_IN, D_HID), lambda i: (0, 0)),
            pl.BlockSpec((1, D_HID), lambda i: (0, 0)),
        ],
        out_specs=pl.BlockSpec((N // 10, D_HID), lambda i: (i, 0)),
        out_shape=jax.ShapeDtypeStruct((N, D_HID), jnp.float32),
    )(x, W, b.reshape(1, D_HID))


def _prop_body(edge_ref, xxr_ref, out_ref, pk_ref, uxr_ref,
               buf_a, buf_b, dinv, ebuf0, ebuf1, pout, uxbuf, uxbuf2,
               sem0, sem1, sem2, sem3):
    c = lax.axis_index("c")
    s = lax.axis_index("s")
    w = s * 2 + c
    ebufs = [ebuf0, ebuf1]
    sems = [sem0, sem1]
    uxbufs = [uxbuf, uxbuf2]
    uxsems = [sem2, sem3]

    @plsc.parallel_loop(0, N // 16, unroll=8)
    def _(i):
        dinv[pl.ds(i * 16, 16)] = jnp.zeros((16,), jnp.float32)

    ones = jnp.ones((16,), jnp.float32)

    pltpu.async_copy(edge_ref.at[1, pl.ds(0, CHUNK)], ebuf0, sem0)
    pltpu.async_copy(edge_ref.at[1, pl.ds(CHUNK, CHUNK)], ebuf1, sem1)

    def hist_pair(cj, carry):
        for b in range(2):
            ci = cj * 2 + b
            eb = ebufs[b]
            sm = sems[b]
            pltpu.make_async_copy(
                edge_ref.at[1, pl.ds(0, CHUNK)], eb, sm).wait()

            @plsc.parallel_loop(0, STEPS, unroll=16)
            def _(i, eb=eb):
                plsc.addupdate_scatter(dinv, [eb[pl.ds(i * 16, 16)]], ones)

            @pl.when(ci + 2 < NCHUNK)
            def _(eb=eb, sm=sm, ci=ci):
                noff = pl.multiple_of((ci + 2) * CHUNK, 128)
                pltpu.async_copy(
                    edge_ref.at[1, pl.ds(noff, CHUNK)], eb, sm)

        return carry

    lax.fori_loop(0, NCHUNK // 2, hist_pair, 0)

    pltpu.async_copy(edge_ref.at[0, pl.ds(0, CHUNK)], ebuf0, sem0)
    pltpu.async_copy(edge_ref.at[0, pl.ds(CHUNK, CHUNK)], ebuf1, sem1)

    def rmin_pair(cj, rminv):
        for b in range(2):
            ci = cj * 2 + b
            eb = ebufs[b]
            sm = sems[b]
            pltpu.make_async_copy(
                edge_ref.at[0, pl.ds(0, CHUNK)], eb, sm).wait()

            @plsc.parallel_loop(0, STEPS, step=8, carry=rminv)
            def rminv(i, rv, eb=eb):
                vs = [eb[pl.ds((i + k) * 16, 16)] for k in range(8)]
                for st in (4, 2, 1):
                    vs = [jnp.minimum(vs[k], vs[k + st])
                          for k in range(st)]
                return jnp.minimum(rv, vs[0])

            @pl.when(ci + 2 < NCHUNK)
            def _(eb=eb, sm=sm, ci=ci):
                noff = pl.multiple_of((ci + 2) * CHUNK, 128)
                pltpu.async_copy(
                    edge_ref.at[0, pl.ds(noff, CHUNK)], eb, sm)

        return rminv

    rminv = lax.fori_loop(
        0, NCHUNK // 2, rmin_pair,
        jnp.full((16,), jnp.iinfo(jnp.int32).max, jnp.int32),
    )
    rmin = jnp.min(rminv)

    @plsc.parallel_loop(0, N // 16, unroll=5)
    def _(i):
        d = dinv[pl.ds(i * 16, 16)]
        bits = plsc.bitcast(d, jnp.int32)
        y = plsc.bitcast(jnp.int32(0x5F3759DF) - (bits >> 1), jnp.float32)
        nh = d * jnp.float32(-0.5)
        for _ in range(3):
            y = y * (jnp.float32(1.5) + nh * y * y)
        dinv[pl.ds(i * 16, 16)] = jnp.where(d > 0.0, y, jnp.float32(0.0))

    cps = -(-NPKC // NS)
    npk = jnp.minimum(cps, NPKC - s * cps)

    def pack_chunk(k, carry):
        off = pl.multiple_of((s * cps + k) * PKC, 128)
        pltpu.sync_copy(edge_ref.at[0, pl.ds(off, PKC)],
                        ebuf0.at[pl.ds(0, PKC)])
        pltpu.sync_copy(edge_ref.at[1, pl.ds(off, PKC)],
                        ebuf1.at[pl.ds(0, PKC)])

        @plsc.parallel_loop(0, PKC // 16, unroll=4)
        def _(i):
            row16 = ebuf0[pl.ds(i * 16, 16)] - rmin
            col16 = ebuf1[pl.ds(i * 16, 16)]
            pout[pl.ds(i * 16, 16)] = (row16 << 16) | col16

        pltpu.sync_copy(pout, pk_ref.at[c, pl.ds(off, PKC)])
        return carry

    lax.fori_loop(0, npk, pack_chunk, 0)
    plsc.subcore_barrier()

    for b in range(2):
        pltpu.sync_copy(xxr_ref.at[w * CPW + 2 * b], uxbuf)
        pltpu.sync_copy(xxr_ref.at[w * CPW + 2 * b + 1], uxbuf2)

        @plsc.parallel_loop(0, N // 16, unroll=4)
        def _(i, b=b):
            d = dinv[pl.ds(i * 16, 16)]
            v0 = uxbuf[pl.ds(i * 16, 16)] * d
            v1 = uxbuf2[pl.ds(i * 16, 16)] * d
            uxbuf[pl.ds(i * 16, 16)] = v0
            uxbuf2[pl.ds(i * 16, 16)] = v1
            buf_a[pl.ds(b * N + i * 16, 16)] = plsc.bitcast(
                plsc.pack(v0, v1, format=plsc.PackFormat.INTERLEAVED),
                jnp.int32)

        pltpu.sync_copy(uxbuf, uxr_ref.at[w * CPW + 2 * b])
        pltpu.sync_copy(uxbuf2, uxr_ref.at[w * CPW + 2 * b + 1])

    @plsc.parallel_loop(0, CPW * N // 16, unroll=8)
    def _(i):
        buf_b[pl.ds(i * 16, 16)] = jnp.zeros((16,), jnp.float32)

    def half_round(final):
        src = buf_a
        dst = buf_b
        add_ref = xxr_ref if final else uxr_ref
        for j in range(2):
            pltpu.async_copy(add_ref.at[w * CPW + j], uxbufs[j], uxsems[j])
        pltpu.async_copy(pk_ref.at[c, pl.ds(0, CHUNK)], ebuf0, sem0)
        pltpu.async_copy(pk_ref.at[c, pl.ds(CHUNK, CHUNK)], ebuf1, sem1)

        def chunk_pair(cj, carry):
            for b in range(2):
                ci = cj * 2 + b
                eb = ebufs[b]
                sm = sems[b]
                pltpu.make_async_copy(
                    pk_ref.at[c, pl.ds(0, CHUNK)], eb, sm).wait()

                @plsc.parallel_loop(0, STEPS, unroll=8)
                def _(i, eb=eb):
                    pk16 = eb[pl.ds(i * 16, 16)]
                    col16 = pk16 & jnp.int32(0xFFFF)
                    rs = lax.shift_right_logical(pk16, jnp.int32(16))
                    for b in range(2):
                        gw = plsc.load_gather(
                            src.at[pl.ds(b * N, N)], [col16])
                        v0, v1 = plsc.unpack(
                            plsc.bitcast(gw, jnp.bfloat16),
                            format=plsc.PackFormat.INTERLEAVED)
                        plsc.addupdate_scatter(
                            dst.at[pl.ds(2 * b * N, N)], [rs], v0)
                        plsc.addupdate_scatter(
                            dst.at[pl.ds((2 * b + 1) * N, N)], [rs], v1)

                @pl.when(ci + 2 < NCHUNK)
                def _(eb=eb, sm=sm, ci=ci):
                    noff = pl.multiple_of((ci + 2) * CHUNK, 128)
                    pltpu.async_copy(
                        pk_ref.at[c, pl.ds(noff, CHUNK)], eb, sm)

            return carry

        lax.fori_loop(0, NCHUNK // 2, chunk_pair, 0)

        for bp in range(2):
            for b in range(2):
                pltpu.make_async_copy(
                    add_ref.at[w * CPW + 2 * bp + b], uxbufs[b],
                    uxsems[b]).wait()

            @plsc.parallel_loop(0, N // 16, unroll=5)
            def _(i, bp=bp):
                d = dinv[pl.ds(i * 16, 16)]
                sc = d if final else d * d
                s0 = dst[pl.ds(2 * bp * N + i * 16, 16)]
                s1 = dst[pl.ds((2 * bp + 1) * N + i * 16, 16)]
                v0 = sc * s0 + uxbufs[0][pl.ds(i * 16, 16)]
                v1 = sc * s1 + uxbufs[1][pl.ds(i * 16, 16)]
                if final:
                    dst[pl.ds(2 * bp * N + i * 16, 16)] = v0
                    dst[pl.ds((2 * bp + 1) * N + i * 16, 16)] = v1
                else:
                    src[pl.ds(bp * N + i * 16, 16)] = plsc.bitcast(
                        plsc.pack(v0, v1,
                                  format=plsc.PackFormat.INTERLEAVED),
                        jnp.int32)
                    dst[pl.ds(2 * bp * N + i * 16, 16)] = (
                        jnp.zeros((16,), jnp.float32))
                    dst[pl.ds((2 * bp + 1) * N + i * 16, 16)] = (
                        jnp.zeros((16,), jnp.float32))

            if bp == 0:
                for b in range(2):
                    pltpu.async_copy(add_ref.at[w * CPW + 2 + b],
                                     uxbufs[b], uxsems[b])

    def one_round(rr, carry):
        half_round(False)
        return carry

    lax.fori_loop(0, POWER1 - 1, one_round, 0)
    half_round(True)

    pltpu.sync_copy(buf_b, out_ref.at[w])


def _propagate(edge_index, xxr):
    mesh = plsc.VectorSubcoreMesh(core_axis_name="c", subcore_axis_name="s")
    f = pl.kernel(
        _prop_body,
        out_type=(
            jax.ShapeDtypeStruct((NW, CPW * N), jnp.float32),
            jax.ShapeDtypeStruct((2, E), jnp.int32),
            jax.ShapeDtypeStruct((D_HID, NPAD), jnp.float32),
        ),
        mesh=mesh,
        scratch_types=[
            pltpu.VMEM((2 * N,), jnp.int32),
            pltpu.VMEM((CPW * N,), jnp.float32),
            pltpu.VMEM((N,), jnp.float32),
            pltpu.VMEM((CHUNK,), jnp.int32),
            pltpu.VMEM((CHUNK,), jnp.int32),
            pltpu.VMEM((PKC,), jnp.int32),
            pltpu.VMEM((NPAD,), jnp.float32),
            pltpu.VMEM((NPAD,), jnp.float32),
            pltpu.SemaphoreType.DMA,
            pltpu.SemaphoreType.DMA,
            pltpu.SemaphoreType.DMA,
            pltpu.SemaphoreType.DMA,
        ],
        compiler_params=pltpu.CompilerParams(needs_layout_passes=False),
    )
    hxr, _, _ = f(edge_index, xxr)
    return hxr


def _head_body(xx_ref, hx_ref, pol_ref, wp_ref, bp_ref, o_ref):
    p0 = pol_ref[0]
    p1 = pol_ref[1]
    m = jnp.maximum(p0, p1)
    e0 = jnp.max(jnp.exp(jnp.full((8, 128), p0 - m, jnp.float32)))
    e1 = jnp.max(jnp.exp(jnp.full((8, 128), p1 - m, jnp.float32)))
    pp0 = e0 / (e0 + e1)
    pp1 = e1 / (e0 + e1)
    h = jnp.maximum(pp0 * xx_ref[...] + pp1 * hx_ref[...], 0.0)
    o_ref[...] = (
        jnp.dot(h, wp_ref[...], preferred_element_type=jnp.float32)
        + bp_ref[...]
    )


def _head(xX, hX, policy, W_pred, b_pred):
    return pl.pallas_call(
        _head_body,
        grid=(10,),
        in_specs=[
            pl.BlockSpec((N // 10, D_HID), lambda i: (i, 0)),
            pl.BlockSpec((N // 10, D_HID), lambda i: (i, 0)),
            pl.BlockSpec(memory_space=pltpu.SMEM),
            pl.BlockSpec((D_HID, D_OUT), lambda i: (0, 0)),
            pl.BlockSpec((1, D_OUT), lambda i: (0, 0)),
        ],
        out_specs=pl.BlockSpec((N // 10, D_OUT), lambda i: (i, 0)),
        out_shape=jax.ShapeDtypeStruct((N, D_OUT), jnp.float32),
    )(xX, hX, policy, W_pred, b_pred.reshape(1, D_OUT))


def kernel(x, edge_index, W_linX, b_linX, policy, W_pred, b_pred):
    xX = _lin_in(x, W_linX, b_linX)
    xxr = jnp.zeros((D_HID, NPAD), jnp.float32).at[:, :N].set(xX.T)
    hxr = _propagate(edge_index, xxr)
    hX = hxr.reshape(D_HID, N).T
    return _head(xX, hX, policy, W_pred, b_pred)

# --- scband reference (transcript-rebuilt; emitter-appended) ---
"""Pipeline reference for scband-ognn-no-strc-16604343566808 (READ-ONLY COPY).

The authoritative reference and input builder live on the scoring server;
editing this copy changes nothing except your own understanding.
"""

import jax, jax.numpy as jnp
import numpy as np

N = 10000
E = 320000
D_IN = 128
D_HID = 128
D_OUT = 40
POWER1 = 8


def setup_inputs(seed: int = 0) -> dict:
    key = jax.random.key(seed)
    ks = jax.random.split(key, 8)
    x = jax.random.normal(ks[0], (N, D_IN), dtype=jnp.float32)
    edge_index = jax.random.randint(ks[1], (2, E), 0, N, dtype=jnp.int32)
    # linX: nn.Linear(in_channels, hidden_channels)
    b1 = 1.0 / np.sqrt(D_IN)
    W_linX = jax.random.uniform(ks[2], (D_IN, D_HID), minval=-b1, maxval=b1, dtype=jnp.float32)
    b_linX = jax.random.uniform(ks[3], (D_HID,), minval=-b1, maxval=b1, dtype=jnp.float32)
    # policy: Parameter(torch.empty(3)); use small values (zeros would give exact 0.5/0.5 softmax)
    policy = jax.random.normal(ks[4], (3,), dtype=jnp.float32) * 0.1
    # pred: nn.Linear(hidden_channels, out_channels)
    b2 = 1.0 / np.sqrt(D_HID)
    W_pred = jax.random.uniform(ks[5], (D_HID, D_OUT), minval=-b2, maxval=b2, dtype=jnp.float32)
    b_pred = jax.random.uniform(ks[6], (D_OUT,), minval=-b2, maxval=b2, dtype=jnp.float32)
    return {"x": x, "edge_index": edge_index, "W_linX": W_linX, "b_linX": b_linX,
            "policy": policy, "W_pred": W_pred, "b_pred": b_pred}


def reference(x, edge_index, W_linX, b_linX, policy, W_pred, b_pred):
    # norm_edges: symmetric degree normalization
    row = edge_index[0]
    col = edge_index[1]
    row = row - jnp.min(row)
    deg = jnp.zeros((N,), dtype=x.dtype).at[col].add(1.0)
    deg_safe = jnp.where(deg > 0, deg, 1.0)
    deg_inv_sqrt = jnp.where(deg > 0, deg_safe ** -0.5, 0.0)
    norm = deg_inv_sqrt[row] * deg_inv_sqrt[col]
    # dropout is identity in eval mode
    xX = x @ W_linX + b_linX
    pp = jax.nn.softmax(policy[:2], axis=-1)
    hX = xX
    for _ in range(POWER1):
        # A_norm @ hX : gather from col, scale by norm, scatter-add into row
        msg = norm[:, None] * jnp.take(hX, col, axis=0)
        agg = jnp.zeros((N, D_HID), dtype=hX.dtype).at[row].add(msg)
        hX = agg + xX
    h = pp[0] * xX + pp[1] * hX
    h = jax.nn.relu(h)
    out = h @ W_pred + b_pred
    return out

if __name__ == "__main__":
    import jax
    _d = setup_inputs()
    print(jax.jit(kernel)(*tuple(_d.values())))

</pallas_src>

<mosaic_0001>
#map = affine_map<(d0, d1) -> (0, 0)>
module attributes {stable_mosaic.version = 14 : i64} {
  func.func @_prop_body(%arg0: i32, %arg1: i32, %arg2: memref<2x320000xi32, #tpu.memory_space<hbm>>, %arg3: memref<128x10112xf32, #tpu.memory_space<hbm>>, %arg4: memref<32x40000xf32, #tpu.memory_space<hbm>>, %arg5: memref<2x320000xi32, #tpu.memory_space<hbm>>, %arg6: memref<128x10112xf32, #tpu.memory_space<hbm>>, %arg7: memref<20000xi32, #tpu.memory_space<vmem>>, %arg8: memref<40000xf32, #tpu.memory_space<vmem>>, %arg9: memref<10000xf32, #tpu.memory_space<vmem>>, %arg10: memref<16000xi32, #tpu.memory_space<vmem>>, %arg11: memref<16000xi32, #tpu.memory_space<vmem>>, %arg12: memref<2560xi32, #tpu.memory_space<vmem>>, %arg13: memref<10112xf32, #tpu.memory_space<vmem>>, %arg14: memref<10112xf32, #tpu.memory_space<vmem>>, %arg15: memref<!tpu.dma_semaphore, #tpu.memory_space<semaphore_mem>>, %arg16: memref<!tpu.dma_semaphore, #tpu.memory_space<semaphore_mem>>, %arg17: memref<!tpu.dma_semaphore, #tpu.memory_space<semaphore_mem>>, %arg18: memref<!tpu.dma_semaphore, #tpu.memory_space<semaphore_mem>>) attributes {dimension_semantics = [#tpu.dimension_semantics<core_parallel>, #tpu.dimension_semantics<subcore_parallel>], iteration_bounds = array<i64: 2, 16>, scalar_prefetch = 0 : i64, scratch_operands = 12 : i64, tpu.core_type = #tpu.core_type<sc_vector_subcore>, window_params = [{transform_indices = #map}, {transform_indices = #map}, {transform_indices = #map}, {transform_indices = #map}, {transform_indices = #map}]} {
    %mul3A = arith.constant 2 : i32
    %mul3A_0 = arith.muli %arg1, %mul3A : i32
    %add3A = arith.addi %mul3A_0, %arg0 : i32
    %parallel_loop3A = arith.constant 0 : i32
    %parallel_loop3A_1 = arith.constant 625 : i32
    %parallel_loop3A_2 = arith.constant 1 : i32
    scf.for %parallel_loop3A_237 = %parallel_loop3A to %parallel_loop3A_1 step %parallel_loop3A_2  : i32 {
      %parallel_loop3A_238 = arith.constant 0.000000e+00 : f32
      %parallel_loop3A_239 = vector.broadcast %parallel_loop3A_238 : f32 to vector<16xf32>
      %parallel_loop3A_240 = arith.constant 16 : i32
      %parallel_loop3A_241 = arith.muli %parallel_loop3A_237, %parallel_loop3A_240 : i32
      %parallel_loop3A_242 = arith.index_cast %parallel_loop3A_241 : i32 to index
      %parallel_loop3A_243 = tpu.vector_load %arg9[%parallel_loop3A_242] {strides = array<i32>} : memref<10000xf32, #tpu.memory_space<vmem>>, vector<16xf32>,
      tpu.vector_store %arg9[%parallel_loop3A_242], %parallel_loop3A_239 {strides = array<i32>} : memref<10000xf32, #tpu.memory_space<vmem>>, vector<16xf32>,
    } {sc.loop_unroll_factor = 8 : i64, sc.parallel_access}
    %broadcast_in_dim3A = arith.constant 1.000000e+00 : f32
    %broadcast_in_dim3A_3 = vector.broadcast %broadcast_in_dim3A : f32 to vector<16xf32>
    %dma_start3A = arith.constant 1 : i32
    %dma_start3A_4 = arith.constant 0 : i32
    %dma_start3A_5 = tpu.memref_slice %arg2[%dma_start3A, %dma_start3A_4] : memref<2x320000xi32, #tpu.memory_space<hbm>> -> memref<1x16000xi32, #tpu.memory_space<hbm>>
    %dma_start3A_6 = tpu.memref_squeeze %dma_start3A_5 : memref<1x16000xi32, #tpu.memory_space<hbm>> -> memref<16000xi32, #tpu.memory_space<hbm>>
    %dma_start3A_7 = arith.constant 0 : i32
    %dma_start3A_8 = tpu.memref_slice %arg2[%dma_start3A, %dma_start3A_7] : memref<2x320000xi32, #tpu.memory_space<hbm>> -> memref<1x16000xi32, #tpu.memory_space<hbm>>
    %dma_start3A_9 = tpu.memref_squeeze %dma_start3A_8 : memref<1x16000xi32, #tpu.memory_space<hbm>> -> memref<16000xi32, #tpu.memory_space<hbm>>
    tpu.enqueue_dma source(%dma_start3A_9 : memref<16000xi32, #tpu.memory_space<hbm>>) target(%arg10 : memref<16000xi32, #tpu.memory_space<vmem>>) target_semaphore(%arg15 : memref<!tpu.dma_semaphore, #tpu.memory_space<semaphore_mem>>)
    %dma_start3A_10 = arith.constant 1 : i32
    %dma_start3A_11 = arith.constant 16000 : i32
    %dma_start3A_12 = tpu.memref_slice %arg2[%dma_start3A_10, %dma_start3A_11] : memref<2x320000xi32, #tpu.memory_space<hbm>> -> memref<1x16000xi32, #tpu.memory_space<hbm>>
    %dma_start3A_13 = tpu.memref_squeeze %dma_start3A_12 : memref<1x16000xi32, #tpu.memory_space<hbm>> -> memref<16000xi32, #tpu.memory_space<hbm>>
    %dma_start3A_14 = arith.constant 16000 : i32
    %dma_start3A_15 = tpu.memref_slice %arg2[%dma_start3A_10, %dma_start3A_14] : memref<2x320000xi32, #tpu.memory_space<hbm>> -> memref<1x16000xi32, #tpu.memory_space<hbm>>
    %dma_start3A_16 = tpu.memref_squeeze %dma_start3A_15 : memref<1x16000xi32, #tpu.memory_space<hbm>> -> memref<16000xi32, #tpu.memory_space<hbm>>
    tpu.enqueue_dma source(%dma_start3A_16 : memref<16000xi32, #tpu.memory_space<hbm>>) target(%arg11 : memref<16000xi32, #tpu.memory_space<vmem>>) target_semaphore(%arg16 : memref<!tpu.dma_semaphore, #tpu.memory_space<semaphore_mem>>)
    %scan3A = arith.constant 0 : i32
    %scan3A_17 = arith.constant 0 : i32
    %scan3A_18 = arith.constant 10 : i32
    %scan3A_19 = arith.addi %scan3A_17, %scan3A_18 : i32
    %scan3A_20 = arith.constant 1 : i32
    scf.for %scan3A_237 = %scan3A_17 to %scan3A_19 step %scan3A_20  : i32 {
      %mul3A_238 = arith.constant 2 : i32
      %mul3A_239 = arith.muli %scan3A_237, %mul3A_238 : i32
      %add3A_240 = arith.constant 0 : i32
      %add3A_241 = arith.addi %mul3A_239, %add3A_240 : i32
      %dma_wait3A_242 = arith.constant 1 : i32
      %dma_wait3A_243 = arith.constant 0 : i32
      %dma_wait3A_244 = tpu.memref_slice %arg2[%dma_wait3A_242, %dma_wait3A_243] : memref<2x320000xi32, #tpu.memory_space<hbm>> -> memref<1x16000xi32, #tpu.memory_space<hbm>>
      %dma_wait3A_245 = tpu.memref_squeeze %dma_wait3A_244 : memref<1x16000xi32, #tpu.memory_space<hbm>> -> memref<16000xi32, #tpu.memory_space<hbm>>
      %dma_wait3A_246 = arith.constant 0 : i32
      %dma_wait3A_247 = tpu.memref_slice %arg2[%dma_wait3A_242, %dma_wait3A_246] : memref<2x320000xi32, #tpu.memory_space<hbm>> -> memref<1x16000xi32, #tpu.memory_space<hbm>>
      %dma_wait3A_248 = tpu.memref_squeeze %dma_wait3A_247 : memref<1x16000xi32, #tpu.memory_space<hbm>> -> memref<16000xi32, #tpu.memory_space<hbm>>
      tpu.wait_dma2 semaphore(%arg15 : memref<!tpu.dma_semaphore, #tpu.memory_space<semaphore_mem>>) src(%dma_wait3A_248 : memref<16000xi32, #tpu.memory_space<hbm>>) dst(%arg10 : memref<16000xi32, #tpu.memory_space<vmem>>)
      %parallel_loop3A_249 = arith.constant 0 : i32
      %parallel_loop3A_250 = arith.constant 1000 : i32
      %parallel_loop3A_251 = arith.constant 1 : i32
      scf.for %parallel_loop3A_277 = %parallel_loop3A_249 to %parallel_loop3A_250 step %parallel_loop3A_251  : i32 {
        %parallel_loop3A_278 = arith.constant 16 : i32
        %parallel_loop3A_279 = arith.muli %parallel_loop3A_277, %parallel_loop3A_278 : i32
        %parallel_loop3A_280 = arith.index_cast %parallel_loop3A_279 : i32 to index
        %parallel_loop3A_281 = tpu.vector_load %arg10[%parallel_loop3A_280] {strides = array<i32>} : memref<16000xi32, #tpu.memory_space<vmem>>, vector<16xi32>,
        tpu.vector_store_idx %arg9[%parallel_loop3A_281], %broadcast_in_dim3A_3 {add = true} : memref<10000xf32, #tpu.memory_space<vmem>>[vector<16xi32>], vector<16xf32>,
      } {sc.loop_unroll_factor = 16 : i64, sc.parallel_access}
      %add3A_252 = arith.constant 2 : i32
      %add3A_253 = arith.addi %add3A_241, %add3A_252 : i32
      %lt3A = arith.constant 20 : i32
      %lt3A_254 = arith.cmpi slt, %add3A_253, %lt3A : i32
      %convert_element_type3A = arith.extui %lt3A_254 : i1 to i32
      %cond3A = arith.constant 0 : i32
      %cond3A_255 = arith.cmpi ne, %convert_element_type3A, %cond3A : i32
      scf.if %cond3A_255 {
        %add3A_277 = arith.constant 2 : i32
        %add3A_278 = arith.addi %add3A_241, %add3A_277 : i32
        %mul3A_279 = arith.constant 16000 : i32
        %mul3A_280 = arith.muli %add3A_278, %mul3A_279 : i32
        %multiple_of3A = tpu.assume_multiple %mul3A_280, 128 : i32
        %dma_start3A_281 = arith.constant 1 : i32
        %dma_start3A_282 = tpu.memref_slice %arg2[%dma_start3A_281, %multiple_of3A] : memref<2x320000xi32, #tpu.memory_space<hbm>> -> memref<1x16000xi32, #tpu.memory_space<hbm>>
        %dma_start3A_283 = tpu.memref_squeeze %dma_start3A_282 : memref<1x16000xi32, #tpu.memory_space<hbm>> -> memref<16000xi32, #tpu.memory_space<hbm>>
        %dma_start3A_284 = tpu.memref_slice %arg2[%dma_start3A_281, %multiple_of3A] : memref<2x320000xi32, #tpu.memory_space<hbm>> -> memref<1x16000xi32, #tpu.memory_space<hbm>>
        %dma_start3A_285 = tpu.memref_squeeze %dma_start3A_284 : memref<1x16000xi32, #tpu.memory_space<hbm>> -> memref<16000xi32, #tpu.memory_space<hbm>>
        tpu.enqueue_dma source(%dma_start3A_285 : memref<16000xi32, #tpu.memory_space<hbm>>) target(%arg10 : memref<16000xi32, #tpu.memory_space<vmem>>) target_semaphore(%arg15 : memref<!tpu.dma_semaphore, #tpu.memory_space<semaphore_mem>>)
      } else {
      }
      %mul3A_256 = arith.constant 2 : i32
      %mul3A_257 = arith.muli %scan3A_237, %mul3A_256 : i32
      %add3A_258 = arith.constant 1 : i32
      %add3A_259 = arith.addi %mul3A_257, %add3A_258 : i32
      %dma_wait3A_260 = arith.constant 1 : i32
      %dma_wait3A_261 = arith.constant 0 : i32
      %dma_wait3A_262 = tpu.memref_slice %arg2[%dma_wait3A_260, %dma_wait3A_261] : memref<2x320000xi32, #tpu.memory_space<hbm>> -> memref<1x16000xi32, #tpu.memory_space<hbm>>
      %dma_wait3A_263 = tpu.memref_squeeze %dma_wait3A_262 : memref<1x16000xi32, #tpu.memory_space<hbm>> -> memref<16000xi32, #tpu.memory_space<hbm>>
      %dma_wait3A_264 = arith.constant 0 : i32
      %dma_wait3A_265 = tpu.memref_slice %arg2[%dma_wait3A_260, %dma_wait3A_264] : memref<2x320000xi32, #tpu.memory_space<hbm>> -> memref<1x16000xi32, #tpu.memory_space<hbm>>
      %dma_wait3A_266 = tpu.memref_squeeze %dma_wait3A_265 : memref<1x16000xi32, #tpu.memory_space<hbm>> -> memref<16000xi32, #tpu.memory_space<hbm>>
      tpu.wait_dma2 semaphore(%arg16 : memref<!tpu.dma_semaphore, #tpu.memory_space<semaphore_mem>>) src(%dma_wait3A_266 : memref<16000xi32, #tpu.memory_space<hbm>>) dst(%arg11 : memref<16000xi32, #tpu.memory_space<vmem>>)
      %parallel_loop3A_267 = arith.constant 0 : i32
      %parallel_loop3A_268 = arith.constant 1000 : i32
      %parallel_loop3A_269 = arith.constant 1 : i32
      scf.for %parallel_loop3A_277 = %parallel_loop3A_267 to %parallel_loop3A_268 step %parallel_loop3A_269  : i32 {
        %parallel_loop3A_278 = arith.constant 16 : i32
        %parallel_loop3A_279 = arith.muli %parallel_loop3A_277, %parallel_loop3A_278 : i32
        %parallel_loop3A_280 = arith.index_cast %parallel_loop3A_279 : i32 to index
        %parallel_loop3A_281 = tpu.vector_load %arg11[%parallel_loop3A_280] {strides = array<i32>} : memref<16000xi32, #tpu.memory_space<vmem>>, vector<16xi32>,
        tpu.vector_store_idx %arg9[%parallel_loop3A_281], %broadcast_in_dim3A_3 {add = true} : memref<10000xf32, #tpu.memory_space<vmem>>[vector<16xi32>], vector<16xf32>,
      } {sc.loop_unroll_factor = 16 : i64, sc.parallel_access}
      %add3A_270 = arith.constant 2 : i32
      %add3A_271 = arith.addi %add3A_259, %add3A_270 : i32
      %lt3A_272 = arith.constant 20 : i32
      %lt3A_273 = arith.cmpi slt, %add3A_271, %lt3A_272 : i32
      %convert_element_type3A_274 = arith.extui %lt3A_273 : i1 to i32
      %cond3A_275 = arith.constant 0 : i32
      %cond3A_276 = arith.cmpi ne, %convert_element_type3A_274, %cond3A_275 : i32
      scf.if %cond3A_276 {
        %add3A_277 = arith.constant 2 : i32
        %add3A_278 = arith.addi %add3A_259, %add3A_277 : i32
        %mul3A_279 = arith.constant 16000 : i32
        %mul3A_280 = arith.muli %add3A_278, %mul3A_279 : i32
        %multiple_of3A = tpu.assume_multiple %mul3A_280, 128 : i32
        %dma_start3A_281 = arith.constant 1 : i32
        %dma_start3A_282 = tpu.memref_slice %arg2[%dma_start3A_281, %multiple_of3A] : memref<2x320000xi32, #tpu.memory_space<hbm>> -> memref<1x16000xi32, #tpu.memory_space<hbm>>
        %dma_start3A_283 = tpu.memref_squeeze %dma_start3A_282 : memref<1x16000xi32, #tpu.memory_space<hbm>> -> memref<16000xi32, #tpu.memory_space<hbm>>
        %dma_start3A_284 = tpu.memref_slice %arg2[%dma_start3A_281, %multiple_of3A] : memref<2x320000xi32, #tpu.memory_space<hbm>> -> memref<1x16000xi32, #tpu.memory_space<hbm>>
        %dma_start3A_285 = tpu.memref_squeeze %dma_start3A_284 : memref<1x16000xi32, #tpu.memory_space<hbm>> -> memref<16000xi32, #tpu.memory_space<hbm>>
        tpu.enqueue_dma source(%dma_start3A_285 : memref<16000xi32, #tpu.memory_space<hbm>>) target(%arg11 : memref<16000xi32, #tpu.memory_space<vmem>>) target_semaphore(%arg16 : memref<!tpu.dma_semaphore, #tpu.memory_space<semaphore_mem>>)
      } else {
      }
    }
    %scan3A_21 = arith.constant 10 : i32
    %dma_start3A_22 = arith.constant 0 : i32
    %dma_start3A_23 = arith.constant 0 : i32
    %dma_start3A_24 = tpu.memref_slice %arg2[%dma_start3A_22, %dma_start3A_23] : memref<2x320000xi32, #tpu.memory_space<hbm>> -> memref<1x16000xi32, #tpu.memory_space<hbm>>
    %dma_start3A_25 = tpu.memref_squeeze %dma_start3A_24 : memref<1x16000xi32, #tpu.memory_space<hbm>> -> memref<16000xi32, #tpu.memory_space<hbm>>
    %dma_start3A_26 = arith.constant 0 : i32
    %dma_start3A_27 = tpu.memref_slice %arg2[%dma_start3A_22, %dma_start3A_26] : memref<2x320000xi32, #tpu.memory_space<hbm>> -> memref<1x16000xi32, #tpu.memory_space<hbm>>
    %dma_start3A_28 = tpu.memref_squeeze %dma_start3A_27 : memref<1x16000xi32, #tpu.memory_space<hbm>> -> memref<16000xi32, #tpu.memory_space<hbm>>
    tpu.enqueue_dma source(%dma_start3A_28 : memref<16000xi32, #tpu.memory_space<hbm>>) target(%arg10 : memref<16000xi32, #tpu.memory_space<vmem>>) target_semaphore(%arg15 : memref<!tpu.dma_semaphore, #tpu.memory_space<semaphore_mem>>)
    %dma_start3A_29 = arith.constant 0 : i32
    %dma_start3A_30 = arith.constant 16000 : i32
    %dma_start3A_31 = tpu.memref_slice %arg2[%dma_start3A_29, %dma_start3A_30] : memref<2x320000xi32, #tpu.memory_space<hbm>> -> memref<1x16000xi32, #tpu.memory_space<hbm>>
    %dma_start3A_32 = tpu.memref_squeeze %dma_start3A_31 : memref<1x16000xi32, #tpu.memory_space<hbm>> -> memref<16000xi32, #tpu.memory_space<hbm>>
    %dma_start3A_33 = arith.constant 16000 : i32
    %dma_start3A_34 = tpu.memref_slice %arg2[%dma_start3A_29, %dma_start3A_33] : memref<2x320000xi32, #tpu.memory_space<hbm>> -> memref<1x16000xi32, #tpu.memory_space<hbm>>
    %dma_start3A_35 = tpu.memref_squeeze %dma_start3A_34 : memref<1x16000xi32, #tpu.memory_space<hbm>> -> memref<16000xi32, #tpu.memory_space<hbm>>
    tpu.enqueue_dma source(%dma_start3A_35 : memref<16000xi32, #tpu.memory_space<hbm>>) target(%arg11 : memref<16000xi32, #tpu.memory_space<vmem>>) target_semaphore(%arg16 : memref<!tpu.dma_semaphore, #tpu.memory_space<semaphore_mem>>)
    %broadcast_in_dim3A_36 = arith.constant 2147483647 : i32
    %broadcast_in_dim3A_37 = vector.broadcast %broadcast_in_dim3A_36 : i32 to vector<16xi32>
    %scan3A_38 = arith.constant 0 : i32
    %scan3A_39 = arith.constant 10 : i32
    %scan3A_40 = arith.addi %scan3A_38, %scan3A_39 : i32
    %scan3A_41 = arith.constant 1 : i32
    %scan3A_42 = scf.for %scan3A_237 = %scan3A_38 to %scan3A_40 step %scan3A_41 iter_args(%scan3A_238 = %broadcast_in_dim3A_37) -> (vector<16xi32>)  : i32 {
      %mul3A_239 = arith.constant 2 : i32
      %mul3A_240 = arith.muli %scan3A_237, %mul3A_239 : i32
      %add3A_241 = arith.constant 0 : i32
      %add3A_242 = arith.addi %mul3A_240, %add3A_241 : i32
      %dma_wait3A_243 = arith.constant 0 : i32
      %dma_wait3A_244 = arith.constant 0 : i32
      %dma_wait3A_245 = tpu.memref_slice %arg2[%dma_wait3A_243, %dma_wait3A_244] : memref<2x320000xi32, #tpu.memory_space<hbm>> -> memref<1x16000xi32, #tpu.memory_space<hbm>>
      %dma_wait3A_246 = tpu.memref_squeeze %dma_wait3A_245 : memref<1x16000xi32, #tpu.memory_space<hbm>> -> memref<16000xi32, #tpu.memory_space<hbm>>
      %dma_wait3A_247 = arith.constant 0 : i32
      %dma_wait3A_248 = tpu.memref_slice %arg2[%dma_wait3A_243, %dma_wait3A_247] : memref<2x320000xi32, #tpu.memory_space<hbm>> -> memref<1x16000xi32, #tpu.memory_space<hbm>>
      %dma_wait3A_249 = tpu.memref_squeeze %dma_wait3A_248 : memref<1x16000xi32, #tpu.memory_space<hbm>> -> memref<16000xi32, #tpu.memory_space<hbm>>
      tpu.wait_dma2 semaphore(%arg15 : memref<!tpu.dma_semaphore, #tpu.memory_space<semaphore_mem>>) src(%dma_wait3A_249 : memref<16000xi32, #tpu.memory_space<hbm>>) dst(%arg10 : memref<16000xi32, #tpu.memory_space<vmem>>)
      %parallel_loop3A_250 = arith.constant 0 : i32
      %parallel_loop3A_251 = arith.constant 1000 : i32
      %parallel_loop3A_252 = arith.constant 8 : i32
      %parallel_loop3A_253 = scf.for %parallel_loop3A_280 = %parallel_loop3A_250 to %parallel_loop3A_251 step %parallel_loop3A_252 iter_args(%parallel_loop3A_281 = %scan3A_238) -> (vector<16xi32>)  : i32 {
        %parallel_loop3A_282 = arith.constant 0 : i32
        %parallel_loop3A_283 = arith.addi %parallel_loop3A_280, %parallel_loop3A_282 : i32
        %parallel_loop3A_284 = arith.constant 16 : i32
        %parallel_loop3A_285 = arith.muli %parallel_loop3A_283, %parallel_loop3A_284 : i32
        %parallel_loop3A_286 = arith.index_cast %parallel_loop3A_285 : i32 to index
        %parallel_loop3A_287 = tpu.vector_load %arg10[%parallel_loop3A_286] {strides = array<i32>} : memref<16000xi32, #tpu.memory_space<vmem>>, vector<16xi32>,
        %parallel_loop3A_288 = arith.constant 1 : i32
        %parallel_loop3A_289 = arith.addi %parallel_loop3A_280, %parallel_loop3A_288 : i32
        %parallel_loop3A_290 = arith.constant 16 : i32
        %parallel_loop3A_291 = arith.muli %parallel_loop3A_289, %parallel_loop3A_290 : i32
        %parallel_loop3A_292 = arith.index_cast %parallel_loop3A_291 : i32 to index
        %parallel_loop3A_293 = tpu.vector_load %arg10[%parallel_loop3A_292] {strides = array<i32>} : memref<16000xi32, #tpu.memory_space<vmem>>, vector<16xi32>,
        %parallel_loop3A_294 = arith.constant 2 : i32
        %parallel_loop3A_295 = arith.addi %parallel_loop3A_280, %parallel_loop3A_294 : i32
        %parallel_loop3A_296 = arith.constant 16 : i32
        %parallel_loop3A_297 = arith.muli %parallel_loop3A_295, %parallel_loop3A_296 : i32
        %parallel_loop3A_298 = arith.index_cast %parallel_loop3A_297 : i32 to index
        %parallel_loop3A_299 = tpu.vector_load %arg10[%parallel_loop3A_298] {strides = array<i32>} : memref<16000xi32, #tpu.memory_space<vmem>>, vector<16xi32>,
        %parallel_loop3A_300 = arith.constant 3 : i32
        %parallel_loop3A_301 = arith.addi %parallel_loop3A_280, %parallel_loop3A_300 : i32
        %parallel_loop3A_302 = arith.constant 16 : i32
        %parallel_loop3A_303 = arith.muli %parallel_loop3A_301, %parallel_loop3A_302 : i32
        %parallel_loop3A_304 = arith.index_cast %parallel_loop3A_303 : i32 to index
        %parallel_loop3A_305 = tpu.vector_load %arg10[%parallel_loop3A_304] {strides = array<i32>} : memref<16000xi32, #tpu.memory_space<vmem>>, vector<16xi32>,
        %parallel_loop3A_306 = arith.constant 4 : i32
        %parallel_loop3A_307 = arith.addi %parallel_loop3A_280, %parallel_loop3A_306 : i32
        %parallel_loop3A_308 = arith.constant 16 : i32
        %parallel_loop3A_309 = arith.muli %parallel_loop3A_307, %parallel_loop3A_308 : i32
        %parallel_loop3A_310 = arith.index_cast %parallel_loop3A_309 : i32 to index
        %parallel_loop3A_311 = tpu.vector_load %arg10[%parallel_loop3A_310] {strides = array<i32>} : memref<16000xi32, #tpu.memory_space<vmem>>, vector<16xi32>,
        %parallel_loop3A_312 = arith.constant 5 : i32
        %parallel_loop3A_313 = arith.addi %parallel_loop3A_280, %parallel_loop3A_312 : i32
        %parallel_loop3A_314 = arith.constant 16 : i32
        %parallel_loop3A_315 = arith.muli %parallel_loop3A_313, %parallel_loop3A_314 : i32
        %parallel_loop3A_316 = arith.index_cast %parallel_loop3A_315 : i32 to index
        %parallel_loop3A_317 = tpu.vector_load %arg10[%parallel_loop3A_316] {strides = array<i32>} : memref<16000xi32, #tpu.memory_space<vmem>>, vector<16xi32>,
        %parallel_loop3A_318 = arith.constant 6 : i32
        %parallel_loop3A_319 = arith.addi %parallel_loop3A_280, %parallel_loop3A_318 : i32
        %parallel_loop3A_320 = arith.constant 16 : i32
        %parallel_loop3A_321 = arith.muli %parallel_loop3A_319, %parallel_loop3A_320 : i32
        %parallel_loop3A_322 = arith.index_cast %parallel_loop3A_321 : i32 to index
        %parallel_loop3A_323 = tpu.vector_load %arg10[%parallel_loop3A_322] {strides = array<i32>} : memref<16000xi32, #tpu.memory_space<vmem>>, vector<16xi32>,
        %parallel_loop3A_324 = arith.constant 7 : i32
        %parallel_loop3A_325 = arith.addi %parallel_loop3A_280, %parallel_loop3A_324 : i32
        %parallel_loop3A_326 = arith.constant 16 : i32
        %parallel_loop3A_327 = arith.muli %parallel_loop3A_325, %parallel_loop3A_326 : i32
        %parallel_loop3A_328 = arith.index_cast %parallel_loop3A_327 : i32 to index
        %parallel_loop3A_329 = tpu.vector_load %arg10[%parallel_loop3A_328] {strides = array<i32>} : memref<16000xi32, #tpu.memory_space<vmem>>, vector<16xi32>,
        %parallel_loop3A_330 = arith.minsi %parallel_loop3A_287, %parallel_loop3A_311 : vector<16xi32>
        %parallel_loop3A_331 = arith.minsi %parallel_loop3A_293, %parallel_loop3A_317 : vector<16xi32>
        %parallel_loop3A_332 = arith.minsi %parallel_loop3A_299, %parallel_loop3A_323 : vector<16xi32>
        %parallel_loop3A_333 = arith.minsi %parallel_loop3A_305, %parallel_loop3A_329 : vector<16xi32>
        %parallel_loop3A_334 = arith.minsi %parallel_loop3A_330, %parallel_loop3A_332 : vector<16xi32>
        %parallel_loop3A_335 = arith.minsi %parallel_loop3A_331, %parallel_loop3A_333 : vector<16xi32>
        %parallel_loop3A_336 = arith.minsi %parallel_loop3A_334, %parallel_loop3A_335 : vector<16xi32>
        %parallel_loop3A_337 = arith.minsi %parallel_loop3A_281, %parallel_loop3A_336 : vector<16xi32>
        scf.yield %parallel_loop3A_337 : vector<16xi32>
      } {sc.loop_unroll_factor = 1 : i64, sc.parallel_access}
      %add3A_254 = arith.constant 2 : i32
      %add3A_255 = arith.addi %add3A_242, %add3A_254 : i32
      %lt3A = arith.constant 20 : i32
      %lt3A_256 = arith.cmpi slt, %add3A_255, %lt3A : i32
      %convert_element_type3A = arith.extui %lt3A_256 : i1 to i32
      %cond3A = arith.constant 0 : i32
      %cond3A_257 = arith.cmpi ne, %convert_element_type3A, %cond3A : i32
      scf.if %cond3A_257 {
        %add3A_280 = arith.constant 2 : i32
        %add3A_281 = arith.addi %add3A_242, %add3A_280 : i32
        %mul3A_282 = arith.constant 16000 : i32
        %mul3A_283 = arith.muli %add3A_281, %mul3A_282 : i32
        %multiple_of3A = tpu.assume_multiple %mul3A_283, 128 : i32
        %dma_start3A_284 = arith.constant 0 : i32
        %dma_start3A_285 = tpu.memref_slice %arg2[%dma_start3A_284, %multiple_of3A] : memref<2x320000xi32, #tpu.memory_space<hbm>> -> memref<1x16000xi32, #tpu.memory_space<hbm>>
        %dma_start3A_286 = tpu.memref_squeeze %dma_start3A_285 : memref<1x16000xi32, #tpu.memory_space<hbm>> -> memref<16000xi32, #tpu.memory_space<hbm>>
        %dma_start3A_287 = tpu.memref_slice %arg2[%dma_start3A_284, %multiple_of3A] : memref<2x320000xi32, #tpu.memory_space<hbm>> -> memref<1x16000xi32, #tpu.memory_space<hbm>>
        %dma_start3A_288 = tpu.memref_squeeze %dma_start3A_287 : memref<1x16000xi32, #tpu.memory_space<hbm>> -> memref<16000xi32, #tpu.memory_space<hbm>>
        tpu.enqueue_dma source(%dma_start3A_288 : memref<16000xi32, #tpu.memory_space<hbm>>) target(%arg10 : memref<16000xi32, #tpu.memory_space<vmem>>) target_semaphore(%arg15 : memref<!tpu.dma_semaphore, #tpu.memory_space<semaphore_mem>>)
      } else {
      }
      %mul3A_258 = arith.constant 2 : i32
      %mul3A_259 = arith.muli %scan3A_237, %mul3A_258 : i32
      %add3A_260 = arith.constant 1 : i32
      %add3A_261 = arith.addi %mul3A_259, %add3A_260 : i32
      %dma_wait3A_262 = arith.constant 0 : i32
      %dma_wait3A_263 = arith.constant 0 : i32
      %dma_wait3A_264 = tpu.memref_slice %arg2[%dma_wait3A_262, %dma_wait3A_263] : memref<2x320000xi32, #tpu.memory_space<hbm>> -> memref<1x16000xi32, #tpu.memory_space<hbm>>
      %dma_wait3A_265 = tpu.memref_squeeze %dma_wait3A_264 : memref<1x16000xi32, #tpu.memory_space<hbm>> -> memref<16000xi32, #tpu.memory_space<hbm>>
      %dma_wait3A_266 = arith.constant 0 : i32
      %dma_wait3A_267 = tpu.memref_slice %arg2[%dma_wait3A_262, %dma_wait3A_266] : memref<2x320000xi32, #tpu.memory_space<hbm>> -> memref<1x16000xi32, #tpu.memory_space<hbm>>
      %dma_wait3A_268 = tpu.memref_squeeze %dma_wait3A_267 : memref<1x16000xi32, #tpu.memory_space<hbm>> -> memref<16000xi32, #tpu.memory_space<hbm>>
      tpu.wait_dma2 semaphore(%arg16 : memref<!tpu.dma_semaphore, #tpu.memory_space<semaphore_mem>>) src(%dma_wait3A_268 : memref<16000xi32, #tpu.memory_space<hbm>>) dst(%arg11 : memref<16000xi32, #tpu.memory_space<vmem>>)
      %parallel_loop3A_269 = arith.constant 0 : i32
      %parallel_loop3A_270 = arith.constant 1000 : i32
      %parallel_loop3A_271 = arith.constant 8 : i32
      %parallel_loop3A_272 = scf.for %parallel_loop3A_280 = %parallel_loop3A_269 to %parallel_loop3A_270 step %parallel_loop3A_271 iter_args(%parallel_loop3A_281 = %parallel_loop3A_253) -> (vector<16xi32>)  : i32 {
        %parallel_loop3A_282 = arith.constant 0 : i32
        %parallel_loop3A_283 = arith.addi %parallel_loop3A_280, %parallel_loop3A_282 : i32
        %parallel_loop3A_284 = arith.constant 16 : i32
        %parallel_loop3A_285 = arith.muli %parallel_loop3A_283, %parallel_loop3A_284 : i32
        %parallel_loop3A_286 = arith.index_cast %parallel_loop3A_285 : i32 to index
        %parallel_loop3A_287 = tpu.vector_load %arg11[%parallel_loop3A_286] {strides = array<i32>} : memref<16000xi32, #tpu.memory_space<vmem>>, vector<16xi32>,
        %parallel_loop3A_288 = arith.constant 1 : i32
        %parallel_loop3A_289 = arith.addi %parallel_loop3A_280, %parallel_loop3A_288 : i32
        %parallel_loop3A_290 = arith.constant 16 : i32
        %parallel_loop3A_291 = arith.muli %parallel_loop3A_289, %parallel_loop3A_290 : i32
        %parallel_loop3A_292 = arith.index_cast %parallel_loop3A_291 : i32 to index
        %parallel_loop3A_293 = tpu.vector_load %arg11[%parallel_loop3A_292] {strides = array<i32>} : memref<16000xi32, #tpu.memory_space<vmem>>, vector<16xi32>,
        %parallel_loop3A_294 = arith.constant 2 : i32
        %parallel_loop3A_295 = arith.addi %parallel_loop3A_280, %parallel_loop3A_294 : i32
        %parallel_loop3A_296 = arith.constant 16 : i32
        %parallel_loop3A_297 = arith.muli %parallel_loop3A_295, %parallel_loop3A_296 : i32
        %parallel_loop3A_298 = arith.index_cast %parallel_loop3A_297 : i32 to index
        %parallel_loop3A_299 = tpu.vector_load %arg11[%parallel_loop3A_298] {strides = array<i32>} : memref<16000xi32, #tpu.memory_space<vmem>>, vector<16xi32>,
        %parallel_loop3A_300 = arith.constant 3 : i32
        %parallel_loop3A_301 = arith.addi %parallel_loop3A_280, %parallel_loop3A_300 : i32
        %parallel_loop3A_302 = arith.constant 16 : i32
        %parallel_loop3A_303 = arith.muli %parallel_loop3A_301, %parallel_loop3A_302 : i32
        %parallel_loop3A_304 = arith.index_cast %parallel_loop3A_303 : i32 to index
        %parallel_loop3A_305 = tpu.vector_load %arg11[%parallel_loop3A_304] {strides = array<i32>} : memref<16000xi32, #tpu.memory_space<vmem>>, vector<16xi32>,
        %parallel_loop3A_306 = arith.constant 4 : i32
        %parallel_loop3A_307 = arith.addi %parallel_loop3A_280, %parallel_loop3A_306 : i32
        %parallel_loop3A_308 = arith.constant 16 : i32
        %parallel_loop3A_309 = arith.muli %parallel_loop3A_307, %parallel_loop3A_308 : i32
        %parallel_loop3A_310 = arith.index_cast %parallel_loop3A_309 : i32 to index
        %parallel_loop3A_311 = tpu.vector_load %arg11[%parallel_loop3A_310] {strides = array<i32>} : memref<16000xi32, #tpu.memory_space<vmem>>, vector<16xi32>,
        %parallel_loop3A_312 = arith.constant 5 : i32
        %parallel_loop3A_313 = arith.addi %parallel_loop3A_280, %parallel_loop3A_312 : i32
        %parallel_loop3A_314 = arith.constant 16 : i32
        %parallel_loop3A_315 = arith.muli %parallel_loop3A_313, %parallel_loop3A_314 : i32
        %parallel_loop3A_316 = arith.index_cast %parallel_loop3A_315 : i32 to index
        %parallel_loop3A_317 = tpu.vector_load %arg11[%parallel_loop3A_316] {strides = array<i32>} : memref<16000xi32, #tpu.memory_space<vmem>>, vector<16xi32>,
        %parallel_loop3A_318 = arith.constant 6 : i32
        %parallel_loop3A_319 = arith.addi %parallel_loop3A_280, %parallel_loop3A_318 : i32
        %parallel_loop3A_320 = arith.constant 16 : i32
        %parallel_loop3A_321 = arith.muli %parallel_loop3A_319, %parallel_loop3A_320 : i32
        %parallel_loop3A_322 = arith.index_cast %parallel_loop3A_321 : i32 to index
        %parallel_loop3A_323 = tpu.vector_load %arg11[%parallel_loop3A_322] {strides = array<i32>} : memref<16000xi32, #tpu.memory_space<vmem>>, vector<16xi32>,
        %parallel_loop3A_324 = arith.constant 7 : i32
        %parallel_loop3A_325 = arith.addi %parallel_loop3A_280, %parallel_loop3A_324 : i32
        %parallel_loop3A_326 = arith.constant 16 : i32
        %parallel_loop3A_327 = arith.muli %parallel_loop3A_325, %parallel_loop3A_326 : i32
        %parallel_loop3A_328 = arith.index_cast %parallel_loop3A_327 : i32 to index
        %parallel_loop3A_329 = tpu.vector_load %arg11[%parallel_loop3A_328] {strides = array<i32>} : memref<16000xi32, #tpu.memory_space<vmem>>, vector<16xi32>,
        %parallel_loop3A_330 = arith.minsi %parallel_loop3A_287, %parallel_loop3A_311 : vector<16xi32>
        %parallel_loop3A_331 = arith.minsi %parallel_loop3A_293, %parallel_loop3A_317 : vector<16xi32>
        %parallel_loop3A_332 = arith.minsi %parallel_loop3A_299, %parallel_loop3A_323 : vector<16xi32>
        %parallel_loop3A_333 = arith.minsi %parallel_loop3A_305, %parallel_loop3A_329 : vector<16xi32>
        %parallel_loop3A_334 = arith.minsi %parallel_loop3A_330, %parallel_loop3A_332 : vector<16xi32>
        %parallel_loop3A_335 = arith.minsi %parallel_loop3A_331, %parallel_loop3A_333 : vector<16xi32>
        %parallel_loop3A_336 = arith.minsi %parallel_loop3A_334, %parallel_loop3A_335 : vector<16xi32>
        %parallel_loop3A_337 = arith.minsi %parallel_loop3A_281, %parallel_loop3A_336 : vector<16xi32>
        scf.yield %parallel_loop3A_337 : vector<16xi32>
      } {sc.loop_unroll_factor = 1 : i64, sc.parallel_access}
      %add3A_273 = arith.constant 2 : i32
      %add3A_274 = arith.addi %add3A_261, %add3A_273 : i32
      %lt3A_275 = arith.constant 20 : i32
      %lt3A_276 = arith.cmpi slt, %add3A_274, %lt3A_275 : i32
      %convert_element_type3A_277 = arith.extui %lt3A_276 : i1 to i32
      %cond3A_278 = arith.constant 0 : i32
      %cond3A_279 = arith.cmpi ne, %convert_element_type3A_277, %cond3A_278 : i32
      scf.if %cond3A_279 {
        %add3A_280 = arith.constant 2 : i32
        %add3A_281 = arith.addi %add3A_261, %add3A_280 : i32
        %mul3A_282 = arith.constant 16000 : i32
        %mul3A_283 = arith.muli %add3A_281, %mul3A_282 : i32
        %multiple_of3A = tpu.assume_multiple %mul3A_283, 128 : i32
        %dma_start3A_284 = arith.constant 0 : i32
        %dma_start3A_285 = tpu.memref_slice %arg2[%dma_start3A_284, %multiple_of3A] : memref<2x320000xi32, #tpu.memory_space<hbm>> -> memref<1x16000xi32, #tpu.memory_space<hbm>>
        %dma_start3A_286 = tpu.memref_squeeze %dma_start3A_285 : memref<1x16000xi32, #tpu.memory_space<hbm>> -> memref<16000xi32, #tpu.memory_space<hbm>>
        %dma_start3A_287 = tpu.memref_slice %arg2[%dma_start3A_284, %multiple_of3A] : memref<2x320000xi32, #tpu.memory_space<hbm>> -> memref<1x16000xi32, #tpu.memory_space<hbm>>
        %dma_start3A_288 = tpu.memref_squeeze %dma_start3A_287 : memref<1x16000xi32, #tpu.memory_space<hbm>> -> memref<16000xi32, #tpu.memory_space<hbm>>
        tpu.enqueue_dma source(%dma_start3A_288 : memref<16000xi32, #tpu.memory_space<hbm>>) target(%arg11 : memref<16000xi32, #tpu.memory_space<vmem>>) target_semaphore(%arg16 : memref<!tpu.dma_semaphore, #tpu.memory_space<semaphore_mem>>)
      } else {
      }
      scf.yield %parallel_loop3A_272 : vector<16xi32>
    }
    %scan3A_43 = arith.constant 10 : i32
    %reduce_min3A = arith.constant true
    %reduce_min3A_44 = vector.broadcast %reduce_min3A : i1 to vector<16xi1>
    %reduce_min3A_45 = arith.constant -2147483648 : i32
    %reduce_min3A_46 = vector.broadcast %reduce_min3A_45 : i32 to vector<16xi32>
    %reduce_min3A_47 = arith.xori %scan3A_42, %reduce_min3A_46 : vector<16xi32>
    %reduce_min3A_48 = tpu.scan <min>, %reduce_min3A_47 masked %reduce_min3A_44 : vector<16xi32>, vector<16xi1> -> vector<16xi32>
    %reduce_min3A_49 = arith.xori %reduce_min3A_48, %reduce_min3A_46 : vector<16xi32>
    %reduce_min3A_50 = vector.extract %reduce_min3A_49[15] : i32 from vector<16xi32>
    %parallel_loop3A_51 = arith.constant 0 : i32
    %parallel_loop3A_52 = arith.constant 625 : i32
    %parallel_loop3A_53 = arith.constant 1 : i32
    scf.for %parallel_loop3A_237 = %parallel_loop3A_51 to %parallel_loop3A_52 step %parallel_loop3A_53  : i32 {
      %parallel_loop3A_238 = arith.constant 16 : i32
      %parallel_loop3A_239 = arith.muli %parallel_loop3A_237, %parallel_loop3A_238 : i32
      %parallel_loop3A_240 = arith.index_cast %parallel_loop3A_239 : i32 to index
      %parallel_loop3A_241 = tpu.vector_load %arg9[%parallel_loop3A_240] {strides = array<i32>} : memref<10000xf32, #tpu.memory_space<vmem>>, vector<16xf32>,
      %parallel_loop3A_242 = vector.bitcast %parallel_loop3A_241 : vector<16xf32> to vector<16xi32>
      %parallel_loop3A_243 = arith.constant 1 : i32
      %parallel_loop3A_244 = vector.broadcast %parallel_loop3A_243 : i32 to vector<16xi32>
      %parallel_loop3A_245 = arith.shrsi %parallel_loop3A_242, %parallel_loop3A_244 : vector<16xi32>
      %parallel_loop3A_246 = arith.constant 1597463007 : i32
      %parallel_loop3A_247 = vector.broadcast %parallel_loop3A_246 : i32 to vector<16xi32>
      %parallel_loop3A_248 = arith.subi %parallel_loop3A_247, %parallel_loop3A_245 : vector<16xi32>
      %parallel_loop3A_249 = vector.bitcast %parallel_loop3A_248 : vector<16xi32> to vector<16xf32>
      %parallel_loop3A_250 = arith.constant -5.000000e-01 : f32
      %parallel_loop3A_251 = vector.broadcast %parallel_loop3A_250 : f32 to vector<16xf32>
      %parallel_loop3A_252 = arith.mulf %parallel_loop3A_241, %parallel_loop3A_251 : vector<16xf32>
      %parallel_loop3A_253 = arith.mulf %parallel_loop3A_252, %parallel_loop3A_249 : vector<16xf32>
      %parallel_loop3A_254 = arith.mulf %parallel_loop3A_253, %parallel_loop3A_249 : vector<16xf32>
      %parallel_loop3A_255 = arith.constant 1.500000e+00 : f32
      %parallel_loop3A_256 = vector.broadcast %parallel_loop3A_255 : f32 to vector<16xf32>
      %parallel_loop3A_257 = arith.addf %parallel_loop3A_256, %parallel_loop3A_254 : vector<16xf32>
      %parallel_loop3A_258 = arith.mulf %parallel_loop3A_249, %parallel_loop3A_257 : vector<16xf32>
      %parallel_loop3A_259 = arith.mulf %parallel_loop3A_252, %parallel_loop3A_258 : vector<16xf32>
      %parallel_loop3A_260 = arith.mulf %parallel_loop3A_259, %parallel_loop3A_258 : vector<16xf32>
      %parallel_loop3A_261 = arith.constant 1.500000e+00 : f32
      %parallel_loop3A_262 = vector.broadcast %parallel_loop3A_261 : f32 to vector<16xf32>
      %parallel_loop3A_263 = arith.addf %parallel_loop3A_262, %parallel_loop3A_260 : vector<16xf32>
      %parallel_loop3A_264 = arith.mulf %parallel_loop3A_258, %parallel_loop3A_263 : vector<16xf32>
      %parallel_loop3A_265 = arith.mulf %parallel_loop3A_252, %parallel_loop3A_264 : vector<16xf32>
      %parallel_loop3A_266 = arith.mulf %parallel_loop3A_265, %parallel_loop3A_264 : vector<16xf32>
      %parallel_loop3A_267 = arith.constant 1.500000e+00 : f32
      %parallel_loop3A_268 = vector.broadcast %parallel_loop3A_267 : f32 to vector<16xf32>
      %parallel_loop3A_269 = arith.addf %parallel_loop3A_268, %parallel_loop3A_266 : vector<16xf32>
      %parallel_loop3A_270 = arith.mulf %parallel_loop3A_264, %parallel_loop3A_269 : vector<16xf32>
      %parallel_loop3A_271 = arith.constant 0.000000e+00 : f32
      %parallel_loop3A_272 = vector.broadcast %parallel_loop3A_271 : f32 to vector<16xf32>
      %parallel_loop3A_273 = arith.cmpf ogt, %parallel_loop3A_241, %parallel_loop3A_272 : vector<16xf32>
      %parallel_loop3A_274 = arith.constant 0.000000e+00 : f32
      %parallel_loop3A_275 = vector.broadcast %parallel_loop3A_274 : f32 to vector<16xf32>
      %parallel_loop3A_276 = arith.select %parallel_loop3A_273, %parallel_loop3A_270, %parallel_loop3A_275 : vector<16xi1>, vector<16xf32>
      %parallel_loop3A_277 = arith.constant 16 : i32
      %parallel_loop3A_278 = arith.muli %parallel_loop3A_237, %parallel_loop3A_277 : i32
      %parallel_loop3A_279 = arith.index_cast %parallel_loop3A_278 : i32 to index
      %parallel_loop3A_280 = tpu.vector_load %arg9[%parallel_loop3A_279] {strides = array<i32>} : memref<10000xf32, #tpu.memory_space<vmem>>, vector<16xf32>,
      tpu.vector_store %arg9[%parallel_loop3A_279], %parallel_loop3A_276 {strides = array<i32>} : memref<10000xf32, #tpu.memory_space<vmem>>, vector<16xf32>,
    } {sc.loop_unroll_factor = 5 : i64, sc.parallel_access}
    %mul3A_54 = arith.constant 8 : i32
    %mul3A_55 = arith.muli %arg1, %mul3A_54 : i32
    %sub3A = arith.constant 125 : i32
    %sub3A_56 = arith.subi %sub3A, %mul3A_55 : i32
    %min3A = arith.constant 8 : i32
    %min3A_57 = arith.minsi %min3A, %sub3A_56 : i32
    %while3A = arith.constant 0 : i32
    %while3A_58 = arith.constant 0 : i32
    %while3A_59 = arith.subi %min3A_57, %while3A_58 : i32
    %while3A_60 = arith.addi %while3A_58, %while3A_59 : i32
    %while3A_61 = arith.constant 1 : i32
    %while3A_62 = arith.divsi %while3A_59, %while3A_61 : i32
    %while3A_63 = arith.muli %while3A_62, %while3A_61 : i32
    %while3A_64 = arith.addi %while3A_58, %while3A_63 : i32
    %while3A_65 = arith.constant 1 : i32
    scf.for %while3A_237 = %while3A_58 to %while3A_64 step %while3A_65  : i32 {
      %mul3A_238 = arith.constant 8 : i32
      %mul3A_239 = arith.muli %arg1, %mul3A_238 : i32
      %add3A_240 = arith.addi %mul3A_239, %while3A_237 : i32
      %mul3A_241 = arith.constant 2560 : i32
      %mul3A_242 = arith.muli %add3A_240, %mul3A_241 : i32
      %multiple_of3A = tpu.assume_multiple %mul3A_242, 128 : i32
      %run_scoped3A = arith.constant 0 : i32
      "tpu.region"() ({
        %run_scoped3A_247 = tpu.sem_alloc : memref<!tpu.dma_semaphore, #tpu.memory_space<semaphore_mem>>
        %dma_start3A_248 = arith.constant 0 : i32
        %dma_start3A_249 = tpu.memref_slice %arg10[%dma_start3A_248] : memref<16000xi32, #tpu.memory_space<vmem>> -> memref<2560xi32, #tpu.memory_space<vmem>>
        %dma_start3A_250 = tpu.memref_slice %arg2[%run_scoped3A, %multiple_of3A] : memref<2x320000xi32, #tpu.memory_space<hbm>> -> memref<1x2560xi32, #tpu.memory_space<hbm>>
        %dma_start3A_251 = tpu.memref_squeeze %dma_start3A_250 : memref<1x2560xi32, #tpu.memory_space<hbm>> -> memref<2560xi32, #tpu.memory_space<hbm>>
        %dma_start3A_252 = arith.constant 0 : i32
        %dma_start3A_253 = tpu.memref_slice %arg10[%dma_start3A_252] : memref<16000xi32, #tpu.memory_space<vmem>> -> memref<2560xi32, #tpu.memory_space<vmem>>
        %dma_start3A_254 = tpu.memref_slice %arg2[%run_scoped3A, %multiple_of3A] : memref<2x320000xi32, #tpu.memory_space<hbm>> -> memref<1x2560xi32, #tpu.memory_space<hbm>>
        %dma_start3A_255 = tpu.memref_squeeze %dma_start3A_254 : memref<1x2560xi32, #tpu.memory_space<hbm>> -> memref<2560xi32, #tpu.memory_space<hbm>>
        tpu.enqueue_dma source(%dma_start3A_255 : memref<2560xi32, #tpu.memory_space<hbm>>) target(%dma_start3A_253 : memref<2560xi32, #tpu.memory_space<vmem>>) target_semaphore(%run_scoped3A_247 : memref<!tpu.dma_semaphore, #tpu.memory_space<semaphore_mem>>)
        %dma_wait3A_256 = arith.constant 0 : i32
        %dma_wait3A_257 = tpu.memref_slice %arg10[%dma_wait3A_256] : memref<16000xi32, #tpu.memory_space<vmem>> -> memref<2560xi32, #tpu.memory_space<vmem>>
        %dma_wait3A_258 = tpu.memref_slice %arg2[%run_scoped3A, %multiple_of3A] : memref<2x320000xi32, #tpu.memory_space<hbm>> -> memref<1x2560xi32, #tpu.memory_space<hbm>>
        %dma_wait3A_259 = tpu.memref_squeeze %dma_wait3A_258 : memref<1x2560xi32, #tpu.memory_space<hbm>> -> memref<2560xi32, #tpu.memory_space<hbm>>
        %dma_wait3A_260 = arith.constant 0 : i32
        %dma_wait3A_261 = tpu.memref_slice %arg10[%dma_wait3A_260] : memref<16000xi32, #tpu.memory_space<vmem>> -> memref<2560xi32, #tpu.memory_space<vmem>>
        %dma_wait3A_262 = tpu.memref_slice %arg2[%run_scoped3A, %multiple_of3A] : memref<2x320000xi32, #tpu.memory_space<hbm>> -> memref<1x2560xi32, #tpu.memory_space<hbm>>
        %dma_wait3A_263 = tpu.memref_squeeze %dma_wait3A_262 : memref<1x2560xi32, #tpu.memory_space<hbm>> -> memref<2560xi32, #tpu.memory_space<hbm>>
        tpu.wait_dma2 semaphore(%run_scoped3A_247 : memref<!tpu.dma_semaphore, #tpu.memory_space<semaphore_mem>>) src(%dma_wait3A_263 : memref<2560xi32, #tpu.memory_space<hbm>>) dst(%dma_wait3A_261 : memref<2560xi32, #tpu.memory_space<vmem>>)
        tpu.yield
      }) : () -> ()
      %run_scoped3A_243 = arith.constant 1 : i32
      "tpu.region"() ({
        %run_scoped3A_247 = tpu.sem_alloc : memref<!tpu.dma_semaphore, #tpu.memory_space<semaphore_mem>>
        %dma_start3A_248 = arith.constant 0 : i32
        %dma_start3A_249 = tpu.memref_slice %arg11[%dma_start3A_248] : memref<16000xi32, #tpu.memory_space<vmem>> -> memref<2560xi32, #tpu.memory_space<vmem>>
        %dma_start3A_250 = tpu.memref_slice %arg2[%run_scoped3A_243, %multiple_of3A] : memref<2x320000xi32, #tpu.memory_space<hbm>> -> memref<1x2560xi32, #tpu.memory_space<hbm>>
        %dma_start3A_251 = tpu.memref_squeeze %dma_start3A_250 : memref<1x2560xi32, #tpu.memory_space<hbm>> -> memref<2560xi32, #tpu.memory_space<hbm>>
        %dma_start3A_252 = arith.constant 0 : i32
        %dma_start3A_253 = tpu.memref_slice %arg11[%dma_start3A_252] : memref<16000xi32, #tpu.memory_space<vmem>> -> memref<2560xi32, #tpu.memory_space<vmem>>
        %dma_start3A_254 = tpu.memref_slice %arg2[%run_scoped3A_243, %multiple_of3A] : memref<2x320000xi32, #tpu.memory_space<hbm>> -> memref<1x2560xi32, #tpu.memory_space<hbm>>
        %dma_start3A_255 = tpu.memref_squeeze %dma_start3A_254 : memref<1x2560xi32, #tpu.memory_space<hbm>> -> memref<2560xi32, #tpu.memory_space<hbm>>
        tpu.enqueue_dma source(%dma_start3A_255 : memref<2560xi32, #tpu.memory_space<hbm>>) target(%dma_start3A_253 : memref<2560xi32, #tpu.memory_space<vmem>>) target_semaphore(%run_scoped3A_247 : memref<!tpu.dma_semaphore, #tpu.memory_space<semaphore_mem>>)
        %dma_wait3A_256 = arith.constant 0 : i32
        %dma_wait3A_257 = tpu.memref_slice %arg11[%dma_wait3A_256] : memref<16000xi32, #tpu.memory_space<vmem>> -> memref<2560xi32, #tpu.memory_space<vmem>>
        %dma_wait3A_258 = tpu.memref_slice %arg2[%run_scoped3A_243, %multiple_of3A] : memref<2x320000xi32, #tpu.memory_space<hbm>> -> memref<1x2560xi32, #tpu.memory_space<hbm>>
        %dma_wait3A_259 = tpu.memref_squeeze %dma_wait3A_258 : memref<1x2560xi32, #tpu.memory_space<hbm>> -> memref<2560xi32, #tpu.memory_space<hbm>>
        %dma_wait3A_260 = arith.constant 0 : i32
        %dma_wait3A_261 = tpu.memref_slice %arg11[%dma_wait3A_260] : memref<16000xi32, #tpu.memory_space<vmem>> -> memref<2560xi32, #tpu.memory_space<vmem>>
        %dma_wait3A_262 = tpu.memref_slice %arg2[%run_scoped3A_243, %multiple_of3A] : memref<2x320000xi32, #tpu.memory_space<hbm>> -> memref<1x2560xi32, #tpu.memory_space<hbm>>
        %dma_wait3A_263 = tpu.memref_squeeze %dma_wait3A_262 : memref<1x2560xi32, #tpu.memory_space<hbm>> -> memref<2560xi32, #tpu.memory_space<hbm>>
        tpu.wait_dma2 semaphore(%run_scoped3A_247 : memref<!tpu.dma_semaphore, #tpu.memory_space<semaphore_mem>>) src(%dma_wait3A_263 : memref<2560xi32, #tpu.memory_space<hbm>>) dst(%dma_wait3A_261 : memref<2560xi32, #tpu.memory_space<vmem>>)
        tpu.yield
      }) : () -> ()
      %parallel_loop3A_244 = arith.constant 0 : i32
      %parallel_loop3A_245 = arith.constant 160 : i32
      %parallel_loop3A_246 = arith.constant 1 : i32
      scf.for %parallel_loop3A_247 = %parallel_loop3A_244 to %parallel_loop3A_245 step %parallel_loop3A_246  : i32 {
        %parallel_loop3A_248 = arith.constant 16 : i32
        %parallel_loop3A_249 = arith.muli %parallel_loop3A_247, %parallel_loop3A_248 : i32
        %parallel_loop3A_250 = arith.index_cast %parallel_loop3A_249 : i32 to index
        %parallel_loop3A_251 = tpu.vector_load %arg10[%parallel_loop3A_250] {strides = array<i32>} : memref<16000xi32, #tpu.memory_space<vmem>>, vector<16xi32>,
        %parallel_loop3A_252 = vector.broadcast %reduce_min3A_50 : i32 to vector<16xi32>
        %parallel_loop3A_253 = arith.subi %parallel_loop3A_251, %parallel_loop3A_252 : vector<16xi32>
        %parallel_loop3A_254 = arith.constant 16 : i32
        %parallel_loop3A_255 = arith.muli %parallel_loop3A_247, %parallel_loop3A_254 : i32
        %parallel_loop3A_256 = arith.index_cast %parallel_loop3A_255 : i32 to index
        %parallel_loop3A_257 = tpu.vector_load %arg11[%parallel_loop3A_256] {strides = array<i32>} : memref<16000xi32, #tpu.memory_space<vmem>>, vector<16xi32>,
        %parallel_loop3A_258 = arith.constant 16 : i32
        %parallel_loop3A_259 = vector.broadcast %parallel_loop3A_258 : i32 to vector<16xi32>
        %parallel_loop3A_260 = arith.shli %parallel_loop3A_253, %parallel_loop3A_259 : vector<16xi32>
        %parallel_loop3A_261 = arith.ori %parallel_loop3A_260, %parallel_loop3A_257 : vector<16xi32>
        %parallel_loop3A_262 = arith.constant 16 : i32
        %parallel_loop3A_263 = arith.muli %parallel_loop3A_247, %parallel_loop3A_262 : i32
        %parallel_loop3A_264 = arith.index_cast %parallel_loop3A_263 : i32 to index
        %parallel_loop3A_265 = tpu.vector_load %arg12[%parallel_loop3A_264] {strides = array<i32>} : memref<2560xi32, #tpu.memory_space<vmem>>, vector<16xi32>,
        tpu.vector_store %arg12[%parallel_loop3A_264], %parallel_loop3A_261 {strides = array<i32>} : memref<2560xi32, #tpu.memory_space<vmem>>, vector<16xi32>,
      } {sc.loop_unroll_factor = 4 : i64, sc.parallel_access}
      "tpu.region"() ({
        %run_scoped3A_247 = tpu.sem_alloc : memref<!tpu.dma_semaphore, #tpu.memory_space<semaphore_mem>>
        %dma_start3A_248 = tpu.memref_slice %arg5[%arg0, %multiple_of3A] : memref<2x320000xi32, #tpu.memory_space<hbm>> -> memref<1x2560xi32, #tpu.memory_space<hbm>>
        %dma_start3A_249 = tpu.memref_squeeze %dma_start3A_248 : memref<1x2560xi32, #tpu.memory_space<hbm>> -> memref<2560xi32, #tpu.memory_space<hbm>>
        %dma_start3A_250 = tpu.memref_slice %arg5[%arg0, %multiple_of3A] : memref<2x320000xi32, #tpu.memory_space<hbm>> -> memref<1x2560xi32, #tpu.memory_space<hbm>>
        %dma_start3A_251 = tpu.memref_squeeze %dma_start3A_250 : memref<1x2560xi32, #tpu.memory_space<hbm>> -> memref<2560xi32, #tpu.memory_space<hbm>>
        tpu.enqueue_dma source(%arg12 : memref<2560xi32, #tpu.memory_space<vmem>>) target(%dma_start3A_251 : memref<2560xi32, #tpu.memory_space<hbm>>) target_semaphore(%run_scoped3A_247 : memref<!tpu.dma_semaphore, #tpu.memory_space<semaphore_mem>>)
        %dma_wait3A_252 = tpu.memref_slice %arg5[%arg0, %multiple_of3A] : memref<2x320000xi32, #tpu.memory_space<hbm>> -> memref<1x2560xi32, #tpu.memory_space<hbm>>
        %dma_wait3A_253 = tpu.memref_squeeze %dma_wait3A_252 : memref<1x2560xi32, #tpu.memory_space<hbm>> -> memref<2560xi32, #tpu.memory_space<hbm>>
        %dma_wait3A_254 = tpu.memref_slice %arg5[%arg0, %multiple_of3A] : memref<2x320000xi32, #tpu.memory_space<hbm>> -> memref<1x2560xi32, #tpu.memory_space<hbm>>
        %dma_wait3A_255 = tpu.memref_squeeze %dma_wait3A_254 : memref<1x2560xi32, #tpu.memory_space<hbm>> -> memref<2560xi32, #tpu.memory_space<hbm>>
        tpu.wait_dma2 semaphore(%run_scoped3A_247 : memref<!tpu.dma_semaphore, #tpu.memory_space<semaphore_mem>>) src(%arg12 : memref<2560xi32, #tpu.memory_space<vmem>>) dst(%dma_wait3A_255 : memref<2560xi32, #tpu.memory_space<hbm>>)
        tpu.yield
      }) : () -> ()
    }
    %while3A_66 = arith.constant 1 : i32
    scf.for %while3A_237 = %while3A_64 to %while3A_60 step %while3A_66  : i32 {
      %mul3A_238 = arith.constant 8 : i32
      %mul3A_239 = arith.muli %arg1, %mul3A_238 : i32
      %add3A_240 = arith.addi %mul3A_239, %while3A_237 : i32
      %mul3A_241 = arith.constant 2560 : i32
      %mul3A_242 = arith.muli %add3A_240, %mul3A_241 : i32
      %multiple_of3A = tpu.assume_multiple %mul3A_242, 128 : i32
      %run_scoped3A = arith.constant 0 : i32
      "tpu.region"() ({
        %run_scoped3A_247 = tpu.sem_alloc : memref<!tpu.dma_semaphore, #tpu.memory_space<semaphore_mem>>
        %dma_start3A_248 = arith.constant 0 : i32
        %dma_start3A_249 = tpu.memref_slice %arg10[%dma_start3A_248] : memref<16000xi32, #tpu.memory_space<vmem>> -> memref<2560xi32, #tpu.memory_space<vmem>>
        %dma_start3A_250 = tpu.memref_slice %arg2[%run_scoped3A, %multiple_of3A] : memref<2x320000xi32, #tpu.memory_space<hbm>> -> memref<1x2560xi32, #tpu.memory_space<hbm>>
        %dma_start3A_251 = tpu.memref_squeeze %dma_start3A_250 : memref<1x2560xi32, #tpu.memory_space<hbm>> -> memref<2560xi32, #tpu.memory_space<hbm>>
        %dma_start3A_252 = arith.constant 0 : i32
        %dma_start3A_253 = tpu.memref_slice %arg10[%dma_start3A_252] : memref<16000xi32, #tpu.memory_space<vmem>> -> memref<2560xi32, #tpu.memory_space<vmem>>
        %dma_start3A_254 = tpu.memref_slice %arg2[%run_scoped3A, %multiple_of3A] : memref<2x320000xi32, #tpu.memory_space<hbm>> -> memref<1x2560xi32, #tpu.memory_space<hbm>>
        %dma_start3A_255 = tpu.memref_squeeze %dma_start3A_254 : memref<1x2560xi32, #tpu.memory_space<hbm>> -> memref<2560xi32, #tpu.memory_space<hbm>>
        tpu.enqueue_dma source(%dma_start3A_255 : memref<2560xi32, #tpu.memory_space<hbm>>) target(%dma_start3A_253 : memref<2560xi32, #tpu.memory_space<vmem>>) target_semaphore(%run_scoped3A_247 : memref<!tpu.dma_semaphore, #tpu.memory_space<semaphore_mem>>)
        %dma_wait3A_256 = arith.constant 0 : i32
        %dma_wait3A_257 = tpu.memref_slice %arg10[%dma_wait3A_256] : memref<16000xi32, #tpu.memory_space<vmem>> -> memref<2560xi32, #tpu.memory_space<vmem>>
        %dma_wait3A_258 = tpu.memref_slice %arg2[%run_scoped3A, %multiple_of3A] : memref<2x320000xi32, #tpu.memory_space<hbm>> -> memref<1x2560xi32, #tpu.memory_space<hbm>>
        %dma_wait3A_259 = tpu.memref_squeeze %dma_wait3A_258 : memref<1x2560xi32, #tpu.memory_space<hbm>> -> memref<2560xi32, #tpu.memory_space<hbm>>
        %dma_wait3A_260 = arith.constant 0 : i32
        %dma_wait3A_261 = tpu.memref_slice %arg10[%dma_wait3A_260] : memref<16000xi32, #tpu.memory_space<vmem>> -> memref<2560xi32, #tpu.memory_space<vmem>>
        %dma_wait3A_262 = tpu.memref_slice %arg2[%run_scoped3A, %multiple_of3A] : memref<2x320000xi32, #tpu.memory_space<hbm>> -> memref<1x2560xi32, #tpu.memory_space<hbm>>
        %dma_wait3A_263 = tpu.memref_squeeze %dma_wait3A_262 : memref<1x2560xi32, #tpu.memory_space<hbm>> -> memref<2560xi32, #tpu.memory_space<hbm>>
        tpu.wait_dma2 semaphore(%run_scoped3A_247 : memref<!tpu.dma_semaphore, #tpu.memory_space<semaphore_mem>>) src(%dma_wait3A_263 : memref<2560xi32, #tpu.memory_space<hbm>>) dst(%dma_wait3A_261 : memref<2560xi32, #tpu.memory_space<vmem>>)
        tpu.yield
      }) : () -> ()
      %run_scoped3A_243 = arith.constant 1 : i32
      "tpu.region"() ({
        %run_scoped3A_247 = tpu.sem_alloc : memref<!tpu.dma_semaphore, #tpu.memory_space<semaphore_mem>>
        %dma_start3A_248 = arith.constant 0 : i32
        %dma_start3A_249 = tpu.memref_slice %arg11[%dma_start3A_248] : memref<16000xi32, #tpu.memory_space<vmem>> -> memref<2560xi32, #tpu.memory_space<vmem>>
        %dma_start3A_250 = tpu.memref_slice %arg2[%run_scoped3A_243, %multiple_of3A] : memref<2x320000xi32, #tpu.memory_space<hbm>> -> memref<1x2560xi32, #tpu.memory_space<hbm>>
        %dma_start3A_251 = tpu.memref_squeeze %dma_start3A_250 : memref<1x2560xi32, #tpu.memory_space<hbm>> -> memref<2560xi32, #tpu.memory_space<hbm>>
        %dma_start3A_252 = arith.constant 0 : i32
        %dma_start3A_253 = tpu.memref_slice %arg11[%dma_start3A_252] : memref<16000xi32, #tpu.memory_space<vmem>> -> memref<2560xi32, #tpu.memory_space<vmem>>
        %dma_start3A_254 = tpu.memref_slice %arg2[%run_scoped3A_243, %multiple_of3A] : memref<2x320000xi32, #tpu.memory_space<hbm>> -> memref<1x2560xi32, #tpu.memory_space<hbm>>
        %dma_start3A_255 = tpu.memref_squeeze %dma_start3A_254 : memref<1x2560xi32, #tpu.memory_space<hbm>> -> memref<2560xi32, #tpu.memory_space<hbm>>
        tpu.enqueue_dma source(%dma_start3A_255 : memref<2560xi32, #tpu.memory_space<hbm>>) target(%dma_start3A_253 : memref<2560xi32, #tpu.memory_space<vmem>>) target_semaphore(%run_scoped3A_247 : memref<!tpu.dma_semaphore, #tpu.memory_space<semaphore_mem>>)
        %dma_wait3A_256 = arith.constant 0 : i32
        %dma_wait3A_257 = tpu.memref_slice %arg11[%dma_wait3A_256] : memref<16000xi32, #tpu.memory_space<vmem>> -> memref<2560xi32, #tpu.memory_space<vmem>>
        %dma_wait3A_258 = tpu.memref_slice %arg2[%run_scoped3A_243, %multiple_of3A] : memref<2x320000xi32, #tpu.memory_space<hbm>> -> memref<1x2560xi32, #tpu.memory_space<hbm>>
        %dma_wait3A_259 = tpu.memref_squeeze %dma_wait3A_258 : memref<1x2560xi32, #tpu.memory_space<hbm>> -> memref<2560xi32, #tpu.memory_space<hbm>>
        %dma_wait3A_260 = arith.constant 0 : i32
        %dma_wait3A_261 = tpu.memref_slice %arg11[%dma_wait3A_260] : memref<16000xi32, #tpu.memory_space<vmem>> -> memref<2560xi32, #tpu.memory_space<vmem>>
        %dma_wait3A_262 = tpu.memref_slice %arg2[%run_scoped3A_243, %multiple_of3A] : memref<2x320000xi32, #tpu.memory_space<hbm>> -> memref<1x2560xi32, #tpu.memory_space<hbm>>
        %dma_wait3A_263 = tpu.memref_squeeze %dma_wait3A_262 : memref<1x2560xi32, #tpu.memory_space<hbm>> -> memref<2560xi32, #tpu.memory_space<hbm>>
        tpu.wait_dma2 semaphore(%run_scoped3A_247 : memref<!tpu.dma_semaphore, #tpu.memory_space<semaphore_mem>>) src(%dma_wait3A_263 : memref<2560xi32, #tpu.memory_space<hbm>>) dst(%dma_wait3A_261 : memref<2560xi32, #tpu.memory_space<vmem>>)
        tpu.yield
      }) : () -> ()
      %parallel_loop3A_244 = arith.constant 0 : i32
      %parallel_loop3A_245 = arith.constant 160 : i32
      %parallel_loop3A_246 = arith.constant 1 : i32
      scf.for %parallel_loop3A_247 = %parallel_loop3A_244 to %parallel_loop3A_245 step %parallel_loop3A_246  : i32 {
        %parallel_loop3A_248 = arith.constant 16 : i32
        %parallel_loop3A_249 = arith.muli %parallel_loop3A_247, %parallel_loop3A_248 : i32
        %parallel_loop3A_250 = arith.index_cast %parallel_loop3A_249 : i32 to index
        %parallel_loop3A_251 = tpu.vector_load %arg10[%parallel_loop3A_250] {strides = array<i32>} : memref<16000xi32, #tpu.memory_space<vmem>>, vector<16xi32>,
        %parallel_loop3A_252 = vector.broadcast %reduce_min3A_50 : i32 to vector<16xi32>
        %parallel_loop3A_253 = arith.subi %parallel_loop3A_251, %parallel_loop3A_252 : vector<16xi32>
        %parallel_loop3A_254 = arith.constant 16 : i32
        %parallel_loop3A_255 = arith.muli %parallel_loop3A_247, %parallel_loop3A_254 : i32
        %parallel_loop3A_256 = arith.index_cast %parallel_loop3A_255 : i32 to index
        %parallel_loop3A_257 = tpu.vector_load %arg11[%parallel_loop3A_256] {strides = array<i32>} : memref<16000xi32, #tpu.memory_space<vmem>>, vector<16xi32>,
        %parallel_loop3A_258 = arith.constant 16 : i32
        %parallel_loop3A_259 = vector.broadcast %parallel_loop3A_258 : i32 to vector<16xi32>
        %parallel_loop3A_260 = arith.shli %parallel_loop3A_253, %parallel_loop3A_259 : vector<16xi32>
        %parallel_loop3A_261 = arith.ori %parallel_loop3A_260, %parallel_loop3A_257 : vector<16xi32>
        %parallel_loop3A_262 = arith.constant 16 : i32
        %parallel_loop3A_263 = arith.muli %parallel_loop3A_247, %parallel_loop3A_262 : i32
        %parallel_loop3A_264 = arith.index_cast %parallel_loop3A_263 : i32 to index
        %parallel_loop3A_265 = tpu.vector_load %arg12[%parallel_loop3A_264] {strides = array<i32>} : memref<2560xi32, #tpu.memory_space<vmem>>, vector<16xi32>,
        tpu.vector_store %arg12[%parallel_loop3A_264], %parallel_loop3A_261 {strides = array<i32>} : memref<2560xi32, #tpu.memory_space<vmem>>, vector<16xi32>,
      } {sc.loop_unroll_factor = 4 : i64, sc.parallel_access}
      "tpu.region"() ({
        %run_scoped3A_247 = tpu.sem_alloc : memref<!tpu.dma_semaphore, #tpu.memory_space<semaphore_mem>>
        %dma_start3A_248 = tpu.memref_slice %arg5[%arg0, %multiple_of3A] : memref<2x320000xi32, #tpu.memory_space<hbm>> -> memref<1x2560xi32, #tpu.memory_space<hbm>>
        %dma_start3A_249 = tpu.memref_squeeze %dma_start3A_248 : memref<1x2560xi32, #tpu.memory_space<hbm>> -> memref<2560xi32, #tpu.memory_space<hbm>>
        %dma_start3A_250 = tpu.memref_slice %arg5[%arg0, %multiple_of3A] : memref<2x320000xi32, #tpu.memory_space<hbm>> -> memref<1x2560xi32, #tpu.memory_space<hbm>>
        %dma_start3A_251 = tpu.memref_squeeze %dma_start3A_250 : memref<1x2560xi32, #tpu.memory_space<hbm>> -> memref<2560xi32, #tpu.memory_space<hbm>>
        tpu.enqueue_dma source(%arg12 : memref<2560xi32, #tpu.memory_space<vmem>>) target(%dma_start3A_251 : memref<2560xi32, #tpu.memory_space<hbm>>) target_semaphore(%run_scoped3A_247 : memref<!tpu.dma_semaphore, #tpu.memory_space<semaphore_mem>>)
        %dma_wait3A_252 = tpu.memref_slice %arg5[%arg0, %multiple_of3A] : memref<2x320000xi32, #tpu.memory_space<hbm>> -> memref<1x2560xi32, #tpu.memory_space<hbm>>
        %dma_wait3A_253 = tpu.memref_squeeze %dma_wait3A_252 : memref<1x2560xi32, #tpu.memory_space<hbm>> -> memref<2560xi32, #tpu.memory_space<hbm>>
        %dma_wait3A_254 = tpu.memref_slice %arg5[%arg0, %multiple_of3A] : memref<2x320000xi32, #tpu.memory_space<hbm>> -> memref<1x2560xi32, #tpu.memory_space<hbm>>
        %dma_wait3A_255 = tpu.memref_squeeze %dma_wait3A_254 : memref<1x2560xi32, #tpu.memory_space<hbm>> -> memref<2560xi32, #tpu.memory_space<hbm>>
        tpu.wait_dma2 semaphore(%run_scoped3A_247 : memref<!tpu.dma_semaphore, #tpu.memory_space<semaphore_mem>>) src(%arg12 : memref<2560xi32, #tpu.memory_space<vmem>>) dst(%dma_wait3A_255 : memref<2560xi32, #tpu.memory_space<hbm>>)
        tpu.yield
      }) : () -> ()
    }
    %barrier3A = arith.constant 0 : index
    tpu.barrier barrier_id(%barrier3A)
    %mul3A_67 = arith.constant 4 : i32
    %mul3A_68 = arith.muli %add3A, %mul3A_67 : i32
    %add3A_69 = arith.constant 0 : i32
    %add3A_70 = arith.addi %mul3A_68, %add3A_69 : i32
    "tpu.region"() ({
      %run_scoped3A = tpu.sem_alloc : memref<!tpu.dma_semaphore, #tpu.memory_space<semaphore_mem>>
      %dma_start3A_237 = arith.constant 0 : i32
      %dma_start3A_238 = tpu.memref_slice %arg3[%add3A_70, %dma_start3A_237] : memref<128x10112xf32, #tpu.memory_space<hbm>> -> memref<1x10112xf32, #tpu.memory_space<hbm>>
      %dma_start3A_239 = tpu.memref_squeeze %dma_start3A_238 : memref<1x10112xf32, #tpu.memory_space<hbm>> -> memref<10112xf32, #tpu.memory_space<hbm>>
      %dma_start3A_240 = arith.constant 0 : i32
      %dma_start3A_241 = tpu.memref_slice %arg3[%add3A_70, %dma_start3A_240] : memref<128x10112xf32, #tpu.memory_space<hbm>> -> memref<1x10112xf32, #tpu.memory_space<hbm>>
      %dma_start3A_242 = tpu.memref_squeeze %dma_start3A_241 : memref<1x10112xf32, #tpu.memory_space<hbm>> -> memref<10112xf32, #tpu.memory_space<hbm>>
      tpu.enqueue_dma source(%dma_start3A_242 : memref<10112xf32, #tpu.memory_space<hbm>>) target(%arg13 : memref<10112xf32, #tpu.memory_space<vmem>>) target_semaphore(%run_scoped3A : memref<!tpu.dma_semaphore, #tpu.memory_space<semaphore_mem>>)
      %dma_wait3A_243 = arith.constant 0 : i32
      %dma_wait3A_244 = tpu.memref_slice %arg3[%add3A_70, %dma_wait3A_243] : memref<128x10112xf32, #tpu.memory_space<hbm>> -> memref<1x10112xf32, #tpu.memory_space<hbm>>
      %dma_wait3A_245 = tpu.memref_squeeze %dma_wait3A_244 : memref<1x10112xf32, #tpu.memory_space<hbm>> -> memref<10112xf32, #tpu.memory_space<hbm>>
      %dma_wait3A_246 = arith.constant 0 : i32
      %dma_wait3A_247 = tpu.memref_slice %arg3[%add3A_70, %dma_wait3A_246] : memref<128x10112xf32, #tpu.memory_space<hbm>> -> memref<1x10112xf32, #tpu.memory_space<hbm>>
      %dma_wait3A_248 = tpu.memref_squeeze %dma_wait3A_247 : memref<1x10112xf32, #tpu.memory_space<hbm>> -> memref<10112xf32, #tpu.memory_space<hbm>>
      tpu.wait_dma2 semaphore(%run_scoped3A : memref<!tpu.dma_semaphore, #tpu.memory_space<semaphore_mem>>) src(%dma_wait3A_248 : memref<10112xf32, #tpu.memory_space<hbm>>) dst(%arg13 : memref<10112xf32, #tpu.memory_space<vmem>>)
      tpu.yield
    }) : () -> ()
    %mul3A_71 = arith.constant 4 : i32
    %mul3A_72 = arith.muli %add3A, %mul3A_71 : i32
    %add3A_73 = arith.constant 0 : i32
    %add3A_74 = arith.addi %mul3A_72, %add3A_73 : i32
    %add3A_75 = arith.constant 1 : i32
    %add3A_76 = arith.addi %add3A_74, %add3A_75 : i32
    "tpu.region"() ({
      %run_scoped3A = tpu.sem_alloc : memref<!tpu.dma_semaphore, #tpu.memory_space<semaphore_mem>>
      %dma_start3A_237 = arith.constant 0 : i32
      %dma_start3A_238 = tpu.memref_slice %arg3[%add3A_76, %dma_start3A_237] : memref<128x10112xf32, #tpu.memory_space<hbm>> -> memref<1x10112xf32, #tpu.memory_space<hbm>>
      %dma_start3A_239 = tpu.memref_squeeze %dma_start3A_238 : memref<1x10112xf32, #tpu.memory_space<hbm>> -> memref<10112xf32, #tpu.memory_space<hbm>>
      %dma_start3A_240 = arith.constant 0 : i32
      %dma_start3A_241 = tpu.memref_slice %arg3[%add3A_76, %dma_start3A_240] : memref<128x10112xf32, #tpu.memory_space<hbm>> -> memref<1x10112xf32, #tpu.memory_space<hbm>>
      %dma_start3A_242 = tpu.memref_squeeze %dma_start3A_241 : memref<1x10112xf32, #tpu.memory_space<hbm>> -> memref<10112xf32, #tpu.memory_space<hbm>>
      tpu.enqueue_dma source(%dma_start3A_242 : memref<10112xf32, #tpu.memory_space<hbm>>) target(%arg14 : memref<10112xf32, #tpu.memory_space<vmem>>) target_semaphore(%run_scoped3A : memref<!tpu.dma_semaphore, #tpu.memory_space<semaphore_mem>>)
      %dma_wait3A_243 = arith.constant 0 : i32
      %dma_wait3A_244 = tpu.memref_slice %arg3[%add3A_76, %dma_wait3A_243] : memref<128x10112xf32, #tpu.memory_space<hbm>> -> memref<1x10112xf32, #tpu.memory_space<hbm>>
      %dma_wait3A_245 = tpu.memref_squeeze %dma_wait3A_244 : memref<1x10112xf32, #tpu.memory_space<hbm>> -> memref<10112xf32, #tpu.memory_space<hbm>>
      %dma_wait3A_246 = arith.constant 0 : i32
      %dma_wait3A_247 = tpu.memref_slice %arg3[%add3A_76, %dma_wait3A_246] : memref<128x10112xf32, #tpu.memory_space<hbm>> -> memref<1x10112xf32, #tpu.memory_space<hbm>>
      %dma_wait3A_248 = tpu.memref_squeeze %dma_wait3A_247 : memref<1x10112xf32, #tpu.memory_space<hbm>> -> memref<10112xf32, #tpu.memory_space<hbm>>
      tpu.wait_dma2 semaphore(%run_scoped3A : memref<!tpu.dma_semaphore, #tpu.memory_space<semaphore_mem>>) src(%dma_wait3A_248 : memref<10112xf32, #tpu.memory_space<hbm>>) dst(%arg14 : memref<10112xf32, #tpu.memory_space<vmem>>)
      tpu.yield
    }) : () -> ()
    %parallel_loop3A_77 = arith.constant 0 : i32
    %parallel_loop3A_78 = arith.constant 625 : i32
    %parallel_loop3A_79 = arith.constant 1 : i32
    scf.for %parallel_loop3A_237 = %parallel_loop3A_77 to %parallel_loop3A_78 step %parallel_loop3A_79  : i32 {
      %parallel_loop3A_238 = arith.constant 16 : i32
      %parallel_loop3A_239 = arith.muli %parallel_loop3A_237, %parallel_loop3A_238 : i32
      %parallel_loop3A_240 = arith.index_cast %parallel_loop3A_239 : i32 to index
      %parallel_loop3A_241 = tpu.vector_load %arg9[%parallel_loop3A_240] {strides = array<i32>} : memref<10000xf32, #tpu.memory_space<vmem>>, vector<16xf32>,
      %parallel_loop3A_242 = arith.constant 16 : i32
      %parallel_loop3A_243 = arith.muli %parallel_loop3A_237, %parallel_loop3A_242 : i32
      %parallel_loop3A_244 = arith.index_cast %parallel_loop3A_243 : i32 to index
      %parallel_loop3A_245 = tpu.vector_load %arg13[%parallel_loop3A_244] {strides = array<i32>} : memref<10112xf32, #tpu.memory_space<vmem>>, vector<16xf32>,
      %parallel_loop3A_246 = arith.mulf %parallel_loop3A_245, %parallel_loop3A_241 : vector<16xf32>
      %parallel_loop3A_247 = arith.constant 16 : i32
      %parallel_loop3A_248 = arith.muli %parallel_loop3A_237, %parallel_loop3A_247 : i32
      %parallel_loop3A_249 = arith.index_cast %parallel_loop3A_248 : i32 to index
      %parallel_loop3A_250 = tpu.vector_load %arg14[%parallel_loop3A_249] {strides = array<i32>} : memref<10112xf32, #tpu.memory_space<vmem>>, vector<16xf32>,
      %parallel_loop3A_251 = arith.mulf %parallel_loop3A_250, %parallel_loop3A_241 : vector<16xf32>
      %parallel_loop3A_252 = arith.constant 16 : i32
      %parallel_loop3A_253 = arith.muli %parallel_loop3A_237, %parallel_loop3A_252 : i32
      %parallel_loop3A_254 = arith.index_cast %parallel_loop3A_253 : i32 to index
      %parallel_loop3A_255 = tpu.vector_load %arg13[%parallel_loop3A_254] {strides = array<i32>} : memref<10112xf32, #tpu.memory_space<vmem>>, vector<16xf32>,
      tpu.vector_store %arg13[%parallel_loop3A_254], %parallel_loop3A_246 {strides = array<i32>} : memref<10112xf32, #tpu.memory_space<vmem>>, vector<16xf32>,
      %parallel_loop3A_256 = arith.constant 16 : i32
      %parallel_loop3A_257 = arith.muli %parallel_loop3A_237, %parallel_loop3A_256 : i32
      %parallel_loop3A_258 = arith.index_cast %parallel_loop3A_257 : i32 to index
      %parallel_loop3A_259 = tpu.vector_load %arg14[%parallel_loop3A_258] {strides = array<i32>} : memref<10112xf32, #tpu.memory_space<vmem>>, vector<16xf32>,
      tpu.vector_store %arg14[%parallel_loop3A_258], %parallel_loop3A_251 {strides = array<i32>} : memref<10112xf32, #tpu.memory_space<vmem>>, vector<16xf32>,
      %parallel_loop3A_260 = tpu.pack_subelements %parallel_loop3A_246, %parallel_loop3A_251 {pack_format = #tpu.pack_format<interleaved>, positions = array<i32: 0, 1>} : vector<16xf32>, vector<16xf32> -> vector<32xbf16>
      %parallel_loop3A_261 = vector.bitcast %parallel_loop3A_260 : vector<32xbf16> to vector<16xi32>
      %parallel_loop3A_262 = arith.constant 16 : i32
      %parallel_loop3A_263 = arith.muli %parallel_loop3A_237, %parallel_loop3A_262 : i32
      %parallel_loop3A_264 = arith.constant 0 : i32
      %parallel_loop3A_265 = arith.addi %parallel_loop3A_264, %parallel_loop3A_263 : i32
      %parallel_loop3A_266 = arith.index_cast %parallel_loop3A_265 : i32 to index
      %parallel_loop3A_267 = tpu.vector_load %arg7[%parallel_loop3A_266] {strides = array<i32>} : memref<20000xi32, #tpu.memory_space<vmem>>, vector<16xi32>,
      tpu.vector_store %arg7[%parallel_loop3A_266], %parallel_loop3A_261 {strides = array<i32>} : memref<20000xi32, #tpu.memory_space<vmem>>, vector<16xi32>,
    } {sc.loop_unroll_factor = 4 : i64, sc.parallel_access}
    %mul3A_80 = arith.constant 4 : i32
    %mul3A_81 = arith.muli %add3A, %mul3A_80 : i32
    %add3A_82 = arith.constant 0 : i32
    %add3A_83 = arith.addi %mul3A_81, %add3A_82 : i32
    "tpu.region"() ({
      %run_scoped3A = tpu.sem_alloc : memref<!tpu.dma_semaphore, #tpu.memory_space<semaphore_mem>>
      %dma_start3A_237 = arith.constant 0 : i32
      %dma_start3A_238 = tpu.memref_slice %arg6[%add3A_83, %dma_start3A_237] : memref<128x10112xf32, #tpu.memory_space<hbm>> -> memref<1x10112xf32, #tpu.memory_space<hbm>>
      %dma_start3A_239 = tpu.memref_squeeze %dma_start3A_238 : memref<1x10112xf32, #tpu.memory_space<hbm>> -> memref<10112xf32, #tpu.memory_space<hbm>>
      %dma_start3A_240 = arith.constant 0 : i32
      %dma_start3A_241 = tpu.memref_slice %arg6[%add3A_83, %dma_start3A_240] : memref<128x10112xf32, #tpu.memory_space<hbm>> -> memref<1x10112xf32, #tpu.memory_space<hbm>>
      %dma_start3A_242 = tpu.memref_squeeze %dma_start3A_241 : memref<1x10112xf32, #tpu.memory_space<hbm>> -> memref<10112xf32, #tpu.memory_space<hbm>>
      tpu.enqueue_dma source(%arg13 : memref<10112xf32, #tpu.memory_space<vmem>>) target(%dma_start3A_242 : memref<10112xf32, #tpu.memory_space<hbm>>) target_semaphore(%run_scoped3A : memref<!tpu.dma_semaphore, #tpu.memory_space<semaphore_mem>>)
      %dma_wait3A_243 = arith.constant 0 : i32
      %dma_wait3A_244 = tpu.memref_slice %arg6[%add3A_83, %dma_wait3A_243] : memref<128x10112xf32, #tpu.memory_space<hbm>> -> memref<1x10112xf32, #tpu.memory_space<hbm>>
      %dma_wait3A_245 = tpu.memref_squeeze %dma_wait3A_244 : memref<1x10112xf32, #tpu.memory_space<hbm>> -> memref<10112xf32, #tpu.memory_space<hbm>>
      %dma_wait3A_246 = arith.constant 0 : i32
      %dma_wait3A_247 = tpu.memref_slice %arg6[%add3A_83, %dma_wait3A_246] : memref<128x10112xf32, #tpu.memory_space<hbm>> -> memref<1x10112xf32, #tpu.memory_space<hbm>>
      %dma_wait3A_248 = tpu.memref_squeeze %dma_wait3A_247 : memref<1x10112xf32, #tpu.memory_space<hbm>> -> memref<10112xf32, #tpu.memory_space<hbm>>
      tpu.wait_dma2 semaphore(%run_scoped3A : memref<!tpu.dma_semaphore, #tpu.memory_space<semaphore_mem>>) src(%arg13 : memref<10112xf32, #tpu.memory_space<vmem>>) dst(%dma_wait3A_248 : memref<10112xf32, #tpu.memory_space<hbm>>)
      tpu.yield
    }) : () -> ()
    %mul3A_84 = arith.constant 4 : i32
    %mul3A_85 = arith.muli %add3A, %mul3A_84 : i32
    %add3A_86 = arith.constant 0 : i32
    %add3A_87 = arith.addi %mul3A_85, %add3A_86 : i32
    %add3A_88 = arith.constant 1 : i32
    %add3A_89 = arith.addi %add3A_87, %add3A_88 : i32
    "tpu.region"() ({
      %run_scoped3A = tpu.sem_alloc : memref<!tpu.dma_semaphore, #tpu.memory_space<semaphore_mem>>
      %dma_start3A_237 = arith.constant 0 : i32
      %dma_start3A_238 = tpu.memref_slice %arg6[%add3A_89, %dma_start3A_237] : memref<128x10112xf32, #tpu.memory_space<hbm>> -> memref<1x10112xf32, #tpu.memory_space<hbm>>
      %dma_start3A_239 = tpu.memref_squeeze %dma_start3A_238 : memref<1x10112xf32, #tpu.memory_space<hbm>> -> memref<10112xf32, #tpu.memory_space<hbm>>
      %dma_start3A_240 = arith.constant 0 : i32
      %dma_start3A_241 = tpu.memref_slice %arg6[%add3A_89, %dma_start3A_240] : memref<128x10112xf32, #tpu.memory_space<hbm>> -> memref<1x10112xf32, #tpu.memory_space<hbm>>
      %dma_start3A_242 = tpu.memref_squeeze %dma_start3A_241 : memref<1x10112xf32, #tpu.memory_space<hbm>> -> memref<10112xf32, #tpu.memory_space<hbm>>
      tpu.enqueue_dma source(%arg14 : memref<10112xf32, #tpu.memory_space<vmem>>) target(%dma_start3A_242 : memref<10112xf32, #tpu.memory_space<hbm>>) target_semaphore(%run_scoped3A : memref<!tpu.dma_semaphore, #tpu.memory_space<semaphore_mem>>)
      %dma_wait3A_243 = arith.constant 0 : i32
      %dma_wait3A_244 = tpu.memref_slice %arg6[%add3A_89, %dma_wait3A_243] : memref<128x10112xf32, #tpu.memory_space<hbm>> -> memref<1x10112xf32, #tpu.memory_space<hbm>>
      %dma_wait3A_245 = tpu.memref_squeeze %dma_wait3A_244 : memref<1x10112xf32, #tpu.memory_space<hbm>> -> memref<10112xf32, #tpu.memory_space<hbm>>
      %dma_wait3A_246 = arith.constant 0 : i32
      %dma_wait3A_247 = tpu.memref_slice %arg6[%add3A_89, %dma_wait3A_246] : memref<128x10112xf32, #tpu.memory_space<hbm>> -> memref<1x10112xf32, #tpu.memory_space<hbm>>
      %dma_wait3A_248 = tpu.memref_squeeze %dma_wait3A_247 : memref<1x10112xf32, #tpu.memory_space<hbm>> -> memref<10112xf32, #tpu.memory_space<hbm>>
      tpu.wait_dma2 semaphore(%run_scoped3A : memref<!tpu.dma_semaphore, #tpu.memory_space<semaphore_mem>>) src(%arg14 : memref<10112xf32, #tpu.memory_space<vmem>>) dst(%dma_wait3A_248 : memref<10112xf32, #tpu.memory_space<hbm>>)
      tpu.yield
    }) : () -> ()
    %mul3A_90 = arith.constant 4 : i32
    %mul3A_91 = arith.muli %add3A, %mul3A_90 : i32
    %add3A_92 = arith.constant 2 : i32
    %add3A_93 = arith.addi %mul3A_91, %add3A_92 : i32
    "tpu.region"() ({
      %run_scoped3A = tpu.sem_alloc : memref<!tpu.dma_semaphore, #tpu.memory_space<semaphore_mem>>
      %dma_start3A_237 = arith.constant 0 : i32
      %dma_start3A_238 = tpu.memref_slice %arg3[%add3A_93, %dma_start3A_237] : memref<128x10112xf32, #tpu.memory_space<hbm>> -> memref<1x10112xf32, #tpu.memory_space<hbm>>
      %dma_start3A_239 = tpu.memref_squeeze %dma_start3A_238 : memref<1x10112xf32, #tpu.memory_space<hbm>> -> memref<10112xf32, #tpu.memory_space<hbm>>
      %dma_start3A_240 = arith.constant 0 : i32
      %dma_start3A_241 = tpu.memref_slice %arg3[%add3A_93, %dma_start3A_240] : memref<128x10112xf32, #tpu.memory_space<hbm>> -> memref<1x10112xf32, #tpu.memory_space<hbm>>
      %dma_start3A_242 = tpu.memref_squeeze %dma_start3A_241 : memref<1x10112xf32, #tpu.memory_space<hbm>> -> memref<10112xf32, #tpu.memory_space<hbm>>
      tpu.enqueue_dma source(%dma_start3A_242 : memref<10112xf32, #tpu.memory_space<hbm>>) target(%arg13 : memref<10112xf32, #tpu.memory_space<vmem>>) target_semaphore(%run_scoped3A : memref<!tpu.dma_semaphore, #tpu.memory_space<semaphore_mem>>)
      %dma_wait3A_243 = arith.constant 0 : i32
      %dma_wait3A_244 = tpu.memref_slice %arg3[%add3A_93, %dma_wait3A_243] : memref<128x10112xf32, #tpu.memory_space<hbm>> -> memref<1x10112xf32, #tpu.memory_space<hbm>>
      %dma_wait3A_245 = tpu.memref_squeeze %dma_wait3A_244 : memref<1x10112xf32, #tpu.memory_space<hbm>> -> memref<10112xf32, #tpu.memory_space<hbm>>
      %dma_wait3A_246 = arith.constant 0 : i32
      %dma_wait3A_247 = tpu.memref_slice %arg3[%add3A_93, %dma_wait3A_246] : memref<128x10112xf32, #tpu.memory_space<hbm>> -> memref<1x10112xf32, #tpu.memory_space<hbm>>
      %dma_wait3A_248 = tpu.memref_squeeze %dma_wait3A_247 : memref<1x10112xf32, #tpu.memory_space<hbm>> -> memref<10112xf32, #tpu.memory_space<hbm>>
      tpu.wait_dma2 semaphore(%run_scoped3A : memref<!tpu.dma_semaphore, #tpu.memory_space<semaphore_mem>>) src(%dma_wait3A_248 : memref<10112xf32, #tpu.memory_space<hbm>>) dst(%arg13 : memref<10112xf32, #tpu.memory_space<vmem>>)
      tpu.yield
    }) : () -> ()
    %mul3A_94 = arith.constant 4 : i32
    %mul3A_95 = arith.muli %add3A, %mul3A_94 : i32
    %add3A_96 = arith.constant 2 : i32
    %add3A_97 = arith.addi %mul3A_95, %add3A_96 : i32
    %add3A_98 = arith.constant 1 : i32
    %add3A_99 = arith.addi %add3A_97, %add3A_98 : i32
    "tpu.region"() ({
      %run_scoped3A = tpu.sem_alloc : memref<!tpu.dma_semaphore, #tpu.memory_space<semaphore_mem>>
      %dma_start3A_237 = arith.constant 0 : i32
      %dma_start3A_238 = tpu.memref_slice %arg3[%add3A_99, %dma_start3A_237] : memref<128x10112xf32, #tpu.memory_space<hbm>> -> memref<1x10112xf32, #tpu.memory_space<hbm>>
      %dma_start3A_239 = tpu.memref_squeeze %dma_start3A_238 : memref<1x10112xf32, #tpu.memory_space<hbm>> -> memref<10112xf32, #tpu.memory_space<hbm>>
      %dma_start3A_240 = arith.constant 0 : i32
      %dma_start3A_241 = tpu.memref_slice %arg3[%add3A_99, %dma_start3A_240] : memref<128x10112xf32, #tpu.memory_space<hbm>> -> memref<1x10112xf32, #tpu.memory_space<hbm>>
      %dma_start3A_242 = tpu.memref_squeeze %dma_start3A_241 : memref<1x10112xf32, #tpu.memory_space<hbm>> -> memref<10112xf32, #tpu.memory_space<hbm>>
      tpu.enqueue_dma source(%dma_start3A_242 : memref<10112xf32, #tpu.memory_space<hbm>>) target(%arg14 : memref<10112xf32, #tpu.memory_space<vmem>>) target_semaphore(%run_scoped3A : memref<!tpu.dma_semaphore, #tpu.memory_space<semaphore_mem>>)
      %dma_wait3A_243 = arith.constant 0 : i32
      %dma_wait3A_244 = tpu.memref_slice %arg3[%add3A_99, %dma_wait3A_243] : memref<128x10112xf32, #tpu.memory_space<hbm>> -> memref<1x10112xf32, #tpu.memory_space<hbm>>
      %dma_wait3A_245 = tpu.memref_squeeze %dma_wait3A_244 : memref<1x10112xf32, #tpu.memory_space<hbm>> -> memref<10112xf32, #tpu.memory_space<hbm>>
      %dma_wait3A_246 = arith.constant 0 : i32
      %dma_wait3A_247 = tpu.memref_slice %arg3[%add3A_99, %dma_wait3A_246] : memref<128x10112xf32, #tpu.memory_space<hbm>> -> memref<1x10112xf32, #tpu.memory_space<hbm>>
      %dma_wait3A_248 = tpu.memref_squeeze %dma_wait3A_247 : memref<1x10112xf32, #tpu.memory_space<hbm>> -> memref<10112xf32, #tpu.memory_space<hbm>>
      tpu.wait_dma2 semaphore(%run_scoped3A : memref<!tpu.dma_semaphore, #tpu.memory_space<semaphore_mem>>) src(%dma_wait3A_248 : memref<10112xf32, #tpu.memory_space<hbm>>) dst(%arg14 : memref<10112xf32, #tpu.memory_space<vmem>>)
      tpu.yield
    }) : () -> ()
    %parallel_loop3A_100 = arith.constant 0 : i32
    %parallel_loop3A_101 = arith.constant 625 : i32
    %parallel_loop3A_102 = arith.constant 1 : i32
    scf.for %parallel_loop3A_237 = %parallel_loop3A_100 to %parallel_loop3A_101 step %parallel_loop3A_102  : i32 {
      %parallel_loop3A_238 = arith.constant 16 : i32
      %parallel_loop3A_239 = arith.muli %parallel_loop3A_237, %parallel_loop3A_238 : i32
      %parallel_loop3A_240 = arith.index_cast %parallel_loop3A_239 : i32 to index
      %parallel_loop3A_241 = tpu.vector_load %arg9[%parallel_loop3A_240] {strides = array<i32>} : memref<10000xf32, #tpu.memory_space<vmem>>, vector<16xf32>,
      %parallel_loop3A_242 = arith.constant 16 : i32
      %parallel_loop3A_243 = arith.muli %parallel_loop3A_237, %parallel_loop3A_242 : i32
      %parallel_loop3A_244 = arith.index_cast %parallel_loop3A_243 : i32 to index
      %parallel_loop3A_245 = tpu.vector_load %arg13[%parallel_loop3A_244] {strides = array<i32>} : memref<10112xf32, #tpu.memory_space<vmem>>, vector<16xf32>,
      %parallel_loop3A_246 = arith.mulf %parallel_loop3A_245, %parallel_loop3A_241 : vector<16xf32>
      %parallel_loop3A_247 = arith.constant 16 : i32
      %parallel_loop3A_248 = arith.muli %parallel_loop3A_237, %parallel_loop3A_247 : i32
      %parallel_loop3A_249 = arith.index_cast %parallel_loop3A_248 : i32 to index
      %parallel_loop3A_250 = tpu.vector_load %arg14[%parallel_loop3A_249] {strides = array<i32>} : memref<10112xf32, #tpu.memory_space<vmem>>, vector<16xf32>,
      %parallel_loop3A_251 = arith.mulf %parallel_loop3A_250, %parallel_loop3A_241 : vector<16xf32>
      %parallel_loop3A_252 = arith.constant 16 : i32
      %parallel_loop3A_253 = arith.muli %parallel_loop3A_237, %parallel_loop3A_252 : i32
      %parallel_loop3A_254 = arith.index_cast %parallel_loop3A_253 : i32 to index
      %parallel_loop3A_255 = tpu.vector_load %arg13[%parallel_loop3A_254] {strides = array<i32>} : memref<10112xf32, #tpu.memory_space<vmem>>, vector<16xf32>,
      tpu.vector_store %arg13[%parallel_loop3A_254], %parallel_loop3A_246 {strides = array<i32>} : memref<10112xf32, #tpu.memory_space<vmem>>, vector<16xf32>,
      %parallel_loop3A_256 = arith.constant 16 : i32
      %parallel_loop3A_257 = arith.muli %parallel_loop3A_237, %parallel_loop3A_256 : i32
      %parallel_loop3A_258 = arith.index_cast %parallel_loop3A_257 : i32 to index
      %parallel_loop3A_259 = tpu.vector_load %arg14[%parallel_loop3A_258] {strides = array<i32>} : memref<10112xf32, #tpu.memory_space<vmem>>, vector<16xf32>,
      tpu.vector_store %arg14[%parallel_loop3A_258], %parallel_loop3A_251 {strides = array<i32>} : memref<10112xf32, #tpu.memory_space<vmem>>, vector<16xf32>,
      %parallel_loop3A_260 = tpu.pack_subelements %parallel_loop3A_246, %parallel_loop3A_251 {pack_format = #tpu.pack_format<interleaved>, positions = array<i32: 0, 1>} : vector<16xf32>, vector<16xf32> -> vector<32xbf16>
      %parallel_loop3A_261 = vector.bitcast %parallel_loop3A_260 : vector<32xbf16> to vector<16xi32>
      %parallel_loop3A_262 = arith.constant 16 : i32
      %parallel_loop3A_263 = arith.muli %parallel_loop3A_237, %parallel_loop3A_262 : i32
      %parallel_loop3A_264 = arith.constant 10000 : i32
      %parallel_loop3A_265 = arith.addi %parallel_loop3A_264, %parallel_loop3A_263 : i32
      %parallel_loop3A_266 = arith.index_cast %parallel_loop3A_265 : i32 to index
      %parallel_loop3A_267 = tpu.vector_load %arg7[%parallel_loop3A_266] {strides = array<i32>} : memref<20000xi32, #tpu.memory_space<vmem>>, vector<16xi32>,
      tpu.vector_store %arg7[%parallel_loop3A_266], %parallel_loop3A_261 {strides = array<i32>} : memref<20000xi32, #tpu.memory_space<vmem>>, vector<16xi32>,
    } {sc.loop_unroll_factor = 4 : i64, sc.parallel_access}
    %mul3A_103 = arith.constant 4 : i32
    %mul3A_104 = arith.muli %add3A, %mul3A_103 : i32
    %add3A_105 = arith.constant 2 : i32
    %add3A_106 = arith.addi %mul3A_104, %add3A_105 : i32
    "tpu.region"() ({
      %run_scoped3A = tpu.sem_alloc : memref<!tpu.dma_semaphore, #tpu.memory_space<semaphore_mem>>
      %dma_start3A_237 = arith.constant 0 : i32
      %dma_start3A_238 = tpu.memref_slice %arg6[%add3A_106, %dma_start3A_237] : memref<128x10112xf32, #tpu.memory_space<hbm>> -> memref<1x10112xf32, #tpu.memory_space<hbm>>
      %dma_start3A_239 = tpu.memref_squeeze %dma_start3A_238 : memref<1x10112xf32, #tpu.memory_space<hbm>> -> memref<10112xf32, #tpu.memory_space<hbm>>
      %dma_start3A_240 = arith.constant 0 : i32
      %dma_start3A_241 = tpu.memref_slice %arg6[%add3A_106, %dma_start3A_240] : memref<128x10112xf32, #tpu.memory_space<hbm>> -> memref<1x10112xf32, #tpu.memory_space<hbm>>
      %dma_start3A_242 = tpu.memref_squeeze %dma_start3A_241 : memref<1x10112xf32, #tpu.memory_space<hbm>> -> memref<10112xf32, #tpu.memory_space<hbm>>
      tpu.enqueue_dma source(%arg13 : memref<10112xf32, #tpu.memory_space<vmem>>) target(%dma_start3A_242 : memref<10112xf32, #tpu.memory_space<hbm>>) target_semaphore(%run_scoped3A : memref<!tpu.dma_semaphore, #tpu.memory_space<semaphore_mem>>)
      %dma_wait3A_243 = arith.constant 0 : i32
      %dma_wait3A_244 = tpu.memref_slice %arg6[%add3A_106, %dma_wait3A_243] : memref<128x10112xf32, #tpu.memory_space<hbm>> -> memref<1x10112xf32, #tpu.memory_space<hbm>>
      %dma_wait3A_245 = tpu.memref_squeeze %dma_wait3A_244 : memref<1x10112xf32, #tpu.memory_space<hbm>> -> memref<10112xf32, #tpu.memory_space<hbm>>
      %dma_wait3A_246 = arith.constant 0 : i32
      %dma_wait3A_247 = tpu.memref_slice %arg6[%add3A_106, %dma_wait3A_246] : memref<128x10112xf32, #tpu.memory_space<hbm>> -> memref<1x10112xf32, #tpu.memory_space<hbm>>
      %dma_wait3A_248 = tpu.memref_squeeze %dma_wait3A_247 : memref<1x10112xf32, #tpu.memory_space<hbm>> -> memref<10112xf32, #tpu.memory_space<hbm>>
      tpu.wait_dma2 semaphore(%run_scoped3A : memref<!tpu.dma_semaphore, #tpu.memory_space<semaphore_mem>>) src(%arg13 : memref<10112xf32, #tpu.memory_space<vmem>>) dst(%dma_wait3A_248 : memref<10112xf32, #tpu.memory_space<hbm>>)
      tpu.yield
    }) : () -> ()
    %mul3A_107 = arith.constant 4 : i32
    %mul3A_108 = arith.muli %add3A, %mul3A_107 : i32
    %add3A_109 = arith.constant 2 : i32
    %add3A_110 = arith.addi %mul3A_108, %add3A_109 : i32
    %add3A_111 = arith.constant 1 : i32
    %add3A_112 = arith.addi %add3A_110, %add3A_111 : i32
    "tpu.region"() ({
      %run_scoped3A = tpu.sem_alloc : memref<!tpu.dma_semaphore, #tpu.memory_space<semaphore_mem>>
      %dma_start3A_237 = arith.constant 0 : i32
      %dma_start3A_238 = tpu.memref_slice %arg6[%add3A_112, %dma_start3A_237] : memref<128x10112xf32, #tpu.memory_space<hbm>> -> memref<1x10112xf32, #tpu.memory_space<hbm>>
      %dma_start3A_239 = tpu.memref_squeeze %dma_start3A_238 : memref<1x10112xf32, #tpu.memory_space<hbm>> -> memref<10112xf32, #tpu.memory_space<hbm>>
      %dma_start3A_240 = arith.constant 0 : i32
      %dma_start3A_241 = tpu.memref_slice %arg6[%add3A_112, %dma_start3A_240] : memref<128x10112xf32, #tpu.memory_space<hbm>> -> memref<1x10112xf32, #tpu.memory_space<hbm>>
      %dma_start3A_242 = tpu.memref_squeeze %dma_start3A_241 : memref<1x10112xf32, #tpu.memory_space<hbm>> -> memref<10112xf32, #tpu.memory_space<hbm>>
      tpu.enqueue_dma source(%arg14 : memref<10112xf32, #tpu.memory_space<vmem>>) target(%dma_start3A_242 : memref<10112xf32, #tpu.memory_space<hbm>>) target_semaphore(%run_scoped3A : memref<!tpu.dma_semaphore, #tpu.memory_space<semaphore_mem>>)
      %dma_wait3A_243 = arith.constant 0 : i32
      %dma_wait3A_244 = tpu.memref_slice %arg6[%add3A_112, %dma_wait3A_243] : memref<128x10112xf32, #tpu.memory_space<hbm>> -> memref<1x10112xf32, #tpu.memory_space<hbm>>
      %dma_wait3A_245 = tpu.memref_squeeze %dma_wait3A_244 : memref<1x10112xf32, #tpu.memory_space<hbm>> -> memref<10112xf32, #tpu.memory_space<hbm>>
      %dma_wait3A_246 = arith.constant 0 : i32
      %dma_wait3A_247 = tpu.memref_slice %arg6[%add3A_112, %dma_wait3A_246] : memref<128x10112xf32, #tpu.memory_space<hbm>> -> memref<1x10112xf32, #tpu.memory_space<hbm>>
      %dma_wait3A_248 = tpu.memref_squeeze %dma_wait3A_247 : memref<1x10112xf32, #tpu.memory_space<hbm>> -> memref<10112xf32, #tpu.memory_space<hbm>>
      tpu.wait_dma2 semaphore(%run_scoped3A : memref<!tpu.dma_semaphore, #tpu.memory_space<semaphore_mem>>) src(%arg14 : memref<10112xf32, #tpu.memory_space<vmem>>) dst(%dma_wait3A_248 : memref<10112xf32, #tpu.memory_space<hbm>>)
      tpu.yield
    }) : () -> ()
    %parallel_loop3A_113 = arith.constant 0 : i32
    %parallel_loop3A_114 = arith.constant 2500 : i32
    %parallel_loop3A_115 = arith.constant 1 : i32
    scf.for %parallel_loop3A_237 = %parallel_loop3A_113 to %parallel_loop3A_114 step %parallel_loop3A_115  : i32 {
      %parallel_loop3A_238 = arith.constant 0.000000e+00 : f32
      %parallel_loop3A_239 = vector.broadcast %parallel_loop3A_238 : f32 to vector<16xf32>
      %parallel_loop3A_240 = arith.constant 16 : i32
      %parallel_loop3A_241 = arith.muli %parallel_loop3A_237, %parallel_loop3A_240 : i32
      %parallel_loop3A_242 = arith.index_cast %parallel_loop3A_241 : i32 to index
      %parallel_loop3A_243 = tpu.vector_load %arg8[%parallel_loop3A_242] {strides = array<i32>} : memref<40000xf32, #tpu.memory_space<vmem>>, vector<16xf32>,
      tpu.vector_store %arg8[%parallel_loop3A_242], %parallel_loop3A_239 {strides = array<i32>} : memref<40000xf32, #tpu.memory_space<vmem>>, vector<16xf32>,
    } {sc.loop_unroll_factor = 8 : i64, sc.parallel_access}
    %scan3A_116 = arith.constant 0 : i32
    %scan3A_117 = arith.constant 0 : i32
    %scan3A_118 = arith.constant 7 : i32
    %scan3A_119 = arith.addi %scan3A_117, %scan3A_118 : i32
    %scan3A_120 = arith.constant 1 : i32
    scf.for %scan3A_237 = %scan3A_117 to %scan3A_119 step %scan3A_120  : i32 {
      %mul3A_238 = arith.constant 4 : i32
      %mul3A_239 = arith.muli %add3A, %mul3A_238 : i32
      %add3A_240 = arith.constant 0 : i32
      %add3A_241 = arith.addi %mul3A_239, %add3A_240 : i32
      %dma_start3A_242 = arith.constant 0 : i32
      %dma_start3A_243 = tpu.memref_slice %arg6[%add3A_241, %dma_start3A_242] : memref<128x10112xf32, #tpu.memory_space<hbm>> -> memref<1x10112xf32, #tpu.memory_space<hbm>>
      %dma_start3A_244 = tpu.memref_squeeze %dma_start3A_243 : memref<1x10112xf32, #tpu.memory_space<hbm>> -> memref<10112xf32, #tpu.memory_space<hbm>>
      %dma_start3A_245 = arith.constant 0 : i32
      %dma_start3A_246 = tpu.memref_slice %arg6[%add3A_241, %dma_start3A_245] : memref<128x10112xf32, #tpu.memory_space<hbm>> -> memref<1x10112xf32, #tpu.memory_space<hbm>>
      %dma_start3A_247 = tpu.memref_squeeze %dma_start3A_246 : memref<1x10112xf32, #tpu.memory_space<hbm>> -> memref<10112xf32, #tpu.memory_space<hbm>>
      tpu.enqueue_dma source(%dma_start3A_247 : memref<10112xf32, #tpu.memory_space<hbm>>) target(%arg13 : memref<10112xf32, #tpu.memory_space<vmem>>) target_semaphore(%arg17 : memref<!tpu.dma_semaphore, #tpu.memory_space<semaphore_mem>>)
      %mul3A_248 = arith.constant 4 : i32
      %mul3A_249 = arith.muli %add3A, %mul3A_248 : i32
      %add3A_250 = arith.constant 1 : i32
      %add3A_251 = arith.addi %mul3A_249, %add3A_250 : i32
      %dma_start3A_252 = arith.constant 0 : i32
      %dma_start3A_253 = tpu.memref_slice %arg6[%add3A_251, %dma_start3A_252] : memref<128x10112xf32, #tpu.memory_space<hbm>> -> memref<1x10112xf32, #tpu.memory_space<hbm>>
      %dma_start3A_254 = tpu.memref_squeeze %dma_start3A_253 : memref<1x10112xf32, #tpu.memory_space<hbm>> -> memref<10112xf32, #tpu.memory_space<hbm>>
      %dma_start3A_255 = arith.constant 0 : i32
      %dma_start3A_256 = tpu.memref_slice %arg6[%add3A_251, %dma_start3A_255] : memref<128x10112xf32, #tpu.memory_space<hbm>> -> memref<1x10112xf32, #tpu.memory_space<hbm>>
      %dma_start3A_257 = tpu.memref_squeeze %dma_start3A_256 : memref<1x10112xf32, #tpu.memory_space<hbm>> -> memref<10112xf32, #tpu.memory_space<hbm>>
      tpu.enqueue_dma source(%dma_start3A_257 : memref<10112xf32, #tpu.memory_space<hbm>>) target(%arg14 : memref<10112xf32, #tpu.memory_space<vmem>>) target_semaphore(%arg18 : memref<!tpu.dma_semaphore, #tpu.memory_space<semaphore_mem>>)
      %dma_start3A_258 = arith.constant 0 : i32
      %dma_start3A_259 = tpu.memref_slice %arg5[%arg0, %dma_start3A_258] : memref<2x320000xi32, #tpu.memory_space<hbm>> -> memref<1x16000xi32, #tpu.memory_space<hbm>>
      %dma_start3A_260 = tpu.memref_squeeze %dma_start3A_259 : memref<1x16000xi32, #tpu.memory_space<hbm>> -> memref<16000xi32, #tpu.memory_space<hbm>>
      %dma_start3A_261 = arith.constant 0 : i32
      %dma_start3A_262 = tpu.memref_slice %arg5[%arg0, %dma_start3A_261] : memref<2x320000xi32, #tpu.memory_space<hbm>> -> memref<1x16000xi32, #tpu.memory_space<hbm>>
      %dma_start3A_263 = tpu.memref_squeeze %dma_start3A_262 : memref<1x16000xi32, #tpu.memory_space<hbm>> -> memref<16000xi32, #tpu.memory_space<hbm>>
      tpu.enqueue_dma source(%dma_start3A_263 : memref<16000xi32, #tpu.memory_space<hbm>>) target(%arg10 : memref<16000xi32, #tpu.memory_space<vmem>>) target_semaphore(%arg15 : memref<!tpu.dma_semaphore, #tpu.memory_space<semaphore_mem>>)
      %dma_start3A_264 = arith.constant 16000 : i32
      %dma_start3A_265 = tpu.memref_slice %arg5[%arg0, %dma_start3A_264] : memref<2x320000xi32, #tpu.memory_space<hbm>> -> memref<1x16000xi32, #tpu.memory_space<hbm>>
      %dma_start3A_266 = tpu.memref_squeeze %dma_start3A_265 : memref<1x16000xi32, #tpu.memory_space<hbm>> -> memref<16000xi32, #tpu.memory_space<hbm>>
      %dma_start3A_267 = arith.constant 16000 : i32
      %dma_start3A_268 = tpu.memref_slice %arg5[%arg0, %dma_start3A_267] : memref<2x320000xi32, #tpu.memory_space<hbm>> -> memref<1x16000xi32, #tpu.memory_space<hbm>>
      %dma_start3A_269 = tpu.memref_squeeze %dma_start3A_268 : memref<1x16000xi32, #tpu.memory_space<hbm>> -> memref<16000xi32, #tpu.memory_space<hbm>>
      tpu.enqueue_dma source(%dma_start3A_269 : memref<16000xi32, #tpu.memory_space<hbm>>) target(%arg11 : memref<16000xi32, #tpu.memory_space<vmem>>) target_semaphore(%arg16 : memref<!tpu.dma_semaphore, #tpu.memory_space<semaphore_mem>>)
      %scan3A_270 = arith.constant 0 : i32
      %scan3A_271 = arith.constant 0 : i32
      %scan3A_272 = arith.constant 10 : i32
      %scan3A_273 = arith.addi %scan3A_271, %scan3A_272 : i32
      %scan3A_274 = arith.constant 1 : i32
      scf.for %scan3A_354 = %scan3A_271 to %scan3A_273 step %scan3A_274  : i32 {
        %mul3A_355 = arith.constant 2 : i32
        %mul3A_356 = arith.muli %scan3A_354, %mul3A_355 : i32
        %add3A_357 = arith.constant 0 : i32
        %add3A_358 = arith.addi %mul3A_356, %add3A_357 : i32
        %dma_wait3A_359 = arith.constant 0 : i32
        %dma_wait3A_360 = tpu.memref_slice %arg5[%arg0, %dma_wait3A_359] : memref<2x320000xi32, #tpu.memory_space<hbm>> -> memref<1x16000xi32, #tpu.memory_space<hbm>>
        %dma_wait3A_361 = tpu.memref_squeeze %dma_wait3A_360 : memref<1x16000xi32, #tpu.memory_space<hbm>> -> memref<16000xi32, #tpu.memory_space<hbm>>
        %dma_wait3A_362 = arith.constant 0 : i32
        %dma_wait3A_363 = tpu.memref_slice %arg5[%arg0, %dma_wait3A_362] : memref<2x320000xi32, #tpu.memory_space<hbm>> -> memref<1x16000xi32, #tpu.memory_space<hbm>>
        %dma_wait3A_364 = tpu.memref_squeeze %dma_wait3A_363 : memref<1x16000xi32, #tpu.memory_space<hbm>> -> memref<16000xi32, #tpu.memory_space<hbm>>
        tpu.wait_dma2 semaphore(%arg15 : memref<!tpu.dma_semaphore, #tpu.memory_space<semaphore_mem>>) src(%dma_wait3A_364 : memref<16000xi32, #tpu.memory_space<hbm>>) dst(%arg10 : memref<16000xi32, #tpu.memory_space<vmem>>)
        %parallel_loop3A_365 = arith.constant 0 : i32
        %parallel_loop3A_366 = arith.constant 1000 : i32
        %parallel_loop3A_367 = arith.constant 1 : i32
        scf.for %parallel_loop3A_392 = %parallel_loop3A_365 to %parallel_loop3A_366 step %parallel_loop3A_367  : i32 {
          %parallel_loop3A_393 = arith.constant 16 : i32
          %parallel_loop3A_394 = arith.muli %parallel_loop3A_392, %parallel_loop3A_393 : i32
          %parallel_loop3A_395 = arith.index_cast %parallel_loop3A_394 : i32 to index
          %parallel_loop3A_396 = tpu.vector_load %arg10[%parallel_loop3A_395] {strides = array<i32>} : memref<16000xi32, #tpu.memory_space<vmem>>, vector<16xi32>,
          %parallel_loop3A_397 = arith.constant 65535 : i32
          %parallel_loop3A_398 = vector.broadcast %parallel_loop3A_397 : i32 to vector<16xi32>
          %parallel_loop3A_399 = arith.andi %parallel_loop3A_396, %parallel_loop3A_398 : vector<16xi32>
          %parallel_loop3A_400 = arith.constant 16 : i32
          %parallel_loop3A_401 = vector.broadcast %parallel_loop3A_400 : i32 to vector<16xi32>
          %parallel_loop3A_402 = arith.shrui %parallel_loop3A_396, %parallel_loop3A_401 : vector<16xi32>
          %parallel_loop3A_403 = arith.constant 0 : i32
          %parallel_loop3A_404 = tpu.memref_slice %arg7[%parallel_loop3A_403] : memref<20000xi32, #tpu.memory_space<vmem>> -> memref<10000xi32, #tpu.memory_space<vmem>>
          %parallel_loop3A_405 = tpu.vector_load_idx %parallel_loop3A_404[%parallel_loop3A_399] : memref<10000xi32, #tpu.memory_space<vmem>>[vector<16xi32>], vector<16xi32>,
          %parallel_loop3A_406 = vector.bitcast %parallel_loop3A_405 : vector<16xi32> to vector<32xbf16>
          %parallel_loop3A_407 = tpu.unpack_subelements %parallel_loop3A_406, 0 {pack_format = #tpu.pack_format<interleaved>} : vector<32xbf16> -> vector<16xf32>
          %parallel_loop3A_408 = tpu.unpack_subelements %parallel_loop3A_406, 1 {pack_format = #tpu.pack_format<interleaved>} : vector<32xbf16> -> vector<16xf32>
          %parallel_loop3A_409 = arith.constant 0 : i32
          %parallel_loop3A_410 = tpu.memref_slice %arg8[%parallel_loop3A_409] : memref<40000xf32, #tpu.memory_space<vmem>> -> memref<10000xf32, #tpu.memory_space<vmem>>
          tpu.vector_store_idx %parallel_loop3A_410[%parallel_loop3A_402], %parallel_loop3A_407 {add = true} : memref<10000xf32, #tpu.memory_space<vmem>>[vector<16xi32>], vector<16xf32>,
          %parallel_loop3A_411 = arith.constant 10000 : i32
          %parallel_loop3A_412 = tpu.memref_slice %arg8[%parallel_loop3A_411] : memref<40000xf32, #tpu.memory_space<vmem>> -> memref<10000xf32, #tpu.memory_space<vmem>>
          tpu.vector_store_idx %parallel_loop3A_412[%parallel_loop3A_402], %parallel_loop3A_408 {add = true} : memref<10000xf32, #tpu.memory_space<vmem>>[vector<16xi32>], vector<16xf32>,
          %parallel_loop3A_413 = arith.constant 10000 : i32
          %parallel_loop3A_414 = tpu.memref_slice %arg7[%parallel_loop3A_413] : memref<20000xi32, #tpu.memory_space<vmem>> -> memref<10000xi32, #tpu.memory_space<vmem>>
          %parallel_loop3A_415 = tpu.vector_load_idx %parallel_loop3A_414[%parallel_loop3A_399] : memref<10000xi32, #tpu.memory_space<vmem>>[vector<16xi32>], vector<16xi32>,
          %parallel_loop3A_416 = vector.bitcast %parallel_loop3A_415 : vector<16xi32> to vector<32xbf16>
          %parallel_loop3A_417 = tpu.unpack_subelements %parallel_loop3A_416, 0 {pack_format = #tpu.pack_format<interleaved>} : vector<32xbf16> -> vector<16xf32>
          %parallel_loop3A_418 = tpu.unpack_subelements %parallel_loop3A_416, 1 {pack_format = #tpu.pack_format<interleaved>} : vector<32xbf16> -> vector<16xf32>
          %parallel_loop3A_419 = arith.constant 20000 : i32
          %parallel_loop3A_420 = tpu.memref_slice %arg8[%parallel_loop3A_419] : memref<40000xf32, #tpu.memory_space<vmem>> -> memref<10000xf32, #tpu.memory_space<vmem>>
          tpu.vector_store_idx %parallel_loop3A_420[%parallel_loop3A_402], %parallel_loop3A_417 {add = true} : memref<10000xf32, #tpu.memory_space<vmem>>[vector<16xi32>], vector<16xf32>,
          %parallel_loop3A_421 = arith.constant 30000 : i32
          %parallel_loop3A_422 = tpu.memref_slice %arg8[%parallel_loop3A_421] : memref<40000xf32, #tpu.memory_space<vmem>> -> memref<10000xf32, #tpu.memory_space<vmem>>
          tpu.vector_store_idx %parallel_loop3A_422[%parallel_loop3A_402], %parallel_loop3A_418 {add = true} : memref<10000xf32, #tpu.memory_space<vmem>>[vector<16xi32>], vector<16xf32>,
        } {sc.loop_unroll_factor = 8 : i64, sc.parallel_access}
        %add3A_368 = arith.constant 2 : i32
        %add3A_369 = arith.addi %add3A_358, %add3A_368 : i32
        %lt3A = arith.constant 20 : i32
        %lt3A_370 = arith.cmpi slt, %add3A_369, %lt3A : i32
        %convert_element_type3A = arith.extui %lt3A_370 : i1 to i32
        %cond3A = arith.constant 0 : i32
        %cond3A_371 = arith.cmpi ne, %convert_element_type3A, %cond3A : i32
        scf.if %cond3A_371 {
          %add3A_392 = arith.constant 2 : i32
          %add3A_393 = arith.addi %add3A_358, %add3A_392 : i32
          %mul3A_394 = arith.constant 16000 : i32
          %mul3A_395 = arith.muli %add3A_393, %mul3A_394 : i32
          %multiple_of3A = tpu.assume_multiple %mul3A_395, 128 : i32
          %dma_start3A_396 = tpu.memref_slice %arg5[%arg0, %multiple_of3A] : memref<2x320000xi32, #tpu.memory_space<hbm>> -> memref<1x16000xi32, #tpu.memory_space<hbm>>
          %dma_start3A_397 = tpu.memref_squeeze %dma_start3A_396 : memref<1x16000xi32, #tpu.memory_space<hbm>> -> memref<16000xi32, #tpu.memory_space<hbm>>
          %dma_start3A_398 = tpu.memref_slice %arg5[%arg0, %multiple_of3A] : memref<2x320000xi32, #tpu.memory_space<hbm>> -> memref<1x16000xi32, #tpu.memory_space<hbm>>
          %dma_start3A_399 = tpu.memref_squeeze %dma_start3A_398 : memref<1x16000xi32, #tpu.memory_space<hbm>> -> memref<16000xi32, #tpu.memory_space<hbm>>
          tpu.enqueue_dma source(%dma_start3A_399 : memref<16000xi32, #tpu.memory_space<hbm>>) target(%arg10 : memref<16000xi32, #tpu.memory_space<vmem>>) target_semaphore(%arg15 : memref<!tpu.dma_semaphore, #tpu.memory_space<semaphore_mem>>)
        } else {
        }
        %mul3A_372 = arith.constant 2 : i32
        %mul3A_373 = arith.muli %scan3A_354, %mul3A_372 : i32
        %add3A_374 = arith.constant 1 : i32
        %add3A_375 = arith.addi %mul3A_373, %add3A_374 : i32
        %dma_wait3A_376 = arith.constant 0 : i32
        %dma_wait3A_377 = tpu.memref_slice %arg5[%arg0, %dma_wait3A_376] : memref<2x320000xi32, #tpu.memory_space<hbm>> -> memref<1x16000xi32, #tpu.memory_space<hbm>>
        %dma_wait3A_378 = tpu.memref_squeeze %dma_wait3A_377 : memref<1x16000xi32, #tpu.memory_space<hbm>> -> memref<16000xi32, #tpu.memory_space<hbm>>
        %dma_wait3A_379 = arith.constant 0 : i32
        %dma_wait3A_380 = tpu.memref_slice %arg5[%arg0, %dma_wait3A_379] : memref<2x320000xi32, #tpu.memory_space<hbm>> -> memref<1x16000xi32, #tpu.memory_space<hbm>>
        %dma_wait3A_381 = tpu.memref_squeeze %dma_wait3A_380 : memref<1x16000xi32, #tpu.memory_space<hbm>> -> memref<16000xi32, #tpu.memory_space<hbm>>
        tpu.wait_dma2 semaphore(%arg16 : memref<!tpu.dma_semaphore, #tpu.memory_space<semaphore_mem>>) src(%dma_wait3A_381 : memref<16000xi32, #tpu.memory_space<hbm>>) dst(%arg11 : memref<16000xi32, #tpu.memory_space<vmem>>)
        %parallel_loop3A_382 = arith.constant 0 : i32
        %parallel_loop3A_383 = arith.constant 1000 : i32
        %parallel_loop3A_384 = arith.constant 1 : i32
        scf.for %parallel_loop3A_392 = %parallel_loop3A_382 to %parallel_loop3A_383 step %parallel_loop3A_384  : i32 {
          %parallel_loop3A_393 = arith.constant 16 : i32
          %parallel_loop3A_394 = arith.muli %parallel_loop3A_392, %parallel_loop3A_393 : i32
          %parallel_loop3A_395 = arith.index_cast %parallel_loop3A_394 : i32 to index
          %parallel_loop3A_396 = tpu.vector_load %arg11[%parallel_loop3A_395] {strides = array<i32>} : memref<16000xi32, #tpu.memory_space<vmem>>, vector<16xi32>,
          %parallel_loop3A_397 = arith.constant 65535 : i32
          %parallel_loop3A_398 = vector.broadcast %parallel_loop3A_397 : i32 to vector<16xi32>
          %parallel_loop3A_399 = arith.andi %parallel_loop3A_396, %parallel_loop3A_398 : vector<16xi32>
          %parallel_loop3A_400 = arith.constant 16 : i32
          %parallel_loop3A_401 = vector.broadcast %parallel_loop3A_400 : i32 to vector<16xi32>
          %parallel_loop3A_402 = arith.shrui %parallel_loop3A_396, %parallel_loop3A_401 : vector<16xi32>
          %parallel_loop3A_403 = arith.constant 0 : i32
          %parallel_loop3A_404 = tpu.memref_slice %arg7[%parallel_loop3A_403] : memref<20000xi32, #tpu.memory_space<vmem>> -> memref<10000xi32, #tpu.memory_space<vmem>>
          %parallel_loop3A_405 = tpu.vector_load_idx %parallel_loop3A_404[%parallel_loop3A_399] : memref<10000xi32, #tpu.memory_space<vmem>>[vector<16xi32>], vector<16xi32>,
          %parallel_loop3A_406 = vector.bitcast %parallel_loop3A_405 : vector<16xi32> to vector<32xbf16>
          %parallel_loop3A_407 = tpu.unpack_subelements %parallel_loop3A_406, 0 {pack_format = #tpu.pack_format<interleaved>} : vector<32xbf16> -> vector<16xf32>
          %parallel_loop3A_408 = tpu.unpack_subelements %parallel_loop3A_406, 1 {pack_format = #tpu.pack_format<interleaved>} : vector<32xbf16> -> vector<16xf32>
          %parallel_loop3A_409 = arith.constant 0 : i32
          %parallel_loop3A_410 = tpu.memref_slice %arg8[%parallel_loop3A_409] : memref<40000xf32, #tpu.memory_space<vmem>> -> memref<10000xf32, #tpu.memory_space<vmem>>
          tpu.vector_store_idx %parallel_loop3A_410[%parallel_loop3A_402], %parallel_loop3A_407 {add = true} : memref<10000xf32, #tpu.memory_space<vmem>>[vector<16xi32>], vector<16xf32>,
          %parallel_loop3A_411 = arith.constant 10000 : i32
          %parallel_loop3A_412 = tpu.memref_slice %arg8[%parallel_loop3A_411] : memref<40000xf32, #tpu.memory_space<vmem>> -> memref<10000xf32, #tpu.memory_space<vmem>>
          tpu.vector_store_idx %parallel_loop3A_412[%parallel_loop3A_402], %parallel_loop3A_408 {add = true} : memref<10000xf32, #tpu.memory_space<vmem>>[vector<16xi32>], vector<16xf32>,
          %parallel_loop3A_413 = arith.constant 10000 : i32
          %parallel_loop3A_414 = tpu.memref_slice %arg7[%parallel_loop3A_413] : memref<20000xi32, #tpu.memory_space<vmem>> -> memref<10000xi32, #tpu.memory_space<vmem>>
          %parallel_loop3A_415 = tpu.vector_load_idx %parallel_loop3A_414[%parallel_loop3A_399] : memref<10000xi32, #tpu.memory_space<vmem>>[vector<16xi32>], vector<16xi32>,
          %parallel_loop3A_416 = vector.bitcast %parallel_loop3A_415 : vector<16xi32> to vector<32xbf16>
          %parallel_loop3A_417 = tpu.unpack_subelements %parallel_loop3A_416, 0 {pack_format = #tpu.pack_format<interleaved>} : vector<32xbf16> -> vector<16xf32>
          %parallel_loop3A_418 = tpu.unpack_subelements %parallel_loop3A_416, 1 {pack_format = #tpu.pack_format<interleaved>} : vector<32xbf16> -> vector<16xf32>
          %parallel_loop3A_419 = arith.constant 20000 : i32
          %parallel_loop3A_420 = tpu.memref_slice %arg8[%parallel_loop3A_419] : memref<40000xf32, #tpu.memory_space<vmem>> -> memref<10000xf32, #tpu.memory_space<vmem>>
          tpu.vector_store_idx %parallel_loop3A_420[%parallel_loop3A_402], %parallel_loop3A_417 {add = true} : memref<10000xf32, #tpu.memory_space<vmem>>[vector<16xi32>], vector<16xf32>,
          %parallel_loop3A_421 = arith.constant 30000 : i32
          %parallel_loop3A_422 = tpu.memref_slice %arg8[%parallel_loop3A_421] : memref<40000xf32, #tpu.memory_space<vmem>> -> memref<10000xf32, #tpu.memory_space<vmem>>
          tpu.vector_store_idx %parallel_loop3A_422[%parallel_loop3A_402], %parallel_loop3A_418 {add = true} : memref<10000xf32, #tpu.memory_space<vmem>>[vector<16xi32>], vector<16xf32>,
        } {sc.loop_unroll_factor = 8 : i64, sc.parallel_access}
        %add3A_385 = arith.constant 2 : i32
        %add3A_386 = arith.addi %add3A_375, %add3A_385 : i32
        %lt3A_387 = arith.constant 20 : i32
        %lt3A_388 = arith.cmpi slt, %add3A_386, %lt3A_387 : i32
        %convert_element_type3A_389 = arith.extui %lt3A_388 : i1 to i32
        %cond3A_390 = arith.constant 0 : i32
        %cond3A_391 = arith.cmpi ne, %convert_element_type3A_389, %cond3A_390 : i32
        scf.if %cond3A_391 {
          %add3A_392 = arith.constant 2 : i32
          %add3A_393 = arith.addi %add3A_375, %add3A_392 : i32
          %mul3A_394 = arith.constant 16000 : i32
          %mul3A_395 = arith.muli %add3A_393, %mul3A_394 : i32
          %multiple_of3A = tpu.assume_multiple %mul3A_395, 128 : i32
          %dma_start3A_396 = tpu.memref_slice %arg5[%arg0, %multiple_of3A] : memref<2x320000xi32, #tpu.memory_space<hbm>> -> memref<1x16000xi32, #tpu.memory_space<hbm>>
          %dma_start3A_397 = tpu.memref_squeeze %dma_start3A_396 : memref<1x16000xi32, #tpu.memory_space<hbm>> -> memref<16000xi32, #tpu.memory_space<hbm>>
          %dma_start3A_398 = tpu.memref_slice %arg5[%arg0, %multiple_of3A] : memref<2x320000xi32, #tpu.memory_space<hbm>> -> memref<1x16000xi32, #tpu.memory_space<hbm>>
          %dma_start3A_399 = tpu.memref_squeeze %dma_start3A_398 : memref<1x16000xi32, #tpu.memory_space<hbm>> -> memref<16000xi32, #tpu.memory_space<hbm>>
          tpu.enqueue_dma source(%dma_start3A_399 : memref<16000xi32, #tpu.memory_space<hbm>>) target(%arg11 : memref<16000xi32, #tpu.memory_space<vmem>>) target_semaphore(%arg16 : memref<!tpu.dma_semaphore, #tpu.memory_space<semaphore_mem>>)
        } else {
        }
      }
      %scan3A_275 = arith.constant 10 : i32
      %mul3A_276 = arith.constant 4 : i32
      %mul3A_277 = arith.muli %add3A, %mul3A_276 : i32
      %add3A_278 = arith.constant 0 : i32
      %add3A_279 = arith.addi %mul3A_277, %add3A_278 : i32
      %add3A_280 = arith.constant 0 : i32
      %add3A_281 = arith.addi %add3A_279, %add3A_280 : i32
      %dma_wait3A_282 = arith.constant 0 : i32
      %dma_wait3A_283 = tpu.memref_slice %arg6[%add3A_281, %dma_wait3A_282] : memref<128x10112xf32, #tpu.memory_space<hbm>> -> memref<1x10112xf32, #tpu.memory_space<hbm>>
      %dma_wait3A_284 = tpu.memref_squeeze %dma_wait3A_283 : memref<1x10112xf32, #tpu.memory_space<hbm>> -> memref<10112xf32, #tpu.memory_space<hbm>>
      %dma_wait3A_285 = arith.constant 0 : i32
      %dma_wait3A_286 = tpu.memref_slice %arg6[%add3A_281, %dma_wait3A_285] : memref<128x10112xf32, #tpu.memory_space<hbm>> -> memref<1x10112xf32, #tpu.memory_space<hbm>>
      %dma_wait3A_287 = tpu.memref_squeeze %dma_wait3A_286 : memref<1x10112xf32, #tpu.memory_space<hbm>> -> memref<10112xf32, #tpu.memory_space<hbm>>
      tpu.wait_dma2 semaphore(%arg17 : memref<!tpu.dma_semaphore, #tpu.memory_space<semaphore_mem>>) src(%dma_wait3A_287 : memref<10112xf32, #tpu.memory_space<hbm>>) dst(%arg13 : memref<10112xf32, #tpu.memory_space<vmem>>)
      %mul3A_288 = arith.constant 4 : i32
      %mul3A_289 = arith.muli %add3A, %mul3A_288 : i32
      %add3A_290 = arith.constant 0 : i32
      %add3A_291 = arith.addi %mul3A_289, %add3A_290 : i32
      %add3A_292 = arith.constant 1 : i32
      %add3A_293 = arith.addi %add3A_291, %add3A_292 : i32
      %dma_wait3A_294 = arith.constant 0 : i32
      %dma_wait3A_295 = tpu.memref_slice %arg6[%add3A_293, %dma_wait3A_294] : memref<128x10112xf32, #tpu.memory_space<hbm>> -> memref<1x10112xf32, #tpu.memory_space<hbm>>
      %dma_wait3A_296 = tpu.memref_squeeze %dma_wait3A_295 : memref<1x10112xf32, #tpu.memory_space<hbm>> -> memref<10112xf32, #tpu.memory_space<hbm>>
      %dma_wait3A_297 = arith.constant 0 : i32
      %dma_wait3A_298 = tpu.memref_slice %arg6[%add3A_293, %dma_wait3A_297] : memref<128x10112xf32, #tpu.memory_space<hbm>> -> memref<1x10112xf32, #tpu.memory_space<hbm>>
      %dma_wait3A_299 = tpu.memref_squeeze %dma_wait3A_298 : memref<1x10112xf32, #tpu.memory_space<hbm>> -> memref<10112xf32, #tpu.memory_space<hbm>>
      tpu.wait_dma2 semaphore(%arg18 : memref<!tpu.dma_semaphore, #tpu.memory_space<semaphore_mem>>) src(%dma_wait3A_299 : memref<10112xf32, #tpu.memory_space<hbm>>) dst(%arg14 : memref<10112xf32, #tpu.memory_space<vmem>>)
      %parallel_loop3A_300 = arith.constant 0 : i32
      %parallel_loop3A_301 = arith.constant 625 : i32
      %parallel_loop3A_302 = arith.constant 1 : i32
      scf.for %parallel_loop3A_354 = %parallel_loop3A_300 to %parallel_loop3A_301 step %parallel_loop3A_302  : i32 {
        %parallel_loop3A_355 = arith.constant 16 : i32
        %parallel_loop3A_356 = arith.muli %parallel_loop3A_354, %parallel_loop3A_355 : i32
        %parallel_loop3A_357 = arith.index_cast %parallel_loop3A_356 : i32 to index
        %parallel_loop3A_358 = tpu.vector_load %arg9[%parallel_loop3A_357] {strides = array<i32>} : memref<10000xf32, #tpu.memory_space<vmem>>, vector<16xf32>,
        %parallel_loop3A_359 = arith.mulf %parallel_loop3A_358, %parallel_loop3A_358 : vector<16xf32>
        %parallel_loop3A_360 = arith.constant 16 : i32
        %parallel_loop3A_361 = arith.muli %parallel_loop3A_354, %parallel_loop3A_360 : i32
        %parallel_loop3A_362 = arith.constant 0 : i32
        %parallel_loop3A_363 = arith.addi %parallel_loop3A_362, %parallel_loop3A_361 : i32
        %parallel_loop3A_364 = arith.index_cast %parallel_loop3A_363 : i32 to index
        %parallel_loop3A_365 = tpu.vector_load %arg8[%parallel_loop3A_364] {strides = array<i32>} : memref<40000xf32, #tpu.memory_space<vmem>>, vector<16xf32>,
        %parallel_loop3A_366 = arith.constant 16 : i32
        %parallel_loop3A_367 = arith.muli %parallel_loop3A_354, %parallel_loop3A_366 : i32
        %parallel_loop3A_368 = arith.constant 10000 : i32
        %parallel_loop3A_369 = arith.addi %parallel_loop3A_368, %parallel_loop3A_367 : i32
        %parallel_loop3A_370 = arith.index_cast %parallel_loop3A_369 : i32 to index
        %parallel_loop3A_371 = tpu.vector_load %arg8[%parallel_loop3A_370] {strides = array<i32>} : memref<40000xf32, #tpu.memory_space<vmem>>, vector<16xf32>,
        %parallel_loop3A_372 = arith.mulf %parallel_loop3A_359, %parallel_loop3A_365 : vector<16xf32>
        %parallel_loop3A_373 = arith.constant 16 : i32
        %parallel_loop3A_374 = arith.muli %parallel_loop3A_354, %parallel_loop3A_373 : i32
        %parallel_loop3A_375 = arith.index_cast %parallel_loop3A_374 : i32 to index
        %parallel_loop3A_376 = tpu.vector_load %arg13[%parallel_loop3A_375] {strides = array<i32>} : memref<10112xf32, #tpu.memory_space<vmem>>, vector<16xf32>,
        %parallel_loop3A_377 = arith.addf %parallel_loop3A_372, %parallel_loop3A_376 : vector<16xf32>
        %parallel_loop3A_378 = arith.mulf %parallel_loop3A_359, %parallel_loop3A_371 : vector<16xf32>
        %parallel_loop3A_379 = arith.constant 16 : i32
        %parallel_loop3A_380 = arith.muli %parallel_loop3A_354, %parallel_loop3A_379 : i32
        %parallel_loop3A_381 = arith.index_cast %parallel_loop3A_380 : i32 to index
        %parallel_loop3A_382 = tpu.vector_load %arg14[%parallel_loop3A_381] {strides = array<i32>} : memref<10112xf32, #tpu.memory_space<vmem>>, vector<16xf32>,
        %parallel_loop3A_383 = arith.addf %parallel_loop3A_378, %parallel_loop3A_382 : vector<16xf32>
        %parallel_loop3A_384 = tpu.pack_subelements %parallel_loop3A_377, %parallel_loop3A_383 {pack_format = #tpu.pack_format<interleaved>, positions = array<i32: 0, 1>} : vector<16xf32>, vector<16xf32> -> vector<32xbf16>
        %parallel_loop3A_385 = vector.bitcast %parallel_loop3A_384 : vector<32xbf16> to vector<16xi32>
        %parallel_loop3A_386 = arith.constant 16 : i32
        %parallel_loop3A_387 = arith.muli %parallel_loop3A_354, %parallel_loop3A_386 : i32
        %parallel_loop3A_388 = arith.constant 0 : i32
        %parallel_loop3A_389 = arith.addi %parallel_loop3A_388, %parallel_loop3A_387 : i32
        %parallel_loop3A_390 = arith.index_cast %parallel_loop3A_389 : i32 to index
        %parallel_loop3A_391 = tpu.vector_load %arg7[%parallel_loop3A_390] {strides = array<i32>} : memref<20000xi32, #tpu.memory_space<vmem>>, vector<16xi32>,
        tpu.vector_store %arg7[%parallel_loop3A_390], %parallel_loop3A_385 {strides = array<i32>} : memref<20000xi32, #tpu.memory_space<vmem>>, vector<16xi32>,
        %parallel_loop3A_392 = arith.constant 0.000000e+00 : f32
        %parallel_loop3A_393 = vector.broadcast %parallel_loop3A_392 : f32 to vector<16xf32>
        %parallel_loop3A_394 = arith.constant 16 : i32
        %parallel_loop3A_395 = arith.muli %parallel_loop3A_354, %parallel_loop3A_394 : i32
        %parallel_loop3A_396 = arith.constant 0 : i32
        %parallel_loop3A_397 = arith.addi %parallel_loop3A_396, %parallel_loop3A_395 : i32
        %parallel_loop3A_398 = arith.index_cast %parallel_loop3A_397 : i32 to index
        %parallel_loop3A_399 = tpu.vector_load %arg8[%parallel_loop3A_398] {strides = array<i32>} : memref<40000xf32, #tpu.memory_space<vmem>>, vector<16xf32>,
        tpu.vector_store %arg8[%parallel_loop3A_398], %parallel_loop3A_393 {strides = array<i32>} : memref<40000xf32, #tpu.memory_space<vmem>>, vector<16xf32>,
        %parallel_loop3A_400 = arith.constant 0.000000e+00 : f32
        %parallel_loop3A_401 = vector.broadcast %parallel_loop3A_400 : f32 to vector<16xf32>
        %parallel_loop3A_402 = arith.constant 16 : i32
        %parallel_loop3A_403 = arith.muli %parallel_loop3A_354, %parallel_loop3A_402 : i32
        %parallel_loop3A_404 = arith.constant 10000 : i32
        %parallel_loop3A_405 = arith.addi %parallel_loop3A_404, %parallel_loop3A_403 : i32
        %parallel_loop3A_406 = arith.index_cast %parallel_loop3A_405 : i32 to index
        %parallel_loop3A_407 = tpu.vector_load %arg8[%parallel_loop3A_406] {strides = array<i32>} : memref<40000xf32, #tpu.memory_space<vmem>>, vector<16xf32>,
        tpu.vector_store %arg8[%parallel_loop3A_406], %parallel_loop3A_401 {strides = array<i32>} : memref<40000xf32, #tpu.memory_space<vmem>>, vector<16xf32>,
      } {sc.loop_unroll_factor = 5 : i64, sc.parallel_access}
      %mul3A_303 = arith.constant 4 : i32
      %mul3A_304 = arith.muli %add3A, %mul3A_303 : i32
      %add3A_305 = arith.constant 2 : i32
      %add3A_306 = arith.addi %mul3A_304, %add3A_305 : i32
      %add3A_307 = arith.constant 0 : i32
      %add3A_308 = arith.addi %add3A_306, %add3A_307 : i32
      %dma_start3A_309 = arith.constant 0 : i32
      %dma_start3A_310 = tpu.memref_slice %arg6[%add3A_308, %dma_start3A_309] : memref<128x10112xf32, #tpu.memory_space<hbm>> -> memref<1x10112xf32, #tpu.memory_space<hbm>>
      %dma_start3A_311 = tpu.memref_squeeze %dma_start3A_310 : memref<1x10112xf32, #tpu.memory_space<hbm>> -> memref<10112xf32, #tpu.memory_space<hbm>>
      %dma_start3A_312 = arith.constant 0 : i32
      %dma_start3A_313 = tpu.memref_slice %arg6[%add3A_308, %dma_start3A_312] : memref<128x10112xf32, #tpu.memory_space<hbm>> -> memref<1x10112xf32, #tpu.memory_space<hbm>>
      %dma_start3A_314 = tpu.memref_squeeze %dma_start3A_313 : memref<1x10112xf32, #tpu.memory_space<hbm>> -> memref<10112xf32, #tpu.memory_space<hbm>>
      tpu.enqueue_dma source(%dma_start3A_314 : memref<10112xf32, #tpu.memory_space<hbm>>) target(%arg13 : memref<10112xf32, #tpu.memory_space<vmem>>) target_semaphore(%arg17 : memref<!tpu.dma_semaphore, #tpu.memory_space<semaphore_mem>>)
      %mul3A_315 = arith.constant 4 : i32
      %mul3A_316 = arith.muli %add3A, %mul3A_315 : i32
      %add3A_317 = arith.constant 2 : i32
      %add3A_318 = arith.addi %mul3A_316, %add3A_317 : i32
      %add3A_319 = arith.constant 1 : i32
      %add3A_320 = arith.addi %add3A_318, %add3A_319 : i32
      %dma_start3A_321 = arith.constant 0 : i32
      %dma_start3A_322 = tpu.memref_slice %arg6[%add3A_320, %dma_start3A_321] : memref<128x10112xf32, #tpu.memory_space<hbm>> -> memref<1x10112xf32, #tpu.memory_space<hbm>>
      %dma_start3A_323 = tpu.memref_squeeze %dma_start3A_322 : memref<1x10112xf32, #tpu.memory_space<hbm>> -> memref<10112xf32, #tpu.memory_space<hbm>>
      %dma_start3A_324 = arith.constant 0 : i32
      %dma_start3A_325 = tpu.memref_slice %arg6[%add3A_320, %dma_start3A_324] : memref<128x10112xf32, #tpu.memory_space<hbm>> -> memref<1x10112xf32, #tpu.memory_space<hbm>>
      %dma_start3A_326 = tpu.memref_squeeze %dma_start3A_325 : memref<1x10112xf32, #tpu.memory_space<hbm>> -> memref<10112xf32, #tpu.memory_space<hbm>>
      tpu.enqueue_dma source(%dma_start3A_326 : memref<10112xf32, #tpu.memory_space<hbm>>) target(%arg14 : memref<10112xf32, #tpu.memory_space<vmem>>) target_semaphore(%arg18 : memref<!tpu.dma_semaphore, #tpu.memory_space<semaphore_mem>>)
      %mul3A_327 = arith.constant 4 : i32
      %mul3A_328 = arith.muli %add3A, %mul3A_327 : i32
      %add3A_329 = arith.constant 2 : i32
      %add3A_330 = arith.addi %mul3A_328, %add3A_329 : i32
      %add3A_331 = arith.constant 0 : i32
      %add3A_332 = arith.addi %add3A_330, %add3A_331 : i32
      %dma_wait3A_333 = arith.constant 0 : i32
      %dma_wait3A_334 = tpu.memref_slice %arg6[%add3A_332, %dma_wait3A_333] : memref<128x10112xf32, #tpu.memory_space<hbm>> -> memref<1x10112xf32, #tpu.memory_space<hbm>>
      %dma_wait3A_335 = tpu.memref_squeeze %dma_wait3A_334 : memref<1x10112xf32, #tpu.memory_space<hbm>> -> memref<10112xf32, #tpu.memory_space<hbm>>
      %dma_wait3A_336 = arith.constant 0 : i32
      %dma_wait3A_337 = tpu.memref_slice %arg6[%add3A_332, %dma_wait3A_336] : memref<128x10112xf32, #tpu.memory_space<hbm>> -> memref<1x10112xf32, #tpu.memory_space<hbm>>
      %dma_wait3A_338 = tpu.memref_squeeze %dma_wait3A_337 : memref<1x10112xf32, #tpu.memory_space<hbm>> -> memref<10112xf32, #tpu.memory_space<hbm>>
      tpu.wait_dma2 semaphore(%arg17 : memref<!tpu.dma_semaphore, #tpu.memory_space<semaphore_mem>>) src(%dma_wait3A_338 : memref<10112xf32, #tpu.memory_space<hbm>>) dst(%arg13 : memref<10112xf32, #tpu.memory_space<vmem>>)
      %mul3A_339 = arith.constant 4 : i32
      %mul3A_340 = arith.muli %add3A, %mul3A_339 : i32
      %add3A_341 = arith.constant 2 : i32
      %add3A_342 = arith.addi %mul3A_340, %add3A_341 : i32
      %add3A_343 = arith.constant 1 : i32
      %add3A_344 = arith.addi %add3A_342, %add3A_343 : i32
      %dma_wait3A_345 = arith.constant 0 : i32
      %dma_wait3A_346 = tpu.memref_slice %arg6[%add3A_344, %dma_wait3A_345] : memref<128x10112xf32, #tpu.memory_space<hbm>> -> memref<1x10112xf32, #tpu.memory_space<hbm>>
      %dma_wait3A_347 = tpu.memref_squeeze %dma_wait3A_346 : memref<1x10112xf32, #tpu.memory_space<hbm>> -> memref<10112xf32, #tpu.memory_space<hbm>>
      %dma_wait3A_348 = arith.constant 0 : i32
      %dma_wait3A_349 = tpu.memref_slice %arg6[%add3A_344, %dma_wait3A_348] : memref<128x10112xf32, #tpu.memory_space<hbm>> -> memref<1x10112xf32, #tpu.memory_space<hbm>>
      %dma_wait3A_350 = tpu.memref_squeeze %dma_wait3A_349 : memref<1x10112xf32, #tpu.memory_space<hbm>> -> memref<10112xf32, #tpu.memory_space<hbm>>
      tpu.wait_dma2 semaphore(%arg18 : memref<!tpu.dma_semaphore, #tpu.memory_space<semaphore_mem>>) src(%dma_wait3A_350 : memref<10112xf32, #tpu.memory_space<hbm>>) dst(%arg14 : memref<10112xf32, #tpu.memory_space<vmem>>)
      %parallel_loop3A_351 = arith.constant 0 : i32
      %parallel_loop3A_352 = arith.constant 625 : i32
      %parallel_loop3A_353 = arith.constant 1 : i32
      scf.for %parallel_loop3A_354 = %parallel_loop3A_351 to %parallel_loop3A_352 step %parallel_loop3A_353  : i32 {
        %parallel_loop3A_355 = arith.constant 16 : i32
        %parallel_loop3A_356 = arith.muli %parallel_loop3A_354, %parallel_loop3A_355 : i32
        %parallel_loop3A_357 = arith.index_cast %parallel_loop3A_356 : i32 to index
        %parallel_loop3A_358 = tpu.vector_load %arg9[%parallel_loop3A_357] {strides = array<i32>} : memref<10000xf32, #tpu.memory_space<vmem>>, vector<16xf32>,
        %parallel_loop3A_359 = arith.mulf %parallel_loop3A_358, %parallel_loop3A_358 : vector<16xf32>
        %parallel_loop3A_360 = arith.constant 16 : i32
        %parallel_loop3A_361 = arith.muli %parallel_loop3A_354, %parallel_loop3A_360 : i32
        %parallel_loop3A_362 = arith.constant 20000 : i32
        %parallel_loop3A_363 = arith.addi %parallel_loop3A_362, %parallel_loop3A_361 : i32
        %parallel_loop3A_364 = arith.index_cast %parallel_loop3A_363 : i32 to index
        %parallel_loop3A_365 = tpu.vector_load %arg8[%parallel_loop3A_364] {strides = array<i32>} : memref<40000xf32, #tpu.memory_space<vmem>>, vector<16xf32>,
        %parallel_loop3A_366 = arith.constant 16 : i32
        %parallel_loop3A_367 = arith.muli %parallel_loop3A_354, %parallel_loop3A_366 : i32
        %parallel_loop3A_368 = arith.constant 30000 : i32
        %parallel_loop3A_369 = arith.addi %parallel_loop3A_368, %parallel_loop3A_367 : i32
        %parallel_loop3A_370 = arith.index_cast %parallel_loop3A_369 : i32 to index
        %parallel_loop3A_371 = tpu.vector_load %arg8[%parallel_loop3A_370] {strides = array<i32>} : memref<40000xf32, #tpu.memory_space<vmem>>, vector<16xf32>,
        %parallel_loop3A_372 = arith.mulf %parallel_loop3A_359, %parallel_loop3A_365 : vector<16xf32>
        %parallel_loop3A_373 = arith.constant 16 : i32
        %parallel_loop3A_374 = arith.muli %parallel_loop3A_354, %parallel_loop3A_373 : i32
        %parallel_loop3A_375 = arith.index_cast %parallel_loop3A_374 : i32 to index
        %parallel_loop3A_376 = tpu.vector_load %arg13[%parallel_loop3A_375] {strides = array<i32>} : memref<10112xf32, #tpu.memory_space<vmem>>, vector<16xf32>,
        %parallel_loop3A_377 = arith.addf %parallel_loop3A_372, %parallel_loop3A_376 : vector<16xf32>
        %parallel_loop3A_378 = arith.mulf %parallel_loop3A_359, %parallel_loop3A_371 : vector<16xf32>
        %parallel_loop3A_379 = arith.constant 16 : i32
        %parallel_loop3A_380 = arith.muli %parallel_loop3A_354, %parallel_loop3A_379 : i32
        %parallel_loop3A_381 = arith.index_cast %parallel_loop3A_380 : i32 to index
        %parallel_loop3A_382 = tpu.vector_load %arg14[%parallel_loop3A_381] {strides = array<i32>} : memref<10112xf32, #tpu.memory_space<vmem>>, vector<16xf32>,
        %parallel_loop3A_383 = arith.addf %parallel_loop3A_378, %parallel_loop3A_382 : vector<16xf32>
        %parallel_loop3A_384 = tpu.pack_subelements %parallel_loop3A_377, %parallel_loop3A_383 {pack_format = #tpu.pack_format<interleaved>, positions = array<i32: 0, 1>} : vector<16xf32>, vector<16xf32> -> vector<32xbf16>
        %parallel_loop3A_385 = vector.bitcast %parallel_loop3A_384 : vector<32xbf16> to vector<16xi32>
        %parallel_loop3A_386 = arith.constant 16 : i32
        %parallel_loop3A_387 = arith.muli %parallel_loop3A_354, %parallel_loop3A_386 : i32
        %parallel_loop3A_388 = arith.constant 10000 : i32
        %parallel_loop3A_389 = arith.addi %parallel_loop3A_388, %parallel_loop3A_387 : i32
        %parallel_loop3A_390 = arith.index_cast %parallel_loop3A_389 : i32 to index
        %parallel_loop3A_391 = tpu.vector_load %arg7[%parallel_loop3A_390] {strides = array<i32>} : memref<20000xi32, #tpu.memory_space<vmem>>, vector<16xi32>,
        tpu.vector_store %arg7[%parallel_loop3A_390], %parallel_loop3A_385 {strides = array<i32>} : memref<20000xi32, #tpu.memory_space<vmem>>, vector<16xi32>,
        %parallel_loop3A_392 = arith.constant 0.000000e+00 : f32
        %parallel_loop3A_393 = vector.broadcast %parallel_loop3A_392 : f32 to vector<16xf32>
        %parallel_loop3A_394 = arith.constant 16 : i32
        %parallel_loop3A_395 = arith.muli %parallel_loop3A_354, %parallel_loop3A_394 : i32
        %parallel_loop3A_396 = arith.constant 20000 : i32
        %parallel_loop3A_397 = arith.addi %parallel_loop3A_396, %parallel_loop3A_395 : i32
        %parallel_loop3A_398 = arith.index_cast %parallel_loop3A_397 : i32 to index
        %parallel_loop3A_399 = tpu.vector_load %arg8[%parallel_loop3A_398] {strides = array<i32>} : memref<40000xf32, #tpu.memory_space<vmem>>, vector<16xf32>,
        tpu.vector_store %arg8[%parallel_loop3A_398], %parallel_loop3A_393 {strides = array<i32>} : memref<40000xf32, #tpu.memory_space<vmem>>, vector<16xf32>,
        %parallel_loop3A_400 = arith.constant 0.000000e+00 : f32
        %parallel_loop3A_401 = vector.broadcast %parallel_loop3A_400 : f32 to vector<16xf32>
        %parallel_loop3A_402 = arith.constant 16 : i32
        %parallel_loop3A_403 = arith.muli %parallel_loop3A_354, %parallel_loop3A_402 : i32
        %parallel_loop3A_404 = arith.constant 30000 : i32
        %parallel_loop3A_405 = arith.addi %parallel_loop3A_404, %parallel_loop3A_403 : i32
        %parallel_loop3A_406 = arith.index_cast %parallel_loop3A_405 : i32 to index
        %parallel_loop3A_407 = tpu.vector_load %arg8[%parallel_loop3A_406] {strides = array<i32>} : memref<40000xf32, #tpu.memory_space<vmem>>, vector<16xf32>,
        tpu.vector_store %arg8[%parallel_loop3A_406], %parallel_loop3A_401 {strides = array<i32>} : memref<40000xf32, #tpu.memory_space<vmem>>, vector<16xf32>,
      } {sc.loop_unroll_factor = 5 : i64, sc.parallel_access}
    }
    %scan3A_121 = arith.constant 7 : i32
    %mul3A_122 = arith.constant 4 : i32
    %mul3A_123 = arith.muli %add3A, %mul3A_122 : i32
    %add3A_124 = arith.constant 0 : i32
    %add3A_125 = arith.addi %mul3A_123, %add3A_124 : i32
    %dma_start3A_126 = arith.constant 0 : i32
    %dma_start3A_127 = tpu.memref_slice %arg3[%add3A_125, %dma_start3A_126] : memref<128x10112xf32, #tpu.memory_space<hbm>> -> memref<1x10112xf32, #tpu.memory_space<hbm>>
    %dma_start3A_128 = tpu.memref_squeeze %dma_start3A_127 : memref<1x10112xf32, #tpu.memory_space<hbm>> -> memref<10112xf32, #tpu.memory_space<hbm>>
    %dma_start3A_129 = arith.constant 0 : i32
    %dma_start3A_130 = tpu.memref_slice %arg3[%add3A_125, %dma_start3A_129] : memref<128x10112xf32, #tpu.memory_space<hbm>> -> memref<1x10112xf32, #tpu.memory_space<hbm>>
    %dma_start3A_131 = tpu.memref_squeeze %dma_start3A_130 : memref<1x10112xf32, #tpu.memory_space<hbm>> -> memref<10112xf32, #tpu.memory_space<hbm>>
    tpu.enqueue_dma source(%dma_start3A_131 : memref<10112xf32, #tpu.memory_space<hbm>>) target(%arg13 : memref<10112xf32, #tpu.memory_space<vmem>>) target_semaphore(%arg17 : memref<!tpu.dma_semaphore, #tpu.memory_space<semaphore_mem>>)
    %mul3A_132 = arith.constant 4 : i32
    %mul3A_133 = arith.muli %add3A, %mul3A_132 : i32
    %add3A_134 = arith.constant 1 : i32
    %add3A_135 = arith.addi %mul3A_133, %add3A_134 : i32
    %dma_start3A_136 = arith.constant 0 : i32
    %dma_start3A_137 = tpu.memref_slice %arg3[%add3A_135, %dma_start3A_136] : memref<128x10112xf32, #tpu.memory_space<hbm>> -> memref<1x10112xf32, #tpu.memory_space<hbm>>
    %dma_start3A_138 = tpu.memref_squeeze %dma_start3A_137 : memref<1x10112xf32, #tpu.memory_space<hbm>> -> memref<10112xf32, #tpu.memory_space<hbm>>
    %dma_start3A_139 = arith.constant 0 : i32
    %dma_start3A_140 = tpu.memref_slice %arg3[%add3A_135, %dma_start3A_139] : memref<128x10112xf32, #tpu.memory_space<hbm>> -> memref<1x10112xf32, #tpu.memory_space<hbm>>
    %dma_start3A_141 = tpu.memref_squeeze %dma_start3A_140 : memref<1x10112xf32, #tpu.memory_space<hbm>> -> memref<10112xf32, #tpu.memory_space<hbm>>
    tpu.enqueue_dma source(%dma_start3A_141 : memref<10112xf32, #tpu.memory_space<hbm>>) target(%arg14 : memref<10112xf32, #tpu.memory_space<vmem>>) target_semaphore(%arg18 : memref<!tpu.dma_semaphore, #tpu.memory_space<semaphore_mem>>)
    %dma_start3A_142 = arith.constant 0 : i32
    %dma_start3A_143 = tpu.memref_slice %arg5[%arg0, %dma_start3A_142] : memref<2x320000xi32, #tpu.memory_space<hbm>> -> memref<1x16000xi32, #tpu.memory_space<hbm>>
    %dma_start3A_144 = tpu.memref_squeeze %dma_start3A_143 : memref<1x16000xi32, #tpu.memory_space<hbm>> -> memref<16000xi32, #tpu.memory_space<hbm>>
    %dma_start3A_145 = arith.constant 0 : i32
    %dma_start3A_146 = tpu.memref_slice %arg5[%arg0, %dma_start3A_145] : memref<2x320000xi32, #tpu.memory_space<hbm>> -> memref<1x16000xi32, #tpu.memory_space<hbm>>
    %dma_start3A_147 = tpu.memref_squeeze %dma_start3A_146 : memref<1x16000xi32, #tpu.memory_space<hbm>> -> memref<16000xi32, #tpu.memory_space<hbm>>
    tpu.enqueue_dma source(%dma_start3A_147 : memref<16000xi32, #tpu.memory_space<hbm>>) target(%arg10 : memref<16000xi32, #tpu.memory_space<vmem>>) target_semaphore(%arg15 : memref<!tpu.dma_semaphore, #tpu.memory_space<semaphore_mem>>)
    %dma_start3A_148 = arith.constant 16000 : i32
    %dma_start3A_149 = tpu.memref_slice %arg5[%arg0, %dma_start3A_148] : memref<2x320000xi32, #tpu.memory_space<hbm>> -> memref<1x16000xi32, #tpu.memory_space<hbm>>
    %dma_start3A_150 = tpu.memref_squeeze %dma_start3A_149 : memref<1x16000xi32, #tpu.memory_space<hbm>> -> memref<16000xi32, #tpu.memory_space<hbm>>
    %dma_start3A_151 = arith.constant 16000 : i32
    %dma_start3A_152 = tpu.memref_slice %arg5[%arg0, %dma_start3A_151] : memref<2x320000xi32, #tpu.memory_space<hbm>> -> memref<1x16000xi32, #tpu.memory_space<hbm>>
    %dma_start3A_153 = tpu.memref_squeeze %dma_start3A_152 : memref<1x16000xi32, #tpu.memory_space<hbm>> -> memref<16000xi32, #tpu.memory_space<hbm>>
    tpu.enqueue_dma source(%dma_start3A_153 : memref<16000xi32, #tpu.memory_space<hbm>>) target(%arg11 : memref<16000xi32, #tpu.memory_space<vmem>>) target_semaphore(%arg16 : memref<!tpu.dma_semaphore, #tpu.memory_space<semaphore_mem>>)
    %scan3A_154 = arith.constant 0 : i32
    %scan3A_155 = arith.constant 0 : i32
    %scan3A_156 = arith.constant 10 : i32
    %scan3A_157 = arith.addi %scan3A_155, %scan3A_156 : i32
    %scan3A_158 = arith.constant 1 : i32
    scf.for %scan3A_237 = %scan3A_155 to %scan3A_157 step %scan3A_158  : i32 {
      %mul3A_238 = arith.constant 2 : i32
      %mul3A_239 = arith.muli %scan3A_237, %mul3A_238 : i32
      %add3A_240 = arith.constant 0 : i32
      %add3A_241 = arith.addi %mul3A_239, %add3A_240 : i32
      %dma_wait3A_242 = arith.constant 0 : i32
      %dma_wait3A_243 = tpu.memref_slice %arg5[%arg0, %dma_wait3A_242] : memref<2x320000xi32, #tpu.memory_space<hbm>> -> memref<1x16000xi32, #tpu.memory_space<hbm>>
      %dma_wait3A_244 = tpu.memref_squeeze %dma_wait3A_243 : memref<1x16000xi32, #tpu.memory_space<hbm>> -> memref<16000xi32, #tpu.memory_space<hbm>>
      %dma_wait3A_245 = arith.constant 0 : i32
      %dma_wait3A_246 = tpu.memref_slice %arg5[%arg0, %dma_wait3A_245] : memref<2x320000xi32, #tpu.memory_space<hbm>> -> memref<1x16000xi32, #tpu.memory_space<hbm>>
      %dma_wait3A_247 = tpu.memref_squeeze %dma_wait3A_246 : memref<1x16000xi32, #tpu.memory_space<hbm>> -> memref<16000xi32, #tpu.memory_space<hbm>>
      tpu.wait_dma2 semaphore(%arg15 : memref<!tpu.dma_semaphore, #tpu.memory_space<semaphore_mem>>) src(%dma_wait3A_247 : memref<16000xi32, #tpu.memory_space<hbm>>) dst(%arg10 : memref<16000xi32, #tpu.memory_space<vmem>>)
      %parallel_loop3A_248 = arith.constant 0 : i32
      %parallel_loop3A_249 = arith.constant 1000 : i32
      %parallel_loop3A_250 = arith.constant 1 : i32
      scf.for %parallel_loop3A_275 = %parallel_loop3A_248 to %parallel_loop3A_249 step %parallel_loop3A_250  : i32 {
        %parallel_loop3A_276 = arith.constant 16 : i32
        %parallel_loop3A_277 = arith.muli %parallel_loop3A_275, %parallel_loop3A_276 : i32
        %parallel_loop3A_278 = arith.index_cast %parallel_loop3A_277 : i32 to index
        %parallel_loop3A_279 = tpu.vector_load %arg10[%parallel_loop3A_278] {strides = array<i32>} : memref<16000xi32, #tpu.memory_space<vmem>>, vector<16xi32>,
        %parallel_loop3A_280 = arith.constant 65535 : i32
        %parallel_loop3A_281 = vector.broadcast %parallel_loop3A_280 : i32 to vector<16xi32>
        %parallel_loop3A_282 = arith.andi %parallel_loop3A_279, %parallel_loop3A_281 : vector<16xi32>
        %parallel_loop3A_283 = arith.constant 16 : i32
        %parallel_loop3A_284 = vector.broadcast %parallel_loop3A_283 : i32 to vector<16xi32>
        %parallel_loop3A_285 = arith.shrui %parallel_loop3A_279, %parallel_loop3A_284 : vector<16xi32>
        %parallel_loop3A_286 = arith.constant 0 : i32
        %parallel_loop3A_287 = tpu.memref_slice %arg7[%parallel_loop3A_286] : memref<20000xi32, #tpu.memory_space<vmem>> -> memref<10000xi32, #tpu.memory_space<vmem>>
        %parallel_loop3A_288 = tpu.vector_load_idx %parallel_loop3A_287[%parallel_loop3A_282] : memref<10000xi32, #tpu.memory_space<vmem>>[vector<16xi32>], vector<16xi32>,
        %parallel_loop3A_289 = vector.bitcast %parallel_loop3A_288 : vector<16xi32> to vector<32xbf16>
        %parallel_loop3A_290 = tpu.unpack_subelements %parallel_loop3A_289, 0 {pack_format = #tpu.pack_format<interleaved>} : vector<32xbf16> -> vector<16xf32>
        %parallel_loop3A_291 = tpu.unpack_subelements %parallel_loop3A_289, 1 {pack_format = #tpu.pack_format<interleaved>} : vector<32xbf16> -> vector<16xf32>
        %parallel_loop3A_292 = arith.constant 0 : i32
        %parallel_loop3A_293 = tpu.memref_slice %arg8[%parallel_loop3A_292] : memref<40000xf32, #tpu.memory_space<vmem>> -> memref<10000xf32, #tpu.memory_space<vmem>>
        tpu.vector_store_idx %parallel_loop3A_293[%parallel_loop3A_285], %parallel_loop3A_290 {add = true} : memref<10000xf32, #tpu.memory_space<vmem>>[vector<16xi32>], vector<16xf32>,
        %parallel_loop3A_294 = arith.constant 10000 : i32
        %parallel_loop3A_295 = tpu.memref_slice %arg8[%parallel_loop3A_294] : memref<40000xf32, #tpu.memory_space<vmem>> -> memref<10000xf32, #tpu.memory_space<vmem>>
        tpu.vector_store_idx %parallel_loop3A_295[%parallel_loop3A_285], %parallel_loop3A_291 {add = true} : memref<10000xf32, #tpu.memory_space<vmem>>[vector<16xi32>], vector<16xf32>,
        %parallel_loop3A_296 = arith.constant 10000 : i32
        %parallel_loop3A_297 = tpu.memref_slice %arg7[%parallel_loop3A_296] : memref<20000xi32, #tpu.memory_space<vmem>> -> memref<10000xi32, #tpu.memory_space<vmem>>
        %parallel_loop3A_298 = tpu.vector_load_idx %parallel_loop3A_297[%parallel_loop3A_282] : memref<10000xi32, #tpu.memory_space<vmem>>[vector<16xi32>], vector<16xi32>,
        %parallel_loop3A_299 = vector.bitcast %parallel_loop3A_298 : vector<16xi32> to vector<32xbf16>
        %parallel_loop3A_300 = tpu.unpack_subelements %parallel_loop3A_299, 0 {pack_format = #tpu.pack_format<interleaved>} : vector<32xbf16> -> vector<16xf32>
        %parallel_loop3A_301 = tpu.unpack_subelements %parallel_loop3A_299, 1 {pack_format = #tpu.pack_format<interleaved>} : vector<32xbf16> -> vector<16xf32>
        %parallel_loop3A_302 = arith.constant 20000 : i32
        %parallel_loop3A_303 = tpu.memref_slice %arg8[%parallel_loop3A_302] : memref<40000xf32, #tpu.memory_space<vmem>> -> memref<10000xf32, #tpu.memory_space<vmem>>
        tpu.vector_store_idx %parallel_loop3A_303[%parallel_loop3A_285], %parallel_loop3A_300 {add = true} : memref<10000xf32, #tpu.memory_space<vmem>>[vector<16xi32>], vector<16xf32>,
        %parallel_loop3A_304 = arith.constant 30000 : i32
        %parallel_loop3A_305 = tpu.memref_slice %arg8[%parallel_loop3A_304] : memref<40000xf32, #tpu.memory_space<vmem>> -> memref<10000xf32, #tpu.memory_space<vmem>>
        tpu.vector_store_idx %parallel_loop3A_305[%parallel_loop3A_285], %parallel_loop3A_301 {add = true} : memref<10000xf32, #tpu.memory_space<vmem>>[vector<16xi32>], vector<16xf32>,
      } {sc.loop_unroll_factor = 8 : i64, sc.parallel_access}
      %add3A_251 = arith.constant 2 : i32
      %add3A_252 = arith.addi %add3A_241, %add3A_251 : i32
      %lt3A = arith.constant 20 : i32
      %lt3A_253 = arith.cmpi slt, %add3A_252, %lt3A : i32
      %convert_element_type3A = arith.extui %lt3A_253 : i1 to i32
      %cond3A = arith.constant 0 : i32
      %cond3A_254 = arith.cmpi ne, %convert_element_type3A, %cond3A : i32
      scf.if %cond3A_254 {
        %add3A_275 = arith.constant 2 : i32
        %add3A_276 = arith.addi %add3A_241, %add3A_275 : i32
        %mul3A_277 = arith.constant 16000 : i32
        %mul3A_278 = arith.muli %add3A_276, %mul3A_277 : i32
        %multiple_of3A = tpu.assume_multiple %mul3A_278, 128 : i32
        %dma_start3A_279 = tpu.memref_slice %arg5[%arg0, %multiple_of3A] : memref<2x320000xi32, #tpu.memory_space<hbm>> -> memref<1x16000xi32, #tpu.memory_space<hbm>>
        %dma_start3A_280 = tpu.memref_squeeze %dma_start3A_279 : memref<1x16000xi32, #tpu.memory_space<hbm>> -> memref<16000xi32, #tpu.memory_space<hbm>>
        %dma_start3A_281 = tpu.memref_slice %arg5[%arg0, %multiple_of3A] : memref<2x320000xi32, #tpu.memory_space<hbm>> -> memref<1x16000xi32, #tpu.memory_space<hbm>>
        %dma_start3A_282 = tpu.memref_squeeze %dma_start3A_281 : memref<1x16000xi32, #tpu.memory_space<hbm>> -> memref<16000xi32, #tpu.memory_space<hbm>>
        tpu.enqueue_dma source(%dma_start3A_282 : memref<16000xi32, #tpu.memory_space<hbm>>) target(%arg10 : memref<16000xi32, #tpu.memory_space<vmem>>) target_semaphore(%arg15 : memref<!tpu.dma_semaphore, #tpu.memory_space<semaphore_mem>>)
      } else {
      }
      %mul3A_255 = arith.constant 2 : i32
      %mul3A_256 = arith.muli %scan3A_237, %mul3A_255 : i32
      %add3A_257 = arith.constant 1 : i32
      %add3A_258 = arith.addi %mul3A_256, %add3A_257 : i32
      %dma_wait3A_259 = arith.constant 0 : i32
      %dma_wait3A_260 = tpu.memref_slice %arg5[%arg0, %dma_wait3A_259] : memref<2x320000xi32, #tpu.memory_space<hbm>> -> memref<1x16000xi32, #tpu.memory_space<hbm>>
      %dma_wait3A_261 = tpu.memref_squeeze %dma_wait3A_260 : memref<1x16000xi32, #tpu.memory_space<hbm>> -> memref<16000xi32, #tpu.memory_space<hbm>>
      %dma_wait3A_262 = arith.constant 0 : i32
      %dma_wait3A_263 = tpu.memref_slice %arg5[%arg0, %dma_wait3A_262] : memref<2x320000xi32, #tpu.memory_space<hbm>> -> memref<1x16000xi32, #tpu.memory_space<hbm>>
      %dma_wait3A_264 = tpu.memref_squeeze %dma_wait3A_263 : memref<1x16000xi32, #tpu.memory_space<hbm>> -> memref<16000xi32, #tpu.memory_space<hbm>>
      tpu.wait_dma2 semaphore(%arg16 : memref<!tpu.dma_semaphore, #tpu.memory_space<semaphore_mem>>) src(%dma_wait3A_264 : memref<16000xi32, #tpu.memory_space<hbm>>) dst(%arg11 : memref<16000xi32, #tpu.memory_space<vmem>>)
      %parallel_loop3A_265 = arith.constant 0 : i32
      %parallel_loop3A_266 = arith.constant 1000 : i32
      %parallel_loop3A_267 = arith.constant 1 : i32
      scf.for %parallel_loop3A_275 = %parallel_loop3A_265 to %parallel_loop3A_266 step %parallel_loop3A_267  : i32 {
        %parallel_loop3A_276 = arith.constant 16 : i32
        %parallel_loop3A_277 = arith.muli %parallel_loop3A_275, %parallel_loop3A_276 : i32
        %parallel_loop3A_278 = arith.index_cast %parallel_loop3A_277 : i32 to index
        %parallel_loop3A_279 = tpu.vector_load %arg11[%parallel_loop3A_278] {strides = array<i32>} : memref<16000xi32, #tpu.memory_space<vmem>>, vector<16xi32>,
        %parallel_loop3A_280 = arith.constant 65535 : i32
        %parallel_loop3A_281 = vector.broadcast %parallel_loop3A_280 : i32 to vector<16xi32>
        %parallel_loop3A_282 = arith.andi %parallel_loop3A_279, %parallel_loop3A_281 : vector<16xi32>
        %parallel_loop3A_283 = arith.constant 16 : i32
        %parallel_loop3A_284 = vector.broadcast %parallel_loop3A_283 : i32 to vector<16xi32>
        %parallel_loop3A_285 = arith.shrui %parallel_loop3A_279, %parallel_loop3A_284 : vector<16xi32>
        %parallel_loop3A_286 = arith.constant 0 : i32
        %parallel_loop3A_287 = tpu.memref_slice %arg7[%parallel_loop3A_286] : memref<20000xi32, #tpu.memory_space<vmem>> -> memref<10000xi32, #tpu.memory_space<vmem>>
        %parallel_loop3A_288 = tpu.vector_load_idx %parallel_loop3A_287[%parallel_loop3A_282] : memref<10000xi32, #tpu.memory_space<vmem>>[vector<16xi32>], vector<16xi32>,
        %parallel_loop3A_289 = vector.bitcast %parallel_loop3A_288 : vector<16xi32> to vector<32xbf16>
        %parallel_loop3A_290 = tpu.unpack_subelements %parallel_loop3A_289, 0 {pack_format = #tpu.pack_format<interleaved>} : vector<32xbf16> -> vector<16xf32>
        %parallel_loop3A_291 = tpu.unpack_subelements %parallel_loop3A_289, 1 {pack_format = #tpu.pack_format<interleaved>} : vector<32xbf16> -> vector<16xf32>
        %parallel_loop3A_292 = arith.constant 0 : i32
        %parallel_loop3A_293 = tpu.memref_slice %arg8[%parallel_loop3A_292] : memref<40000xf32, #tpu.memory_space<vmem>> -> memref<10000xf32, #tpu.memory_space<vmem>>
        tpu.vector_store_idx %parallel_loop3A_293[%parallel_loop3A_285], %parallel_loop3A_290 {add = true} : memref<10000xf32, #tpu.memory_space<vmem>>[vector<16xi32>], vector<16xf32>,
        %parallel_loop3A_294 = arith.constant 10000 : i32
        %parallel_loop3A_295 = tpu.memref_slice %arg8[%parallel_loop3A_294] : memref<40000xf32, #tpu.memory_space<vmem>> -> memref<10000xf32, #tpu.memory_space<vmem>>
        tpu.vector_store_idx %parallel_loop3A_295[%parallel_loop3A_285], %parallel_loop3A_291 {add = true} : memref<10000xf32, #tpu.memory_space<vmem>>[vector<16xi32>], vector<16xf32>,
        %parallel_loop3A_296 = arith.constant 10000 : i32
        %parallel_loop3A_297 = tpu.memref_slice %arg7[%parallel_loop3A_296] : memref<20000xi32, #tpu.memory_space<vmem>> -> memref<10000xi32, #tpu.memory_space<vmem>>
        %parallel_loop3A_298 = tpu.vector_load_idx %parallel_loop3A_297[%parallel_loop3A_282] : memref<10000xi32, #tpu.memory_space<vmem>>[vector<16xi32>], vector<16xi32>,
        %parallel_loop3A_299 = vector.bitcast %parallel_loop3A_298 : vector<16xi32> to vector<32xbf16>
        %parallel_loop3A_300 = tpu.unpack_subelements %parallel_loop3A_299, 0 {pack_format = #tpu.pack_format<interleaved>} : vector<32xbf16> -> vector<16xf32>
        %parallel_loop3A_301 = tpu.unpack_subelements %parallel_loop3A_299, 1 {pack_format = #tpu.pack_format<interleaved>} : vector<32xbf16> -> vector<16xf32>
        %parallel_loop3A_302 = arith.constant 20000 : i32
        %parallel_loop3A_303 = tpu.memref_slice %arg8[%parallel_loop3A_302] : memref<40000xf32, #tpu.memory_space<vmem>> -> memref<10000xf32, #tpu.memory_space<vmem>>
        tpu.vector_store_idx %parallel_loop3A_303[%parallel_loop3A_285], %parallel_loop3A_300 {add = true} : memref<10000xf32, #tpu.memory_space<vmem>>[vector<16xi32>], vector<16xf32>,
        %parallel_loop3A_304 = arith.constant 30000 : i32
        %parallel_loop3A_305 = tpu.memref_slice %arg8[%parallel_loop3A_304] : memref<40000xf32, #tpu.memory_space<vmem>> -> memref<10000xf32, #tpu.memory_space<vmem>>
        tpu.vector_store_idx %parallel_loop3A_305[%parallel_loop3A_285], %parallel_loop3A_301 {add = true} : memref<10000xf32, #tpu.memory_space<vmem>>[vector<16xi32>], vector<16xf32>,
      } {sc.loop_unroll_factor = 8 : i64, sc.parallel_access}
      %add3A_268 = arith.constant 2 : i32
      %add3A_269 = arith.addi %add3A_258, %add3A_268 : i32
      %lt3A_270 = arith.constant 20 : i32
      %lt3A_271 = arith.cmpi slt, %add3A_269, %lt3A_270 : i32
      %convert_element_type3A_272 = arith.extui %lt3A_271 : i1 to i32
      %cond3A_273 = arith.constant 0 : i32
      %cond3A_274 = arith.cmpi ne, %convert_element_type3A_272, %cond3A_273 : i32
      scf.if %cond3A_274 {
        %add3A_275 = arith.constant 2 : i32
        %add3A_276 = arith.addi %add3A_258, %add3A_275 : i32
        %mul3A_277 = arith.constant 16000 : i32
        %mul3A_278 = arith.muli %add3A_276, %mul3A_277 : i32
        %multiple_of3A = tpu.assume_multiple %mul3A_278, 128 : i32
        %dma_start3A_279 = tpu.memref_slice %arg5[%arg0, %multiple_of3A] : memref<2x320000xi32, #tpu.memory_space<hbm>> -> memref<1x16000xi32, #tpu.memory_space<hbm>>
        %dma_start3A_280 = tpu.memref_squeeze %dma_start3A_279 : memref<1x16000xi32, #tpu.memory_space<hbm>> -> memref<16000xi32, #tpu.memory_space<hbm>>
        %dma_start3A_281 = tpu.memref_slice %arg5[%arg0, %multiple_of3A] : memref<2x320000xi32, #tpu.memory_space<hbm>> -> memref<1x16000xi32, #tpu.memory_space<hbm>>
        %dma_start3A_282 = tpu.memref_squeeze %dma_start3A_281 : memref<1x16000xi32, #tpu.memory_space<hbm>> -> memref<16000xi32, #tpu.memory_space<hbm>>
        tpu.enqueue_dma source(%dma_start3A_282 : memref<16000xi32, #tpu.memory_space<hbm>>) target(%arg11 : memref<16000xi32, #tpu.memory_space<vmem>>) target_semaphore(%arg16 : memref<!tpu.dma_semaphore, #tpu.memory_space<semaphore_mem>>)
      } else {
      }
    }
    %scan3A_159 = arith.constant 10 : i32
    %mul3A_160 = arith.constant 4 : i32
    %mul3A_161 = arith.muli %add3A, %mul3A_160 : i32
    %add3A_162 = arith.constant 0 : i32
    %add3A_163 = arith.addi %mul3A_161, %add3A_162 : i32
    %add3A_164 = arith.constant 0 : i32
    %add3A_165 = arith.addi %add3A_163, %add3A_164 : i32
    %dma_wait3A = arith.constant 0 : i32
    %dma_wait3A_166 = tpu.memref_slice %arg3[%add3A_165, %dma_wait3A] : memref<128x10112xf32, #tpu.memory_space<hbm>> -> memref<1x10112xf32, #tpu.memory_space<hbm>>
    %dma_wait3A_167 = tpu.memref_squeeze %dma_wait3A_166 : memref<1x10112xf32, #tpu.memory_space<hbm>> -> memref<10112xf32, #tpu.memory_space<hbm>>
    %dma_wait3A_168 = arith.constant 0 : i32
    %dma_wait3A_169 = tpu.memref_slice %arg3[%add3A_165, %dma_wait3A_168] : memref<128x10112xf32, #tpu.memory_space<hbm>> -> memref<1x10112xf32, #tpu.memory_space<hbm>>
    %dma_wait3A_170 = tpu.memref_squeeze %dma_wait3A_169 : memref<1x10112xf32, #tpu.memory_space<hbm>> -> memref<10112xf32, #tpu.memory_space<hbm>>
    tpu.wait_dma2 semaphore(%arg17 : memref<!tpu.dma_semaphore, #tpu.memory_space<semaphore_mem>>) src(%dma_wait3A_170 : memref<10112xf32, #tpu.memory_space<hbm>>) dst(%arg13 : memref<10112xf32, #tpu.memory_space<vmem>>)
    %mul3A_171 = arith.constant 4 : i32
    %mul3A_172 = arith.muli %add3A, %mul3A_171 : i32
    %add3A_173 = arith.constant 0 : i32
    %add3A_174 = arith.addi %mul3A_172, %add3A_173 : i32
    %add3A_175 = arith.constant 1 : i32
    %add3A_176 = arith.addi %add3A_174, %add3A_175 : i32
    %dma_wait3A_177 = arith.constant 0 : i32
    %dma_wait3A_178 = tpu.memref_slice %arg3[%add3A_176, %dma_wait3A_177] : memref<128x10112xf32, #tpu.memory_space<hbm>> -> memref<1x10112xf32, #tpu.memory_space<hbm>>
    %dma_wait3A_179 = tpu.memref_squeeze %dma_wait3A_178 : memref<1x10112xf32, #tpu.memory_space<hbm>> -> memref<10112xf32, #tpu.memory_space<hbm>>
    %dma_wait3A_180 = arith.constant 0 : i32
    %dma_wait3A_181 = tpu.memref_slice %arg3[%add3A_176, %dma_wait3A_180] : memref<128x10112xf32, #tpu.memory_space<hbm>> -> memref<1x10112xf32, #tpu.memory_space<hbm>>
    %dma_wait3A_182 = tpu.memref_squeeze %dma_wait3A_181 : memref<1x10112xf32, #tpu.memory_space<hbm>> -> memref<10112xf32, #tpu.memory_space<hbm>>
    tpu.wait_dma2 semaphore(%arg18 : memref<!tpu.dma_semaphore, #tpu.memory_space<semaphore_mem>>) src(%dma_wait3A_182 : memref<10112xf32, #tpu.memory_space<hbm>>) dst(%arg14 : memref<10112xf32, #tpu.memory_space<vmem>>)
    %parallel_loop3A_183 = arith.constant 0 : i32
    %parallel_loop3A_184 = arith.constant 625 : i32
    %parallel_loop3A_185 = arith.constant 1 : i32
    scf.for %parallel_loop3A_237 = %parallel_loop3A_183 to %parallel_loop3A_184 step %parallel_loop3A_185  : i32 {
      %parallel_loop3A_238 = arith.constant 16 : i32
      %parallel_loop3A_239 = arith.muli %parallel_loop3A_237, %parallel_loop3A_238 : i32
      %parallel_loop3A_240 = arith.index_cast %parallel_loop3A_239 : i32 to index
      %parallel_loop3A_241 = tpu.vector_load %arg9[%parallel_loop3A_240] {strides = array<i32>} : memref<10000xf32, #tpu.memory_space<vmem>>, vector<16xf32>,
      %parallel_loop3A_242 = arith.constant 16 : i32
      %parallel_loop3A_243 = arith.muli %parallel_loop3A_237, %parallel_loop3A_242 : i32
      %parallel_loop3A_244 = arith.constant 0 : i32
      %parallel_loop3A_245 = arith.addi %parallel_loop3A_244, %parallel_loop3A_243 : i32
      %parallel_loop3A_246 = arith.index_cast %parallel_loop3A_245 : i32 to index
      %parallel_loop3A_247 = tpu.vector_load %arg8[%parallel_loop3A_246] {strides = array<i32>} : memref<40000xf32, #tpu.memory_space<vmem>>, vector<16xf32>,
      %parallel_loop3A_248 = arith.constant 16 : i32
      %parallel_loop3A_249 = arith.muli %parallel_loop3A_237, %parallel_loop3A_248 : i32
      %parallel_loop3A_250 = arith.constant 10000 : i32
      %parallel_loop3A_251 = arith.addi %parallel_loop3A_250, %parallel_loop3A_249 : i32
      %parallel_loop3A_252 = arith.index_cast %parallel_loop3A_251 : i32 to index
      %parallel_loop3A_253 = tpu.vector_load %arg8[%parallel_loop3A_252] {strides = array<i32>} : memref<40000xf32, #tpu.memory_space<vmem>>, vector<16xf32>,
      %parallel_loop3A_254 = arith.mulf %parallel_loop3A_241, %parallel_loop3A_247 : vector<16xf32>
      %parallel_loop3A_255 = arith.constant 16 : i32
      %parallel_loop3A_256 = arith.muli %parallel_loop3A_237, %parallel_loop3A_255 : i32
      %parallel_loop3A_257 = arith.index_cast %parallel_loop3A_256 : i32 to index
      %parallel_loop3A_258 = tpu.vector_load %arg13[%parallel_loop3A_257] {strides = array<i32>} : memref<10112xf32, #tpu.memory_space<vmem>>, vector<16xf32>,
      %parallel_loop3A_259 = arith.addf %parallel_loop3A_254, %parallel_loop3A_258 : vector<16xf32>
      %parallel_loop3A_260 = arith.mulf %parallel_loop3A_241, %parallel_loop3A_253 : vector<16xf32>
      %parallel_loop3A_261 = arith.constant 16 : i32
      %parallel_loop3A_262 = arith.muli %parallel_loop3A_237, %parallel_loop3A_261 : i32
      %parallel_loop3A_263 = arith.index_cast %parallel_loop3A_262 : i32 to index
      %parallel_loop3A_264 = tpu.vector_load %arg14[%parallel_loop3A_263] {strides = array<i32>} : memref<10112xf32, #tpu.memory_space<vmem>>, vector<16xf32>,
      %parallel_loop3A_265 = arith.addf %parallel_loop3A_260, %parallel_loop3A_264 : vector<16xf32>
      %parallel_loop3A_266 = arith.constant 16 : i32
      %parallel_loop3A_267 = arith.muli %parallel_loop3A_237, %parallel_loop3A_266 : i32
      %parallel_loop3A_268 = arith.constant 0 : i32
      %parallel_loop3A_269 = arith.addi %parallel_loop3A_268, %parallel_loop3A_267 : i32
      %parallel_loop3A_270 = arith.index_cast %parallel_loop3A_269 : i32 to index
      %parallel_loop3A_271 = tpu.vector_load %arg8[%parallel_loop3A_270] {strides = array<i32>} : memref<40000xf32, #tpu.memory_space<vmem>>, vector<16xf32>,
      tpu.vector_store %arg8[%parallel_loop3A_270], %parallel_loop3A_259 {strides = array<i32>} : memref<40000xf32, #tpu.memory_space<vmem>>, vector<16xf32>,
      %parallel_loop3A_272 = arith.constant 16 : i32
      %parallel_loop3A_273 = arith.muli %parallel_loop3A_237, %parallel_loop3A_272 : i32
      %parallel_loop3A_274 = arith.constant 10000 : i32
      %parallel_loop3A_275 = arith.addi %parallel_loop3A_274, %parallel_loop3A_273 : i32
      %parallel_loop3A_276 = arith.index_cast %parallel_loop3A_275 : i32 to index
      %parallel_loop3A_277 = tpu.vector_load %arg8[%parallel_loop3A_276] {strides = array<i32>} : memref<40000xf32, #tpu.memory_space<vmem>>, vector<16xf32>,
      tpu.vector_store %arg8[%parallel_loop3A_276], %parallel_loop3A_265 {strides = array<i32>} : memref<40000xf32, #tpu.memory_space<vmem>>, vector<16xf32>,
    } {sc.loop_unroll_factor = 5 : i64, sc.parallel_access}
    %mul3A_186 = arith.constant 4 : i32
    %mul3A_187 = arith.muli %add3A, %mul3A_186 : i32
    %add3A_188 = arith.constant 2 : i32
    %add3A_189 = arith.addi %mul3A_187, %add3A_188 : i32
    %add3A_190 = arith.constant 0 : i32
    %add3A_191 = arith.addi %add3A_189, %add3A_190 : i32
    %dma_start3A_192 = arith.constant 0 : i32
    %dma_start3A_193 = tpu.memref_slice %arg3[%add3A_191, %dma_start3A_192] : memref<128x10112xf32, #tpu.memory_space<hbm>> -> memref<1x10112xf32, #tpu.memory_space<hbm>>
    %dma_start3A_194 = tpu.memref_squeeze %dma_start3A_193 : memref<1x10112xf32, #tpu.memory_space<hbm>> -> memref<10112xf32, #tpu.memory_space<hbm>>
    %dma_start3A_195 = arith.constant 0 : i32
    %dma_start3A_196 = tpu.memref_slice %arg3[%add3A_191, %dma_start3A_195] : memref<128x10112xf32, #tpu.memory_space<hbm>> -> memref<1x10112xf32, #tpu.memory_space<hbm>>
    %dma_start3A_197 = tpu.memref_squeeze %dma_start3A_196 : memref<1x10112xf32, #tpu.memory_space<hbm>> -> memref<10112xf32, #tpu.memory_space<hbm>>
    tpu.enqueue_dma source(%dma_start3A_197 : memref<10112xf32, #tpu.memory_space<hbm>>) target(%arg13 : memref<10112xf32, #tpu.memory_space<vmem>>) target_semaphore(%arg17 : memref<!tpu.dma_semaphore, #tpu.memory_space<semaphore_mem>>)
    %mul3A_198 = arith.constant 4 : i32
    %mul3A_199 = arith.muli %add3A, %mul3A_198 : i32
    %add3A_200 = arith.constant 2 : i32
    %add3A_201 = arith.addi %mul3A_199, %add3A_200 : i32
    %add3A_202 = arith.constant 1 : i32
    %add3A_203 = arith.addi %add3A_201, %add3A_202 : i32
    %dma_start3A_204 = arith.constant 0 : i32
    %dma_start3A_205 = tpu.memref_slice %arg3[%add3A_203, %dma_start3A_204] : memref<128x10112xf32, #tpu.memory_space<hbm>> -> memref<1x10112xf32, #tpu.memory_space<hbm>>
    %dma_start3A_206 = tpu.memref_squeeze %dma_start3A_205 : memref<1x10112xf32, #tpu.memory_space<hbm>> -> memref<10112xf32, #tpu.memory_space<hbm>>
    %dma_start3A_207 = arith.constant 0 : i32
    %dma_start3A_208 = tpu.memref_slice %arg3[%add3A_203, %dma_start3A_207] : memref<128x10112xf32, #tpu.memory_space<hbm>> -> memref<1x10112xf32, #tpu.memory_space<hbm>>
    %dma_start3A_209 = tpu.memref_squeeze %dma_start3A_208 : memref<1x10112xf32, #tpu.memory_space<hbm>> -> memref<10112xf32, #tpu.memory_space<hbm>>
    tpu.enqueue_dma source(%dma_start3A_209 : memref<10112xf32, #tpu.memory_space<hbm>>) target(%arg14 : memref<10112xf32, #tpu.memory_space<vmem>>) target_semaphore(%arg18 : memref<!tpu.dma_semaphore, #tpu.memory_space<semaphore_mem>>)
    %mul3A_210 = arith.constant 4 : i32
    %mul3A_211 = arith.muli %add3A, %mul3A_210 : i32
    %add3A_212 = arith.constant 2 : i32
    %add3A_213 = arith.addi %mul3A_211, %add3A_212 : i32
    %add3A_214 = arith.constant 0 : i32
    %add3A_215 = arith.addi %add3A_213, %add3A_214 : i32
    %dma_wait3A_216 = arith.constant 0 : i32
    %dma_wait3A_217 = tpu.memref_slice %arg3[%add3A_215, %dma_wait3A_216] : memref<128x10112xf32, #tpu.memory_space<hbm>> -> memref<1x10112xf32, #tpu.memory_space<hbm>>
    %dma_wait3A_218 = tpu.memref_squeeze %dma_wait3A_217 : memref<1x10112xf32, #tpu.memory_space<hbm>> -> memref<10112xf32, #tpu.memory_space<hbm>>
    %dma_wait3A_219 = arith.constant 0 : i32
    %dma_wait3A_220 = tpu.memref_slice %arg3[%add3A_215, %dma_wait3A_219] : memref<128x10112xf32, #tpu.memory_space<hbm>> -> memref<1x10112xf32, #tpu.memory_space<hbm>>
    %dma_wait3A_221 = tpu.memref_squeeze %dma_wait3A_220 : memref<1x10112xf32, #tpu.memory_space<hbm>> -> memref<10112xf32, #tpu.memory_space<hbm>>
    tpu.wait_dma2 semaphore(%arg17 : memref<!tpu.dma_semaphore, #tpu.memory_space<semaphore_mem>>) src(%dma_wait3A_221 : memref<10112xf32, #tpu.memory_space<hbm>>) dst(%arg13 : memref<10112xf32, #tpu.memory_space<vmem>>)
    %mul3A_222 = arith.constant 4 : i32
    %mul3A_223 = arith.muli %add3A, %mul3A_222 : i32
    %add3A_224 = arith.constant 2 : i32
    %add3A_225 = arith.addi %mul3A_223, %add3A_224 : i32
    %add3A_226 = arith.constant 1 : i32
    %add3A_227 = arith.addi %add3A_225, %add3A_226 : i32
    %dma_wait3A_228 = arith.constant 0 : i32
    %dma_wait3A_229 = tpu.memref_slice %arg3[%add3A_227, %dma_wait3A_228] : memref<128x10112xf32, #tpu.memory_space<hbm>> -> memref<1x10112xf32, #tpu.memory_space<hbm>>
    %dma_wait3A_230 = tpu.memref_squeeze %dma_wait3A_229 : memref<1x10112xf32, #tpu.memory_space<hbm>> -> memref<10112xf32, #tpu.memory_space<hbm>>
    %dma_wait3A_231 = arith.constant 0 : i32
    %dma_wait3A_232 = tpu.memref_slice %arg3[%add3A_227, %dma_wait3A_231] : memref<128x10112xf32, #tpu.memory_space<hbm>> -> memref<1x10112xf32, #tpu.memory_space<hbm>>
    %dma_wait3A_233 = tpu.memref_squeeze %dma_wait3A_232 : memref<1x10112xf32, #tpu.memory_space<hbm>> -> memref<10112xf32, #tpu.memory_space<hbm>>
    tpu.wait_dma2 semaphore(%arg18 : memref<!tpu.dma_semaphore, #tpu.memory_space<semaphore_mem>>) src(%dma_wait3A_233 : memref<10112xf32, #tpu.memory_space<hbm>>) dst(%arg14 : memref<10112xf32, #tpu.memory_space<vmem>>)
    %parallel_loop3A_234 = arith.constant 0 : i32
    %parallel_loop3A_235 = arith.constant 625 : i32
    %parallel_loop3A_236 = arith.constant 1 : i32
    scf.for %parallel_loop3A_237 = %parallel_loop3A_234 to %parallel_loop3A_235 step %parallel_loop3A_236  : i32 {
      %parallel_loop3A_238 = arith.constant 16 : i32
      %parallel_loop3A_239 = arith.muli %parallel_loop3A_237, %parallel_loop3A_238 : i32
      %parallel_loop3A_240 = arith.index_cast %parallel_loop3A_239 : i32 to index
      %parallel_loop3A_241 = tpu.vector_load %arg9[%parallel_loop3A_240] {strides = array<i32>} : memref<10000xf32, #tpu.memory_space<vmem>>, vector<16xf32>,
      %parallel_loop3A_242 = arith.constant 16 : i32
      %parallel_loop3A_243 = arith.muli %parallel_loop3A_237, %parallel_loop3A_242 : i32
      %parallel_loop3A_244 = arith.constant 20000 : i32
      %parallel_loop3A_245 = arith.addi %parallel_loop3A_244, %parallel_loop3A_243 : i32
      %parallel_loop3A_246 = arith.index_cast %parallel_loop3A_245 : i32 to index
      %parallel_loop3A_247 = tpu.vector_load %arg8[%parallel_loop3A_246] {strides = array<i32>} : memref<40000xf32, #tpu.memory_space<vmem>>, vector<16xf32>,
      %parallel_loop3A_248 = arith.constant 16 : i32
      %parallel_loop3A_249 = arith.muli %parallel_loop3A_237, %parallel_loop3A_248 : i32
      %parallel_loop3A_250 = arith.constant 30000 : i32
      %parallel_loop3A_251 = arith.addi %parallel_loop3A_250, %parallel_loop3A_249 : i32
      %parallel_loop3A_252 = arith.index_cast %parallel_loop3A_251 : i32 to index
      %parallel_loop3A_253 = tpu.vector_load %arg8[%parallel_loop3A_252] {strides = array<i32>} : memref<40000xf32, #tpu.memory_space<vmem>>, vector<16xf32>,
      %parallel_loop3A_254 = arith.mulf %parallel_loop3A_241, %parallel_loop3A_247 : vector<16xf32>
      %parallel_loop3A_255 = arith.constant 16 : i32
      %parallel_loop3A_256 = arith.muli %parallel_loop3A_237, %parallel_loop3A_255 : i32
      %parallel_loop3A_257 = arith.index_cast %parallel_loop3A_256 : i32 to index
      %parallel_loop3A_258 = tpu.vector_load %arg13[%parallel_loop3A_257] {strides = array<i32>} : memref<10112xf32, #tpu.memory_space<vmem>>, vector<16xf32>,
      %parallel_loop3A_259 = arith.addf %parallel_loop3A_254, %parallel_loop3A_258 : vector<16xf32>
      %parallel_loop3A_260 = arith.mulf %parallel_loop3A_241, %parallel_loop3A_253 : vector<16xf32>
      %parallel_loop3A_261 = arith.constant 16 : i32
      %parallel_loop3A_262 = arith.muli %parallel_loop3A_237, %parallel_loop3A_261 : i32
      %parallel_loop3A_263 = arith.index_cast %parallel_loop3A_262 : i32 to index
      %parallel_loop3A_264 = tpu.vector_load %arg14[%parallel_loop3A_263] {strides = array<i32>} : memref<10112xf32, #tpu.memory_space<vmem>>, vector<16xf32>,
      %parallel_loop3A_265 = arith.addf %parallel_loop3A_260, %parallel_loop3A_264 : vector<16xf32>
      %parallel_loop3A_266 = arith.constant 16 : i32
      %parallel_loop3A_267 = arith.muli %parallel_loop3A_237, %parallel_loop3A_266 : i32
      %parallel_loop3A_268 = arith.constant 20000 : i32
      %parallel_loop3A_269 = arith.addi %parallel_loop3A_268, %parallel_loop3A_267 : i32
      %parallel_loop3A_270 = arith.index_cast %parallel_loop3A_269 : i32 to index
      %parallel_loop3A_271 = tpu.vector_load %arg8[%parallel_loop3A_270] {strides = array<i32>} : memref<40000xf32, #tpu.memory_space<vmem>>, vector<16xf32>,
      tpu.vector_store %arg8[%parallel_loop3A_270], %parallel_loop3A_259 {strides = array<i32>} : memref<40000xf32, #tpu.memory_space<vmem>>, vector<16xf32>,
      %parallel_loop3A_272 = arith.constant 16 : i32
      %parallel_loop3A_273 = arith.muli %parallel_loop3A_237, %parallel_loop3A_272 : i32
      %parallel_loop3A_274 = arith.constant 30000 : i32
      %parallel_loop3A_275 = arith.addi %parallel_loop3A_274, %parallel_loop3A_273 : i32
      %parallel_loop3A_276 = arith.index_cast %parallel_loop3A_275 : i32 to index
      %parallel_loop3A_277 = tpu.vector_load %arg8[%parallel_loop3A_276] {strides = array<i32>} : memref<40000xf32, #tpu.memory_space<vmem>>, vector<16xf32>,
      tpu.vector_store %arg8[%parallel_loop3A_276], %parallel_loop3A_265 {strides = array<i32>} : memref<40000xf32, #tpu.memory_space<vmem>>, vector<16xf32>,
    } {sc.loop_unroll_factor = 5 : i64, sc.parallel_access}
    "tpu.region"() ({
      %run_scoped3A = tpu.sem_alloc : memref<!tpu.dma_semaphore, #tpu.memory_space<semaphore_mem>>
      %dma_start3A_237 = arith.constant 0 : i32
      %dma_start3A_238 = tpu.memref_slice %arg4[%add3A, %dma_start3A_237] : memref<32x40000xf32, #tpu.memory_space<hbm>> -> memref<1x40000xf32, #tpu.memory_space<hbm>>
      %dma_start3A_239 = tpu.memref_squeeze %dma_start3A_238 : memref<1x40000xf32, #tpu.memory_space<hbm>> -> memref<40000xf32, #tpu.memory_space<hbm>>
      %dma_start3A_240 = arith.constant 0 : i32
      %dma_start3A_241 = tpu.memref_slice %arg4[%add3A, %dma_start3A_240] : memref<32x40000xf32, #tpu.memory_space<hbm>> -> memref<1x40000xf32, #tpu.memory_space<hbm>>
      %dma_start3A_242 = tpu.memref_squeeze %dma_start3A_241 : memref<1x40000xf32, #tpu.memory_space<hbm>> -> memref<40000xf32, #tpu.memory_space<hbm>>
      tpu.enqueue_dma source(%arg8 : memref<40000xf32, #tpu.memory_space<vmem>>) target(%dma_start3A_242 : memref<40000xf32, #tpu.memory_space<hbm>>) target_semaphore(%run_scoped3A : memref<!tpu.dma_semaphore, #tpu.memory_space<semaphore_mem>>)
      %dma_wait3A_243 = arith.constant 0 : i32
      %dma_wait3A_244 = tpu.memref_slice %arg4[%add3A, %dma_wait3A_243] : memref<32x40000xf32, #tpu.memory_space<hbm>> -> memref<1x40000xf32, #tpu.memory_space<hbm>>
      %dma_wait3A_245 = tpu.memref_squeeze %dma_wait3A_244 : memref<1x40000xf32, #tpu.memory_space<hbm>> -> memref<40000xf32, #tpu.memory_space<hbm>>
      %dma_wait3A_246 = arith.constant 0 : i32
      %dma_wait3A_247 = tpu.memref_slice %arg4[%add3A, %dma_wait3A_246] : memref<32x40000xf32, #tpu.memory_space<hbm>> -> memref<1x40000xf32, #tpu.memory_space<hbm>>
      %dma_wait3A_248 = tpu.memref_squeeze %dma_wait3A_247 : memref<1x40000xf32, #tpu.memory_space<hbm>> -> memref<40000xf32, #tpu.memory_space<hbm>>
      tpu.wait_dma2 semaphore(%run_scoped3A : memref<!tpu.dma_semaphore, #tpu.memory_space<semaphore_mem>>) src(%arg8 : memref<40000xf32, #tpu.memory_space<vmem>>) dst(%dma_wait3A_248 : memref<40000xf32, #tpu.memory_space<hbm>>)
      tpu.yield
    }) : () -> ()
    return
  }
}

module attributes {stable_mosaic.version = 14 : i64} {
  func.func @_mm_in_body(%arg0: i32, %arg1: memref<1000x128xf32, #tpu.memory_space<vmem>>, %arg2: memref<128x128xf32, #tpu.memory_space<vmem>>, %arg3: memref<1x128xf32, #tpu.memory_space<vmem>>, %arg4: memref<1000x128xf32, #tpu.memory_space<vmem>>) attributes {dimension_semantics = [#tpu.dimension_semantics<arbitrary>], iteration_bounds = array<i64: 10>, scalar_prefetch = 0 : i64, scratch_operands = 0 : i64, tpu.core_type = #tpu.core_type<tc>, window_params = [{transform_indices = @transform_0, window_bounds = array<i64: 1000, 128>}, {pipeline_mode = #tpu.pipeline_mode<synchronous>, transform_indices = @transform_1, window_bounds = array<i64: 128, 128>}, {pipeline_mode = #tpu.pipeline_mode<synchronous>, transform_indices = @transform_2, window_bounds = array<i64: 1, 128>}, {transform_indices = @transform_3, window_bounds = array<i64: 1000, 128>}]} {
    %get3A = arith.constant 0 : index
    %get3A_0 = arith.constant 0 : index
    %get3A_1 = vector.load %arg1[%get3A, %get3A_0] : memref<1000x128xf32, #tpu.memory_space<vmem>>, vector<1000x128xf32>
    %get3A_2 = arith.constant 0 : index
    %get3A_3 = arith.constant 0 : index
    %get3A_4 = vector.load %arg2[%get3A_2, %get3A_3] : memref<128x128xf32, #tpu.memory_space<vmem>>, vector<128x128xf32>
    %dot_general3A = arith.constant dense<0.000000e+00> : vector<1000x128xf32>
    %dot_general3A_5 = tpu.matmul %get3A_1, %get3A_4, %dot_general3A {dimension_numbers = #tpu.dot_dimension_numbers<[1], [0], [0], [1], [0, 0, 1, 1], [], []>, transpose_lhs_hint = false} : vector<1000x128xf32>, vector<128x128xf32>, vector<1000x128xf32> -> vector<1000x128xf32>
    %get3A_6 = arith.constant 0 : index
    %get3A_7 = arith.constant 0 : index
    %get3A_8 = vector.load %arg3[%get3A_6, %get3A_7] : memref<1x128xf32, #tpu.memory_space<vmem>>, vector<1x128xf32>
    %add3A = vector.broadcast %get3A_8 : vector<1x128xf32> to vector<1000x128xf32>
    %add3A_9 = arith.addf %dot_general3A_5, %add3A : vector<1000x128xf32>
    %swap3A = arith.constant 0 : index
    %swap3A_10 = arith.constant 0 : index
    %swap3A_11 = vector.load %arg4[%swap3A, %swap3A_10] : memref<1000x128xf32, #tpu.memory_space<vmem>>, vector<1000x128xf32>
    tpu.vector_store %arg4[%swap3A, %swap3A_10], %add3A_9 {strides = array<i32>} : memref<1000x128xf32, #tpu.memory_space<vmem>>, vector<1000x128xf32>,
    return
  }
  func.func @transform_0(%arg0: i32) -> (i32, i32) {
    %c0_i32 = arith.constant 0 : i32
    %c0_i32_0 = arith.constant 0 : i32
    return %arg0, %c0_i32 : i32, i32
  }
  func.func @transform_1(%arg0: i32) -> (i32, i32) {
    %c0_i32 = arith.constant 0 : i32
    %c0_i32_0 = arith.constant 0 : i32
    %c0_i32_1 = arith.constant 0 : i32
    return %c0_i32, %c0_i32_0 : i32, i32
  }
  func.func @transform_2(%arg0: i32) -> (i32, i32) {
    %c0_i32 = arith.constant 0 : i32
    %c0_i32_0 = arith.constant 0 : i32
    %c0_i32_1 = arith.constant 0 : i32
    return %c0_i32, %c0_i32_0 : i32, i32
  }
  func.func @transform_3(%arg0: i32) -> (i32, i32) {
    %c0_i32 = arith.constant 0 : i32
    %c0_i32_0 = arith.constant 0 : i32
    return %arg0, %c0_i32 : i32, i32
  }
}

module attributes {stable_mosaic.version = 14 : i64} {
  func.func @_head_body(%arg0: i32, %arg1: memref<1000x128xf32, #tpu.memory_space<vmem>>, %arg2: memref<1000x128xf32, #tpu.memory_space<vmem>>, %arg3: memref<3xf32, #tpu.memory_space<smem>>, %arg4: memref<128x40xf32, #tpu.memory_space<vmem>>, %arg5: memref<1x40xf32, #tpu.memory_space<vmem>>, %arg6: memref<1000x40xf32, #tpu.memory_space<vmem>>) attributes {dimension_semantics = [#tpu.dimension_semantics<arbitrary>], iteration_bounds = array<i64: 10>, scalar_prefetch = 0 : i64, scratch_operands = 0 : i64, tpu.core_type = #tpu.core_type<tc>, window_params = [{transform_indices = @transform_0, window_bounds = array<i64: 1000, 128>}, {transform_indices = @transform_1, window_bounds = array<i64: 1000, 128>}, {transform_indices = @transform_2, window_bounds = array<i64: 3>}, {pipeline_mode = #tpu.pipeline_mode<synchronous>, transform_indices = @transform_3, window_bounds = array<i64: 128, 40>}, {pipeline_mode = #tpu.pipeline_mode<synchronous>, transform_indices = @transform_4, window_bounds = array<i64: 1, 40>}, {transform_indices = @transform_5, window_bounds = array<i64: 1000, 40>}]} {
    %get3A = arith.constant 0 : index
    %get3A_0 = memref.load %arg3[%get3A] : memref<3xf32, #tpu.memory_space<smem>>
    %get3A_1 = arith.constant 1 : index
    %get3A_2 = memref.load %arg3[%get3A_1] : memref<3xf32, #tpu.memory_space<smem>>
    %max3A = arith.maximumf %get3A_0, %get3A_2 : f32
    %sub3A = arith.subf %get3A_0, %max3A : f32
    %broadcast_in_dim3A = vector.broadcast %sub3A : f32 to vector<8x128xf32>
    %exp3A = math.exp %broadcast_in_dim3A : vector<8x128xf32>
    %reduce_max3A = vector.shape_cast %exp3A : vector<8x128xf32> to vector<1x8x128xf32>
    %reduce_max3A_3 = arith.constant dense<0xFF800000> : vector<1xf32>
    %reduce_max3A_4 = vector.multi_reduction <maximumf>, %reduce_max3A, %reduce_max3A_3 [1, 2] : vector<1x8x128xf32> to vector<1xf32>
    %reduce_max3A_5 = vector.shape_cast %reduce_max3A_4 : vector<1xf32> to vector<1x1x1xf32>
    %reduce_max3A_6 = vector.extract %reduce_max3A_5[0, 0, 0] : f32 from vector<1x1x1xf32>
    %sub3A_7 = arith.subf %get3A_2, %max3A : f32
    %broadcast_in_dim3A_8 = vector.broadcast %sub3A_7 : f32 to vector<8x128xf32>
    %exp3A_9 = math.exp %broadcast_in_dim3A_8 : vector<8x128xf32>
    %reduce_max3A_10 = vector.shape_cast %exp3A_9 : vector<8x128xf32> to vector<1x8x128xf32>
    %reduce_max3A_11 = arith.constant dense<0xFF800000> : vector<1xf32>
    %reduce_max3A_12 = vector.multi_reduction <maximumf>, %reduce_max3A_10, %reduce_max3A_11 [1, 2] : vector<1x8x128xf32> to vector<1xf32>
    %reduce_max3A_13 = vector.shape_cast %reduce_max3A_12 : vector<1xf32> to vector<1x1x1xf32>
    %reduce_max3A_14 = vector.extract %reduce_max3A_13[0, 0, 0] : f32 from vector<1x1x1xf32>
    %add3A = arith.addf %reduce_max3A_6, %reduce_max3A_14 : f32
    %div3A = arith.divf %reduce_max3A_6, %add3A : f32
    %add3A_15 = arith.addf %reduce_max3A_6, %reduce_max3A_14 : f32
    %div3A_16 = arith.divf %reduce_max3A_14, %add3A_15 : f32
    %get3A_17 = arith.constant 0 : index
    %get3A_18 = arith.constant 0 : index
    %get3A_19 = vector.load %arg1[%get3A_17, %get3A_18] : memref<1000x128xf32, #tpu.memory_space<vmem>>, vector<1000x128xf32>
    %mul3A = vector.broadcast %div3A : f32 to vector<1000x128xf32>
    %mul3A_20 = arith.mulf %mul3A, %get3A_19 : vector<1000x128xf32>
    %get3A_21 = arith.constant 0 : index
    %get3A_22 = arith.constant 0 : index
    %get3A_23 = vector.load %arg2[%get3A_21, %get3A_22] : memref<1000x128xf32, #tpu.memory_space<vmem>>, vector<1000x128xf32>
    %mul3A_24 = vector.broadcast %div3A_16 : f32 to vector<1000x128xf32>
    %mul3A_25 = arith.mulf %mul3A_24, %get3A_23 : vector<1000x128xf32>
    %add3A_26 = arith.addf %mul3A_20, %mul3A_25 : vector<1000x128xf32>
    %max3A_27 = arith.constant 0.000000e+00 : f32
    %max3A_28 = vector.broadcast %max3A_27 : f32 to vector<1000x128xf32>
    %max3A_29 = arith.maximumf %add3A_26, %max3A_28 : vector<1000x128xf32>
    %get3A_30 = arith.constant 0 : index
    %get3A_31 = arith.constant 0 : index
    %get3A_32 = vector.load %arg4[%get3A_30, %get3A_31] : memref<128x40xf32, #tpu.memory_space<vmem>>, vector<128x40xf32>
    %dot_general3A = arith.constant dense<0.000000e+00> : vector<1000x40xf32>
    %dot_general3A_33 = tpu.matmul %max3A_29, %get3A_32, %dot_general3A {dimension_numbers = #tpu.dot_dimension_numbers<[1], [0], [0], [1], [0, 0, 1, 1], [], []>, transpose_lhs_hint = false} : vector<1000x128xf32>, vector<128x40xf32>, vector<1000x40xf32> -> vector<1000x40xf32>
    %get3A_34 = arith.constant 0 : index
    %get3A_35 = arith.constant 0 : index
    %get3A_36 = vector.load %arg5[%get3A_34, %get3A_35] : memref<1x40xf32, #tpu.memory_space<vmem>>, vector<1x40xf32>
    %add3A_37 = vector.broadcast %get3A_36 : vector<1x40xf32> to vector<1000x40xf32>
    %add3A_38 = arith.addf %dot_general3A_33, %add3A_37 : vector<1000x40xf32>
    %swap3A = arith.constant 0 : index
    %swap3A_39 = arith.constant 0 : index
    %swap3A_40 = vector.load %arg6[%swap3A, %swap3A_39] : memref<1000x40xf32, #tpu.memory_space<vmem>>, vector<1000x40xf32>
    tpu.vector_store %arg6[%swap3A, %swap3A_39], %add3A_38 {strides = array<i32>} : memref<1000x40xf32, #tpu.memory_space<vmem>>, vector<1000x40xf32>,
    return
  }
  func.func @transform_0(%arg0: i32) -> (i32, i32) {
    %c0_i32 = arith.constant 0 : i32
    %c0_i32_0 = arith.constant 0 : i32
    return %arg0, %c0_i32 : i32, i32
  }
  func.func @transform_1(%arg0: i32) -> (i32, i32) {
    %c0_i32 = arith.constant 0 : i32
    %c0_i32_0 = arith.constant 0 : i32
    return %arg0, %c0_i32 : i32, i32
  }
  func.func @transform_2(%arg0: i32) -> i32 {
    %c0_i32 = arith.constant 0 : i32
    %c0_i32_0 = arith.constant 0 : i32
    return %c0_i32 : i32
  }
  func.func @transform_3(%arg0: i32) -> (i32, i32) {
    %c0_i32 = arith.constant 0 : i32
    %c0_i32_0 = arith.constant 0 : i32
    %c0_i32_1 = arith.constant 0 : i32
    return %c0_i32, %c0_i32_0 : i32, i32
  }
  func.func @transform_4(%arg0: i32) -> (i32, i32) {
    %c0_i32 = arith.constant 0 : i32
    %c0_i32_0 = arith.constant 0 : i32
    %c0_i32_1 = arith.constant 0 : i32
    return %c0_i32, %c0_i32_0 : i32, i32
  }
  func.func @transform_5(%arg0: i32) -> (i32, i32) {
    %c0_i32 = arith.constant 0 : i32
    %c0_i32_0 = arith.constant 0 : i32
    return %arg0, %c0_i32 : i32, i32
  }
}

</mosaic_0001>

<sc_bundles>
// kernel: kernel.5.cloned.1.call-start
scs
__scs_entry_jumppad:
0x0: {  	(pc) =	sbr.rel $0x88, $3  }
0x1: {  	(tag) =	ssettag $0x0;
	lr =	simm.s32 $0x1  }
0x2: {  	[smem:$0x3F9A] =	sst lr;
	_ =	strace $0xD0000000  }
0x3: {  	_ = 	snop  }
0x4: {  	_ = 	snop  }
0x5: {  	_ = 	snop  }
0x6: {  	_ = 	snop  }
0x7: {  	_ = 	snop  }
__scs_overlays_trampoline_lowered:
0x8: {  	[smem:$0x3FA9] =	sst s0  }
0x9: {  	[smem:$0x3FAA] =	sst s1  }
0xa: {  	[smem:$0x3FAB] =	sst s2  }
0xb: {  	[smem:$0x3FAC] =	sst s3  }
0xc: {  	[smem:$0x3FAD] =	sst s4  }
0xd: {  	[smem:$0x3FAE] =	sst s5  }
0xe: {  	[smem:$0x3FAF] =	sst s6  }
0xf: {  	[smem:$0x3FB0] =	sst s7  }
0x10: {  	[smem:$0x3FB1] =	sst s8  }
0x11: {  	[smem:$0x3FB2] =	sst s9;
	s0 =	simm.s32 @!p0 $0x0  }
0x12: {  	s1 =	sld [smem:$0x3F98];
	s0 =	simm.s32 @p0 $0x1  }
0x13: {  	[smem:$0x3FB3] =	sst s0;
	s0 =	simm.s32 @!p1 $0x0  }
0x14: {  	s2 =	sld [smem:$0x3F97];
	s0 =	simm.s32 @p1 $0x1  }
0x15: {  	[smem:$0x3FB4] =	sst s0;
	s0 =	simm.s32 @!p2 $0x0  }
0x16: {  	s3 =	sld [smem:$0x3FDB];
	s0 =	simm.s32 @p2 $0x1  }
0x17: {  	s4 =	simm.s32 $0x1BF5;
	[smem:$0x3FB6] =	sst s0  }
0x18: {  	s0 =	sld [smem:$0x3F99];
	_ =	swait.ge [sflag:s4], $0x0  }
0x19: {  	s7 =	sld [smem:$0x3F9A]  }
0x1a: {  	s8 =	sadd.s32 $0xFFFFE003, lr  }
0x1b: {  	s9 =	sadd.s32 $0xFFFFFEF7, lr;
	s5 =	simm.s32 $0xFFFFFFFF;
	p2 =	slt.u32 s8, $0xFFFFF086  }
0x1c: {  	p1 =	slt.u32 s9, $0xF7A;
	s5 =	simm.s32 @!p2 $0x0  }
0x1d: {  	s5 =	simm.s32 @p1 $0x1;
	p0 =	seq.s32 s7, s2  }
0x1e: {  	s7 =	smul.u32 @!p0 $0xF7A, s2;
	p2 =	seq.s32 @!p0 s5, $0x0  }
0x1f: {  	s9 =	smul.u32 $0xF7A, s1;
	s8 =	simm.s32 @!p0 $0x1BF5;
	p2 =	por !p2, p0  }
0x20: {  	[sflag:s8] =	ssyncset.s32 @!p0 $0xFFFFF086;
	s6 =	sadd.s32 @!p0 s3, s7;
	s7 =	simm.s32 @!p0 $0x108  }
0x21: {  	s3 =	sadd.s32 s3, s9;
	s6 =	sadd.s32 @!p0 $0x88, s6;
	s7 =	simm.s32 @p2 $0x1082  }
0x22: {  	[simem:s7], [sflag:s8] =	dma.local @!p0 [hbm:s6], $0xF7A  }
0x23: {  	s9 =	sor.u32 $0xD0000000, s2;
	s6 =	simm.s32 $0x108;
	_ =	swait.ge @!p0 [sflag:s8], $0x0  }
0x24: {  	s3 =	sadd.s32 $0x88, s3;
	s6 =	simm.s32 @!p1 $0x1082;
	[sflag:s4] =	ssyncset.s32 $0xFFFFF086  }
0x25: {  	[simem:s6], [sflag:s4] =	dma.local [hbm:s3], $0xF7A  }
0x26: {  	[smem:$0x3F9A] =	sst s1;
	(tag) =	ssettag s2;
	_ =	strace s9  }
0x27: {  	s1 =	sld [smem:$0x3FAA]  }
0x28: {  	s2 =	sld [smem:$0x3FAB]  }
0x29: {  	s4 =	sld [smem:$0x3FAD]  }
0x2a: {  	p0 =	seq.s32 s5, $0x0;
	s5 =	sld [smem:$0x3FAE]  }
0x2b: {  	s6 =	sld [smem:$0x3FAF]  }
0x2c: {  	s7 =	sld [smem:$0x3FB0]  }
0x2d: {  	s3 =	simm.s32 $0x108;
	s8 =	sld [smem:$0x3FB1]  }
0x2e: {  	s3 =	simm.s32 @!p0 $0x1082;
	s9 =	sld [smem:$0x3FB2]  }
0x2f: {  	lr =	sadd.s32 s0, s3;
	s0 =	sld [smem:$0x3FA9]  }
0x30: {  	s3 =	sld [smem:$0x3FAC]  }
0x31: {  	[smem:$0x3FB5] =	sst s10  }
0x32: {  	s10 =	sld [smem:$0x3FB3];
	_ =	sdelay $0x3  }
0x33: {  	p0 =	seq.s32 s10, $0x1;
	s10 =	sld [smem:$0x3FB5];
	_ =	sdelay $0x3  }
0x34: {  	[smem:$0x3FB5] =	sst s10  }
0x35: {  	s10 =	sld [smem:$0x3FB4];
	_ =	sdelay $0x3  }
0x36: {  	p1 =	seq.s32 s10, $0x1;
	s10 =	sld [smem:$0x3FB5];
	_ =	sdelay $0x3  }
0x37: {  	[smem:$0x3FB5] =	sst s10  }
0x38: {  	s10 =	sld [smem:$0x3FB6]  }
0x39: {  	_ = 	snop;
	(pc) =	sbr.ind lr, $3  }
0x3a: {  	_ = 	snop  }
0x3b: {  	_ = 	snop  }
0x3c: {  	p2 =	seq.s32 s10, $0x1;
	s10 =	sld [smem:$0x3FB5]  }
0x3d: {  	_ =	shalt  }
0x3e: {  	_ =	shalt  }
0x3f: {  	_ =	shalt  }
0x40: {  	_ =	shalt  }
0x41: {  	_ =	shalt  }
0x42: {  	_ =	shalt  }
0x43: {  	_ =	shalt  }
0x44: {  	_ =	shalt  }
0x45: {  	_ =	shalt  }
0x46: {  	_ =	shalt  }
0x47: {  	_ =	shalt  }
0x48: {  	_ =	shalt  }
0x49: {  	_ =	shalt  }
0x4a: {  	_ =	shalt  }
0x4b: {  	_ =	shalt  }
0x4c: {  	_ =	shalt  }
0x4d: {  	_ =	shalt  }
0x4e: {  	_ =	shalt  }
0x4f: {  	_ =	shalt  }
0x50: {  	_ =	shalt  }
0x51: {  	_ =	shalt  }
0x52: {  	_ =	shalt  }
0x53: {  	_ =	shalt  }
0x54: {  	_ =	shalt  }
0x55: {  	_ =	shalt  }
0x56: {  	_ =	shalt  }
0x57: {  	_ =	shalt  }
0x58: {  	_ =	shalt  }
0x59: {  	_ =	shalt  }
0x5a: {  	_ =	shalt  }
0x5b: {  	_ =	shalt  }
0x5c: {  	_ =	shalt  }
0x5d: {  	_ =	shalt  }
0x5e: {  	_ =	shalt  }
0x5f: {  	_ =	shalt  }
0x60: {  	_ =	shalt  }
0x61: {  	_ =	shalt  }
0x62: {  	_ =	shalt  }
0x63: {  	_ =	shalt  }
0x64: {  	_ =	shalt  }
0x65: {  	_ =	shalt  }
0x66: {  	_ =	shalt  }
0x67: {  	_ =	shalt  }
0x68: {  	_ =	shalt  }
0x69: {  	_ =	shalt  }
0x6a: {  	_ =	shalt  }
0x6b: {  	_ =	shalt  }
0x6c: {  	_ =	shalt  }
0x6d: {  	_ =	shalt  }
0x6e: {  	_ =	shalt  }
0x6f: {  	_ =	shalt  }
0x70: {  	_ =	shalt  }
0x71: {  	_ =	shalt  }
0x72: {  	_ =	shalt  }
0x73: {  	_ =	shalt  }
0x74: {  	_ =	shalt  }
0x75: {  	_ =	shalt  }
0x76: {  	_ =	shalt  }
0x77: {  	_ =	shalt  }
0x78: {  	_ =	shalt  }
0x79: {  	_ =	shalt  }
0x7a: {  	_ =	shalt  }
0x7b: {  	_ =	shalt  }
0x7c: {  	_ =	shalt  }
0x7d: {  	_ =	shalt  }
0x7e: {  	_ =	shalt  }
0x7f: {  	_ =	shalt  }
0x80: {  	_ =	shalt  }
0x81: {  	_ =	shalt  }
0x82: {  	_ =	shalt  }
0x83: {  	_ =	shalt  }
0x84: {  	_ =	shalt  }
0x85: {  	_ =	shalt  }
0x86: {  	_ =	shalt  }
0x87: {  	_ =	shalt  }
.Lfunc_end0:
.L_simem_size_0:
called_computation_lowered:
.L_overlay_start_0:
0x88: {  	s2 =	sld [smem:$0x3FD9]  }
0x89: {  	s3 =	sld [smem:$0x3FFE];
	_ =	sdelay $0x1  }
0x8a: {  	s1 =	srdreg.scid  }
0x8b: {  	s0 =	sand.u32 $0x1, s1  }
0x8c: {  	s17 =	sshll.u32 s0, $0xA;
	s2 =	sadd.s32 s3, s2  }
0x8d: {  	s2 =	sadd.s32 s2, s17  }
0x8e: {  	[smem:$0x3FC1] =	sst s2  }
0x8f: {  	_ = 	snop  }
0x90: {  	s2 =	sld [smem:$0x3FC8];
	(tm) =	ssettm $0x1  }
0x91: {  	s18 =	sld [smem:$0x3FFB];
	_ =	sdelay $0x3  }
0x92: {  	_ =	strace s18  }
0x93: {  	s3 =	sld [smem:$0x3FFC];
	_ =	sdelay $0x3  }
0x94: {  	_ =	strace s3  }
0x95: {  	s3 =	sld [smem:$0x3FFD];
	_ =	sdelay $0x3  }
0x96: {  	_ =	strace s3  }
0x97: {  	_ =	strace $0x8FFFFFFF  }
0x98: {  	s19 =	sld [smem:$0x3FDB];
	_ =	sdelay $0x1  }
0x99: {  	s4 =	simm.s32 $_scs_section_size  }
0x9a: {  	s5 =	simm.s32 $_size__tile_overlayer_lowered;
	s6 =	simm.s32 $_tile_overlayer_lowered  }
0x9b: {  	s22 =	simm.s32 $0x1BFF;
	s21 =	sshll.u32 s6, $0x1;
	s3 =	sadd.s32 s4, s19  }
0x9c: {  	s7 =	simm.s32 $0x0;
	s20 =	sshll.u32 s5, $0x1;
	s5 =	sadd.s32 s21, s3  }
0x9d: {  	[timem:s7], [sflag:s22] =	dma.local [hbm:s5], s20  }
0x9e: {  	_ =	swait.ge [sflag:s22], s20  }
0x9f: {  	s4 =	ssub.s32 $0x0, s20;
	[sflag:s22] =	ssyncset.done $0x0  }
0xa0: {  	[sflag:s22] =	ssyncadd.s32 s4;
	_ =	sdelay $0x1  }
0xa1: {  	s23 =	simm.s32 $0x1B8B  }
0xa2: {  	_ =	swait.ge [sflag:s23], $0x1  }
0xa3: {  	[sflag:s23] =	ssyncset.done $0x0  }
0xa4: {  	s25 =	simm.s32 $0x1B8E;
	s24 =	sld [smem:$0x3FFE];
	[sflag:s23] =	ssyncadd.s32 $0xFFFFFFFF  }
0xa5: {  	s26 =	simm.s32 $execute0_lowered;
	[smem:$0x3FD2] =	sst s25  }
0xa6: {  	s5 =	sshll.u32 s26, $0x1;
	_ =	strace $0x80000046;
	[dreg:$0x1] =	wrdreg $0xFFFFFFFF  }
0xa7: {  	s28 =	simm.s32 $_size_execute0_lowered;
	s3 =	sadd.s32 s3, s5;
	[dreg:$0x0] =	wrdreg $0x0  }
0xa8: {  	s5 =	sshll.u32 s28, $0x1;
	[dreg:$0x2] =	wrdreg s3  }
0xa9: {  	[dreg:$0x3] =	wrdreg s5  }
0xaa: {  	[dreg:$0x4] =	wrdreg $0xC0  }
0xab: {  	_ =	task [dreg:s7], $0x5FFFF  }
0xac: {  	[dreg:$0x1] =	wrdreg $0xFFFFFFFF  }
0xad: {  	[dreg:$0x0] =	wrdreg $0x60  }
0xae: {  	[dreg:$0x2] =	wrdreg s2  }
0xaf: {  	[dreg:$0x3] =	wrdreg s24  }
0xb0: {  	[dreg:$0x4] =	wrdreg $0x9  }
0xb1: {  	_ =	task.clear_ibuf [dreg:s7], $0x5FFFF;
	_ =	strace $0x90000046  }
0xb2: {  	s29 =	simm.s32 $0x9;
	_ =	strace $0x80000048  }
0xb3: {  	_ =	swait.ge [sflag:s29], $0x1  }
0xb4: {  	[sflag:s29] =	ssyncadd.s32 $0xFFFFFFFF  }
0xb5: {  	_ =	strace $0x90000048  }
0xb6: {  	_ =	sfence  }
0xb7: {  	s30 =	sld [smem:$0x0];
	_ =	sdelay $0x2  }
0xb8: {  	s31 =	sshll.u32 s1, $0xD;
	s1 =	sshrl.u32 s1, $0x2  }
0xb9: {  	s3 =	sand.u32 $0x4000, s31;
	s1 =	sadd.s32 s1, s30  }
0xba: {  	s0 =	sor.u32 s3, s0;
	s1 =	sshll.u32 s1, $0x11  }
0xbb: {  	s0 =	sor.u32 s1, s0  }
0xbc: {  	s0 =	sadd.s32 $0x8F2B, s0  }
0xbd: {  	[sflag:s0] =	ssyncadd.remote.s32 $0x1  }
0xbe: {  	_ =	sfence.sel $0xFFFF  }
0xbf: {  	[dreg:$0x0] =	wrdreg $0xFFFFFFFF;
	(pc) =	sbr.abs _section_cstart, $3  }
0xc0: {  	[dreg:$0x1] =	wrdreg $0xFFFFFFFF  }
0xc1: {  	_ =	task.clear_ibuf [dreg:s7], $0x2FFFF;
	_ =	strace $0x9FFFFFFF  }
0xc2: {  	(tm) =	ssettm $0x7FFFFFFF  }
0xc3: {  	_ =	shalt  }
tec
execute0_lowered:
.L_overlay_start_1:
0x0: {  	(tag) =	ssettag $0x1  }
0x1: {  	s1 =	rddreg [dreg:$0x0]  }
0x2: {  	s11 =	stileid.u32;
	s0 =	rddreg [dreg:$0x1]  }
0x3: {  	s3 =	srdreg.scid;
	s29 =	simm.s32 $0x15100;
	s30 =	simm.s32 $0x1  }
0x4: {  	s31 =	simm.s32 $0xEB00;
	s2 =	sshrl.u32 s11, $0x2;
	s4 =	sshll.u32 s11, $0x8  }
0x5: {  	s7 =	sand.u32 $0x1, s3;
	s3 =	simm.s32 $0x0;
	s14 =	sadd.s32 $0x1000, s0  }
0x6: {  	s5 =	sadd.s32 $0x28800, s0;
	s9 =	smul.u32 $0x13C00, s11;
	s13 =	sadd.s32 $0xFB0, s1  }
0x7: {  	s11 =	sshll.u32 s11, $0x3;
	s15 =	sadd.s32 $0xFA0, s1;
	s2 =	smul.u32 $0x4E400, s2  }
0x8: {  	s4 =	sand.u32 $0x300, s4;
	s12 =	sshll.u32 s7, $0x7;
	[smem:$0x7FF] =	sst s3  }
0x9: {  	s6 =	ssub.s32 $0x2, s7;
	s10 =	sshll.u32 s7, $0x9;
	s16 =	sxor.u32 $0x7D, s11  }
0xa: {  	s7 =	sshll.u32 s7, $0x4;
	_ =	strace $0x80000047;
	[dreg:$0x4] =	wrdreg s13  }
0xb: {  	s8 =	sshrl.u32 s6, $0x1;
	s9 =	sor.u32 s10, s9;
	[dreg:$0x6] =	wrdreg s15  }
0xc: {  	[dreg:$0x5] =	wrdreg s11;
	s10 =	smin.u32 s16, $0x8;
	s23 =	sadd.s32 s5, s7  }
0xd: {  	[dreg:$0x3] =	wrdreg s12;
	s11 =	simm.s32 $0x4E80;
	s15 =	simm.s32 $0x2710  }
0xe: {  	s16 =	simm.s32 $0x9CA0;
	s7 =	simm.s32 $0xC3B0;
	s13 =	simm.s32 $0x0  }
0xf: {  	s2 =	sor.u32 s2, s4;
	s8 =	ssub.s32 s6, s8;
	[dreg:$0x7] =	wrdreg s10  }
0x10: {  	s6 =	sadd.s32 $0x10, s1;
	s9 =	sshrl.u32 s9, $0x3;
	[dreg:$0xe] =	wrdreg s23  }
0x11: {  	s25 =	sadd.s32 $0xFA0, s23;
	s23 =	simm.s32 $0x19980;
	s2 =	sor.u32 s12, s2  }
0x12: {  	s17 =	sadd.s32 s14, s9;
	s18 =	sor.u32 $0x10, s9;
	s21 =	sor.u32 $0x20, s9  }
0x13: {  	[dreg:$0x11] =	wrdreg s25;
	s28 =	smax.u32 s8, $0x1;
	s25 =	simm.s32 $0x80  }
0x14: {  	s8 =	simm.s32 $0x4;
	s2 =	sshrl.u32 s2, $0x3;
	[dreg:$0x8] =	wrdreg s17  }
0x15: {  	s19 =	sadd.s32 s14, s18;
	s22 =	sadd.s32 s14, s21;
	[dreg:$0x13] =	wrdreg s28  }
0x16: {  	s2 =	sadd.s32 s2, s0;
	s0 =	sadd.s32 $0x3C200, s0;
	[dreg:$0x9] =	wrdreg s19  }
0x17: {  	[dreg:$0xc] =	wrdreg s22;
	s22 =	sor.u32 $0x17700, s12;
	s20 =	sadd.s32 s0, s9  }
0x18: {  	s10 =	sadd.s32 s0, s18;
	s9 =	sor.u32 $0x30, s9;
	s24 =	sadd.s32 s0, s21  }
0x19: {  	s21 =	sor.u32 $0xFA00, s12;
	s26 =	sadd.s32 $0x63A00, s2;
	[dreg:$0xa] =	wrdreg s20  }
0x1a: {  	s2 =	simm.s32 $0x2;
	s12 =	simm.s32 $0x7590;
	[dreg:$0xb] =	wrdreg s10  }
0x1b: {  	s4 =	sadd.s32 s14, s9;
	[dreg:$0xf] =	wrdreg s24;
	s0 =	sadd.s32 s0, s9  }
0x1c: {  	[dreg:$0x12] =	wrdreg s26;
	s26 =	simm.s32 $0x100;
	s20 =	simm.s32 $0x11280  }
0x1d: {  	s9 =	simm.s32 $0x400;
	s24 =	simm.s32 $0x1C100;
	[dreg:$0xd] =	wrdreg s4  }
0x1e: {  	v0 =	vimm.f32 $0.0e+00;
	v1 =	vimm.f32 $1.000000000e+00;
	[dreg:$0x10] =	wrdreg s0;
	s0 =	simm.s32 $0x5;
	s4 =	simm.s32 $0x3  }
.LBB2_1:
0x1f: {  	[dreg:$0x14] =	wrdreg s13;
	s10 =	simm.s32 $0xEB40  }
0x20: {  	[tilespmem:s10+$0xFFFFFFC0] =	vst v0  }
0x21: {  	[tilespmem:s10+$0x30] =	vst v0  }
0x22: {  	[tilespmem:s10+$0x20] =	vst v0  }
0x23: {  	[tilespmem:s10+$0x10] =	vst v0  }
0x24: {  	[tilespmem:s10+$0x0] =	vst v0  }
0x25: {  	[tilespmem:s10+$0xFFFFFFF0] =	vst v0  }
0x26: {  	s13 =	simm.s32 $0x0;
	[tilespmem:s10+$0xFFFFFFE0] =	vst v0  }
.LBB2_2:
0x27: {  	s13 =	sadd.s32 $0x8, s13;
	[tilespmem:s10+$0xFFFFFFD0] =	vst v0;
	s10 =	sadd.s32 $0x80, s10  }
0x28: {  	[tilespmem:s10+$0xFFFFFFC0] =	vst v0;
	p0 =	slt.u32 s13, $0x268  }
0x29: {  	[tilespmem:s10+$0x30] =	vst v0  }
.Ltmp0:
0x2a: {  	[tilespmem:s10+$0x20] =	vst v0;
	(pc) =	sbr.rel @p0 .LBB2_2-.Ltmp0, $4  }
0x2b: {  	[tilespmem:s10+$0x10] =	vst v0  }
0x2c: {  	[tilespmem:s10+$0x0] =	vst v0  }
0x2d: {  	[tilespmem:s10+$0xFFFFFFF0] =	vst v0  }
0x2e: {  	[tilespmem:s10+$0xFFFFFFE0] =	vst v0  }
0x2f: {  	[tilespmem:s10+$0xFFFFFFD0] =	vst v0  }
0x30: {  	[tilespmem:$0x11200] =	vst v0  }
0x31: {  	[tilespmem:s20], [sflag:$0x1] =	stream.strided.gather [hbm4b:s6+s25], $0x3E80, s26, s25, $0x38;
	[tilespmem:$0x1E880] =	vst v63  }
0x32: {  	s10 =	rddreg [dreg:$0x4]  }
0x33: {  	[tilespmem:s29], [sflag:$0x2] =	stream.strided.gather [hbm4b:s10+s25], $0x3E80, s26, s25, $0x38;
	[tilespmem:$0x1E880] =	vst v63  }
0x34: {  	s10 =	simm.s32 $0x0  }
.LBB2_4:
0x35: {  	_ =	swait.ge [sflag:s30], $0x3E80  }
0x36: {  	[sflag:s30] =	ssyncset.done $0x0  }
0x37: {  	s13 =	simm.s32 $0x11300;
	[sflag:s30] =	ssyncadd.s32 $0xFFFFC180  }
0x38: {  	v3 =	vld [tilespmem:s13+$0xFFFFFFA0]  }
0x39: {  	v4 =	vld [tilespmem:s13+$0xFFFFFF80]  }
0x3a: {  	v5 =	vld [tilespmem:s13+$0x30]  }
0x3b: {  	v6 =	vld [tilespmem:s13+$0x10]  }
0x3c: {  	v7 =	vld [tilespmem:s13+$0x20]  }
0x3d: {  	v8 =	vld [tilespmem:s13+$0x70]  }
0x3e: {  	v9 =	vld [tilespmem:s13+$0x60]  }
0x3f: {  	v10 =	vld [tilespmem:s13+$0x50]  }
0x40: {  	v2 =	vld [tilespmem:s13+$0xFFFFFF90]  }
0x41: {  	v60 =	vld [tilespmem:s13+$0xFFFFFFB0]  }
0x42: {  	v11 =	vld [tilespmem:s13+$0xFFFFFFC0]  }
0x43: {  	v12 =	vld [tilespmem:s13+$0x40]  }
0x44: {  	v61 =	vld [tilespmem:s13+$0x0]  }
0x45: {  	v62 =	vld [tilespmem:s13+$0xFFFFFFF0]  }
0x46: {  	v63 =	vld [tilespmem:s13+$0xFFFFFFE0]  }
0x47: {  	v13 =	vld [tilespmem:s13+$0xFFFFFFD0]  }
0x48: {  	[tilespmem:v4+s31+$0x0] =	vst.idx.add.f32.msk $0xffff, v1  }
0x49: {  	[tilespmem:v8+s31+$0x0] =	vst.idx.add.f32.msk $0xffff, v1  }
0x4a: {  	[tilespmem:v9+s31+$0x0] =	vst.idx.add.f32.msk $0xffff, v1  }
0x4b: {  	[tilespmem:v10+s31+$0x0] =	vst.idx.add.f32.msk $0xffff, v1  }
0x4c: {  	[tilespmem:v12+s31+$0x0] =	vst.idx.add.f32.msk $0xffff, v1  }
0x4d: {  	[tilespmem:v5+s31+$0x0] =	vst.idx.add.f32.msk $0xffff, v1  }
0x4e: {  	[tilespmem:v7+s31+$0x0] =	vst.idx.add.f32.msk $0xffff, v1  }
0x4f: {  	[tilespmem:v6+s31+$0x0] =	vst.idx.add.f32.msk $0xffff, v1  }
0x50: {  	[tilespmem:v61+s31+$0x0] =	vst.idx.add.f32.msk $0xffff, v1  }
0x51: {  	[tilespmem:v62+s31+$0x0] =	vst.idx.add.f32.msk $0xffff, v1  }
0x52: {  	[tilespmem:v63+s31+$0x0] =	vst.idx.add.f32.msk $0xffff, v1  }
0x53: {  	[tilespmem:v13+s31+$0x0] =	vst.idx.add.f32.msk $0xffff, v1  }
0x54: {  	[tilespmem:v11+s31+$0x0] =	vst.idx.add.f32.msk $0xffff, v1  }
0x55: {  	[tilespmem:v60+s31+$0x0] =	vst.idx.add.f32.msk $0xffff, v1  }
0x56: {  	s14 =	simm.s32 $0x0;
	[tilespmem:v3+s31+$0x0] =	vst.idx.add.f32.msk $0xffff, v1  }
.LBB2_5:
0x57: {  	s14 =	sadd.s32 $0x10, s14;
	[tilespmem:v2+s31+$0x0] =	vst.idx.add.f32.msk $0xffff, v1;
	s13 =	sadd.s32 $0x100, s13  }
0x58: {  	v3 =	vld [tilespmem:s13+$0xFFFFFFA0];
	p0 =	slt.u32 s14, $0x3D0  }
0x59: {  	v4 =	vld [tilespmem:s13+$0xFFFFFF80]  }
0x5a: {  	v5 =	vld [tilespmem:s13+$0x30]  }
0x5b: {  	v6 =	vld [tilespmem:s13+$0x10]  }
0x5c: {  	v7 =	vld [tilespmem:s13+$0x20]  }
0x5d: {  	v8 =	vld [tilespmem:s13+$0x70]  }
0x5e: {  	v9 =	vld [tilespmem:s13+$0x60]  }
0x5f: {  	v10 =	vld [tilespmem:s13+$0x50]  }
0x60: {  	v2 =	vld [tilespmem:s13+$0xFFFFFF90]  }
0x61: {  	[tilespmem:v4+s31+$0x0] =	vst.idx.add.f32.msk $0xffff, v1  }
0x62: {  	v4 =	vld [tilespmem:s13+$0xFFFFFFB0]  }
0x63: {  	v11 =	vld [tilespmem:s13+$0xFFFFFFC0]  }
0x64: {  	v12 =	vld [tilespmem:s13+$0x40]  }
0x65: {  	[tilespmem:v8+s31+$0x0] =	vst.idx.add.f32.msk $0xffff, v1  }
0x66: {  	[tilespmem:v9+s31+$0x0] =	vst.idx.add.f32.msk $0xffff, v1  }
0x67: {  	[tilespmem:v10+s31+$0x0] =	vst.idx.add.f32.msk $0xffff, v1  }
0x68: {  	v8 =	vld [tilespmem:s13+$0x0]  }
0x69: {  	v9 =	vld [tilespmem:s13+$0xFFFFFFF0]  }
0x6a: {  	v10 =	vld [tilespmem:s13+$0xFFFFFFE0]  }
0x6b: {  	v13 =	vld [tilespmem:s13+$0xFFFFFFD0]  }
0x6c: {  	[tilespmem:v12+s31+$0x0] =	vst.idx.add.f32.msk $0xffff, v1  }
0x6d: {  	[tilespmem:v5+s31+$0x0] =	vst.idx.add.f32.msk $0xffff, v1  }
0x6e: {  	[tilespmem:v7+s31+$0x0] =	vst.idx.add.f32.msk $0xffff, v1  }
0x6f: {  	[tilespmem:v6+s31+$0x0] =	vst.idx.add.f32.msk $0xffff, v1  }
0x70: {  	[tilespmem:v8+s31+$0x0] =	vst.idx.add.f32.msk $0xffff, v1  }
0x71: {  	[tilespmem:v9+s31+$0x0] =	vst.idx.add.f32.msk $0xffff, v1  }
.Ltmp1:
0x72: {  	[tilespmem:v10+s31+$0x0] =	vst.idx.add.f32.msk $0xffff, v1;
	(pc) =	sbr.rel @p0 .LBB2_5-.Ltmp1, $4  }
0x73: {  	[tilespmem:v13+s31+$0x0] =	vst.idx.add.f32.msk $0xffff, v1  }
0x74: {  	[tilespmem:v11+s31+$0x0] =	vst.idx.add.f32.msk $0xffff, v1  }
0x75: {  	[tilespmem:v4+s31+$0x0] =	vst.idx.add.f32.msk $0xffff, v1  }
0x76: {  	[tilespmem:v3+s31+$0x0] =	vst.idx.add.f32.msk $0xffff, v1  }
0x77: {  	_ =	sdelay $0x3  }
0x78: {  	[tilespmem:v2+s31+$0x0] =	vst.idx.add.f32.msk $0xffff, v1;
	s13 =	simm.s32 $0x0  }
.LBB2_7:
0x79: {  	s14 =	sshra.s32 s13, $0x2  }
0x7a: {  	v2 =	vld [tilespmem:s14+$0x15080];
	_ =	sdelay $0x2  }
0x7b: {  	p0 =	sne.s32 s13, $0x1C0  }
.Ltmp2:
0x7c: {  	_ = 	snop;
	(pc) =	sbr.rel @p0 .LBB2_7-.Ltmp2, $2  }
0x7d: {  	_ =	sdelay $0x2  }
0x7e: {  	s13 =	sadd.s32 $0x40, s13;
	[tilespmem:v2+s31+$0x0] =	vst.idx.add.f32.msk $0xffff, v1  }
0x7f: {  	p0 =	seq.s32 s10, $0x9  }
0x80: {  	s13 =	smul.u32 @!p0 $0xFA00, s10;
	_ =	sdelay $0x1  }
0x81: {  	s13 =	sshrl.u32 @!p0 s13, $0x3  }
0x82: {  	s14 =	simm.s32 @!p0 $0x80;
	s13 =	sadd.s32 @!p0 s6, s13  }
0x83: {  	s17 =	simm.s32 @!p0 $0x100;
	s18 =	simm.s32 @!p0 $0x11280;
	s13 =	sadd.s32 @!p0 $0x1F40, s13  }
0x84: {  	[tilespmem:s18], [sflag:$0x1] =	stream.strided.gather @!p0 [hbm4b:s13+s14], $0x3E80, s17, s14, $0x38;
	[tilespmem:$0x1E880] =	vst v63  }
0x85: {  	_ =	swait.ge [sflag:s2], $0x3E80  }
0x86: {  	[sflag:s2] =	ssyncset.done $0x0  }
0x87: {  	s13 =	simm.s32 $0x15180;
	[sflag:s2] =	ssyncadd.s32 $0xFFFFC180  }
0x88: {  	v3 =	vld [tilespmem:s13+$0xFFFFFFA0]  }
0x89: {  	v4 =	vld [tilespmem:s13+$0xFFFFFF80]  }
0x8a: {  	v5 =	vld [tilespmem:s13+$0x30]  }
0x8b: {  	v6 =	vld [tilespmem:s13+$0x10]  }
0x8c: {  	v7 =	vld [tilespmem:s13+$0x20]  }
0x8d: {  	v8 =	vld [tilespmem:s13+$0x70]  }
0x8e: {  	v9 =	vld [tilespmem:s13+$0x60]  }
0x8f: {  	v10 =	vld [tilespmem:s13+$0x50]  }
0x90: {  	v2 =	vld [tilespmem:s13+$0xFFFFFF90]  }
0x91: {  	v60 =	vld [tilespmem:s13+$0xFFFFFFB0]  }
0x92: {  	v11 =	vld [tilespmem:s13+$0xFFFFFFC0]  }
0x93: {  	v12 =	vld [tilespmem:s13+$0x40]  }
0x94: {  	v61 =	vld [tilespmem:s13+$0x0]  }
0x95: {  	v62 =	vld [tilespmem:s13+$0xFFFFFFF0]  }
0x96: {  	v63 =	vld [tilespmem:s13+$0xFFFFFFE0]  }
0x97: {  	v13 =	vld [tilespmem:s13+$0xFFFFFFD0]  }
0x98: {  	[tilespmem:v4+s31+$0x0] =	vst.idx.add.f32.msk $0xffff, v1  }
0x99: {  	[tilespmem:v8+s31+$0x0] =	vst.idx.add.f32.msk $0xffff, v1  }
0x9a: {  	[tilespmem:v9+s31+$0x0] =	vst.idx.add.f32.msk $0xffff, v1  }
0x9b: {  	[tilespmem:v10+s31+$0x0] =	vst.idx.add.f32.msk $0xffff, v1  }
0x9c: {  	[tilespmem:v12+s31+$0x0] =	vst.idx.add.f32.msk $0xffff, v1  }
0x9d: {  	[tilespmem:v5+s31+$0x0] =	vst.idx.add.f32.msk $0xffff, v1  }
0x9e: {  	[tilespmem:v7+s31+$0x0] =	vst.idx.add.f32.msk $0xffff, v1  }
0x9f: {  	[tilespmem:v6+s31+$0x0] =	vst.idx.add.f32.msk $0xffff, v1  }
0xa0: {  	[tilespmem:v61+s31+$0x0] =	vst.idx.add.f32.msk $0xffff, v1  }
0xa1: {  	[tilespmem:v62+s31+$0x0] =	vst.idx.add.f32.msk $0xffff, v1  }
0xa2: {  	[tilespmem:v63+s31+$0x0] =	vst.idx.add.f32.msk $0xffff, v1  }
0xa3: {  	[tilespmem:v13+s31+$0x0] =	vst.idx.add.f32.msk $0xffff, v1  }
0xa4: {  	[tilespmem:v11+s31+$0x0] =	vst.idx.add.f32.msk $0xffff, v1  }
0xa5: {  	[tilespmem:v60+s31+$0x0] =	vst.idx.add.f32.msk $0xffff, v1  }
0xa6: {  	s14 =	simm.s32 $0x0;
	[tilespmem:v3+s31+$0x0] =	vst.idx.add.f32.msk $0xffff, v1  }
.LBB2_9:
0xa7: {  	s14 =	sadd.s32 $0x10, s14;
	[tilespmem:v2+s31+$0x0] =	vst.idx.add.f32.msk $0xffff, v1;
	s13 =	sadd.s32 $0x100, s13  }
0xa8: {  	v3 =	vld [tilespmem:s13+$0xFFFFFFA0];
	p1 =	slt.u32 s14, $0x3D0  }
0xa9: {  	v4 =	vld [tilespmem:s13+$0xFFFFFF80]  }
0xaa: {  	v5 =	vld [tilespmem:s13+$0x30]  }
0xab: {  	v6 =	vld [tilespmem:s13+$0x10]  }
0xac: {  	v7 =	vld [tilespmem:s13+$0x20]  }
0xad: {  	v8 =	vld [tilespmem:s13+$0x70]  }
0xae: {  	v9 =	vld [tilespmem:s13+$0x60]  }
0xaf: {  	v10 =	vld [tilespmem:s13+$0x50]  }
0xb0: {  	v2 =	vld [tilespmem:s13+$0xFFFFFF90]  }
0xb1: {  	[tilespmem:v4+s31+$0x0] =	vst.idx.add.f32.msk $0xffff, v1  }
0xb2: {  	v4 =	vld [tilespmem:s13+$0xFFFFFFB0]  }
0xb3: {  	v11 =	vld [tilespmem:s13+$0xFFFFFFC0]  }
0xb4: {  	v12 =	vld [tilespmem:s13+$0x40]  }
0xb5: {  	[tilespmem:v8+s31+$0x0] =	vst.idx.add.f32.msk $0xffff, v1  }
0xb6: {  	[tilespmem:v9+s31+$0x0] =	vst.idx.add.f32.msk $0xffff, v1  }
0xb7: {  	[tilespmem:v10+s31+$0x0] =	vst.idx.add.f32.msk $0xffff, v1  }
0xb8: {  	v8 =	vld [tilespmem:s13+$0x0]  }
0xb9: {  	v9 =	vld [tilespmem:s13+$0xFFFFFFF0]  }
0xba: {  	v10 =	vld [tilespmem:s13+$0xFFFFFFE0]  }
0xbb: {  	v13 =	vld [tilespmem:s13+$0xFFFFFFD0]  }
0xbc: {  	[tilespmem:v12+s31+$0x0] =	vst.idx.add.f32.msk $0xffff, v1  }
0xbd: {  	[tilespmem:v5+s31+$0x0] =	vst.idx.add.f32.msk $0xffff, v1  }
0xbe: {  	[tilespmem:v7+s31+$0x0] =	vst.idx.add.f32.msk $0xffff, v1  }
0xbf: {  	[tilespmem:v6+s31+$0x0] =	vst.idx.add.f32.msk $0xffff, v1  }
0xc0: {  	[tilespmem:v8+s31+$0x0] =	vst.idx.add.f32.msk $0xffff, v1  }
0xc1: {  	[tilespmem:v9+s31+$0x0] =	vst.idx.add.f32.msk $0xffff, v1  }
.Ltmp3:
0xc2: {  	[tilespmem:v10+s31+$0x0] =	vst.idx.add.f32.msk $0xffff, v1;
	(pc) =	sbr.rel @p1 .LBB2_9-.Ltmp3, $4  }
0xc3: {  	[tilespmem:v13+s31+$0x0] =	vst.idx.add.f32.msk $0xffff, v1  }
0xc4: {  	[tilespmem:v11+s31+$0x0] =	vst.idx.add.f32.msk $0xffff, v1  }
0xc5: {  	[tilespmem:v4+s31+$0x0] =	vst.idx.add.f32.msk $0xffff, v1  }
0xc6: {  	[tilespmem:v3+s31+$0x0] =	vst.idx.add.f32.msk $0xffff, v1  }
0xc7: {  	_ =	sdelay $0x3  }
0xc8: {  	[tilespmem:v2+s31+$0x0] =	vst.idx.add.f32.msk $0xffff, v1;
	s13 =	simm.s32 $0x0  }
.LBB2_11:
0xc9: {  	s14 =	sshra.s32 s13, $0x2  }
0xca: {  	v2 =	vld [tilespmem:s14+$0x18F00];
	_ =	sdelay $0x2  }
0xcb: {  	p1 =	sne.s32 s13, $0x1C0  }
.Ltmp4:
0xcc: {  	_ = 	snop;
	(pc) =	sbr.rel @p1 .LBB2_11-.Ltmp4, $2  }
0xcd: {  	_ =	sdelay $0x2  }
0xce: {  	s13 =	sadd.s32 $0x40, s13;
	[tilespmem:v2+s31+$0x0] =	vst.idx.add.f32.msk $0xffff, v1  }
.Ltmp5:
0xcf: {  	(pc) =	sbr.rel @p0 .LBB2_14-.Ltmp5, $1  }
0xd0: {  	_ =	sdelay $0x3  }
0xd1: {  	s13 =	smul.u32 $0xFA00, s10  }
.Ltmp6:
0xd2: {  	_ = 	snop;
	(pc) =	sbr.rel .LBB2_4-.Ltmp6, $4  }
0xd3: {  	s13 =	sshrl.u32 s13, $0x3  }
0xd4: {  	s13 =	sadd.s32 s6, s13  }
0xd5: {  	s10 =	sadd.s32 $0x1, s10;
	s13 =	sadd.s32 $0x2EE0, s13  }
0xd6: {  	[tilespmem:s29], [sflag:$0x2] =	stream.strided.gather [hbm4b:s13+s25], $0x3E80, s26, s25, $0x38;
	[tilespmem:$0x1E880] =	vst v63  }
.LBB2_14:
0xd7: {  	[tilespmem:s20], [sflag:$0x1] =	stream.strided.gather [hbm4b:s1+s25], $0x3E80, s26, s25, $0x38;
	[tilespmem:$0x1E880] =	vst v63  }
0xd8: {  	s10 =	rddreg [dreg:$0x6]  }
0xd9: {  	[tilespmem:s29], [sflag:$0x2] =	stream.strided.gather [hbm4b:s10+s25], $0x3E80, s26, s25, $0x38;
	[tilespmem:$0x1E880] =	vst v63  }
0xda: {  	v2 =	vimm.s32 $0x7FFFFFFF;
	s10 =	simm.s32 $0x0  }
.LBB2_15:
0xdb: {  	_ =	swait.ge [sflag:s30], $0x3E80  }
0xdc: {  	[sflag:s30] =	ssyncset.done $0x0  }
0xdd: {  	s13 =	simm.s32 $0x112C0;
	[sflag:s30] =	ssyncadd.s32 $0xFFFFC180  }
0xde: {  	v4 =	vld [tilespmem:s13+$0x10]  }
0xdf: {  	v5 =	vld [tilespmem:s13+$0xFFFFFFC0]  }
0xe0: {  	v8 =	vld [tilespmem:s13+$0x30]  }
0xe1: {  	v7 =	vld [tilespmem:s13+$0xFFFFFFD0]  }
0xe2: {  	v10 =	vld [tilespmem:s13+$0xFFFFFFE0]  }
0xe3: {  	v11 =	vld [tilespmem:s13+$0x0]  }
0xe4: {  	v12 =	vld [tilespmem:s13+$0xFFFFFFF0]  }
0xe5: {  	s14 =	simm.s32 $0x11340;
	v13 =	vld [tilespmem:s13+$0x20]  }
0xe6: {  	v9 =	vld [tilespmem:s14+$0x10]  }
0xe7: {  	v3 =	vld [tilespmem:s14+$0xFFFFFFC0]  }
0xe8: {  	v6 =	vld [tilespmem:s14+$0x30];
	vm0 =	vlt.s32 v7, v4  }
0xe9: {  	v14 =	vsel vm0, v7, v4;
	v4 =	vld [tilespmem:s14+$0xFFFFFFD0]  }
0xea: {  	vm13 =	vlt.s32 v5, v11;
	vm1 =	vlt.s32 v12, v8;
	vm2 =	vlt.s32 v10, v13;
	v7 =	vld [tilespmem:s14+$0xFFFFFFE0]  }
0xeb: {  	v15 =	vsel vm13, v5, v11;
	v11 =	vsel vm1, v12, v8;
	v5 =	vld [tilespmem:s14+$0x0];
	v12 =	vsel vm2, v10, v13  }
0xec: {  	v8 =	vld [tilespmem:s14+$0xFFFFFFF0];
	vm14 =	vlt.s32 v14, v11;
	vm15 =	vlt.s32 v15, v12  }
0xed: {  	s13 =	simm.s32 $0x8;
	v10 =	vld [tilespmem:s14+$0x20];
	s14 =	simm.s32 $0x113C0;
	v11 =	vsel vm14, v14, v11;
	v12 =	vsel vm15, v15, v12  }
.LBB2_16:
0xee: {  	v13 =	vld [tilespmem:s14+$0x10];
	s13 =	sadd.s32 $0x8, s13;
	vm0 =	vlt.s32 v12, v11  }
0xef: {  	vm1 =	vlt.s32 v4, v9;
	v14 =	vld [tilespmem:s14+$0xFFFFFFC0];
	p0 =	slt.u32 s13, $0x3E0;
	v11 =	vsel vm0, v12, v11;
	v12 =	vmov v7  }
0xf0: {  	v16 =	vsel vm1, v4, v9;
	v15 =	vld [tilespmem:s14+$0x30];
	vm0 =	vlt.s32 v2, v11  }
.Ltmp7:
0xf1: {  	vm1 =	vlt.s32 v3, v5;
	v4 =	vld [tilespmem:s14+$0xFFFFFFD0];
	vm2 =	vlt.s32 v8, v6;
	v2 =	vsel vm0, v2, v11;
	(pc) =	sbr.rel @p0 .LBB2_16-.Ltmp7, $4  }
0xf2: {  	v17 =	vsel vm1, v3, v5;
	v7 =	vld [tilespmem:s14+$0xFFFFFFE0];
	vm0 =	vlt.s32 v12, v10;
	v18 =	vsel vm2, v8, v6  }
0xf3: {  	v5 =	vld [tilespmem:s14+$0x0];
	v19 =	vsel vm0, v12, v10;
	vm0 =	vlt.s32 v16, v18;
	v9 =	vmov v13  }
0xf4: {  	v8 =	vld [tilespmem:s14+$0xFFFFFFF0];
	vm1 =	vlt.s32 v17, v19;
	v11 =	vsel vm0, v16, v18;
	v3 =	vmov v14  }
0xf5: {  	v10 =	vld [tilespmem:s14+$0x20];
	s14 =	sadd.s32 $0x80, s14;
	v12 =	vsel vm1, v17, v19;
	v6 =	vmov v15  }
0xf6: {  	p0 =	seq.s32 s10, $0x9  }
0xf7: {  	s13 =	smul.u32 @!p0 $0xFA00, s10;
	_ =	sdelay $0x1  }
0xf8: {  	s13 =	sshrl.u32 @!p0 s13, $0x3  }
0xf9: {  	s14 =	simm.s32 @!p0 $0x80;
	s13 =	sadd.s32 @!p0 s1, s13  }
0xfa: {  	s17 =	simm.s32 @!p0 $0x100;
	s18 =	simm.s32 @!p0 $0x11280;
	s13 =	sadd.s32 @!p0 $0x1F40, s13  }
0xfb: {  	[tilespmem:s18], [sflag:$0x1] =	stream.strided.gather @!p0 [hbm4b:s13+s14], $0x3E80, s17, s14, $0x38;
	[tilespmem:$0x1E880] =	vst v63  }
0xfc: {  	_ =	swait.ge [sflag:s2], $0x3E80  }
0xfd: {  	[sflag:s2] =	ssyncset.done $0x0  }
0xfe: {  	s19 =	simm.s32 $0x15140;
	[sflag:s2] =	ssyncadd.s32 $0xFFFFC180  }
0xff: {  	v13 =	vld [tilespmem:s19+$0x10]  }
0x100: {  	v14 =	vld [tilespmem:s19+$0xFFFFFFC0]  }
0x101: {  	v15 =	vld [tilespmem:s19+$0x30]  }
0x102: {  	v16 =	vld [tilespmem:s19+$0xFFFFFFD0]  }
0x103: {  	vm0 =	vlt.s32 v4, v9;
	v17 =	vld [tilespmem:s19+$0xFFFFFFE0]  }
0x104: {  	vm10 =	vlt.s32 v12, v11;
	v4 =	vsel vm0, v4, v9;
	v9 =	vld [tilespmem:s19+$0x0]  }
0x105: {  	vm9 =	vlt.s32 v3, v5;
	vm1 =	vlt.s32 v8, v6;
	vm2 =	vlt.s32 v7, v10;
	v18 =	vld [tilespmem:s19+$0xFFFFFFF0]  }
0x106: {  	s28 =	simm.s32 $0x151C0;
	v3 =	vsel vm9, v3, v5;
	v6 =	vsel vm1, v8, v6;
	v7 =	vsel vm2, v7, v10;
	v10 =	vld [tilespmem:s19+$0x20]  }
0x107: {  	v8 =	vsel vm10, v12, v11;
	vm1 =	vlt.s32 v4, v6;
	vm2 =	vlt.s32 v3, v7;
	v5 =	vld [tilespmem:s28+$0x10]  }
0x108: {  	vm0 =	vlt.s32 v2, v8;
	v4 =	vsel vm1, v4, v6;
	v7 =	vsel vm2, v3, v7;
	v3 =	vld [tilespmem:s28+$0xFFFFFFC0]  }
0x109: {  	v2 =	vsel vm0, v2, v8;
	vm1 =	vlt.s32 v7, v4;
	v6 =	vld [tilespmem:s28+$0x30]  }
0x10a: {  	v11 =	vsel vm1, v7, v4;
	v4 =	vld [tilespmem:s28+$0xFFFFFFD0];
	vm11 =	vlt.s32 v16, v13;
	vm12 =	vlt.s32 v14, v9  }
0x10b: {  	v8 =	vld [tilespmem:s28+$0xFFFFFFE0];
	vm13 =	vlt.s32 v18, v15;
	vm14 =	vlt.s32 v17, v10;
	v12 =	vsel vm11, v16, v13  }
0x10c: {  	v7 =	vld [tilespmem:s28+$0x0];
	v13 =	vsel vm12, v14, v9;
	v14 =	vsel vm13, v18, v15;
	v15 =	vsel vm14, v17, v10  }
0x10d: {  	vm15 =	vlt.s32 v2, v11;
	v9 =	vld [tilespmem:s28+$0xFFFFFFF0];
	vm1 =	vlt.s32 v12, v14;
	vm2 =	vlt.s32 v13, v15  }
0x10e: {  	s13 =	simm.s32 $0x8;
	s14 =	simm.s32 $0x15240;
	v2 =	vsel vm15, v2, v11;
	v10 =	vld [tilespmem:s28+$0x20];
	v11 =	vsel vm1, v12, v14;
	v12 =	vsel vm2, v13, v15  }
.LBB2_18:
0x10f: {  	v13 =	vld [tilespmem:s14+$0x10];
	s13 =	sadd.s32 $0x8, s13;
	vm0 =	vlt.s32 v12, v11  }
0x110: {  	vm1 =	vlt.s32 v4, v5;
	v14 =	vld [tilespmem:s14+$0xFFFFFFC0];
	p1 =	slt.u32 s13, $0x3E0;
	v11 =	vsel vm0, v12, v11;
	v12 =	vmov v8  }
0x111: {  	v16 =	vsel vm1, v4, v5;
	v15 =	vld [tilespmem:s14+$0x30];
	vm0 =	vlt.s32 v2, v11  }
.Ltmp8:
0x112: {  	vm1 =	vlt.s32 v3, v7;
	v4 =	vld [tilespmem:s14+$0xFFFFFFD0];
	vm2 =	vlt.s32 v9, v6;
	v2 =	vsel vm0, v2, v11;
	(pc) =	sbr.rel @p1 .LBB2_18-.Ltmp8, $4  }
0x113: {  	v17 =	vsel vm1, v3, v7;
	v8 =	vld [tilespmem:s14+$0xFFFFFFE0];
	vm0 =	vlt.s32 v12, v10;
	v18 =	vsel vm2, v9, v6  }
0x114: {  	v7 =	vld [tilespmem:s14+$0x0];
	v19 =	vsel vm0, v12, v10;
	vm0 =	vlt.s32 v16, v18;
	v5 =	vmov v13  }
0x115: {  	v9 =	vld [tilespmem:s14+$0xFFFFFFF0];
	vm1 =	vlt.s32 v17, v19;
	v11 =	vsel vm0, v16, v18;
	v3 =	vmov v14  }
0x116: {  	v10 =	vld [tilespmem:s14+$0x20];
	s14 =	sadd.s32 $0x80, s14;
	v12 =	vsel vm1, v17, v19;
	v6 =	vmov v15  }
0x117: {  	_ =	sdelay $0x1  }
0x118: {  	vm0 =	vlt.s32 v4, v5  }
0x119: {  	v4 =	vsel vm0, v4, v5  }
0x11a: {  	vm14 =	vlt.s32 v3, v7;
	vm1 =	vlt.s32 v9, v6;
	vm2 =	vlt.s32 v8, v10  }
0x11b: {  	v3 =	vsel vm14, v3, v7;
	v61 =	vsel vm1, v9, v6;
	v62 =	vsel vm2, v8, v10  }
0x11c: {  	vm15 =	vlt.s32 v12, v11;
	vm1 =	vlt.s32 v4, v61;
	vm2 =	vlt.s32 v3, v62  }
.Ltmp9:
0x11d: {  	v63 =	vsel vm15, v12, v11;
	v4 =	vsel vm1, v4, v61;
	v3 =	vsel vm2, v3, v62;
	(pc) =	sbr.rel @p0 .LBB2_20-.Ltmp9, $4  }
0x11e: {  	vm0 =	vlt.s32 v2, v63;
	vm1 =	vlt.s32 v3, v4  }
0x11f: {  	v2 =	vsel vm0, v2, v63;
	v3 =	vsel vm1, v3, v4  }
0x120: {  	vm0 =	vlt.s32 v2, v3  }
0x121: {  	v2 =	vsel vm0, v2, v3  }
0x122: {  	s13 =	smul.u32 $0xFA00, s10  }
.Ltmp10:
0x123: {  	_ = 	snop;
	(pc) =	sbr.rel .LBB2_15-.Ltmp10, $4  }
0x124: {  	s13 =	sshrl.u32 s13, $0x3  }
0x125: {  	s13 =	sadd.s32 s1, s13  }
0x126: {  	s10 =	sadd.s32 $0x1, s10;
	s13 =	sadd.s32 $0x2EE0, s13  }
0x127: {  	[tilespmem:s29], [sflag:$0x2] =	stream.strided.gather [hbm4b:s13+s25], $0x3E80, s26, s25, $0x38;
	[tilespmem:$0x1E880] =	vst v63  }
.LBB2_20:
0x128: {  	s10 =	simm.s32 $0xEB20  }
0x129: {  	v5 =	vld [tilespmem:s10+$0x20]  }
0x12a: {  	v3 =	vld [tilespmem:s10+$0xFFFFFFF0]  }
0x12b: {  	v4 =	vld [tilespmem:s10+$0x0]  }
0x12c: {  	v6 =	vld [tilespmem:s10+$0x10]  }
0x12d: {  	v7 =	vld [tilespmem:s10+$0xFFFFFFE0]  }
0x12e: {  	v8 =	vshra.s32 v5, $0x1  }
0x12f: {  	v9 =	vmul.f32 $-5.000000000e-01, v5;
	v10 =	vshra.s32 v3, $0x1;
	v11 =	vmul.f32 $-5.000000000e-01, v3  }
0x130: {  	v12 =	vshra.s32 v4, $0x1;
	v13 =	vmul.f32 $-5.000000000e-01, v4;
	v8 =	vsub.s32 $0x5F3759DF, v8  }
0x131: {  	v15 =	vshra.s32 v6, $0x1;
	v16 =	vmul.f32 $-5.000000000e-01, v6;
	v14 =	vmul.f32 v8, v9  }
0x132: {  	v17 =	vshra.s32 v7, $0x1;
	v18 =	vmul.f32 $-5.000000000e-01, v7;
	v10 =	vsub.s32 $0x5F3759DF, v10  }
0x133: {  	v17 =	vsub.s32 $0x5F3759DF, v17;
	v12 =	vsub.s32 $0x5F3759DF, v12;
	v14 =	vmul.f32 v8, v14  }
0x134: {  	v15 =	vsub.s32 $0x5F3759DF, v15;
	v19 =	vmul.f32 v17, v18;
	v21 =	vmul.f32 v12, v13  }
0x135: {  	v20 =	vmul.f32 v10, v11;
	v22 =	vmul.f32 v15, v16;
	v14 =	vadd.f32 $1.500000000e+00, v14  }
0x136: {  	v19 =	vmul.f32 v17, v19;
	v46 =	vmul.f32 v12, v21  }
0x137: {  	v8 =	vmul.f32 v8, v14;
	v14 =	vmul.f32 v10, v20  }
0x138: {  	v47 =	vmul.f32 v15, v22;
	v19 =	vadd.f32 $1.500000000e+00, v19;
	v20 =	vadd.f32 $1.500000000e+00, v46  }
0x139: {  	v48 =	vmul.f32 v8, v9;
	v14 =	vadd.f32 $1.500000000e+00, v14  }
0x13a: {  	v17 =	vmul.f32 v17, v19;
	v19 =	vadd.f32 $1.500000000e+00, v47;
	v12 =	vmul.f32 v12, v20  }
0x13b: {  	v49 =	vmul.f32 v48, v8;
	v10 =	vmul.f32 v10, v14  }
0x13c: {  	vm0 =	vgt.f32 v7, $0.0e+00;
	v15 =	vmul.f32 v15, v19;
	v14 =	vmul.f32 v17, v18  }
0x13d: {  	v51 =	vmul.f32 v12, v13;
	v19 =	vadd.f32 $1.500000000e+00, v49;
	v50 =	vmul.f32 v10, v11  }
0x13e: {  	vm1 =	vgt.f32 v3, $0.0e+00;
	v52 =	vmul.f32 v15, v16;
	v14 =	vmul.f32 v14, v17  }
0x13f: {  	vm4 =	vgt.f32 v4, $0.0e+00;
	v8 =	vmul.f32 v19, v8;
	v19 =	vmul.f32 v50, v10  }
0x140: {  	vm5 =	vgt.f32 v6, $0.0e+00;
	v3 =	vadd.f32 $1.500000000e+00, v14;
	v14 =	vmul.f32 v52, v15  }
0x141: {  	v7 =	vmul.f32 v51, v12;
	v9 =	vmul.f32 v8, v9;
	v19 =	vadd.f32 $1.500000000e+00, v19  }
0x142: {  	s13 =	simm.s32 $0xEB70;
	vm2 =	vmmov vm0;
	v17 =	vmul.f32 v3, v17;
	v3 =	vadd.f32 $1.500000000e+00, v14  }
0x143: {  	v4 =	vld [tilespmem:s13+$0x20];
	v7 =	vadd.f32 $1.500000000e+00, v7;
	v9 =	vmul.f32 v9, v8;
	v14 =	vmul.f32 v19, v10  }
0x144: {  	vm3 =	vmmov vm1;
	v6 =	vmul.f32 v17, v18;
	v3 =	vmul.f32 v3, v15  }
0x145: {  	v12 =	vmul.f32 v7, v12;
	v7 =	vadd.f32 $1.500000000e+00, v9;
	v9 =	vmul.f32 v14, v11  }
0x146: {  	vm1 =	vgt.f32 v5, $0.0e+00;
	v11 =	vld [tilespmem:s13+$0xFFFFFFF0];
	v10 =	vmul.f32 v3, v16;
	v5 =	vmul.f32 v6, v17  }
0x147: {  	vm0 =	vmmov vm4;
	v16 =	vld [tilespmem:s13+$0x10];
	v7 =	vmul.f32 v7, v8;
	v8 =	vmul.f32 v12, v13  }
0x148: {  	v19 =	vmul.f32 $-5.000000000e-01, v4;
	v13 =	vld [tilespmem:s13+$0x0];
	v6 =	vmul.f32 v9, v14;
	v53 =	vadd.f32 $1.500000000e+00, v5  }
0x149: {  	v9 =	vld [tilespmem:s13+$0xFFFFFFE0];
	v18 =	vmul.f32 v10, v3;
	v15 =	vnsel vm1, $0x0, v7;
	v7 =	vmul.f32 v8, v12  }
0x14a: {  	v8 =	vshra.s32 v4, $0x1;
	v6 =	vadd.f32 $1.500000000e+00, v6;
	v17 =	vmul.f32 v53, v17  }
0x14b: {  	v54 =	vsub.s32 $0x5F3759DF, v8;
	v10 =	vshra.s32 v11, $0x1;
	v8 =	vmul.f32 $-5.000000000e-01, v11  }
0x14c: {  	v27 =	vshra.s32 v16, $0x1;
	v55 =	vmul.f32 v54, v19;
	v24 =	vsub.s32 $0x5F3759DF, v10  }
0x14d: {  	v10 =	vmul.f32 $-5.000000000e-01, v16;
	v27 =	vsub.s32 $0x5F3759DF, v27;
	v23 =	vshra.s32 v13, $0x1  }
0x14e: {  	v5 =	vmul.f32 $-5.000000000e-01, v13;
	v25 =	vshra.s32 v9, $0x1;
	v22 =	vmul.f32 v54, v55  }
0x14f: {  	v26 =	vmul.f32 $-5.000000000e-01, v9;
	v29 =	vmul.f32 v24, v8;
	v25 =	vsub.s32 $0x5F3759DF, v25  }
0x150: {  	v23 =	vsub.s32 $0x5F3759DF, v23;
	v56 =	vmul.f32 v27, v10;
	v22 =	vadd.f32 $1.500000000e+00, v22  }
0x151: {  	v31 =	vadd.f32 $1.500000000e+00, v7;
	v28 =	vmul.f32 v25, v26;
	v30 =	vmul.f32 v23, v5  }
0x152: {  	v7 =	vadd.f32 $1.500000000e+00, v18;
	v29 =	vmul.f32 v24, v29;
	v21 =	vmul.f32 v54, v22  }
0x153: {  	vm7 =	vgt.f32 v9, $0.0e+00;
	v28 =	vmul.f32 v25, v28;
	v18 =	vmul.f32 v23, v30  }
0x154: {  	v9 =	vadd.f32 $1.500000000e+00, v29;
	v22 =	vmul.f32 v27, v56;
	v57 =	vmul.f32 v21, v19  }
0x155: {  	v62 =	vmul.f32 v6, v14;
	v28 =	vadd.f32 $1.500000000e+00, v28;
	v18 =	vadd.f32 $1.500000000e+00, v18  }
0x156: {  	v9 =	vmul.f32 v24, v9;
	v22 =	vadd.f32 $1.500000000e+00, v22;
	v20 =	vmul.f32 v57, v21  }
0x157: {  	vm1 =	vmmov vm5;
	v25 =	vmul.f32 v25, v28;
	v18 =	vmul.f32 v23, v18  }
0x158: {  	v58 =	vmul.f32 v9, v8;
	v22 =	vmul.f32 v27, v22;
	v20 =	vadd.f32 $1.500000000e+00, v20  }
0x159: {  	vm5 =	vgt.f32 v11, $0.0e+00;
	v11 =	vmul.f32 v25, v26;
	v59 =	vmul.f32 v18, v5  }
0x15a: {  	vm6 =	vgt.f32 v13, $0.0e+00;
	v60 =	vmul.f32 v58, v9;
	v13 =	vmul.f32 v20, v21  }
0x15b: {  	vm4 =	vgt.f32 v16, $0.0e+00;
	v16 =	vmul.f32 v22, v10;
	v11 =	vmul.f32 v11, v25  }
0x15c: {  	v17 =	vnsel vm2, $0x0, v17;
	v61 =	vmul.f32 v59, v18;
	v19 =	vmul.f32 v13, v19  }
0x15d: {  	vm2 =	vmmov vm7;
	v16 =	vmul.f32 v16, v22;
	v11 =	vadd.f32 $1.500000000e+00, v11  }
0x15e: {  	v20 =	vadd.f32 $1.500000000e+00, v60;
	v21 =	vadd.f32 $1.500000000e+00, v61;
	v19 =	vmul.f32 v19, v13  }
0x15f: {  	[tilespmem:s10+$0x20] =	vst v15;
	v15 =	vmul.f32 v31, v12;
	v63 =	vadd.f32 $1.500000000e+00, v16;
	v11 =	vmul.f32 v11, v25  }
0x160: {  	v9 =	vmul.f32 v20, v9;
	v6 =	vmul.f32 v21, v18;
	v16 =	vadd.f32 $1.500000000e+00, v19  }
0x161: {  	s14 =	simm.s32 $0x5;
	s18 =	simm.s32 $0xEBC0;
	[tilespmem:s10+$0xFFFFFFE0] =	vst v17;
	v17 =	vnsel vm3, $0x0, v62;
	v12 =	vmul.f32 v63, v22;
	v14 =	vmul.f32 v11, v26  }
.LBB2_21:
0x162: {  	v8 =	vmul.f32 v9, v8;
	v13 =	vmul.f32 v16, v13;
	v15 =	vnsel vm0, $0x0, v15  }
0x163: {  	v18 =	vld [tilespmem:s18+$0x20];
	s14 =	sadd.s32 $0x5, s14;
	[tilespmem:s10+$0xFFFFFFF0] =	vst v17;
	vm3 =	vmmov vm5;
	vm0 =	vmmov vm6;
	vm7 =	vmmov vm1  }
0x164: {  	v5 =	vmul.f32 v6, v5;
	vm1 =	vgt.f32 v4, $0.0e+00;
	v16 =	vld [tilespmem:s18+$0xFFFFFFF0];
	p0 =	slt.u32 s14, $0x26C;
	v10 =	vmul.f32 v12, v10;
	[tilespmem:s10+$0x0] =	vst v15  }
0x165: {  	v23 =	vmul.f32 v14, v11;
	v15 =	vld [tilespmem:s18+$0x0];
	v8 =	vmul.f32 v8, v9;
	v13 =	vnsel vm1, $0x0, v13  }
0x166: {  	v5 =	vmul.f32 v5, v6;
	vm1 =	vmmov vm4;
	v14 =	vld [tilespmem:s18+$0x10];
	v17 =	vmul.f32 v10, v12;
	[tilespmem:s13+$0x20] =	vst v13  }
0x167: {  	v21 =	vmul.f32 v7, v3;
	v3 =	vmovc v12;
	v19 =	vadd.f32 $1.500000000e+00, v23;
	v13 =	vld [tilespmem:s18+$0xFFFFFFE0];
	v20 =	vadd.f32 $1.500000000e+00, v8  }
0x168: {  	v22 =	vadd.f32 $1.500000000e+00, v5;
	v7 =	vshra.s32 v18, $0x1;
	v12 =	vmul.f32 $-5.000000000e-01, v18;
	v4 =	vmovc v18  }
0x169: {  	v10 =	vshra.s32 v16, $0x1;
	v8 =	vmul.f32 $-5.000000000e-01, v16;
	v18 =	vsub.s32 $0x5F3759DF, v7  }
0x16a: {  	v7 =	vshra.s32 v15, $0x1;
	v5 =	vmul.f32 $-5.000000000e-01, v15;
	v23 =	vmul.f32 v18, v12  }
0x16b: {  	v24 =	vsub.s32 $0x5F3759DF, v10;
	v25 =	vshra.s32 v14, $0x1;
	v10 =	vmul.f32 $-5.000000000e-01, v14  }
0x16c: {  	v26 =	vshra.s32 v13, $0x1;
	v27 =	vmul.f32 $-5.000000000e-01, v13;
	v23 =	vmul.f32 v18, v23  }
0x16d: {  	v28 =	vsub.s32 $0x5F3759DF, v7;
	v25 =	vsub.s32 $0x5F3759DF, v25;
	v26 =	vsub.s32 $0x5F3759DF, v26  }
0x16e: {  	v30 =	vmul.f32 v24, v8;
	v29 =	vmul.f32 v26, v27;
	v23 =	vadd.f32 $1.500000000e+00, v23  }
0x16f: {  	v7 =	vadd.f32 $1.500000000e+00, v17;
	v31 =	vmul.f32 v28, v5;
	v32 =	vmul.f32 v25, v10  }
0x170: {  	vm8 =	vgt.f32 v13, $0.0e+00;
	v17 =	vmul.f32 v26, v29;
	v13 =	vmul.f32 v18, v23  }
0x171: {  	vm5 =	vgt.f32 v16, $0.0e+00;
	v16 =	vmul.f32 v28, v31;
	v18 =	vmul.f32 v24, v30  }
0x172: {  	v23 =	vmul.f32 v25, v32;
	v17 =	vadd.f32 $1.500000000e+00, v17;
	v29 =	vmul.f32 v13, v12  }
0x173: {  	v11 =	vmul.f32 v19, v11;
	v16 =	vadd.f32 $1.500000000e+00, v16;
	v18 =	vadd.f32 $1.500000000e+00, v18  }
0x174: {  	v19 =	vadd.f32 $1.500000000e+00, v23;
	v17 =	vmul.f32 v26, v17;
	v23 =	vmul.f32 v29, v13  }
0x175: {  	vm6 =	vgt.f32 v15, $0.0e+00;
	v18 =	vmul.f32 v24, v18;
	v24 =	vmul.f32 v28, v16  }
0x176: {  	v19 =	vmul.f32 v25, v19;
	v15 =	vmul.f32 v17, v27;
	v16 =	vadd.f32 $1.500000000e+00, v23  }
0x177: {  	vm4 =	vgt.f32 v14, $0.0e+00;
	v23 =	vmul.f32 v18, v8;
	v25 =	vmul.f32 v24, v5  }
0x178: {  	v11 =	vnsel vm2, $0x0, v11;
	v14 =	vmul.f32 v19, v10;
	v13 =	vmul.f32 v16, v13  }
0x179: {  	v15 =	vmul.f32 v15, v17;
	v16 =	vmul.f32 v23, v18;
	[tilespmem:s13+$0xFFFFFFE0] =	vst v11;
	v11 =	vnsel vm7, $0x0, v21  }
0x17a: {  	vm2 =	vmmov vm8;
	v21 =	vmul.f32 v25, v24;
	v12 =	vmul.f32 v13, v12;
	[tilespmem:s10+$0x10] =	vst v11;
	s10 =	smov.u32 s13;
	s13 =	smov.u32 s18  }
.Ltmp11:
0x17b: {  	v14 =	vmul.f32 v14, v19;
	v11 =	vadd.f32 $1.500000000e+00, v15;
	v15 =	vadd.f32 $1.500000000e+00, v16;
	(pc) =	sbr.rel @p0 .LBB2_21-.Ltmp11, $4  }
0x17c: {  	v20 =	vmul.f32 v20, v9;
	v21 =	vadd.f32 $1.500000000e+00, v21;
	v12 =	vmul.f32 v12, v13  }
0x17d: {  	v11 =	vmul.f32 v11, v17;
	v9 =	vmul.f32 v15, v18;
	v17 =	vadd.f32 $1.500000000e+00, v14  }
0x17e: {  	v15 =	vmul.f32 v22, v6;
	v6 =	vmul.f32 v21, v24;
	v16 =	vadd.f32 $1.500000000e+00, v12  }
0x17f: {  	s18 =	sadd.s32 $0x50, s18;
	v14 =	vmul.f32 v11, v27;
	v12 =	vmul.f32 v17, v19;
	v17 =	vnsel vm3, $0x0, v20  }
0x180: {  	v8 =	vmul.f32 v9, v8  }
0x181: {  	v5 =	vmul.f32 v6, v5  }
0x182: {  	v13 =	vmul.f32 v16, v13;
	v8 =	vmul.f32 v8, v9  }
0x183: {  	vm12 =	vmmov vm5;
	vm1 =	vmmov vm1;
	v59 =	vmul.f32 v5, v6  }
0x184: {  	vm3 =	vgt.f32 v4, $0.0e+00;
	v10 =	vmul.f32 v12, v10;
	v8 =	vadd.f32 $1.500000000e+00, v8  }
0x185: {  	v2 =	vxor.u32 $0x80000000, v2;
	v3 =	vmul.f32 v7, v3;
	v4 =	vadd.f32 $1.500000000e+00, v59  }
0x186: {  	(xrf0) =	vmin.scan.msk.u32 $0xffff, v2;
	v2 =	vnsel vm3, $0x0, v13;
	v60 =	vmul.f32 v10, v12;
	v63 =	vmul.f32 v8, v9  }
0x187: {  	v14 =	vmul.f32 v14, v11;
	v3 =	vnsel vm1, $0x0, v3;
	[tilespmem:s13+$0x20] =	vst v2;
	v4 =	vmul.f32 v4, v6  }
0x188: {  	vm13 =	vmmov vm6;
	[tilespmem:s10+$0x10] =	vst v3;
	v2 =	vadd.f32 $1.500000000e+00, v60;
	v3 =	vnsel vm12, $0x0, v63  }
0x189: {  	v14 =	vadd.f32 $1.500000000e+00, v14;
	[tilespmem:s13+$0xFFFFFFF0] =	vst v3;
	v3 =	vnsel vm13, $0x0, v4  }
0x18a: {  	v15 =	vnsel vm0, $0x0, v15;
	[tilespmem:s10+$0xFFFFFFF0] =	vst v17;
	vm14 =	vmmov vm4;
	v2 =	vmul.f32 v2, v12  }
0x18b: {  	[tilespmem:s10+$0x0] =	vst v15;
	vm15 =	vmmov vm14;
	v61 =	vmul.f32 v14, v11  }
0x18c: {  	v2 =	vnsel vm15, $0x0, v2;
	[tilespmem:s13+$0x0] =	vst v3;
	v3, _, _ =	vpop (xrf0)  }
0x18d: {  	v62 =	vnsel vm2, $0x0, v61;
	[tilespmem:s13+$0x10] =	vst v2;
	v2 =	vbroadcast v3, $0xF  }
0x18e: {  	s10 =	simm.s32 $0x0;
	[tilespmem:s13+$0xFFFFFFE0] =	vst v62  }
.LBB2_23:
0x18f: {  	s13 =	rddreg [dreg:$0x5]  }
0x190: {  	s13 =	sadd.s32 s13, s10  }
0x191: {  	s13 =	smul.u32 $0x1400, s13;
	_ =	sdelay $0x1  }
0x192: {  	s14 =	sshrl.u32 s13, $0x3  }
0x193: {  	s17 =	sadd.s32 s1, s14  }
0x194: {  	[tilespmem:s20], [sflag:$0x5] =	stream.strided.gather [hbm4b:s17+s25], $0xA00, s26, s25, $0x38;
	[tilespmem:$0x1E880] =	vst v63  }
0x195: {  	_ =	swait.ge [sflag:s0], $0xA00  }
0x196: {  	[sflag:s0] =	ssyncset.done $0x0  }
0x197: {  	s14 =	sadd.s32 s14, s6;
	[sflag:s0] =	ssyncadd.s32 $0xFFFFF600  }
0x198: {  	[tilespmem:s29], [sflag:$0x5] =	stream.strided.gather [hbm4b:s14+s25], $0xA00, s26, s25, $0x38;
	[tilespmem:$0x1E880] =	vst v63  }
0x199: {  	_ =	swait.ge [sflag:s0], $0xA00  }
0x19a: {  	[sflag:s0] =	ssyncset.done $0x0  }
0x19b: {  	s28 =	simm.s32 $0x112A0;
	[sflag:s0] =	ssyncadd.s32 $0xFFFFF600  }
0x19c: {  	v5 =	vld [tilespmem:s28+$0x10]  }
0x19d: {  	s17 =	simm.s32 $0x15120;
	v7 =	vld [tilespmem:s28+$0xFFFFFFF0]  }
0x19e: {  	v9 =	vld [tilespmem:s17+$0x10]  }
0x19f: {  	v4 =	vld [tilespmem:s28+$0x0]  }
0x1a0: {  	v6 =	vld [tilespmem:s28+$0xFFFFFFE0]  }
0x1a1: {  	v3 =	vld [tilespmem:s17+$0xFFFFFFE0];
	v8 =	vsub.s32 v5, v2  }
0x1a2: {  	v7 =	vsub.s32 v7, v2;
	v5 =	vld [tilespmem:s17+$0xFFFFFFF0];
	v10 =	vshll.u32 v8, $0x10  }
0x1a3: {  	s18 =	simm.s32 $0x0;
	s19 =	simm.s32 $0x112E0;
	s14 =	simm.s32 $0x18FA0;
	v8 =	vshll.u32 v7, $0x10;
	v7 =	vld [tilespmem:s17+$0x0];
	v9 =	vor.u32 v9, v10  }
.LBB2_24:
0x1a4: {  	v10 =	vld [tilespmem:s19+$0x10];
	s18 =	sadd.s32 $0x4, s18;
	v4 =	vsub.s32 v4, v2;
	[tilespmem:s14+$0x10] =	vst v9  }
0x1a5: {  	s17 =	sadd.s32 $0x40, s17;
	v9 =	vld [tilespmem:s19+$0xFFFFFFF0];
	p0 =	slt.u32 s18, $0x9C;
	v6 =	vsub.s32 v6, v2;
	v11 =	vshll.u32 v4, $0x10  }
0x1a6: {  	v12 =	vld [tilespmem:s17+$0x10];
	v6 =	vshll.u32 v6, $0x10  }
.Ltmp12:
0x1a7: {  	v4 =	vld [tilespmem:s19+$0x0];
	v3 =	vor.u32 v3, v6;
	v5 =	vor.u32 v5, v8;
	(pc) =	sbr.rel @p0 .LBB2_24-.Ltmp12, $4  }
0x1a8: {  	v6 =	vld [tilespmem:s19+$0xFFFFFFE0];
	[tilespmem:s14+$0xFFFFFFE0] =	vst v3;
	v7 =	vor.u32 v7, v11  }
0x1a9: {  	v3 =	vld [tilespmem:s17+$0xFFFFFFE0];
	v8 =	vsub.s32 v10, v2;
	[tilespmem:s14+$0xFFFFFFF0] =	vst v5  }
0x1aa: {  	v9 =	vsub.s32 v9, v2;
	v5 =	vld [tilespmem:s17+$0xFFFFFFF0];
	v10 =	vshll.u32 v8, $0x10;
	[tilespmem:s14+$0x0] =	vst v7  }
0x1ab: {  	s19 =	sadd.s32 $0x40, s19;
	s14 =	sadd.s32 $0x40, s14;
	v8 =	vshll.u32 v9, $0x10;
	v7 =	vld [tilespmem:s17+$0x0];
	v9 =	vor.u32 v12, v10  }
0x1ac: {  	_ = 	snop  }
0x1ad: {  	v6 =	vsub.s32 v6, v2  }
0x1ae: {  	v6 =	vshll.u32 v6, $0x10  }
0x1af: {  	[tilespmem:s14+$0x10] =	vst v9;
	v3 =	vor.u32 v3, v6  }
0x1b0: {  	[tilespmem:s14+$0xFFFFFFE0] =	vst v3  }
0x1b1: {  	v4 =	vsub.s32 v4, v2;
	s17 =	rddreg [dreg:$0x3]  }
0x1b2: {  	v4 =	vshll.u32 v4, $0x10;
	v5 =	vor.u32 v5, v8;
	s13 =	sor.u32 s17, s13  }
0x1b3: {  	v3 =	vor.u32 v7, v4;
	[tilespmem:s14+$0xFFFFFFF0] =	vst v5;
	s13 =	sshrl.u32 s13, $0x3  }
0x1b4: {  	s19 =	simm.s32 $0x18F80;
	[tilespmem:s14+$0x0] =	vst v3;
	s13 =	sadd.s32 s5, s13  }
0x1b5: {  	[hbm4b:s13+s25] =	stream.strided.scatter [tilespmem:s19], [sflag:$0x5], $0xA00, s26, s25, $0x38;
	[tilespmem:$0x1E880] =	vst v63  }
0x1b6: {  	_ =	swait.ge [sflag:s0], $0xA00  }
0x1b7: {  	s10 =	sadd.s32 $0x1, s10;
	s28 =	rddreg [dreg:$0x7]  }
0x1b8: {  	p0 =	sne.s32 s10, s28  }
.Ltmp13:
0x1b9: {  	_ = 	snop;
	(pc) =	sbr.rel @p0 .LBB2_23-.Ltmp13, $3  }
0x1ba: {  	_ =	sdelay $0x1  }
0x1bb: {  	[sflag:s0] =	ssyncset.done $0x0  }
0x1bc: {  	[sflag:s0] =	ssyncadd.s32 $0xFFFFF600  }
0x1bd: {  	[bflag:$0x0] =	sbarrier.arrive $0xFFFF  }
0x1be: {  	s10 =	rddreg [dreg:$0x8]  }
0x1bf: {  	[tilespmem:s23], [sflag:$0x5] =	stream.strided.gather [hbm4b:s10+s25], $0x2780, s9, s25, $0x38;
	[tilespmem:$0x1E880] =	vst v63  }
0x1c0: {  	_ =	swait.ge [sflag:s0], $0x2780  }
0x1c1: {  	[sflag:s0] =	ssyncset.done $0x0  }
0x1c2: {  	s20 =	rddreg [dreg:$0x9];
	[sflag:s0] =	ssyncadd.s32 $0xFFFFD880  }
0x1c3: {  	[tilespmem:s24], [sflag:$0x5] =	stream.strided.gather [hbm4b:s20+s25], $0x2780, s9, s25, $0x38;
	[tilespmem:$0x1E880] =	vst v63  }
0x1c4: {  	_ =	swait.ge [sflag:s0], $0x2780  }
0x1c5: {  	[sflag:s0] =	ssyncset.done $0x0  }
0x1c6: {  	s13 =	simm.s32 $0xEB20;
	[sflag:s0] =	ssyncadd.s32 $0xFFFFD880  }
0x1c7: {  	s17 =	simm.s32 $0x199A0;
	v2 =	vld [tilespmem:s13+$0x10]  }
0x1c8: {  	s18 =	simm.s32 $0x1C120;
	v3 =	vld [tilespmem:s17+$0x10]  }
0x1c9: {  	v4 =	vld [tilespmem:s18+$0x10]  }
0x1ca: {  	v5 =	vld [tilespmem:s17+$0xFFFFFFE0]  }
0x1cb: {  	v7 =	vld [tilespmem:s13+$0xFFFFFFF0]  }
0x1cc: {  	v8 =	vld [tilespmem:s17+$0xFFFFFFF0]  }
0x1cd: {  	v9 =	vld [tilespmem:s18+$0xFFFFFFF0]  }
0x1ce: {  	v10 =	vld [tilespmem:s13+$0x0]  }
0x1cf: {  	v11 =	vld [tilespmem:s18+$0x0];
	v3 =	vmul.f32 v3, v2  }
0x1d0: {  	v2 =	vmul.f32 v4, v2;
	v4 =	vld [tilespmem:s17+$0x0]  }
0x1d1: {  	v12 =	vld [tilespmem:s13+$0xFFFFFFE0];
	[tilespmem:s17+$0x10] =	vst v3  }
0x1d2: {  	s19 =	simm.s32 $0xEB60;
	s10 =	simm.s32 $0x20;
	v6 =	vld [tilespmem:s18+$0xFFFFFFE0];
	[tilespmem:s18+$0x10] =	vst v2;
	v2 =	vpack.i.f32.bf16 v2, v3;
	v3 =	vmul.f32 v8, v7  }
0x1d3: {  	s13 =	simm.s32 $0x199E0;
	v8 =	vld [tilespmem:s19+$0x10];
	[tilespmem:s10+$0x10] =	vst v2;
	v2 =	vmul.f32 v9, v7  }
0x1d4: {  	s14 =	simm.s32 $0x1C160;
	v7 =	vld [tilespmem:s13+$0x10];
	[tilespmem:s17+$0xFFFFFFF0] =	vst v3  }
0x1d5: {  	v9 =	vld [tilespmem:s14+$0x10];
	v13 =	vmul.f32 v4, v10;
	[tilespmem:s18+$0xFFFFFFF0] =	vst v2;
	v2 =	vpack.i.f32.bf16 v2, v3  }
0x1d6: {  	v14 =	vld [tilespmem:s13+$0xFFFFFFF0];
	v10 =	vmul.f32 v11, v10;
	v11 =	vmul.f32 v5, v12;
	[tilespmem:s10+$0xFFFFFFF0] =	vst v2  }
0x1d7: {  	v5 =	vld [tilespmem:s19+$0xFFFFFFF0];
	[tilespmem:s17+$0x0] =	vst v13  }
0x1d8: {  	v12 =	vmul.f32 v6, v12;
	v4 =	vld [tilespmem:s19+$0x0];
	[tilespmem:s17+$0xFFFFFFE0] =	vst v11  }
0x1d9: {  	v3 =	vld [tilespmem:s13+$0xFFFFFFE0];
	[tilespmem:s18+$0x0] =	vst v10;
	v6 =	vmul.f32 v7, v8  }
0x1da: {  	[tilespmem:s18+$0xFFFFFFE0] =	vst v12;
	v7 =	vld [tilespmem:s14+$0xFFFFFFF0];
	v8 =	vmul.f32 v9, v8  }
0x1db: {  	v2 =	vld [tilespmem:s14+$0xFFFFFFE0];
	[tilespmem:s13+$0x10] =	vst v6  }
0x1dc: {  	v12 =	vpack.i.f32.bf16 v12, v11;
	[tilespmem:s14+$0x10] =	vst v8;
	v8 =	vpack.i.f32.bf16 v8, v6;
	v6 =	vld [tilespmem:s13+$0x0]  }
0x1dd: {  	s28 =	simm.s32 $0xEBA0;
	s17 =	simm.s32 $0x60;
	v9 =	vld [tilespmem:s14+$0x0];
	[tilespmem:s10+$0xFFFFFFE0] =	vst v12  }
0x1de: {  	s20 =	simm.s32 $0x4;
	v10 =	vpack.i.f32.bf16 v10, v13;
	s18 =	simm.s32 $0x1C160;
	v11 =	vmul.f32 v14, v5;
	[tilespmem:s17+$0x10] =	vst v8;
	v8 =	vld [tilespmem:s19+$0xFFFFFFE0];
	s19 =	simm.s32 $0x199E0  }
.LBB2_27:
0x1df: {  	v12 =	vld [tilespmem:s28+$0x10];
	v5 =	vmul.f32 v7, v5;
	s13 =	sadd.s32 $0x40, s13;
	[tilespmem:s10+$0x0] =	vst v10;
	s10 =	smov.u32 s17  }
0x1e0: {  	s14 =	sadd.s32 $0x40, s14;
	v7 =	vld [tilespmem:s13+$0x10];
	[tilespmem:s19+$0xFFFFFFF0] =	vst v11  }
0x1e1: {  	s20 =	sadd.s32 $0x4, s20;
	v13 =	vld [tilespmem:s14+$0x10];
	[tilespmem:s18+$0xFFFFFFF0] =	vst v5;
	v5 =	vpack.i.f32.bf16 v5, v11;
	v6 =	vmul.f32 v6, v4  }
0x1e2: {  	p0 =	slt.u32 s20, $0x26C;
	v11 =	vld [tilespmem:s13+$0xFFFFFFE0];
	[tilespmem:s17+$0xFFFFFFF0] =	vst v5;
	v4 =	vmul.f32 v9, v4  }
0x1e3: {  	v3 =	vmul.f32 v3, v8;
	v8 =	vmul.f32 v2, v8;
	v2 =	vld [tilespmem:s14+$0xFFFFFFE0];
	[tilespmem:s19+$0x0] =	vst v6  }
0x1e4: {  	v5 =	vld [tilespmem:s28+$0xFFFFFFF0];
	[tilespmem:s18+$0x0] =	vst v4;
	v10 =	vpack.i.f32.bf16 v4, v6  }
0x1e5: {  	v14 =	vld [tilespmem:s13+$0xFFFFFFF0];
	v9 =	vmul.f32 v7, v12;
	[tilespmem:s19+$0xFFFFFFE0] =	vst v3;
	v15 =	vpack.i.f32.bf16 v8, v3;
	s19 =	smov.u32 s13  }
.Ltmp14:
0x1e6: {  	v7 =	vld [tilespmem:s14+$0xFFFFFFF0];
	v12 =	vmul.f32 v13, v12;
	[tilespmem:s18+$0xFFFFFFE0] =	vst v8;
	s18 =	smov.u32 s14;
	(pc) =	sbr.rel @p0 .LBB2_27-.Ltmp14, $4  }
0x1e7: {  	v4 =	vld [tilespmem:s28+$0x0];
	[tilespmem:s13+$0x10] =	vst v9;
	v3 =	vmov v11  }
0x1e8: {  	s17 =	sadd.s32 $0x40, s17;
	v6 =	vld [tilespmem:s13+$0x0];
	[tilespmem:s14+$0x10] =	vst v12;
	v8 =	vpack.i.f32.bf16 v12, v9  }
0x1e9: {  	v9 =	vld [tilespmem:s14+$0x0];
	[tilespmem:s17+$0x10] =	vst v8  }
0x1ea: {  	v8 =	vld [tilespmem:s28+$0xFFFFFFE0];
	v11 =	vmul.f32 v14, v5;
	s28 =	sadd.s32 $0x40, s28;
	[tilespmem:s10+$0xFFFFFFE0] =	vst v15  }
0x1eb: {  	v5 =	vmul.f32 v7, v5;
	[tilespmem:s10+$0x0] =	vst v10  }
0x1ec: {  	[tilespmem:s19+$0xFFFFFFF0] =	vst v11  }
0x1ed: {  	[tilespmem:s18+$0xFFFFFFF0] =	vst v5;
	v5 =	vpack.i.f32.bf16 v5, v11;
	v6 =	vmul.f32 v6, v4  }
0x1ee: {  	[tilespmem:s17+$0xFFFFFFF0] =	vst v5;
	v4 =	vmul.f32 v9, v4  }
0x1ef: {  	v3 =	vmul.f32 v3, v8;
	[tilespmem:s19+$0x0] =	vst v6  }
0x1f0: {  	v2 =	vmul.f32 v2, v8;
	[tilespmem:s18+$0x0] =	vst v4  }
0x1f1: {  	[tilespmem:s19+$0xFFFFFFE0] =	vst v3  }
0x1f2: {  	v3 =	vpack.i.f32.bf16 v2, v3;
	[tilespmem:s18+$0xFFFFFFE0] =	vst v2  }
0x1f3: {  	v2 =	vpack.i.f32.bf16 v4, v6;
	[tilespmem:s17+$0xFFFFFFE0] =	vst v3  }
0x1f4: {  	[tilespmem:s17+$0x0] =	vst v2  }
0x1f5: {  	v2 =	vld [tilespmem:$0x11200]  }
0x1f6: {  	v3 =	vld [tilespmem:$0x1C080]  }
0x1f7: {  	v4 =	vld [tilespmem:$0x1E800];
	_ =	sdelay $0x3  }
0x1f8: {  	v3 =	vmul.f32 v3, v2  }
0x1f9: {  	v2 =	vmul.f32 v4, v2  }
0x1fa: {  	[tilespmem:$0x1C080] =	vst v3  }
0x1fb: {  	[tilespmem:$0x1E800] =	vst v2;
	v2 =	vpack.i.f32.bf16 v2, v3  }
0x1fc: {  	s10 =	rddreg [dreg:$0xa];
	[tilespmem:$0x2700] =	vst v2  }
0x1fd: {  	[hbm4b:s10+s25] =	stream.strided.scatter [tilespmem:s23], [sflag:$0x5], $0x2780, s9, s25, $0x38;
	[tilespmem:$0x1E880] =	vst v63  }
0x1fe: {  	_ =	swait.ge [sflag:s0], $0x2780  }
0x1ff: {  	[sflag:s0] =	ssyncset.done $0x0  }
0x200: {  	s13 =	rddreg [dreg:$0xb];
	[sflag:s0] =	ssyncadd.s32 $0xFFFFD880  }
0x201: {  	[hbm4b:s13+s25] =	stream.strided.scatter [tilespmem:s24], [sflag:$0x5], $0x2780, s9, s25, $0x38;
	[tilespmem:$0x1E880] =	vst v63  }
0x202: {  	_ =	swait.ge [sflag:s0], $0x2780  }
0x203: {  	[sflag:s0] =	ssyncset.done $0x0  }
0x204: {  	s14 =	rddreg [dreg:$0xc];
	[sflag:s0] =	ssyncadd.s32 $0xFFFFD880  }
0x205: {  	[tilespmem:s23], [sflag:$0x5] =	stream.strided.gather [hbm4b:s14+s25], $0x2780, s9, s25, $0x38;
	[tilespmem:$0x1E880] =	vst v63  }
0x206: {  	_ =	swait.ge [sflag:s0], $0x2780  }
0x207: {  	[sflag:s0] =	ssyncset.done $0x0  }
0x208: {  	s17 =	rddreg [dreg:$0xd];
	[sflag:s0] =	ssyncadd.s32 $0xFFFFD880  }
0x209: {  	[tilespmem:s24], [sflag:$0x5] =	stream.strided.gather [hbm4b:s17+s25], $0x2780, s9, s25, $0x38;
	[tilespmem:$0x1E880] =	vst v63  }
0x20a: {  	_ =	swait.ge [sflag:s0], $0x2780  }
0x20b: {  	[sflag:s0] =	ssyncset.done $0x0  }
0x20c: {  	s13 =	simm.s32 $0xEB20;
	[sflag:s0] =	ssyncadd.s32 $0xFFFFD880  }
0x20d: {  	s18 =	simm.s32 $0x199A0;
	v2 =	vld [tilespmem:s13+$0x10]  }
0x20e: {  	s20 =	simm.s32 $0x1C120;
	v3 =	vld [tilespmem:s18+$0x10]  }
0x20f: {  	v4 =	vld [tilespmem:s20+$0x10]  }
0x210: {  	v5 =	vld [tilespmem:s18+$0xFFFFFFE0]  }
0x211: {  	v7 =	vld [tilespmem:s13+$0xFFFFFFF0]  }
0x212: {  	v8 =	vld [tilespmem:s18+$0xFFFFFFF0]  }
0x213: {  	v9 =	vld [tilespmem:s20+$0xFFFFFFF0]  }
0x214: {  	v10 =	vld [tilespmem:s13+$0x0]  }
0x215: {  	v11 =	vld [tilespmem:s20+$0x0];
	v3 =	vmul.f32 v3, v2  }
0x216: {  	v2 =	vmul.f32 v4, v2;
	v4 =	vld [tilespmem:s18+$0x0]  }
0x217: {  	v12 =	vld [tilespmem:s13+$0xFFFFFFE0];
	[tilespmem:s18+$0x10] =	vst v3  }
0x218: {  	s19 =	simm.s32 $0xEB60;
	s10 =	simm.s32 $0x2740;
	v6 =	vld [tilespmem:s20+$0xFFFFFFE0];
	[tilespmem:s20+$0x10] =	vst v2;
	v2 =	vpack.i.f32.bf16 v2, v3;
	v3 =	vmul.f32 v8, v7  }
0x219: {  	s13 =	simm.s32 $0x199E0;
	v8 =	vld [tilespmem:s19+$0x10];
	[tilespmem:s10+$0x0] =	vst v2;
	v2 =	vmul.f32 v9, v7  }
0x21a: {  	s14 =	simm.s32 $0x1C160;
	v7 =	vld [tilespmem:s13+$0x10];
	[tilespmem:s18+$0xFFFFFFF0] =	vst v3  }
0x21b: {  	v9 =	vld [tilespmem:s14+$0x10];
	v13 =	vmul.f32 v4, v10;
	[tilespmem:s20+$0xFFFFFFF0] =	vst v2;
	v2 =	vpack.i.f32.bf16 v2, v3  }
0x21c: {  	v14 =	vld [tilespmem:s13+$0xFFFFFFF0];
	v10 =	vmul.f32 v11, v10;
	v11 =	vmul.f32 v5, v12;
	[tilespmem:s10+$0xFFFFFFE0] =	vst v2  }
0x21d: {  	v5 =	vld [tilespmem:s19+$0xFFFFFFF0];
	[tilespmem:s18+$0x0] =	vst v13  }
0x21e: {  	v12 =	vmul.f32 v6, v12;
	v4 =	vld [tilespmem:s19+$0x0];
	[tilespmem:s18+$0xFFFFFFE0] =	vst v11  }
0x21f: {  	v3 =	vld [tilespmem:s13+$0xFFFFFFE0];
	[tilespmem:s20+$0x0] =	vst v10;
	v6 =	vmul.f32 v7, v8  }
0x220: {  	[tilespmem:s20+$0xFFFFFFE0] =	vst v12;
	v7 =	vld [tilespmem:s14+$0xFFFFFFF0];
	v8 =	vmul.f32 v9, v8  }
0x221: {  	v2 =	vld [tilespmem:s14+$0xFFFFFFE0];
	[tilespmem:s13+$0x10] =	vst v6  }
0x222: {  	v12 =	vpack.i.f32.bf16 v12, v11;
	[tilespmem:s14+$0x10] =	vst v8;
	v8 =	vpack.i.f32.bf16 v8, v6;
	v6 =	vld [tilespmem:s13+$0x0]  }
0x223: {  	s28 =	simm.s32 $0xEBA0;
	s17 =	simm.s32 $0x2780;
	v9 =	vld [tilespmem:s14+$0x0];
	[tilespmem:s10+$0xFFFFFFD0] =	vst v12  }
0x224: {  	s18 =	simm.s32 $0x1C160;
	s20 =	simm.s32 $0x4;
	v10 =	vpack.i.f32.bf16 v10, v13;
	v11 =	vmul.f32 v14, v5;
	[tilespmem:s17+$0x0] =	vst v8;
	v8 =	vld [tilespmem:s19+$0xFFFFFFE0];
	s19 =	simm.s32 $0x199E0  }
.LBB2_29:
0x225: {  	v12 =	vld [tilespmem:s28+$0x10];
	v5 =	vmul.f32 v7, v5;
	s13 =	sadd.s32 $0x40, s13;
	[tilespmem:s10+$0xFFFFFFF0] =	vst v10;
	s10 =	smov.u32 s17  }
0x226: {  	s14 =	sadd.s32 $0x40, s14;
	v7 =	vld [tilespmem:s13+$0x10];
	[tilespmem:s19+$0xFFFFFFF0] =	vst v11  }
0x227: {  	s20 =	sadd.s32 $0x4, s20;
	v13 =	vld [tilespmem:s14+$0x10];
	[tilespmem:s18+$0xFFFFFFF0] =	vst v5;
	v5 =	vpack.i.f32.bf16 v5, v11;
	v6 =	vmul.f32 v6, v4  }
0x228: {  	p0 =	slt.u32 s20, $0x26C;
	v11 =	vld [tilespmem:s13+$0xFFFFFFE0];
	[tilespmem:s17+$0xFFFFFFE0] =	vst v5;
	v4 =	vmul.f32 v9, v4  }
0x229: {  	v3 =	vmul.f32 v3, v8;
	v8 =	vmul.f32 v2, v8;
	v2 =	vld [tilespmem:s14+$0xFFFFFFE0];
	[tilespmem:s19+$0x0] =	vst v6  }
0x22a: {  	v5 =	vld [tilespmem:s28+$0xFFFFFFF0];
	[tilespmem:s18+$0x0] =	vst v4;
	v10 =	vpack.i.f32.bf16 v4, v6  }
0x22b: {  	v14 =	vld [tilespmem:s13+$0xFFFFFFF0];
	v9 =	vmul.f32 v7, v12;
	[tilespmem:s19+$0xFFFFFFE0] =	vst v3;
	v15 =	vpack.i.f32.bf16 v8, v3;
	s19 =	smov.u32 s13  }
.Ltmp15:
0x22c: {  	v7 =	vld [tilespmem:s14+$0xFFFFFFF0];
	v12 =	vmul.f32 v13, v12;
	[tilespmem:s18+$0xFFFFFFE0] =	vst v8;
	s18 =	smov.u32 s14;
	(pc) =	sbr.rel @p0 .LBB2_29-.Ltmp15, $4  }
0x22d: {  	v4 =	vld [tilespmem:s28+$0x0];
	[tilespmem:s13+$0x10] =	vst v9;
	v3 =	vmov v11  }
0x22e: {  	s17 =	sadd.s32 $0x40, s17;
	v6 =	vld [tilespmem:s13+$0x0];
	[tilespmem:s14+$0x10] =	vst v12;
	v8 =	vpack.i.f32.bf16 v12, v9  }
0x22f: {  	v9 =	vld [tilespmem:s14+$0x0];
	[tilespmem:s17+$0x0] =	vst v8  }
0x230: {  	v8 =	vld [tilespmem:s28+$0xFFFFFFE0];
	v11 =	vmul.f32 v14, v5;
	s28 =	sadd.s32 $0x40, s28;
	[tilespmem:s10+$0xFFFFFFD0] =	vst v15  }
0x231: {  	v5 =	vmul.f32 v7, v5;
	[tilespmem:s10+$0xFFFFFFF0] =	vst v10  }
0x232: {  	[tilespmem:s19+$0xFFFFFFF0] =	vst v11  }
0x233: {  	[tilespmem:s18+$0xFFFFFFF0] =	vst v5;
	v5 =	vpack.i.f32.bf16 v5, v11;
	v6 =	vmul.f32 v6, v4  }
0x234: {  	[tilespmem:s17+$0xFFFFFFE0] =	vst v5;
	v62 =	vmul.f32 v9, v4  }
0x235: {  	v3 =	vmul.f32 v3, v8;
	[tilespmem:s19+$0x0] =	vst v6  }
0x236: {  	v2 =	vmul.f32 v2, v8;
	[tilespmem:s18+$0x0] =	vst v62  }
0x237: {  	[tilespmem:s19+$0xFFFFFFE0] =	vst v3  }
0x238: {  	v3 =	vpack.i.f32.bf16 v2, v3;
	[tilespmem:s18+$0xFFFFFFE0] =	vst v2  }
0x239: {  	v2 =	vpack.i.f32.bf16 v62, v6;
	[tilespmem:s17+$0xFFFFFFD0] =	vst v3  }
0x23a: {  	[tilespmem:s17+$0xFFFFFFF0] =	vst v2  }
0x23b: {  	v2 =	vld [tilespmem:$0x11200]  }
0x23c: {  	v3 =	vld [tilespmem:$0x1C080]  }
0x23d: {  	v63 =	vld [tilespmem:$0x1E800];
	_ =	sdelay $0x3  }
0x23e: {  	v3 =	vmul.f32 v3, v2  }
0x23f: {  	v2 =	vmul.f32 v63, v2  }
0x240: {  	[tilespmem:$0x1C080] =	vst v3  }
0x241: {  	[tilespmem:$0x1E800] =	vst v2;
	v2 =	vpack.i.f32.bf16 v2, v3  }
0x242: {  	s10 =	rddreg [dreg:$0xf];
	[tilespmem:$0x4E10] =	vst v2  }
0x243: {  	[hbm4b:s10+s25] =	stream.strided.scatter [tilespmem:s23], [sflag:$0x5], $0x2780, s9, s25, $0x38;
	[tilespmem:$0x1E880] =	vst v63  }
0x244: {  	_ =	swait.ge [sflag:s0], $0x2780  }
0x245: {  	[sflag:s0] =	ssyncset.done $0x0  }
0x246: {  	s28 =	rddreg [dreg:$0x10];
	[sflag:s0] =	ssyncadd.s32 $0xFFFFD880  }
0x247: {  	[hbm4b:s28+s25] =	stream.strided.scatter [tilespmem:s24], [sflag:$0x5], $0x2780, s9, s25, $0x38;
	[tilespmem:$0x1E880] =	vst v63  }
0x248: {  	_ =	swait.ge [sflag:s0], $0x2780  }
0x249: {  	[sflag:s0] =	ssyncset.done $0x0  }
0x24a: {  	s10 =	simm.s32 $0x4EC0;
	[sflag:s0] =	ssyncadd.s32 $0xFFFFD880  }
0x24b: {  	[tilespmem:s10+$0xFFFFFFC0] =	vst v0  }
0x24c: {  	[tilespmem:s10+$0x30] =	vst v0  }
0x24d: {  	[tilespmem:s10+$0x20] =	vst v0  }
0x24e: {  	[tilespmem:s10+$0x10] =	vst v0  }
0x24f: {  	[tilespmem:s10+$0x0] =	vst v0  }
0x250: {  	[tilespmem:s10+$0xFFFFFFF0] =	vst v0  }
0x251: {  	s13 =	simm.s32 $0x0;
	[tilespmem:s10+$0xFFFFFFE0] =	vst v0  }
.LBB2_31:
0x252: {  	s13 =	sadd.s32 $0x8, s13;
	[tilespmem:s10+$0xFFFFFFD0] =	vst v0;
	s10 =	sadd.s32 $0x80, s10  }
0x253: {  	[tilespmem:s10+$0xFFFFFFC0] =	vst v0;
	p0 =	slt.u32 s13, $0x9B8  }
0x254: {  	[tilespmem:s10+$0x30] =	vst v0  }
.Ltmp16:
0x255: {  	[tilespmem:s10+$0x20] =	vst v0;
	(pc) =	sbr.rel @p0 .LBB2_31-.Ltmp16, $4  }
0x256: {  	[tilespmem:s10+$0x10] =	vst v0  }
0x257: {  	[tilespmem:s10+$0x0] =	vst v0  }
0x258: {  	[tilespmem:s10+$0xFFFFFFF0] =	vst v0  }
0x259: {  	[tilespmem:s10+$0xFFFFFFE0] =	vst v0  }
0x25a: {  	[tilespmem:s10+$0xFFFFFFD0] =	vst v0;
	s10 =	simm.s32 $0x0;
	s20 =	simm.s32 $0x11280  }
.LBB2_33:
0x25b: {  	p0 =	seq.s32 s10, $0xC0  }
.Ltmp17:
0x25c: {  	_ = 	snop;
	(pc) =	sbr.rel @!p0 .LBB2_33-.Ltmp17, $3  }
0x25d: {  	_ =	sdelay $0x1  }
0x25e: {  	s13 =	sshra.s32 s10, $0x2  }
0x25f: {  	s10 =	sadd.s32 $0x40, s10;
	[tilespmem:s13+$0xEA80] =	vst v0  }
0x260: {  	s10 =	simm.s32 $0x0  }
.LBB2_35:
0x261: {  	s13 =	rddreg [dreg:$0xa]  }
0x262: {  	[tilespmem:s23], [sflag:$0x3] =	stream.strided.gather [hbm4b:s13+s25], $0x2780, s9, s25, $0x38;
	[tilespmem:$0x1E880] =	vst v63  }
0x263: {  	s18 =	rddreg [dreg:$0xb]  }
0x264: {  	[tilespmem:s24], [sflag:$0x4] =	stream.strided.gather [hbm4b:s18+s25], $0x2780, s9, s25, $0x38;
	[tilespmem:$0x1E880] =	vst v63  }
0x265: {  	s19 =	rddreg [dreg:$0xe]  }
0x266: {  	[tilespmem:s20], [sflag:$0x1] =	stream.strided.gather [hbm4b:s19+s25], $0x3E80, s26, s25, $0x38;
	[tilespmem:$0x1E880] =	vst v63  }
0x267: {  	s28 =	rddreg [dreg:$0x11];
	s13 =	simm.s32 $0x0  }
0x268: {  	[tilespmem:s29], [sflag:$0x2] =	stream.strided.gather [hbm4b:s28+s25], $0x3E80, s26, s25, $0x38;
	[tilespmem:$0x1E880] =	vst v63  }
.LBB2_36:
0x269: {  	_ =	swait.ge [sflag:s30], $0x3E80  }
0x26a: {  	[sflag:s30] =	ssyncset.done $0x0  }
0x26b: {  	s14 =	simm.s32 $0x112C0;
	[sflag:s30] =	ssyncadd.s32 $0xFFFFC180  }
0x26c: {  	v2 =	vld [tilespmem:s14+$0x30]  }
0x26d: {  	v3 =	vld [tilespmem:s14+$0xFFFFFFD0]  }
0x26e: {  	v4 =	vld [tilespmem:s14+$0xFFFFFFE0]  }
0x26f: {  	v5 =	vld [tilespmem:s14+$0xFFFFFFF0]  }
0x270: {  	v6 =	vld [tilespmem:s14+$0x0]  }
0x271: {  	v7 =	vld [tilespmem:s14+$0x10];
	v8 =	vand.u32 $0xFFFF, v2  }
0x272: {  	v13 =	vld [tilespmem:s14+$0xFFFFFFC0];
	v9 =	vand.u32 $0xFFFF, v3  }
0x273: {  	v10 =	vld [tilespmem:s14+$0x20];
	v11 =	vand.u32 $0xFFFF, v4  }
0x274: {  	v12 =	vand.u32 $0xFFFF, v5  }
0x275: {  	v14 =	vand.u32 $0xFFFF, v6  }
0x276: {  	v15 =	vand.u32 $0xFFFF, v7;
	v16 =	vld.idx.msk [tilespmem:v8+s3+$0x0], $0xffff  }
0x277: {  	v22 =	vand.u32 $0xFFFF, v13;
	v17 =	vld.idx.msk [tilespmem:v9+s3+$0x0], $0xffff  }
0x278: {  	v18 =	vand.u32 $0xFFFF, v10;
	v19 =	vld.idx.msk [tilespmem:v11+s3+$0x0], $0xffff  }
0x279: {  	v2 =	vshrl.u32 v2, $0x10;
	v20 =	vld.idx.msk [tilespmem:v12+s3+$0x0], $0xffff  }
0x27a: {  	v3 =	vshrl.u32 v3, $0x10;
	v21 =	vld.idx.msk [tilespmem:v14+s3+$0x0], $0xffff  }
0x27b: {  	v4 =	vshrl.u32 v4, $0x10;
	v23 =	vld.idx.msk [tilespmem:v15+s3+$0x0], $0xffff  }
0x27c: {  	v5 =	vshrl.u32 v5, $0x10;
	v40 =	vld.idx.msk [tilespmem:v22+s3+$0x0], $0xffff  }
0x27d: {  	v13 =	vshrl.u32 v13, $0x10;
	v24 =	vld.idx.msk [tilespmem:v18+s3+$0x0], $0xffff;
	v25 =	vunpack.i.l.bf16.f32 v16  }
0x27e: {  	v6 =	vshrl.u32 v6, $0x10;
	v39 =	vunpack.i.l.bf16.f32 v17;
	[tilespmem:v2+s11+$0x0] =	vst.idx.add.f32.msk $0xffff, v25  }
0x27f: {  	v7 =	vshrl.u32 v7, $0x10;
	v41 =	vunpack.i.l.bf16.f32 v19;
	[tilespmem:v3+s11+$0x0] =	vst.idx.add.f32.msk $0xffff, v39  }
0x280: {  	v43 =	vunpack.i.l.bf16.f32 v20;
	[tilespmem:v4+s11+$0x0] =	vst.idx.add.f32.msk $0xffff, v41  }
0x281: {  	v45 =	vunpack.i.l.bf16.f32 v40;
	[tilespmem:v5+s11+$0x0] =	vst.idx.add.f32.msk $0xffff, v43  }
0x282: {  	v47 =	vunpack.i.l.bf16.f32 v21;
	[tilespmem:v13+s11+$0x0] =	vst.idx.add.f32.msk $0xffff, v45  }
0x283: {  	v49 =	vunpack.i.l.bf16.f32 v23;
	[tilespmem:v6+s11+$0x0] =	vst.idx.add.f32.msk $0xffff, v47  }
0x284: {  	v16 =	vunpack.i.u.bf16.f32 v16;
	[tilespmem:v7+s11+$0x0] =	vst.idx.add.f32.msk $0xffff, v49  }
0x285: {  	v17 =	vunpack.i.u.bf16.f32 v17;
	[tilespmem:v2+s12+$0x0] =	vst.idx.add.f32.msk $0xffff, v16  }
0x286: {  	v42 =	vunpack.i.u.bf16.f32 v19;
	[tilespmem:v3+s12+$0x0] =	vst.idx.add.f32.msk $0xffff, v17  }
0x287: {  	v46 =	vunpack.i.u.bf16.f32 v20;
	[tilespmem:v4+s12+$0x0] =	vst.idx.add.f32.msk $0xffff, v42  }
0x288: {  	v48 =	vunpack.i.u.bf16.f32 v21;
	[tilespmem:v5+s12+$0x0] =	vst.idx.add.f32.msk $0xffff, v46  }
0x289: {  	v50 =	vunpack.i.u.bf16.f32 v23;
	[tilespmem:v6+s12+$0x0] =	vst.idx.add.f32.msk $0xffff, v48  }
0x28a: {  	[tilespmem:v7+s12+$0x0] =	vst.idx.add.f32.msk $0xffff, v50  }
0x28b: {  	v8 =	vld.idx.msk [tilespmem:v8+s15+$0x0], $0xffff  }
0x28c: {  	v9 =	vld.idx.msk [tilespmem:v9+s15+$0x0], $0xffff  }
0x28d: {  	v54 =	vld.idx.msk [tilespmem:v11+s15+$0x0], $0xffff  }
0x28e: {  	v55 =	vld.idx.msk [tilespmem:v12+s15+$0x0], $0xffff  }
0x28f: {  	v56 =	vld.idx.msk [tilespmem:v14+s15+$0x0], $0xffff  }
0x290: {  	v57 =	vld.idx.msk [tilespmem:v15+s15+$0x0], $0xffff;
	v44 =	vunpack.i.l.bf16.f32 v8  }
0x291: {  	v60 =	vunpack.i.l.bf16.f32 v9;
	[tilespmem:v2+s16+$0x0] =	vst.idx.add.f32.msk $0xffff, v44  }
0x292: {  	v62 =	vunpack.i.l.bf16.f32 v54;
	[tilespmem:v3+s16+$0x0] =	vst.idx.add.f32.msk $0xffff, v60  }
0x293: {  	v63 =	vunpack.i.l.bf16.f32 v55;
	[tilespmem:v4+s16+$0x0] =	vst.idx.add.f32.msk $0xffff, v62  }
0x294: {  	v8 =	vunpack.i.u.bf16.f32 v8;
	[tilespmem:v5+s16+$0x0] =	vst.idx.add.f32.msk $0xffff, v63  }
0x295: {  	v61 =	vunpack.i.u.bf16.f32 v9;
	[tilespmem:v2+s7+$0x0] =	vst.idx.add.f32.msk $0xffff, v8  }
0x296: {  	v2 =	vunpack.i.u.bf16.f32 v40;
	[tilespmem:v3+s7+$0x0] =	vst.idx.add.f32.msk $0xffff, v61  }
0x297: {  	v3 =	vunpack.i.u.bf16.f32 v54;
	[tilespmem:v13+s12+$0x0] =	vst.idx.add.f32.msk $0xffff, v2;
	v2 =	vshrl.u32 v10, $0x10  }
0x298: {  	[tilespmem:v4+s7+$0x0] =	vst.idx.add.f32.msk $0xffff, v3  }
0x299: {  	v3 =	vunpack.i.u.bf16.f32 v55;
	v53 =	vld.idx.msk [tilespmem:v22+s15+$0x0], $0xffff  }
0x29a: {  	v4 =	vunpack.i.l.bf16.f32 v56;
	[tilespmem:v5+s7+$0x0] =	vst.idx.add.f32.msk $0xffff, v3  }
0x29b: {  	v51 =	vunpack.i.l.bf16.f32 v24;
	[tilespmem:v6+s16+$0x0] =	vst.idx.add.f32.msk $0xffff, v4  }
0x29c: {  	v52 =	vunpack.i.u.bf16.f32 v24;
	[tilespmem:v2+s11+$0x0] =	vst.idx.add.f32.msk $0xffff, v51  }
0x29d: {  	[tilespmem:v2+s12+$0x0] =	vst.idx.add.f32.msk $0xffff, v52  }
0x29e: {  	v3 =	vunpack.i.u.bf16.f32 v56;
	v59 =	vld.idx.msk [tilespmem:v18+s15+$0x0], $0xffff  }
0x29f: {  	v4 =	vunpack.i.l.bf16.f32 v57;
	[tilespmem:v6+s7+$0x0] =	vst.idx.add.f32.msk $0xffff, v3  }
0x2a0: {  	v5 =	vunpack.i.u.bf16.f32 v57;
	[tilespmem:v7+s16+$0x0] =	vst.idx.add.f32.msk $0xffff, v4  }
0x2a1: {  	[tilespmem:v7+s7+$0x0] =	vst.idx.add.f32.msk $0xffff, v5;
	v58 =	vunpack.i.l.bf16.f32 v53  }
0x2a2: {  	v8 =	vunpack.i.u.bf16.f32 v53;
	[tilespmem:v13+s16+$0x0] =	vst.idx.add.f32.msk $0xffff, v58  }
0x2a3: {  	s18 =	simm.s32 $0x11340;
	s14 =	simm.s32 $0x0;
	[tilespmem:v13+s7+$0x0] =	vst.idx.add.f32.msk $0xffff, v8;
	v3 =	vunpack.i.u.bf16.f32 v59;
	v4 =	vunpack.i.l.bf16.f32 v59  }
.LBB2_37:
0x2a4: {  	v5 =	vld [tilespmem:s18+$0x30]  }
0x2a5: {  	v6 =	vld [tilespmem:s18+$0xFFFFFFD0]  }
0x2a6: {  	s14 =	sadd.s32 $0x8, s14;
	v7 =	vld [tilespmem:s18+$0xFFFFFFE0]  }
0x2a7: {  	p0 =	slt.u32 s14, $0x3E0;
	v8 =	vld [tilespmem:s18+$0xFFFFFFF0]  }
0x2a8: {  	v9 =	vld [tilespmem:s18+$0x0]  }
0x2a9: {  	v10 =	vld [tilespmem:s18+$0x10];
	v11 =	vand.u32 $0xFFFF, v5  }
0x2aa: {  	v12 =	vand.u32 $0xFFFF, v6;
	v6 =	vshrl.u32 v6, $0x10;
	v13 =	vld [tilespmem:s18+$0x20]  }
0x2ab: {  	v14 =	vld [tilespmem:s18+$0xFFFFFFC0];
	v15 =	vand.u32 $0xFFFF, v7;
	v7 =	vshrl.u32 v7, $0x10  }
0x2ac: {  	v16 =	vand.u32 $0xFFFF, v8;
	v8 =	vshrl.u32 v8, $0x10;
	[tilespmem:v2+s16+$0x0] =	vst.idx.add.f32.msk $0xffff, v4  }
0x2ad: {  	v4 =	vand.u32 $0xFFFF, v9;
	v9 =	vshrl.u32 v9, $0x10;
	[tilespmem:v2+s7+$0x0] =	vst.idx.add.f32.msk $0xffff, v3  }
0x2ae: {  	v3 =	vand.u32 $0xFFFF, v10;
	v10 =	vshrl.u32 v10, $0x10;
	v17 =	vld.idx.msk [tilespmem:v11+s3+$0x0], $0xffff  }
0x2af: {  	v18 =	vld.idx.msk [tilespmem:v12+s3+$0x0], $0xffff;
	v19 =	vand.u32 $0xFFFF, v13;
	v2 =	vshrl.u32 v13, $0x10  }
0x2b0: {  	v5 =	vshrl.u32 v5, $0x10;
	v13 =	vand.u32 $0xFFFF, v14;
	v14 =	vshrl.u32 v14, $0x10;
	v20 =	vld.idx.msk [tilespmem:v15+s3+$0x0], $0xffff  }
0x2b1: {  	v21 =	vld.idx.msk [tilespmem:v16+s3+$0x0], $0xffff  }
0x2b2: {  	v22 =	vld.idx.msk [tilespmem:v4+s3+$0x0], $0xffff  }
0x2b3: {  	v23 =	vld.idx.msk [tilespmem:v3+s3+$0x0], $0xffff  }
0x2b4: {  	v25 =	vunpack.i.l.bf16.f32 v17;
	v24 =	vld.idx.msk [tilespmem:v19+s3+$0x0], $0xffff  }
0x2b5: {  	v17 =	vunpack.i.u.bf16.f32 v17;
	v26 =	vunpack.i.u.bf16.f32 v18;
	v18 =	vunpack.i.l.bf16.f32 v18;
	[tilespmem:v5+s11+$0x0] =	vst.idx.add.f32.msk $0xffff, v25  }
0x2b6: {  	v25 =	vunpack.i.u.bf16.f32 v20;
	v20 =	vunpack.i.l.bf16.f32 v20;
	[tilespmem:v5+s12+$0x0] =	vst.idx.add.f32.msk $0xffff, v17  }
0x2b7: {  	v17 =	vunpack.i.u.bf16.f32 v21;
	v21 =	vunpack.i.l.bf16.f32 v21;
	v11 =	vld.idx.msk [tilespmem:v11+s15+$0x0], $0xffff  }
0x2b8: {  	v28 =	vunpack.i.u.bf16.f32 v22;
	v22 =	vunpack.i.l.bf16.f32 v22;
	v27 =	vld.idx.msk [tilespmem:v13+s3+$0x0], $0xffff  }
0x2b9: {  	[tilespmem:v6+s11+$0x0] =	vst.idx.add.f32.msk $0xffff, v18;
	v18 =	vunpack.i.u.bf16.f32 v23;
	v23 =	vunpack.i.l.bf16.f32 v23  }
0x2ba: {  	[tilespmem:v6+s12+$0x0] =	vst.idx.add.f32.msk $0xffff, v26;
	v26 =	vunpack.i.u.bf16.f32 v24;
	v24 =	vunpack.i.l.bf16.f32 v24  }
0x2bb: {  	[tilespmem:v7+s11+$0x0] =	vst.idx.add.f32.msk $0xffff, v20  }
0x2bc: {  	[tilespmem:v7+s12+$0x0] =	vst.idx.add.f32.msk $0xffff, v25  }
0x2bd: {  	v20 =	vunpack.i.l.bf16.f32 v11;
	[tilespmem:v8+s11+$0x0] =	vst.idx.add.f32.msk $0xffff, v21  }
0x2be: {  	v11 =	vunpack.i.u.bf16.f32 v11;
	v21 =	vunpack.i.u.bf16.f32 v27;
	v25 =	vunpack.i.l.bf16.f32 v27;
	[tilespmem:v5+s16+$0x0] =	vst.idx.add.f32.msk $0xffff, v20  }
0x2bf: {  	[tilespmem:v5+s7+$0x0] =	vst.idx.add.f32.msk $0xffff, v11  }
0x2c0: {  	[tilespmem:v14+s11+$0x0] =	vst.idx.add.f32.msk $0xffff, v25  }
0x2c1: {  	[tilespmem:v14+s12+$0x0] =	vst.idx.add.f32.msk $0xffff, v21  }
0x2c2: {  	[tilespmem:v8+s12+$0x0] =	vst.idx.add.f32.msk $0xffff, v17  }
0x2c3: {  	[tilespmem:v9+s11+$0x0] =	vst.idx.add.f32.msk $0xffff, v22  }
0x2c4: {  	[tilespmem:v9+s12+$0x0] =	vst.idx.add.f32.msk $0xffff, v28  }
0x2c5: {  	[tilespmem:v10+s11+$0x0] =	vst.idx.add.f32.msk $0xffff, v23  }
0x2c6: {  	[tilespmem:v10+s12+$0x0] =	vst.idx.add.f32.msk $0xffff, v18  }
0x2c7: {  	[tilespmem:v2+s11+$0x0] =	vst.idx.add.f32.msk $0xffff, v24  }
0x2c8: {  	[tilespmem:v2+s12+$0x0] =	vst.idx.add.f32.msk $0xffff, v26  }
0x2c9: {  	v5 =	vld.idx.msk [tilespmem:v13+s15+$0x0], $0xffff  }
0x2ca: {  	v11 =	vld.idx.msk [tilespmem:v12+s15+$0x0], $0xffff  }
0x2cb: {  	v12 =	vld.idx.msk [tilespmem:v15+s15+$0x0], $0xffff  }
0x2cc: {  	v13 =	vld.idx.msk [tilespmem:v16+s15+$0x0], $0xffff  }
0x2cd: {  	v4 =	vld.idx.msk [tilespmem:v4+s15+$0x0], $0xffff  }
0x2ce: {  	v3 =	vld.idx.msk [tilespmem:v3+s15+$0x0], $0xffff  }
0x2cf: {  	v15 =	vunpack.i.u.bf16.f32 v5;
	v5 =	vunpack.i.l.bf16.f32 v5;
	v16 =	vld.idx.msk [tilespmem:v19+s15+$0x0], $0xffff  }
0x2d0: {  	[tilespmem:v14+s16+$0x0] =	vst.idx.add.f32.msk $0xffff, v5;
	v5 =	vunpack.i.u.bf16.f32 v11;
	v11 =	vunpack.i.l.bf16.f32 v11  }
0x2d1: {  	[tilespmem:v14+s7+$0x0] =	vst.idx.add.f32.msk $0xffff, v15;
	v14 =	vunpack.i.u.bf16.f32 v12;
	v12 =	vunpack.i.l.bf16.f32 v12  }
0x2d2: {  	[tilespmem:v6+s16+$0x0] =	vst.idx.add.f32.msk $0xffff, v11;
	v11 =	vunpack.i.u.bf16.f32 v13;
	v13 =	vunpack.i.l.bf16.f32 v13  }
0x2d3: {  	[tilespmem:v6+s7+$0x0] =	vst.idx.add.f32.msk $0xffff, v5;
	v5 =	vunpack.i.u.bf16.f32 v4;
	v6 =	vunpack.i.l.bf16.f32 v4  }
0x2d4: {  	v15 =	vunpack.i.l.bf16.f32 v3;
	[tilespmem:v7+s16+$0x0] =	vst.idx.add.f32.msk $0xffff, v12;
	v12 =	vunpack.i.u.bf16.f32 v3  }
0x2d5: {  	v3 =	vunpack.i.u.bf16.f32 v16;
	v4 =	vunpack.i.l.bf16.f32 v16;
	[tilespmem:v7+s7+$0x0] =	vst.idx.add.f32.msk $0xffff, v14  }
0x2d6: {  	[tilespmem:v8+s16+$0x0] =	vst.idx.add.f32.msk $0xffff, v13  }
.Ltmp18:
0x2d7: {  	[tilespmem:v8+s7+$0x0] =	vst.idx.add.f32.msk $0xffff, v11;
	(pc) =	sbr.rel @p0 .LBB2_37-.Ltmp18, $4  }
0x2d8: {  	[tilespmem:v9+s16+$0x0] =	vst.idx.add.f32.msk $0xffff, v6  }
0x2d9: {  	[tilespmem:v9+s7+$0x0] =	vst.idx.add.f32.msk $0xffff, v5  }
0x2da: {  	[tilespmem:v10+s16+$0x0] =	vst.idx.add.f32.msk $0xffff, v15  }
0x2db: {  	s18 =	sadd.s32 $0x80, s18;
	[tilespmem:v10+s7+$0x0] =	vst.idx.add.f32.msk $0xffff, v12  }
0x2dc: {  	p0 =	seq.s32 s13, $0x9  }
0x2dd: {  	s14 =	smul.u32 @!p0 $0xFA00, s13;
	_ =	sdelay $0x1  }
0x2de: {  	s14 =	sadd.s32 @!p0 s21, s14  }
0x2df: {  	[tilespmem:v2+s16+$0x0] =	vst.idx.add.f32.msk $0xffff, v4;
	s17 =	simm.s32 @!p0 $0x80;
	s14 =	sshrl.u32 @!p0 s14, $0x3  }
0x2e0: {  	[tilespmem:v2+s7+$0x0] =	vst.idx.add.f32.msk $0xffff, v3;
	s18 =	simm.s32 @!p0 $0x100;
	s19 =	simm.s32 @!p0 $0x11280;
	s14 =	sadd.s32 @!p0 s5, s14  }
0x2e1: {  	[tilespmem:s19], [sflag:$0x1] =	stream.strided.gather @!p0 [hbm4b:s14+s17], $0x3E80, s18, s17, $0x38;
	[tilespmem:$0x1E880] =	vst v63  }
0x2e2: {  	_ =	swait.ge [sflag:s2], $0x3E80  }
0x2e3: {  	[sflag:s2] =	ssyncset.done $0x0  }
0x2e4: {  	s28 =	simm.s32 $0x15140;
	[sflag:s2] =	ssyncadd.s32 $0xFFFFC180  }
0x2e5: {  	v2 =	vld [tilespmem:s28+$0x30]  }
0x2e6: {  	v3 =	vld [tilespmem:s28+$0xFFFFFFD0]  }
0x2e7: {  	v4 =	vld [tilespmem:s28+$0xFFFFFFE0]  }
0x2e8: {  	v5 =	vld [tilespmem:s28+$0xFFFFFFF0]  }
0x2e9: {  	v6 =	vld [tilespmem:s28+$0x0]  }
0x2ea: {  	v7 =	vld [tilespmem:s28+$0x10];
	v8 =	vand.u32 $0xFFFF, v2  }
0x2eb: {  	v13 =	vld [tilespmem:s28+$0xFFFFFFC0];
	v9 =	vand.u32 $0xFFFF, v3  }
0x2ec: {  	v10 =	vld [tilespmem:s28+$0x20];
	v11 =	vand.u32 $0xFFFF, v4  }
0x2ed: {  	v12 =	vand.u32 $0xFFFF, v5  }
0x2ee: {  	v14 =	vand.u32 $0xFFFF, v6  }
0x2ef: {  	v15 =	vand.u32 $0xFFFF, v7;
	v16 =	vld.idx.msk [tilespmem:v8+s3+$0x0], $0xffff  }
0x2f0: {  	v22 =	vand.u32 $0xFFFF, v13;
	v17 =	vld.idx.msk [tilespmem:v9+s3+$0x0], $0xffff  }
0x2f1: {  	v18 =	vand.u32 $0xFFFF, v10;
	v19 =	vld.idx.msk [tilespmem:v11+s3+$0x0], $0xffff  }
0x2f2: {  	v2 =	vshrl.u32 v2, $0x10;
	v20 =	vld.idx.msk [tilespmem:v12+s3+$0x0], $0xffff  }
0x2f3: {  	v3 =	vshrl.u32 v3, $0x10;
	v21 =	vld.idx.msk [tilespmem:v14+s3+$0x0], $0xffff  }
0x2f4: {  	v4 =	vshrl.u32 v4, $0x10;
	v23 =	vld.idx.msk [tilespmem:v15+s3+$0x0], $0xffff  }
0x2f5: {  	v5 =	vshrl.u32 v5, $0x10;
	v40 =	vld.idx.msk [tilespmem:v22+s3+$0x0], $0xffff  }
0x2f6: {  	v13 =	vshrl.u32 v13, $0x10;
	v24 =	vld.idx.msk [tilespmem:v18+s3+$0x0], $0xffff;
	v25 =	vunpack.i.l.bf16.f32 v16  }
0x2f7: {  	v6 =	vshrl.u32 v6, $0x10;
	v39 =	vunpack.i.l.bf16.f32 v17;
	[tilespmem:v2+s11+$0x0] =	vst.idx.add.f32.msk $0xffff, v25  }
0x2f8: {  	v7 =	vshrl.u32 v7, $0x10;
	v41 =	vunpack.i.l.bf16.f32 v19;
	[tilespmem:v3+s11+$0x0] =	vst.idx.add.f32.msk $0xffff, v39  }
0x2f9: {  	v43 =	vunpack.i.l.bf16.f32 v20;
	[tilespmem:v4+s11+$0x0] =	vst.idx.add.f32.msk $0xffff, v41  }
0x2fa: {  	v45 =	vunpack.i.l.bf16.f32 v40;
	[tilespmem:v5+s11+$0x0] =	vst.idx.add.f32.msk $0xffff, v43  }
0x2fb: {  	v47 =	vunpack.i.l.bf16.f32 v21;
	[tilespmem:v13+s11+$0x0] =	vst.idx.add.f32.msk $0xffff, v45  }
0x2fc: {  	v49 =	vunpack.i.l.bf16.f32 v23;
	[tilespmem:v6+s11+$0x0] =	vst.idx.add.f32.msk $0xffff, v47  }
0x2fd: {  	v16 =	vunpack.i.u.bf16.f32 v16;
	[tilespmem:v7+s11+$0x0] =	vst.idx.add.f32.msk $0xffff, v49  }
0x2fe: {  	v17 =	vunpack.i.u.bf16.f32 v17;
	[tilespmem:v2+s12+$0x0] =	vst.idx.add.f32.msk $0xffff, v16  }
0x2ff: {  	v42 =	vunpack.i.u.bf16.f32 v19;
	[tilespmem:v3+s12+$0x0] =	vst.idx.add.f32.msk $0xffff, v17  }
0x300: {  	v46 =	vunpack.i.u.bf16.f32 v20;
	[tilespmem:v4+s12+$0x0] =	vst.idx.add.f32.msk $0xffff, v42  }
0x301: {  	v48 =	vunpack.i.u.bf16.f32 v21;
	[tilespmem:v5+s12+$0x0] =	vst.idx.add.f32.msk $0xffff, v46  }
0x302: {  	v50 =	vunpack.i.u.bf16.f32 v23;
	[tilespmem:v6+s12+$0x0] =	vst.idx.add.f32.msk $0xffff, v48  }
0x303: {  	[tilespmem:v7+s12+$0x0] =	vst.idx.add.f32.msk $0xffff, v50  }
0x304: {  	v8 =	vld.idx.msk [tilespmem:v8+s15+$0x0], $0xffff  }
0x305: {  	v9 =	vld.idx.msk [tilespmem:v9+s15+$0x0], $0xffff  }
0x306: {  	v54 =	vld.idx.msk [tilespmem:v11+s15+$0x0], $0xffff  }
0x307: {  	v55 =	vld.idx.msk [tilespmem:v12+s15+$0x0], $0xffff  }
0x308: {  	v56 =	vld.idx.msk [tilespmem:v14+s15+$0x0], $0xffff  }
0x309: {  	v57 =	vld.idx.msk [tilespmem:v15+s15+$0x0], $0xffff;
	v44 =	vunpack.i.l.bf16.f32 v8  }
0x30a: {  	v60 =	vunpack.i.l.bf16.f32 v9;
	[tilespmem:v2+s16+$0x0] =	vst.idx.add.f32.msk $0xffff, v44  }
0x30b: {  	v62 =	vunpack.i.l.bf16.f32 v54;
	[tilespmem:v3+s16+$0x0] =	vst.idx.add.f32.msk $0xffff, v60  }
0x30c: {  	v63 =	vunpack.i.l.bf16.f32 v55;
	[tilespmem:v4+s16+$0x0] =	vst.idx.add.f32.msk $0xffff, v62  }
0x30d: {  	v8 =	vunpack.i.u.bf16.f32 v8;
	[tilespmem:v5+s16+$0x0] =	vst.idx.add.f32.msk $0xffff, v63  }
0x30e: {  	v61 =	vunpack.i.u.bf16.f32 v9;
	[tilespmem:v2+s7+$0x0] =	vst.idx.add.f32.msk $0xffff, v8  }
0x30f: {  	v2 =	vunpack.i.u.bf16.f32 v40;
	[tilespmem:v3+s7+$0x0] =	vst.idx.add.f32.msk $0xffff, v61  }
0x310: {  	v3 =	vunpack.i.u.bf16.f32 v54;
	[tilespmem:v13+s12+$0x0] =	vst.idx.add.f32.msk $0xffff, v2;
	v2 =	vshrl.u32 v10, $0x10  }
0x311: {  	[tilespmem:v4+s7+$0x0] =	vst.idx.add.f32.msk $0xffff, v3  }
0x312: {  	v3 =	vunpack.i.u.bf16.f32 v55;
	v53 =	vld.idx.msk [tilespmem:v22+s15+$0x0], $0xffff  }
0x313: {  	v4 =	vunpack.i.l.bf16.f32 v56;
	[tilespmem:v5+s7+$0x0] =	vst.idx.add.f32.msk $0xffff, v3  }
0x314: {  	v51 =	vunpack.i.l.bf16.f32 v24;
	[tilespmem:v6+s16+$0x0] =	vst.idx.add.f32.msk $0xffff, v4  }
0x315: {  	v52 =	vunpack.i.u.bf16.f32 v24;
	[tilespmem:v2+s11+$0x0] =	vst.idx.add.f32.msk $0xffff, v51  }
0x316: {  	[tilespmem:v2+s12+$0x0] =	vst.idx.add.f32.msk $0xffff, v52  }
0x317: {  	v3 =	vunpack.i.u.bf16.f32 v56;
	v59 =	vld.idx.msk [tilespmem:v18+s15+$0x0], $0xffff  }
0x318: {  	v4 =	vunpack.i.l.bf16.f32 v57;
	[tilespmem:v6+s7+$0x0] =	vst.idx.add.f32.msk $0xffff, v3  }
0x319: {  	v5 =	vunpack.i.u.bf16.f32 v57;
	[tilespmem:v7+s16+$0x0] =	vst.idx.add.f32.msk $0xffff, v4  }
0x31a: {  	[tilespmem:v7+s7+$0x0] =	vst.idx.add.f32.msk $0xffff, v5;
	v58 =	vunpack.i.l.bf16.f32 v53  }
0x31b: {  	v8 =	vunpack.i.u.bf16.f32 v53;
	[tilespmem:v13+s16+$0x0] =	vst.idx.add.f32.msk $0xffff, v58  }
0x31c: {  	s14 =	simm.s32 $0x0;
	s18 =	simm.s32 $0x151C0;
	[tilespmem:v13+s7+$0x0] =	vst.idx.add.f32.msk $0xffff, v8;
	v3 =	vunpack.i.u.bf16.f32 v59;
	v4 =	vunpack.i.l.bf16.f32 v59  }
.LBB2_39:
0x31d: {  	v5 =	vld [tilespmem:s18+$0x30]  }
0x31e: {  	v6 =	vld [tilespmem:s18+$0xFFFFFFD0]  }
0x31f: {  	s14 =	sadd.s32 $0x8, s14;
	v7 =	vld [tilespmem:s18+$0xFFFFFFE0]  }
0x320: {  	p1 =	slt.u32 s14, $0x3E0;
	v8 =	vld [tilespmem:s18+$0xFFFFFFF0]  }
0x321: {  	v9 =	vld [tilespmem:s18+$0x0]  }
0x322: {  	v10 =	vld [tilespmem:s18+$0x10];
	v11 =	vand.u32 $0xFFFF, v5  }
0x323: {  	v12 =	vand.u32 $0xFFFF, v6;
	v6 =	vshrl.u32 v6, $0x10;
	v13 =	vld [tilespmem:s18+$0x20]  }
0x324: {  	v14 =	vld [tilespmem:s18+$0xFFFFFFC0];
	v15 =	vand.u32 $0xFFFF, v7;
	v7 =	vshrl.u32 v7, $0x10  }
0x325: {  	v16 =	vand.u32 $0xFFFF, v8;
	v8 =	vshrl.u32 v8, $0x10;
	[tilespmem:v2+s16+$0x0] =	vst.idx.add.f32.msk $0xffff, v4  }
0x326: {  	v4 =	vand.u32 $0xFFFF, v9;
	v9 =	vshrl.u32 v9, $0x10;
	[tilespmem:v2+s7+$0x0] =	vst.idx.add.f32.msk $0xffff, v3  }
0x327: {  	v3 =	vand.u32 $0xFFFF, v10;
	v10 =	vshrl.u32 v10, $0x10;
	v17 =	vld.idx.msk [tilespmem:v11+s3+$0x0], $0xffff  }
0x328: {  	v18 =	vld.idx.msk [tilespmem:v12+s3+$0x0], $0xffff;
	v19 =	vand.u32 $0xFFFF, v13;
	v2 =	vshrl.u32 v13, $0x10  }
0x329: {  	v5 =	vshrl.u32 v5, $0x10;
	v13 =	vand.u32 $0xFFFF, v14;
	v14 =	vshrl.u32 v14, $0x10;
	v20 =	vld.idx.msk [tilespmem:v15+s3+$0x0], $0xffff  }
0x32a: {  	v21 =	vld.idx.msk [tilespmem:v16+s3+$0x0], $0xffff  }
0x32b: {  	v22 =	vld.idx.msk [tilespmem:v4+s3+$0x0], $0xffff  }
0x32c: {  	v23 =	vld.idx.msk [tilespmem:v3+s3+$0x0], $0xffff  }
0x32d: {  	v25 =	vunpack.i.l.bf16.f32 v17;
	v24 =	vld.idx.msk [tilespmem:v19+s3+$0x0], $0xffff  }
0x32e: {  	v17 =	vunpack.i.u.bf16.f32 v17;
	v26 =	vunpack.i.u.bf16.f32 v18;
	v18 =	vunpack.i.l.bf16.f32 v18;
	[tilespmem:v5+s11+$0x0] =	vst.idx.add.f32.msk $0xffff, v25  }
0x32f: {  	v25 =	vunpack.i.u.bf16.f32 v20;
	v20 =	vunpack.i.l.bf16.f32 v20;
	[tilespmem:v5+s12+$0x0] =	vst.idx.add.f32.msk $0xffff, v17  }
0x330: {  	v17 =	vunpack.i.u.bf16.f32 v21;
	v21 =	vunpack.i.l.bf16.f32 v21;
	v11 =	vld.idx.msk [tilespmem:v11+s15+$0x0], $0xffff  }
0x331: {  	v28 =	vunpack.i.u.bf16.f32 v22;
	v22 =	vunpack.i.l.bf16.f32 v22;
	v27 =	vld.idx.msk [tilespmem:v13+s3+$0x0], $0xffff  }
0x332: {  	[tilespmem:v6+s11+$0x0] =	vst.idx.add.f32.msk $0xffff, v18;
	v18 =	vunpack.i.u.bf16.f32 v23;
	v23 =	vunpack.i.l.bf16.f32 v23  }
0x333: {  	[tilespmem:v6+s12+$0x0] =	vst.idx.add.f32.msk $0xffff, v26;
	v26 =	vunpack.i.u.bf16.f32 v24;
	v24 =	vunpack.i.l.bf16.f32 v24  }
0x334: {  	[tilespmem:v7+s11+$0x0] =	vst.idx.add.f32.msk $0xffff, v20  }
0x335: {  	[tilespmem:v7+s12+$0x0] =	vst.idx.add.f32.msk $0xffff, v25  }
0x336: {  	v20 =	vunpack.i.l.bf16.f32 v11;
	[tilespmem:v8+s11+$0x0] =	vst.idx.add.f32.msk $0xffff, v21  }
0x337: {  	v11 =	vunpack.i.u.bf16.f32 v11;
	v21 =	vunpack.i.u.bf16.f32 v27;
	v25 =	vunpack.i.l.bf16.f32 v27;
	[tilespmem:v5+s16+$0x0] =	vst.idx.add.f32.msk $0xffff, v20  }
0x338: {  	[tilespmem:v5+s7+$0x0] =	vst.idx.add.f32.msk $0xffff, v11  }
0x339: {  	[tilespmem:v14+s11+$0x0] =	vst.idx.add.f32.msk $0xffff, v25  }
0x33a: {  	[tilespmem:v14+s12+$0x0] =	vst.idx.add.f32.msk $0xffff, v21  }
0x33b: {  	[tilespmem:v8+s12+$0x0] =	vst.idx.add.f32.msk $0xffff, v17  }
0x33c: {  	[tilespmem:v9+s11+$0x0] =	vst.idx.add.f32.msk $0xffff, v22  }
0x33d: {  	[tilespmem:v9+s12+$0x0] =	vst.idx.add.f32.msk $0xffff, v28  }
0x33e: {  	[tilespmem:v10+s11+$0x0] =	vst.idx.add.f32.msk $0xffff, v23  }
0x33f: {  	[tilespmem:v10+s12+$0x0] =	vst.idx.add.f32.msk $0xffff, v18  }
0x340: {  	[tilespmem:v2+s11+$0x0] =	vst.idx.add.f32.msk $0xffff, v24  }
0x341: {  	[tilespmem:v2+s12+$0x0] =	vst.idx.add.f32.msk $0xffff, v26  }
0x342: {  	v5 =	vld.idx.msk [tilespmem:v13+s15+$0x0], $0xffff  }
0x343: {  	v11 =	vld.idx.msk [tilespmem:v12+s15+$0x0], $0xffff  }
0x344: {  	v12 =	vld.idx.msk [tilespmem:v15+s15+$0x0], $0xffff  }
0x345: {  	v13 =	vld.idx.msk [tilespmem:v16+s15+$0x0], $0xffff  }
0x346: {  	v4 =	vld.idx.msk [tilespmem:v4+s15+$0x0], $0xffff  }
0x347: {  	v3 =	vld.idx.msk [tilespmem:v3+s15+$0x0], $0xffff  }
0x348: {  	v15 =	vunpack.i.u.bf16.f32 v5;
	v5 =	vunpack.i.l.bf16.f32 v5;
	v16 =	vld.idx.msk [tilespmem:v19+s15+$0x0], $0xffff  }
0x349: {  	[tilespmem:v14+s16+$0x0] =	vst.idx.add.f32.msk $0xffff, v5;
	v5 =	vunpack.i.u.bf16.f32 v11;
	v11 =	vunpack.i.l.bf16.f32 v11  }
0x34a: {  	[tilespmem:v14+s7+$0x0] =	vst.idx.add.f32.msk $0xffff, v15;
	v14 =	vunpack.i.u.bf16.f32 v12;
	v12 =	vunpack.i.l.bf16.f32 v12  }
0x34b: {  	[tilespmem:v6+s16+$0x0] =	vst.idx.add.f32.msk $0xffff, v11;
	v11 =	vunpack.i.u.bf16.f32 v13;
	v13 =	vunpack.i.l.bf16.f32 v13  }
0x34c: {  	[tilespmem:v6+s7+$0x0] =	vst.idx.add.f32.msk $0xffff, v5;
	v5 =	vunpack.i.u.bf16.f32 v4;
	v6 =	vunpack.i.l.bf16.f32 v4  }
0x34d: {  	v15 =	vunpack.i.l.bf16.f32 v3;
	[tilespmem:v7+s16+$0x0] =	vst.idx.add.f32.msk $0xffff, v12;
	v12 =	vunpack.i.u.bf16.f32 v3  }
0x34e: {  	v3 =	vunpack.i.u.bf16.f32 v16;
	v4 =	vunpack.i.l.bf16.f32 v16;
	[tilespmem:v7+s7+$0x0] =	vst.idx.add.f32.msk $0xffff, v14  }
0x34f: {  	[tilespmem:v8+s16+$0x0] =	vst.idx.add.f32.msk $0xffff, v13  }
.Ltmp19:
0x350: {  	[tilespmem:v8+s7+$0x0] =	vst.idx.add.f32.msk $0xffff, v11;
	(pc) =	sbr.rel @p1 .LBB2_39-.Ltmp19, $4  }
0x351: {  	[tilespmem:v9+s16+$0x0] =	vst.idx.add.f32.msk $0xffff, v6  }
0x352: {  	[tilespmem:v9+s7+$0x0] =	vst.idx.add.f32.msk $0xffff, v5  }
0x353: {  	[tilespmem:v10+s16+$0x0] =	vst.idx.add.f32.msk $0xffff, v15  }
0x354: {  	s18 =	sadd.s32 $0x80, s18;
	[tilespmem:v10+s7+$0x0] =	vst.idx.add.f32.msk $0xffff, v12  }
0x355: {  	_ = 	snop  }
.Ltmp20:
0x356: {  	_ = 	snop;
	(pc) =	sbr.rel @p0 .LBB2_42-.Ltmp20, $3  }
0x357: {  	_ =	sdelay $0x1  }
0x358: {  	[tilespmem:v2+s16+$0x0] =	vst.idx.add.f32.msk $0xffff, v4  }
0x359: {  	[tilespmem:v2+s7+$0x0] =	vst.idx.add.f32.msk $0xffff, v3  }
0x35a: {  	s14 =	smul.u32 $0xFA00, s13  }
.Ltmp21:
0x35b: {  	_ = 	snop;
	(pc) =	sbr.rel .LBB2_36-.Ltmp21, $4  }
0x35c: {  	s14 =	sadd.s32 s22, s14  }
0x35d: {  	s14 =	sshrl.u32 s14, $0x3  }
0x35e: {  	s13 =	sadd.s32 $0x1, s13;
	s14 =	sadd.s32 s5, s14  }
0x35f: {  	[tilespmem:s29], [sflag:$0x2] =	stream.strided.gather [hbm4b:s14+s25], $0x3E80, s26, s25, $0x38;
	[tilespmem:$0x1E880] =	vst v63  }
.LBB2_42:
0x360: {  	_ =	swait.ge [sflag:s4], $0x2780  }
0x361: {  	[sflag:s4] =	ssyncset.done $0x0  }
0x362: {  	[sflag:s4] =	ssyncadd.s32 $0xFFFFD880  }
0x363: {  	_ =	swait.ge [sflag:s8], $0x2780  }
0x364: {  	[sflag:s8] =	ssyncset.done $0x0  }
0x365: {  	s17 =	simm.s32 $0xEB20;
	[sflag:s8] =	ssyncadd.s32 $0xFFFFD880  }
0x366: {  	s13 =	simm.s32 $0x75D0;
	v2 =	vld [tilespmem:s17+$0x20]  }
0x367: {  	v3 =	vld [tilespmem:s13+$0xFFFFD8F0]  }
0x368: {  	s14 =	simm.s32 $0x199A0;
	v4 =	vld [tilespmem:s13+$0x0]  }
0x369: {  	s18 =	simm.s32 $0x1C120;
	v5 =	vld [tilespmem:s14+$0x20]  }
0x36a: {  	v6 =	vld [tilespmem:s18+$0x20]  }
0x36b: {  	v7 =	vld [tilespmem:s17+$0xFFFFFFF0]  }
0x36c: {  	v8 =	vld [tilespmem:s17+$0x0]  }
0x36d: {  	v9 =	vld [tilespmem:s17+$0x10]  }
0x36e: {  	v10 =	vld [tilespmem:s17+$0xFFFFFFE0]  }
0x36f: {  	v11 =	vld [tilespmem:s13+$0xFFFFD8B0]  }
0x370: {  	v12 =	vld [tilespmem:s13+$0xFFFFFFC0]  }
0x371: {  	v13 =	vld [tilespmem:s13+$0xFFFFD8C0]  }
0x372: {  	v14 =	vld [tilespmem:s13+$0xFFFFFFD0]  }
0x373: {  	v15 =	vld [tilespmem:s13+$0xFFFFD8D0]  }
0x374: {  	v16 =	vld [tilespmem:s13+$0xFFFFFFE0]  }
0x375: {  	v17 =	vld [tilespmem:s13+$0xFFFFD8E0];
	v2 =	vmul.f32 v2, v2  }
0x376: {  	v18 =	vld [tilespmem:s13+$0xFFFFFFF0]  }
0x377: {  	v19 =	vld [tilespmem:s14+$0xFFFFFFE0];
	v3 =	vmul.f32 v3, v2;
	v2 =	vmul.f32 v4, v2  }
0x378: {  	v20 =	vld [tilespmem:s18+$0xFFFFFFE0];
	v9 =	vmul.f32 v9, v9;
	v4 =	vmul.f32 v10, v10  }
0x379: {  	v21 =	vld [tilespmem:s14+$0xFFFFFFF0];
	v3 =	vadd.f32 v5, v3;
	v2 =	vadd.f32 v6, v2;
	v5 =	vmul.f32 v7, v7  }
0x37a: {  	v6 =	vmul.f32 v8, v8;
	v22 =	vmul.f32 v11, v4;
	v11 =	vld [tilespmem:s18+$0xFFFFFFF0]  }
0x37b: {  	s19 =	simm.s32 $0x20;
	v12 =	vmul.f32 v12, v4;
	v7 =	vld [tilespmem:s14+$0x0];
	v2 =	vpack.i.f32.bf16 v2, v3;
	v23 =	vmul.f32 v13, v5  }
0x37c: {  	v8 =	vld [tilespmem:s18+$0x0];
	v10 =	vmul.f32 v14, v5;
	v5 =	vmul.f32 v15, v6;
	[tilespmem:s19+$0x20] =	vst v2  }
0x37d: {  	v4 =	vmul.f32 v16, v6;
	v13 =	vadd.f32 v19, v22;
	v6 =	vld [tilespmem:s14+$0x10];
	v14 =	vadd.f32 v20, v12;
	[tilespmem:s13+$0x0] =	vst v0  }
0x37e: {  	s28 =	simm.s32 $0xEB70;
	s20 =	simm.s32 $0x75D0;
	s17 =	simm.s32 $0x0;
	v3 =	vmul.f32 v17, v9;
	v2 =	vmul.f32 v18, v9;
	v9 =	vld [tilespmem:s18+$0x10];
	[tilespmem:s13+$0xFFFFD8F0] =	vst v0;
	v12 =	vadd.f32 v21, v23  }
.LBB2_43:
0x37f: {  	v15 =	vld [tilespmem:s28+$0x20];
	v13 =	vpack.i.f32.bf16 v14, v13;
	v10 =	vadd.f32 v11, v10;
	s13 =	sadd.s32 $0x50, s13  }
0x380: {  	s17 =	sadd.s32 $0x5, s17;
	v11 =	vld [tilespmem:s13+$0xFFFFD8F0];
	[tilespmem:s19+$0xFFFFFFE0] =	vst v13;
	v5 =	vadd.f32 v7, v5  }
0x381: {  	s14 =	sadd.s32 $0x50, s14;
	p0 =	slt.u32 s17, $0x26C;
	v7 =	vld [tilespmem:s13+$0x0];
	[tilespmem:s20+$0xFFFFD8B0] =	vst v0;
	v10 =	vpack.i.f32.bf16 v10, v12;
	v4 =	vadd.f32 v8, v4  }
0x382: {  	s18 =	sadd.s32 $0x50, s18;
	v8 =	vld [tilespmem:s14+$0x20];
	[tilespmem:s20+$0xFFFFFFC0] =	vst v0;
	v3 =	vadd.f32 v6, v3  }
0x383: {  	v6 =	vld [tilespmem:s18+$0x20];
	[tilespmem:s19+$0xFFFFFFF0] =	vst v10;
	v4 =	vpack.i.f32.bf16 v4, v5;
	v2 =	vadd.f32 v9, v2  }
0x384: {  	v5 =	vld [tilespmem:s28+$0xFFFFFFF0];
	v9 =	vmul.f32 v15, v15;
	[tilespmem:s20+$0xFFFFD8C0] =	vst v0  }
0x385: {  	v10 =	vld [tilespmem:s28+$0x0];
	[tilespmem:s20+$0xFFFFFFD0] =	vst v0;
	v2 =	vpack.i.f32.bf16 v2, v3  }
0x386: {  	v3 =	vld [tilespmem:s28+$0x10];
	v11 =	vmul.f32 v11, v9;
	v7 =	vmul.f32 v7, v9;
	[tilespmem:s19+$0x0] =	vst v4  }
0x387: {  	v4 =	vld [tilespmem:s28+$0xFFFFFFE0];
	[tilespmem:s20+$0xFFFFD8D0] =	vst v0  }
0x388: {  	v9 =	vld [tilespmem:s13+$0xFFFFD8B0];
	v8 =	vadd.f32 v8, v11;
	v6 =	vadd.f32 v6, v7;
	[tilespmem:s20+$0xFFFFFFE0] =	vst v0  }
0x389: {  	v7 =	vld [tilespmem:s13+$0xFFFFFFC0];
	v5 =	vmul.f32 v5, v5;
	[tilespmem:s19+$0x10] =	vst v2  }
0x38a: {  	s19 =	sadd.s32 $0x50, s19;
	v2 =	vld [tilespmem:s13+$0xFFFFD8C0];
	v11 =	vmul.f32 v10, v10;
	v6 =	vpack.i.f32.bf16 v6, v8;
	[tilespmem:s20+$0xFFFFD8E0] =	vst v0  }
0x38b: {  	v8 =	vld [tilespmem:s13+$0xFFFFFFD0];
	v12 =	vmul.f32 v3, v3;
	[tilespmem:s19+$0x20] =	vst v6  }
0x38c: {  	v3 =	vmul.f32 v4, v4;
	v4 =	vld [tilespmem:s13+$0xFFFFD8D0];
	[tilespmem:s13+$0x0] =	vst v0  }
0x38d: {  	v6 =	vld [tilespmem:s13+$0xFFFFFFE0];
	[tilespmem:s20+$0xFFFFFFF0] =	vst v0;
	s20 =	smov.u32 s13  }
0x38e: {  	v9 =	vmul.f32 v9, v3;
	v14 =	vmul.f32 v7, v3;
	v3 =	vld [tilespmem:s13+$0xFFFFD8E0];
	[tilespmem:s13+$0xFFFFD8F0] =	vst v0  }
0x38f: {  	v15 =	vmul.f32 v2, v5;
	v2 =	vld [tilespmem:s13+$0xFFFFFFF0]  }
0x390: {  	v13 =	vld [tilespmem:s14+$0xFFFFFFE0];
	v10 =	vmul.f32 v8, v5  }
0x391: {  	v16 =	vld [tilespmem:s18+$0xFFFFFFE0];
	v5 =	vmul.f32 v4, v11  }
0x392: {  	v17 =	vld [tilespmem:s14+$0xFFFFFFF0];
	v4 =	vmul.f32 v6, v11  }
.Ltmp22:
0x393: {  	v11 =	vld [tilespmem:s18+$0xFFFFFFF0];
	v3 =	vmul.f32 v3, v12;
	(pc) =	sbr.rel @p0 .LBB2_43-.Ltmp22, $4  }
0x394: {  	v7 =	vld [tilespmem:s14+$0x0];
	v2 =	vmul.f32 v2, v12  }
0x395: {  	v13 =	vadd.f32 v13, v9;
	v8 =	vld [tilespmem:s18+$0x0]  }
0x396: {  	v14 =	vadd.f32 v16, v14;
	v6 =	vld [tilespmem:s14+$0x10]  }
0x397: {  	s28 =	sadd.s32 $0x50, s28;
	v12 =	vadd.f32 v17, v15;
	v9 =	vld [tilespmem:s18+$0x10]  }
0x398: {  	v13 =	vpack.i.f32.bf16 v14, v13  }
0x399: {  	v10 =	vadd.f32 v11, v10;
	[tilespmem:s19+$0xFFFFFFE0] =	vst v13  }
0x39a: {  	[tilespmem:s20+$0xFFFFD8B0] =	vst v0  }
0x39b: {  	v10 =	vpack.i.f32.bf16 v10, v12;
	[tilespmem:s20+$0xFFFFFFC0] =	vst v0  }
0x39c: {  	v5 =	vadd.f32 v7, v5;
	v4 =	vadd.f32 v8, v4;
	[tilespmem:s19+$0xFFFFFFF0] =	vst v10  }
0x39d: {  	[tilespmem:s20+$0xFFFFD8C0] =	vst v0  }
0x39e: {  	v4 =	vpack.i.f32.bf16 v4, v5;
	[tilespmem:s20+$0xFFFFFFD0] =	vst v0  }
0x39f: {  	v3 =	vadd.f32 v6, v3;
	v2 =	vadd.f32 v9, v2;
	[tilespmem:s19+$0x0] =	vst v4  }
0x3a0: {  	[tilespmem:s20+$0xFFFFD8D0] =	vst v0  }
0x3a1: {  	v2 =	vpack.i.f32.bf16 v2, v3;
	[tilespmem:s20+$0xFFFFFFE0] =	vst v0  }
0x3a2: {  	[tilespmem:s19+$0x10] =	vst v2  }
0x3a3: {  	[tilespmem:s20+$0xFFFFD8E0] =	vst v0  }
0x3a4: {  	[tilespmem:s20+$0xFFFFFFF0] =	vst v0  }
0x3a5: {  	s13 =	rddreg [dreg:$0xf]  }
0x3a6: {  	[tilespmem:s23], [sflag:$0x3] =	stream.strided.gather [hbm4b:s13+s25], $0x2780, s9, s25, $0x38;
	[tilespmem:$0x1E880] =	vst v63  }
0x3a7: {  	s28 =	rddreg [dreg:$0x10]  }
0x3a8: {  	[tilespmem:s24], [sflag:$0x4] =	stream.strided.gather [hbm4b:s28+s25], $0x2780, s9, s25, $0x38;
	[tilespmem:$0x1E880] =	vst v63  }
0x3a9: {  	_ =	swait.ge [sflag:s4], $0x2780  }
0x3aa: {  	[sflag:s4] =	ssyncset.done $0x0  }
0x3ab: {  	[sflag:s4] =	ssyncadd.s32 $0xFFFFD880  }
0x3ac: {  	_ =	swait.ge [sflag:s8], $0x2780  }
0x3ad: {  	[sflag:s8] =	ssyncset.done $0x0  }
0x3ae: {  	s13 =	simm.s32 $0x0;
	[sflag:s8] =	ssyncadd.s32 $0xFFFFD880  }
0x3af: {  	v2 =	vld [tilespmem:s13+$0xEB40]  }
0x3b0: {  	v3 =	vld [tilespmem:s13+$0x9CE0]  }
0x3b1: {  	v4 =	vld [tilespmem:s13+$0xC3F0]  }
0x3b2: {  	v5 =	vld [tilespmem:s13+$0x199C0]  }
0x3b3: {  	v6 =	vld [tilespmem:s13+$0x1C140]  }
0x3b4: {  	v7 =	vld [tilespmem:s13+$0xEB00]  }
0x3b5: {  	v8 =	vld [tilespmem:s13+$0xEB10]  }
0x3b6: {  	v9 =	vld [tilespmem:s13+$0xEB20]  }
0x3b7: {  	v10 =	vld [tilespmem:s13+$0xEB30]  }
0x3b8: {  	v11 =	vld [tilespmem:s13+$0x9CA0]  }
0x3b9: {  	v12 =	vld [tilespmem:s13+$0x9CB0]  }
0x3ba: {  	v13 =	vld [tilespmem:s13+$0xC3B0]  }
0x3bb: {  	v14 =	vld [tilespmem:s13+$0xC3C0]  }
0x3bc: {  	[tilespmem:s13+$0x9CE0] =	vst v0;
	v15 =	vld [tilespmem:s13+$0x9CC0]  }
0x3bd: {  	[tilespmem:s13+$0x9CA0] =	vst v0;
	v16 =	vld [tilespmem:s13+$0xC3D0];
	v2 =	vmul.f32 v2, v2  }
0x3be: {  	[tilespmem:s13+$0x9CB0] =	vst v0;
	v17 =	vld [tilespmem:s13+$0x9CD0]  }
0x3bf: {  	[tilespmem:s13+$0xC3B0] =	vst v0;
	v18 =	vld [tilespmem:s13+$0xC3E0];
	v3 =	vmul.f32 v3, v2  }
0x3c0: {  	[tilespmem:s13+$0xC3F0] =	vst v0;
	v19 =	vld [tilespmem:s13+$0x19980];
	v2 =	vmul.f32 v4, v2;
	v4 =	vmul.f32 v7, v7  }
0x3c1: {  	[tilespmem:s13+$0xC3C0] =	vst v0;
	v21 =	vld [tilespmem:s13+$0x1C100];
	v20 =	vmul.f32 v9, v9;
	v7 =	vmul.f32 v8, v8  }
0x3c2: {  	[tilespmem:s13+$0x9CC0] =	vst v0;
	v22 =	vmul.f32 v10, v10;
	v8 =	vld [tilespmem:s13+$0x19990];
	v3 =	vadd.f32 v5, v3;
	v23 =	vmul.f32 v11, v4  }
0x3c3: {  	[tilespmem:s13+$0xC3D0] =	vst v0;
	v9 =	vld [tilespmem:s13+$0x1C110];
	v2 =	vadd.f32 v6, v2;
	v24 =	vmul.f32 v13, v4;
	v4 =	vmul.f32 v12, v7  }
0x3c4: {  	[tilespmem:s13+$0x9CD0] =	vst v0;
	v10 =	vld [tilespmem:s13+$0x199A0];
	v6 =	vmul.f32 v14, v7;
	v5 =	vmul.f32 v15, v20  }
0x3c5: {  	[tilespmem:s13+$0xC3E0] =	vst v0;
	v7 =	vmul.f32 v16, v20;
	v11 =	vld [tilespmem:s13+$0x1C120];
	v3 =	vpack.i.f32.bf16 v2, v3;
	v2 =	vmul.f32 v17, v22  }
0x3c6: {  	s14 =	simm.s32 $0x0;
	s17 =	simm.s32 $0x140;
	v12 =	vld [tilespmem:s13+$0x199B0];
	v13 =	vadd.f32 v19, v23;
	v14 =	vadd.f32 v21, v24;
	[tilespmem:s13+$0x2750] =	vst v3;
	v3 =	vmul.f32 v18, v22  }
.LBB2_45:
0x3c7: {  	s18 =	sshra.s32 s17, $0x2;
	s14 =	sadd.s32 $0x5, s14;
	v4 =	vadd.f32 v8, v4;
	v8 =	vld [tilespmem:s13+$0x1C130]  }
0x3c8: {  	v15 =	vld [tilespmem:s18+$0xEB40];
	p0 =	slt.u32 s14, $0x26C;
	v13 =	vpack.i.f32.bf16 v14, v13;
	v6 =	vadd.f32 v9, v6  }
0x3c9: {  	v9 =	vld [tilespmem:s18+$0x9CE0];
	[tilespmem:s13+$0x2710] =	vst v13;
	v5 =	vadd.f32 v10, v5  }
0x3ca: {  	v10 =	vld [tilespmem:s18+$0xC3F0];
	[tilespmem:s18+$0x9CE0] =	vst v0;
	v4 =	vpack.i.f32.bf16 v6, v4;
	v6 =	vadd.f32 v11, v7  }
0x3cb: {  	v7 =	vld [tilespmem:s18+$0x199C0];
	[tilespmem:s13+$0x2720] =	vst v4;
	v2 =	vadd.f32 v12, v2  }
0x3cc: {  	v4 =	vld [tilespmem:s18+$0x1C140];
	[tilespmem:s18+$0xC3F0] =	vst v0;
	v5 =	vpack.i.f32.bf16 v6, v5;
	v3 =	vadd.f32 v8, v3  }
0x3cd: {  	v6 =	vld [tilespmem:s18+$0xEB00];
	v8 =	vmul.f32 v15, v15;
	[tilespmem:s13+$0x2730] =	vst v5  }
0x3ce: {  	v5 =	vld [tilespmem:s18+$0xEB10];
	v2 =	vpack.i.f32.bf16 v3, v2  }
0x3cf: {  	v3 =	vld [tilespmem:s18+$0xEB20];
	v9 =	vmul.f32 v9, v8;
	v8 =	vmul.f32 v10, v8;
	[tilespmem:s13+$0x2740] =	vst v2;
	s13 =	smov.u32 s18  }
0x3d0: {  	v2 =	vld [tilespmem:s13+$0xEB30]  }
0x3d1: {  	v10 =	vld [tilespmem:s13+$0x9CA0];
	[tilespmem:s13+$0x9CA0] =	vst v0;
	v7 =	vadd.f32 v7, v9;
	v4 =	vadd.f32 v4, v8  }
0x3d2: {  	v6 =	vmul.f32 v6, v6;
	v8 =	vld [tilespmem:s13+$0xC3B0];
	[tilespmem:s13+$0xC3B0] =	vst v0  }
0x3d3: {  	v5 =	vmul.f32 v5, v5;
	v9 =	vld [tilespmem:s13+$0x9CB0];
	[tilespmem:s13+$0x9CB0] =	vst v0;
	v4 =	vpack.i.f32.bf16 v4, v7  }
0x3d4: {  	v7 =	vld [tilespmem:s13+$0xC3C0];
	v3 =	vmul.f32 v3, v3;
	[tilespmem:s13+$0x2750] =	vst v4  }
0x3d5: {  	[tilespmem:s13+$0xC3C0] =	vst v0;
	v11 =	vld [tilespmem:s13+$0x9CC0];
	v12 =	vmul.f32 v2, v2  }
0x3d6: {  	v13 =	vmul.f32 v10, v6;
	v2 =	vld [tilespmem:s13+$0xC3D0];
	[tilespmem:s13+$0x9CC0] =	vst v0  }
0x3d7: {  	v14 =	vmul.f32 v8, v6;
	[tilespmem:s13+$0xC3D0] =	vst v0;
	v10 =	vld [tilespmem:s13+$0x9CD0]  }
0x3d8: {  	v4 =	vmul.f32 v9, v5;
	v15 =	vld [tilespmem:s13+$0xC3E0];
	[tilespmem:s13+$0x9CD0] =	vst v0  }
0x3d9: {  	v16 =	vld [tilespmem:s13+$0x19980];
	v6 =	vmul.f32 v7, v5;
	[tilespmem:s13+$0xC3E0] =	vst v0  }
0x3da: {  	v17 =	vld [tilespmem:s13+$0x1C100];
	v5 =	vmul.f32 v11, v3  }
.Ltmp23:
0x3db: {  	v8 =	vld [tilespmem:s13+$0x19990];
	v7 =	vmul.f32 v2, v3;
	(pc) =	sbr.rel @p0 .LBB2_45-.Ltmp23, $4  }
0x3dc: {  	v9 =	vld [tilespmem:s13+$0x1C110];
	v2 =	vmul.f32 v10, v12  }
0x3dd: {  	v10 =	vld [tilespmem:s13+$0x199A0];
	v3 =	vmul.f32 v15, v12  }
0x3de: {  	v13 =	vadd.f32 v16, v13;
	v11 =	vld [tilespmem:s13+$0x1C120]  }
0x3df: {  	s17 =	sadd.s32 $0x140, s17;
	v14 =	vadd.f32 v17, v14;
	v12 =	vld [tilespmem:s13+$0x199B0]  }
0x3e0: {  	v15 =	vld [tilespmem:s13+$0x1C130];
	_ =	sdelay $0x1  }
0x3e1: {  	s10 =	sadd.s32 $0x1, s10  }
0x3e2: {  	v4 =	vadd.f32 v8, v4;
	v6 =	vadd.f32 v9, v6;
	p0 =	sne.s32 s10, $0x7  }
.Ltmp24:
0x3e3: {  	v62 =	vpack.i.f32.bf16 v14, v13;
	v5 =	vadd.f32 v10, v5;
	v7 =	vadd.f32 v11, v7;
	(pc) =	sbr.rel @p0 .LBB2_35-.Ltmp24, $4  }
0x3e4: {  	[tilespmem:s13+$0x2710] =	vst v62;
	v4 =	vpack.i.f32.bf16 v6, v4;
	v2 =	vadd.f32 v12, v2;
	v3 =	vadd.f32 v15, v3  }
0x3e5: {  	[tilespmem:s13+$0x2720] =	vst v4;
	v63 =	vpack.i.f32.bf16 v7, v5  }
0x3e6: {  	[tilespmem:s13+$0x2730] =	vst v63;
	v2 =	vpack.i.f32.bf16 v3, v2  }
0x3e7: {  	s20 =	simm.s32 $0x11280;
	[tilespmem:s13+$0x2740] =	vst v2  }
0x3e8: {  	s10 =	rddreg [dreg:$0x8]  }
0x3e9: {  	[tilespmem:s23], [sflag:$0x3] =	stream.strided.gather [hbm4b:s10+s25], $0x2780, s9, s25, $0x38;
	[tilespmem:$0x1E880] =	vst v63  }
0x3ea: {  	s18 =	rddreg [dreg:$0x9]  }
0x3eb: {  	[tilespmem:s24], [sflag:$0x4] =	stream.strided.gather [hbm4b:s18+s25], $0x2780, s9, s25, $0x38;
	[tilespmem:$0x1E880] =	vst v63  }
0x3ec: {  	s19 =	rddreg [dreg:$0xe]  }
0x3ed: {  	[tilespmem:s20], [sflag:$0x1] =	stream.strided.gather [hbm4b:s19+s25], $0x3E80, s26, s25, $0x38;
	[tilespmem:$0x1E880] =	vst v63  }
0x3ee: {  	s28 =	rddreg [dreg:$0x11];
	s10 =	simm.s32 $0x0  }
0x3ef: {  	[tilespmem:s29], [sflag:$0x2] =	stream.strided.gather [hbm4b:s28+s25], $0x3E80, s26, s25, $0x38;
	[tilespmem:$0x1E880] =	vst v63  }
.LBB2_48:
0x3f0: {  	_ =	swait.ge [sflag:s30], $0x3E80  }
0x3f1: {  	[sflag:s30] =	ssyncset.done $0x0  }
0x3f2: {  	s13 =	simm.s32 $0x112C0;
	[sflag:s30] =	ssyncadd.s32 $0xFFFFC180  }
0x3f3: {  	v2 =	vld [tilespmem:s13+$0x30]  }
0x3f4: {  	v3 =	vld [tilespmem:s13+$0xFFFFFFD0]  }
0x3f5: {  	v4 =	vld [tilespmem:s13+$0xFFFFFFE0]  }
0x3f6: {  	v5 =	vld [tilespmem:s13+$0xFFFFFFF0]  }
0x3f7: {  	v6 =	vld [tilespmem:s13+$0x0]  }
0x3f8: {  	v7 =	vld [tilespmem:s13+$0x10];
	v8 =	vand.u32 $0xFFFF, v2  }
0x3f9: {  	v13 =	vld [tilespmem:s13+$0xFFFFFFC0];
	v9 =	vand.u32 $0xFFFF, v3  }
0x3fa: {  	v10 =	vld [tilespmem:s13+$0x20];
	v11 =	vand.u32 $0xFFFF, v4  }
0x3fb: {  	v12 =	vand.u32 $0xFFFF, v5  }
0x3fc: {  	v14 =	vand.u32 $0xFFFF, v6  }
0x3fd: {  	v15 =	vand.u32 $0xFFFF, v7;
	v16 =	vld.idx.msk [tilespmem:v8+s3+$0x0], $0xffff  }
0x3fe: {  	v22 =	vand.u32 $0xFFFF, v13;
	v17 =	vld.idx.msk [tilespmem:v9+s3+$0x0], $0xffff  }
0x3ff: {  	v18 =	vand.u32 $0xFFFF, v10;
	v19 =	vld.idx.msk [tilespmem:v11+s3+$0x0], $0xffff  }
0x400: {  	v2 =	vshrl.u32 v2, $0x10;
	v20 =	vld.idx.msk [tilespmem:v12+s3+$0x0], $0xffff  }
0x401: {  	v3 =	vshrl.u32 v3, $0x10;
	v21 =	vld.idx.msk [tilespmem:v14+s3+$0x0], $0xffff  }
0x402: {  	v4 =	vshrl.u32 v4, $0x10;
	v23 =	vld.idx.msk [tilespmem:v15+s3+$0x0], $0xffff  }
0x403: {  	v5 =	vshrl.u32 v5, $0x10;
	v40 =	vld.idx.msk [tilespmem:v22+s3+$0x0], $0xffff  }
0x404: {  	v13 =	vshrl.u32 v13, $0x10;
	v24 =	vld.idx.msk [tilespmem:v18+s3+$0x0], $0xffff;
	v25 =	vunpack.i.l.bf16.f32 v16  }
0x405: {  	v6 =	vshrl.u32 v6, $0x10;
	v39 =	vunpack.i.l.bf16.f32 v17;
	[tilespmem:v2+s11+$0x0] =	vst.idx.add.f32.msk $0xffff, v25  }
0x406: {  	v7 =	vshrl.u32 v7, $0x10;
	v41 =	vunpack.i.l.bf16.f32 v19;
	[tilespmem:v3+s11+$0x0] =	vst.idx.add.f32.msk $0xffff, v39  }
0x407: {  	v43 =	vunpack.i.l.bf16.f32 v20;
	[tilespmem:v4+s11+$0x0] =	vst.idx.add.f32.msk $0xffff, v41  }
0x408: {  	v45 =	vunpack.i.l.bf16.f32 v40;
	[tilespmem:v5+s11+$0x0] =	vst.idx.add.f32.msk $0xffff, v43  }
0x409: {  	v47 =	vunpack.i.l.bf16.f32 v21;
	[tilespmem:v13+s11+$0x0] =	vst.idx.add.f32.msk $0xffff, v45  }
0x40a: {  	v49 =	vunpack.i.l.bf16.f32 v23;
	[tilespmem:v6+s11+$0x0] =	vst.idx.add.f32.msk $0xffff, v47  }
0x40b: {  	v16 =	vunpack.i.u.bf16.f32 v16;
	[tilespmem:v7+s11+$0x0] =	vst.idx.add.f32.msk $0xffff, v49  }
0x40c: {  	v17 =	vunpack.i.u.bf16.f32 v17;
	[tilespmem:v2+s12+$0x0] =	vst.idx.add.f32.msk $0xffff, v16  }
0x40d: {  	v42 =	vunpack.i.u.bf16.f32 v19;
	[tilespmem:v3+s12+$0x0] =	vst.idx.add.f32.msk $0xffff, v17  }
0x40e: {  	v46 =	vunpack.i.u.bf16.f32 v20;
	[tilespmem:v4+s12+$0x0] =	vst.idx.add.f32.msk $0xffff, v42  }
0x40f: {  	v48 =	vunpack.i.u.bf16.f32 v21;
	[tilespmem:v5+s12+$0x0] =	vst.idx.add.f32.msk $0xffff, v46  }
0x410: {  	v50 =	vunpack.i.u.bf16.f32 v23;
	[tilespmem:v6+s12+$0x0] =	vst.idx.add.f32.msk $0xffff, v48  }
0x411: {  	[tilespmem:v7+s12+$0x0] =	vst.idx.add.f32.msk $0xffff, v50  }
0x412: {  	v8 =	vld.idx.msk [tilespmem:v8+s15+$0x0], $0xffff  }
0x413: {  	v9 =	vld.idx.msk [tilespmem:v9+s15+$0x0], $0xffff  }
0x414: {  	v54 =	vld.idx.msk [tilespmem:v11+s15+$0x0], $0xffff  }
0x415: {  	v55 =	vld.idx.msk [tilespmem:v12+s15+$0x0], $0xffff  }
0x416: {  	v56 =	vld.idx.msk [tilespmem:v14+s15+$0x0], $0xffff  }
0x417: {  	v57 =	vld.idx.msk [tilespmem:v15+s15+$0x0], $0xffff;
	v44 =	vunpack.i.l.bf16.f32 v8  }
0x418: {  	v60 =	vunpack.i.l.bf16.f32 v9;
	[tilespmem:v2+s16+$0x0] =	vst.idx.add.f32.msk $0xffff, v44  }
0x419: {  	v62 =	vunpack.i.l.bf16.f32 v54;
	[tilespmem:v3+s16+$0x0] =	vst.idx.add.f32.msk $0xffff, v60  }
0x41a: {  	v63 =	vunpack.i.l.bf16.f32 v55;
	[tilespmem:v4+s16+$0x0] =	vst.idx.add.f32.msk $0xffff, v62  }
0x41b: {  	v8 =	vunpack.i.u.bf16.f32 v8;
	[tilespmem:v5+s16+$0x0] =	vst.idx.add.f32.msk $0xffff, v63  }
0x41c: {  	v61 =	vunpack.i.u.bf16.f32 v9;
	[tilespmem:v2+s7+$0x0] =	vst.idx.add.f32.msk $0xffff, v8  }
0x41d: {  	v2 =	vunpack.i.u.bf16.f32 v40;
	[tilespmem:v3+s7+$0x0] =	vst.idx.add.f32.msk $0xffff, v61  }
0x41e: {  	v3 =	vunpack.i.u.bf16.f32 v54;
	[tilespmem:v13+s12+$0x0] =	vst.idx.add.f32.msk $0xffff, v2;
	v2 =	vshrl.u32 v10, $0x10  }
0x41f: {  	[tilespmem:v4+s7+$0x0] =	vst.idx.add.f32.msk $0xffff, v3  }
0x420: {  	v3 =	vunpack.i.u.bf16.f32 v55;
	v53 =	vld.idx.msk [tilespmem:v22+s15+$0x0], $0xffff  }
0x421: {  	v4 =	vunpack.i.l.bf16.f32 v56;
	[tilespmem:v5+s7+$0x0] =	vst.idx.add.f32.msk $0xffff, v3  }
0x422: {  	v51 =	vunpack.i.l.bf16.f32 v24;
	[tilespmem:v6+s16+$0x0] =	vst.idx.add.f32.msk $0xffff, v4  }
0x423: {  	v52 =	vunpack.i.u.bf16.f32 v24;
	[tilespmem:v2+s11+$0x0] =	vst.idx.add.f32.msk $0xffff, v51  }
0x424: {  	[tilespmem:v2+s12+$0x0] =	vst.idx.add.f32.msk $0xffff, v52  }
0x425: {  	v3 =	vunpack.i.u.bf16.f32 v56;
	v59 =	vld.idx.msk [tilespmem:v18+s15+$0x0], $0xffff  }
0x426: {  	v4 =	vunpack.i.l.bf16.f32 v57;
	[tilespmem:v6+s7+$0x0] =	vst.idx.add.f32.msk $0xffff, v3  }
0x427: {  	v5 =	vunpack.i.u.bf16.f32 v57;
	[tilespmem:v7+s16+$0x0] =	vst.idx.add.f32.msk $0xffff, v4  }
0x428: {  	[tilespmem:v7+s7+$0x0] =	vst.idx.add.f32.msk $0xffff, v5;
	v58 =	vunpack.i.l.bf16.f32 v53  }
0x429: {  	v8 =	vunpack.i.u.bf16.f32 v53;
	[tilespmem:v13+s16+$0x0] =	vst.idx.add.f32.msk $0xffff, v58  }
0x42a: {  	s14 =	simm.s32 $0x11340;
	s13 =	simm.s32 $0x0;
	[tilespmem:v13+s7+$0x0] =	vst.idx.add.f32.msk $0xffff, v8;
	v3 =	vunpack.i.u.bf16.f32 v59;
	v4 =	vunpack.i.l.bf16.f32 v59  }
.LBB2_49:
0x42b: {  	v5 =	vld [tilespmem:s14+$0x30]  }
0x42c: {  	v6 =	vld [tilespmem:s14+$0xFFFFFFD0]  }
0x42d: {  	s13 =	sadd.s32 $0x8, s13;
	v7 =	vld [tilespmem:s14+$0xFFFFFFE0]  }
0x42e: {  	p0 =	slt.u32 s13, $0x3E0;
	v8 =	vld [tilespmem:s14+$0xFFFFFFF0]  }
0x42f: {  	v9 =	vld [tilespmem:s14+$0x0]  }
0x430: {  	v10 =	vld [tilespmem:s14+$0x10];
	v11 =	vand.u32 $0xFFFF, v5  }
0x431: {  	v12 =	vand.u32 $0xFFFF, v6;
	v6 =	vshrl.u32 v6, $0x10;
	v13 =	vld [tilespmem:s14+$0x20]  }
0x432: {  	v14 =	vld [tilespmem:s14+$0xFFFFFFC0];
	v15 =	vand.u32 $0xFFFF, v7;
	v7 =	vshrl.u32 v7, $0x10  }
0x433: {  	v16 =	vand.u32 $0xFFFF, v8;
	v8 =	vshrl.u32 v8, $0x10;
	[tilespmem:v2+s16+$0x0] =	vst.idx.add.f32.msk $0xffff, v4  }
0x434: {  	v4 =	vand.u32 $0xFFFF, v9;
	v9 =	vshrl.u32 v9, $0x10;
	[tilespmem:v2+s7+$0x0] =	vst.idx.add.f32.msk $0xffff, v3  }
0x435: {  	v3 =	vand.u32 $0xFFFF, v10;
	v10 =	vshrl.u32 v10, $0x10;
	v17 =	vld.idx.msk [tilespmem:v11+s3+$0x0], $0xffff  }
0x436: {  	v18 =	vld.idx.msk [tilespmem:v12+s3+$0x0], $0xffff;
	v19 =	vand.u32 $0xFFFF, v13;
	v2 =	vshrl.u32 v13, $0x10  }
0x437: {  	v5 =	vshrl.u32 v5, $0x10;
	v13 =	vand.u32 $0xFFFF, v14;
	v14 =	vshrl.u32 v14, $0x10;
	v20 =	vld.idx.msk [tilespmem:v15+s3+$0x0], $0xffff  }
0x438: {  	v21 =	vld.idx.msk [tilespmem:v16+s3+$0x0], $0xffff  }
0x439: {  	v22 =	vld.idx.msk [tilespmem:v4+s3+$0x0], $0xffff  }
0x43a: {  	v23 =	vld.idx.msk [tilespmem:v3+s3+$0x0], $0xffff  }
0x43b: {  	v25 =	vunpack.i.l.bf16.f32 v17;
	v24 =	vld.idx.msk [tilespmem:v19+s3+$0x0], $0xffff  }
0x43c: {  	v17 =	vunpack.i.u.bf16.f32 v17;
	v26 =	vunpack.i.u.bf16.f32 v18;
	v18 =	vunpack.i.l.bf16.f32 v18;
	[tilespmem:v5+s11+$0x0] =	vst.idx.add.f32.msk $0xffff, v25  }
0x43d: {  	v25 =	vunpack.i.u.bf16.f32 v20;
	v20 =	vunpack.i.l.bf16.f32 v20;
	[tilespmem:v5+s12+$0x0] =	vst.idx.add.f32.msk $0xffff, v17  }
0x43e: {  	v17 =	vunpack.i.u.bf16.f32 v21;
	v21 =	vunpack.i.l.bf16.f32 v21;
	v11 =	vld.idx.msk [tilespmem:v11+s15+$0x0], $0xffff  }
0x43f: {  	v28 =	vunpack.i.u.bf16.f32 v22;
	v22 =	vunpack.i.l.bf16.f32 v22;
	v27 =	vld.idx.msk [tilespmem:v13+s3+$0x0], $0xffff  }
0x440: {  	[tilespmem:v6+s11+$0x0] =	vst.idx.add.f32.msk $0xffff, v18;
	v18 =	vunpack.i.u.bf16.f32 v23;
	v23 =	vunpack.i.l.bf16.f32 v23  }
0x441: {  	[tilespmem:v6+s12+$0x0] =	vst.idx.add.f32.msk $0xffff, v26;
	v26 =	vunpack.i.u.bf16.f32 v24;
	v24 =	vunpack.i.l.bf16.f32 v24  }
0x442: {  	[tilespmem:v7+s11+$0x0] =	vst.idx.add.f32.msk $0xffff, v20  }
0x443: {  	[tilespmem:v7+s12+$0x0] =	vst.idx.add.f32.msk $0xffff, v25  }
0x444: {  	v20 =	vunpack.i.l.bf16.f32 v11;
	[tilespmem:v8+s11+$0x0] =	vst.idx.add.f32.msk $0xffff, v21  }
0x445: {  	v11 =	vunpack.i.u.bf16.f32 v11;
	v21 =	vunpack.i.u.bf16.f32 v27;
	v25 =	vunpack.i.l.bf16.f32 v27;
	[tilespmem:v5+s16+$0x0] =	vst.idx.add.f32.msk $0xffff, v20  }
0x446: {  	[tilespmem:v5+s7+$0x0] =	vst.idx.add.f32.msk $0xffff, v11  }
0x447: {  	[tilespmem:v14+s11+$0x0] =	vst.idx.add.f32.msk $0xffff, v25  }
0x448: {  	[tilespmem:v14+s12+$0x0] =	vst.idx.add.f32.msk $0xffff, v21  }
0x449: {  	[tilespmem:v8+s12+$0x0] =	vst.idx.add.f32.msk $0xffff, v17  }
0x44a: {  	[tilespmem:v9+s11+$0x0] =	vst.idx.add.f32.msk $0xffff, v22  }
0x44b: {  	[tilespmem:v9+s12+$0x0] =	vst.idx.add.f32.msk $0xffff, v28  }
0x44c: {  	[tilespmem:v10+s11+$0x0] =	vst.idx.add.f32.msk $0xffff, v23  }
0x44d: {  	[tilespmem:v10+s12+$0x0] =	vst.idx.add.f32.msk $0xffff, v18  }
0x44e: {  	[tilespmem:v2+s11+$0x0] =	vst.idx.add.f32.msk $0xffff, v24  }
0x44f: {  	[tilespmem:v2+s12+$0x0] =	vst.idx.add.f32.msk $0xffff, v26  }
0x450: {  	v5 =	vld.idx.msk [tilespmem:v13+s15+$0x0], $0xffff  }
0x451: {  	v11 =	vld.idx.msk [tilespmem:v12+s15+$0x0], $0xffff  }
0x452: {  	v12 =	vld.idx.msk [tilespmem:v15+s15+$0x0], $0xffff  }
0x453: {  	v13 =	vld.idx.msk [tilespmem:v16+s15+$0x0], $0xffff  }
0x454: {  	v4 =	vld.idx.msk [tilespmem:v4+s15+$0x0], $0xffff  }
0x455: {  	v3 =	vld.idx.msk [tilespmem:v3+s15+$0x0], $0xffff  }
0x456: {  	v15 =	vunpack.i.u.bf16.f32 v5;
	v5 =	vunpack.i.l.bf16.f32 v5;
	v16 =	vld.idx.msk [tilespmem:v19+s15+$0x0], $0xffff  }
0x457: {  	[tilespmem:v14+s16+$0x0] =	vst.idx.add.f32.msk $0xffff, v5;
	v5 =	vunpack.i.u.bf16.f32 v11;
	v11 =	vunpack.i.l.bf16.f32 v11  }
0x458: {  	[tilespmem:v14+s7+$0x0] =	vst.idx.add.f32.msk $0xffff, v15;
	v14 =	vunpack.i.u.bf16.f32 v12;
	v12 =	vunpack.i.l.bf16.f32 v12  }
0x459: {  	[tilespmem:v6+s16+$0x0] =	vst.idx.add.f32.msk $0xffff, v11;
	v11 =	vunpack.i.u.bf16.f32 v13;
	v13 =	vunpack.i.l.bf16.f32 v13  }
0x45a: {  	[tilespmem:v6+s7+$0x0] =	vst.idx.add.f32.msk $0xffff, v5;
	v5 =	vunpack.i.u.bf16.f32 v4;
	v6 =	vunpack.i.l.bf16.f32 v4  }
0x45b: {  	v15 =	vunpack.i.l.bf16.f32 v3;
	[tilespmem:v7+s16+$0x0] =	vst.idx.add.f32.msk $0xffff, v12;
	v12 =	vunpack.i.u.bf16.f32 v3  }
0x45c: {  	v3 =	vunpack.i.u.bf16.f32 v16;
	v4 =	vunpack.i.l.bf16.f32 v16;
	[tilespmem:v7+s7+$0x0] =	vst.idx.add.f32.msk $0xffff, v14  }
0x45d: {  	[tilespmem:v8+s16+$0x0] =	vst.idx.add.f32.msk $0xffff, v13  }
.Ltmp25:
0x45e: {  	[tilespmem:v8+s7+$0x0] =	vst.idx.add.f32.msk $0xffff, v11;
	(pc) =	sbr.rel @p0 .LBB2_49-.Ltmp25, $4  }
0x45f: {  	[tilespmem:v9+s16+$0x0] =	vst.idx.add.f32.msk $0xffff, v6  }
0x460: {  	[tilespmem:v9+s7+$0x0] =	vst.idx.add.f32.msk $0xffff, v5  }
0x461: {  	[tilespmem:v10+s16+$0x0] =	vst.idx.add.f32.msk $0xffff, v15  }
0x462: {  	s14 =	sadd.s32 $0x80, s14;
	[tilespmem:v10+s7+$0x0] =	vst.idx.add.f32.msk $0xffff, v12  }
0x463: {  	p0 =	seq.s32 s10, $0x9  }
0x464: {  	s13 =	smul.u32 @!p0 $0xFA00, s10;
	_ =	sdelay $0x1  }
0x465: {  	s13 =	sadd.s32 @!p0 s21, s13  }
0x466: {  	[tilespmem:v2+s16+$0x0] =	vst.idx.add.f32.msk $0xffff, v4;
	s14 =	simm.s32 @!p0 $0x80;
	s13 =	sshrl.u32 @!p0 s13, $0x3  }
0x467: {  	[tilespmem:v2+s7+$0x0] =	vst.idx.add.f32.msk $0xffff, v3;
	s17 =	simm.s32 @!p0 $0x100;
	s18 =	simm.s32 @!p0 $0x11280;
	s13 =	sadd.s32 @!p0 s5, s13  }
0x468: {  	[tilespmem:s18], [sflag:$0x1] =	stream.strided.gather @!p0 [hbm4b:s13+s14], $0x3E80, s17, s14, $0x38;
	[tilespmem:$0x1E880] =	vst v63  }
0x469: {  	_ =	swait.ge [sflag:s2], $0x3E80  }
0x46a: {  	[sflag:s2] =	ssyncset.done $0x0  }
0x46b: {  	s28 =	simm.s32 $0x15140;
	[sflag:s2] =	ssyncadd.s32 $0xFFFFC180  }
0x46c: {  	v2 =	vld [tilespmem:s28+$0x30]  }
0x46d: {  	v3 =	vld [tilespmem:s28+$0xFFFFFFD0]  }
0x46e: {  	v4 =	vld [tilespmem:s28+$0xFFFFFFE0]  }
0x46f: {  	v5 =	vld [tilespmem:s28+$0xFFFFFFF0]  }
0x470: {  	v6 =	vld [tilespmem:s28+$0x0]  }
0x471: {  	v7 =	vld [tilespmem:s28+$0x10];
	v8 =	vand.u32 $0xFFFF, v2  }
0x472: {  	v13 =	vld [tilespmem:s28+$0xFFFFFFC0];
	v9 =	vand.u32 $0xFFFF, v3  }
0x473: {  	v10 =	vld [tilespmem:s28+$0x20];
	v11 =	vand.u32 $0xFFFF, v4  }
0x474: {  	v12 =	vand.u32 $0xFFFF, v5  }
0x475: {  	v14 =	vand.u32 $0xFFFF, v6  }
0x476: {  	v15 =	vand.u32 $0xFFFF, v7;
	v16 =	vld.idx.msk [tilespmem:v8+s3+$0x0], $0xffff  }
0x477: {  	v22 =	vand.u32 $0xFFFF, v13;
	v17 =	vld.idx.msk [tilespmem:v9+s3+$0x0], $0xffff  }
0x478: {  	v18 =	vand.u32 $0xFFFF, v10;
	v19 =	vld.idx.msk [tilespmem:v11+s3+$0x0], $0xffff  }
0x479: {  	v2 =	vshrl.u32 v2, $0x10;
	v20 =	vld.idx.msk [tilespmem:v12+s3+$0x0], $0xffff  }
0x47a: {  	v3 =	vshrl.u32 v3, $0x10;
	v21 =	vld.idx.msk [tilespmem:v14+s3+$0x0], $0xffff  }
0x47b: {  	v4 =	vshrl.u32 v4, $0x10;
	v23 =	vld.idx.msk [tilespmem:v15+s3+$0x0], $0xffff  }
0x47c: {  	v5 =	vshrl.u32 v5, $0x10;
	v40 =	vld.idx.msk [tilespmem:v22+s3+$0x0], $0xffff  }
0x47d: {  	v13 =	vshrl.u32 v13, $0x10;
	v24 =	vld.idx.msk [tilespmem:v18+s3+$0x0], $0xffff;
	v25 =	vunpack.i.l.bf16.f32 v16  }
0x47e: {  	v6 =	vshrl.u32 v6, $0x10;
	v39 =	vunpack.i.l.bf16.f32 v17;
	[tilespmem:v2+s11+$0x0] =	vst.idx.add.f32.msk $0xffff, v25  }
0x47f: {  	v7 =	vshrl.u32 v7, $0x10;
	v41 =	vunpack.i.l.bf16.f32 v19;
	[tilespmem:v3+s11+$0x0] =	vst.idx.add.f32.msk $0xffff, v39  }
0x480: {  	v43 =	vunpack.i.l.bf16.f32 v20;
	[tilespmem:v4+s11+$0x0] =	vst.idx.add.f32.msk $0xffff, v41  }
0x481: {  	v45 =	vunpack.i.l.bf16.f32 v40;
	[tilespmem:v5+s11+$0x0] =	vst.idx.add.f32.msk $0xffff, v43  }
0x482: {  	v47 =	vunpack.i.l.bf16.f32 v21;
	[tilespmem:v13+s11+$0x0] =	vst.idx.add.f32.msk $0xffff, v45  }
0x483: {  	v49 =	vunpack.i.l.bf16.f32 v23;
	[tilespmem:v6+s11+$0x0] =	vst.idx.add.f32.msk $0xffff, v47  }
0x484: {  	v16 =	vunpack.i.u.bf16.f32 v16;
	[tilespmem:v7+s11+$0x0] =	vst.idx.add.f32.msk $0xffff, v49  }
0x485: {  	v17 =	vunpack.i.u.bf16.f32 v17;
	[tilespmem:v2+s12+$0x0] =	vst.idx.add.f32.msk $0xffff, v16  }
0x486: {  	v42 =	vunpack.i.u.bf16.f32 v19;
	[tilespmem:v3+s12+$0x0] =	vst.idx.add.f32.msk $0xffff, v17  }
0x487: {  	v46 =	vunpack.i.u.bf16.f32 v20;
	[tilespmem:v4+s12+$0x0] =	vst.idx.add.f32.msk $0xffff, v42  }
0x488: {  	v48 =	vunpack.i.u.bf16.f32 v21;
	[tilespmem:v5+s12+$0x0] =	vst.idx.add.f32.msk $0xffff, v46  }
0x489: {  	v50 =	vunpack.i.u.bf16.f32 v23;
	[tilespmem:v6+s12+$0x0] =	vst.idx.add.f32.msk $0xffff, v48  }
0x48a: {  	[tilespmem:v7+s12+$0x0] =	vst.idx.add.f32.msk $0xffff, v50  }
0x48b: {  	v8 =	vld.idx.msk [tilespmem:v8+s15+$0x0], $0xffff  }
0x48c: {  	v9 =	vld.idx.msk [tilespmem:v9+s15+$0x0], $0xffff  }
0x48d: {  	v54 =	vld.idx.msk [tilespmem:v11+s15+$0x0], $0xffff  }
0x48e: {  	v55 =	vld.idx.msk [tilespmem:v12+s15+$0x0], $0xffff  }
0x48f: {  	v56 =	vld.idx.msk [tilespmem:v14+s15+$0x0], $0xffff  }
0x490: {  	v57 =	vld.idx.msk [tilespmem:v15+s15+$0x0], $0xffff;
	v44 =	vunpack.i.l.bf16.f32 v8  }
0x491: {  	v60 =	vunpack.i.l.bf16.f32 v9;
	[tilespmem:v2+s16+$0x0] =	vst.idx.add.f32.msk $0xffff, v44  }
0x492: {  	v62 =	vunpack.i.l.bf16.f32 v54;
	[tilespmem:v3+s16+$0x0] =	vst.idx.add.f32.msk $0xffff, v60  }
0x493: {  	v63 =	vunpack.i.l.bf16.f32 v55;
	[tilespmem:v4+s16+$0x0] =	vst.idx.add.f32.msk $0xffff, v62  }
0x494: {  	v8 =	vunpack.i.u.bf16.f32 v8;
	[tilespmem:v5+s16+$0x0] =	vst.idx.add.f32.msk $0xffff, v63  }
0x495: {  	v61 =	vunpack.i.u.bf16.f32 v9;
	[tilespmem:v2+s7+$0x0] =	vst.idx.add.f32.msk $0xffff, v8  }
0x496: {  	v2 =	vunpack.i.u.bf16.f32 v40;
	[tilespmem:v3+s7+$0x0] =	vst.idx.add.f32.msk $0xffff, v61  }
0x497: {  	v3 =	vunpack.i.u.bf16.f32 v54;
	[tilespmem:v13+s12+$0x0] =	vst.idx.add.f32.msk $0xffff, v2;
	v2 =	vshrl.u32 v10, $0x10  }
0x498: {  	[tilespmem:v4+s7+$0x0] =	vst.idx.add.f32.msk $0xffff, v3  }
0x499: {  	v3 =	vunpack.i.u.bf16.f32 v55;
	v53 =	vld.idx.msk [tilespmem:v22+s15+$0x0], $0xffff  }
0x49a: {  	v4 =	vunpack.i.l.bf16.f32 v56;
	[tilespmem:v5+s7+$0x0] =	vst.idx.add.f32.msk $0xffff, v3  }
0x49b: {  	v51 =	vunpack.i.l.bf16.f32 v24;
	[tilespmem:v6+s16+$0x0] =	vst.idx.add.f32.msk $0xffff, v4  }
0x49c: {  	v52 =	vunpack.i.u.bf16.f32 v24;
	[tilespmem:v2+s11+$0x0] =	vst.idx.add.f32.msk $0xffff, v51  }
0x49d: {  	[tilespmem:v2+s12+$0x0] =	vst.idx.add.f32.msk $0xffff, v52  }
0x49e: {  	v3 =	vunpack.i.u.bf16.f32 v56;
	v59 =	vld.idx.msk [tilespmem:v18+s15+$0x0], $0xffff  }
0x49f: {  	v4 =	vunpack.i.l.bf16.f32 v57;
	[tilespmem:v6+s7+$0x0] =	vst.idx.add.f32.msk $0xffff, v3  }
0x4a0: {  	v5 =	vunpack.i.u.bf16.f32 v57;
	[tilespmem:v7+s16+$0x0] =	vst.idx.add.f32.msk $0xffff, v4  }
0x4a1: {  	[tilespmem:v7+s7+$0x0] =	vst.idx.add.f32.msk $0xffff, v5;
	v58 =	vunpack.i.l.bf16.f32 v53  }
0x4a2: {  	v8 =	vunpack.i.u.bf16.f32 v53;
	[tilespmem:v13+s16+$0x0] =	vst.idx.add.f32.msk $0xffff, v58  }
0x4a3: {  	s13 =	simm.s32 $0x0;
	s14 =	simm.s32 $0x151C0;
	[tilespmem:v13+s7+$0x0] =	vst.idx.add.f32.msk $0xffff, v8;
	v3 =	vunpack.i.u.bf16.f32 v59;
	v4 =	vunpack.i.l.bf16.f32 v59  }
.LBB2_51:
0x4a4: {  	v5 =	vld [tilespmem:s14+$0x30]  }
0x4a5: {  	v6 =	vld [tilespmem:s14+$0xFFFFFFD0]  }
0x4a6: {  	s13 =	sadd.s32 $0x8, s13;
	v7 =	vld [tilespmem:s14+$0xFFFFFFE0]  }
0x4a7: {  	p1 =	slt.u32 s13, $0x3E0;
	v8 =	vld [tilespmem:s14+$0xFFFFFFF0]  }
0x4a8: {  	v9 =	vld [tilespmem:s14+$0x0]  }
0x4a9: {  	v10 =	vld [tilespmem:s14+$0x10];
	v11 =	vand.u32 $0xFFFF, v5  }
0x4aa: {  	v12 =	vand.u32 $0xFFFF, v6;
	v6 =	vshrl.u32 v6, $0x10;
	v13 =	vld [tilespmem:s14+$0x20]  }
0x4ab: {  	v14 =	vld [tilespmem:s14+$0xFFFFFFC0];
	v15 =	vand.u32 $0xFFFF, v7;
	v7 =	vshrl.u32 v7, $0x10  }
0x4ac: {  	v16 =	vand.u32 $0xFFFF, v8;
	v8 =	vshrl.u32 v8, $0x10;
	[tilespmem:v2+s16+$0x0] =	vst.idx.add.f32.msk $0xffff, v4  }
0x4ad: {  	v4 =	vand.u32 $0xFFFF, v9;
	v9 =	vshrl.u32 v9, $0x10;
	[tilespmem:v2+s7+$0x0] =	vst.idx.add.f32.msk $0xffff, v3  }
0x4ae: {  	v3 =	vand.u32 $0xFFFF, v10;
	v10 =	vshrl.u32 v10, $0x10;
	v17 =	vld.idx.msk [tilespmem:v11+s3+$0x0], $0xffff  }
0x4af: {  	v18 =	vld.idx.msk [tilespmem:v12+s3+$0x0], $0xffff;
	v19 =	vand.u32 $0xFFFF, v13;
	v2 =	vshrl.u32 v13, $0x10  }
0x4b0: {  	v5 =	vshrl.u32 v5, $0x10;
	v13 =	vand.u32 $0xFFFF, v14;
	v14 =	vshrl.u32 v14, $0x10;
	v20 =	vld.idx.msk [tilespmem:v15+s3+$0x0], $0xffff  }
0x4b1: {  	v21 =	vld.idx.msk [tilespmem:v16+s3+$0x0], $0xffff  }
0x4b2: {  	v22 =	vld.idx.msk [tilespmem:v4+s3+$0x0], $0xffff  }
0x4b3: {  	v23 =	vld.idx.msk [tilespmem:v3+s3+$0x0], $0xffff  }
0x4b4: {  	v25 =	vunpack.i.l.bf16.f32 v17;
	v24 =	vld.idx.msk [tilespmem:v19+s3+$0x0], $0xffff  }
0x4b5: {  	v17 =	vunpack.i.u.bf16.f32 v17;
	v26 =	vunpack.i.u.bf16.f32 v18;
	v18 =	vunpack.i.l.bf16.f32 v18;
	[tilespmem:v5+s11+$0x0] =	vst.idx.add.f32.msk $0xffff, v25  }
0x4b6: {  	v25 =	vunpack.i.u.bf16.f32 v20;
	v20 =	vunpack.i.l.bf16.f32 v20;
	[tilespmem:v5+s12+$0x0] =	vst.idx.add.f32.msk $0xffff, v17  }
0x4b7: {  	v17 =	vunpack.i.u.bf16.f32 v21;
	v21 =	vunpack.i.l.bf16.f32 v21;
	v11 =	vld.idx.msk [tilespmem:v11+s15+$0x0], $0xffff  }
0x4b8: {  	v28 =	vunpack.i.u.bf16.f32 v22;
	v22 =	vunpack.i.l.bf16.f32 v22;
	v27 =	vld.idx.msk [tilespmem:v13+s3+$0x0], $0xffff  }
0x4b9: {  	[tilespmem:v6+s11+$0x0] =	vst.idx.add.f32.msk $0xffff, v18;
	v18 =	vunpack.i.u.bf16.f32 v23;
	v23 =	vunpack.i.l.bf16.f32 v23  }
0x4ba: {  	[tilespmem:v6+s12+$0x0] =	vst.idx.add.f32.msk $0xffff, v26;
	v26 =	vunpack.i.u.bf16.f32 v24;
	v24 =	vunpack.i.l.bf16.f32 v24  }
0x4bb: {  	[tilespmem:v7+s11+$0x0] =	vst.idx.add.f32.msk $0xffff, v20  }
0x4bc: {  	[tilespmem:v7+s12+$0x0] =	vst.idx.add.f32.msk $0xffff, v25  }
0x4bd: {  	v20 =	vunpack.i.l.bf16.f32 v11;
	[tilespmem:v8+s11+$0x0] =	vst.idx.add.f32.msk $0xffff, v21  }
0x4be: {  	v11 =	vunpack.i.u.bf16.f32 v11;
	v21 =	vunpack.i.u.bf16.f32 v27;
	v25 =	vunpack.i.l.bf16.f32 v27;
	[tilespmem:v5+s16+$0x0] =	vst.idx.add.f32.msk $0xffff, v20  }
0x4bf: {  	[tilespmem:v5+s7+$0x0] =	vst.idx.add.f32.msk $0xffff, v11  }
0x4c0: {  	[tilespmem:v14+s11+$0x0] =	vst.idx.add.f32.msk $0xffff, v25  }
0x4c1: {  	[tilespmem:v14+s12+$0x0] =	vst.idx.add.f32.msk $0xffff, v21  }
0x4c2: {  	[tilespmem:v8+s12+$0x0] =	vst.idx.add.f32.msk $0xffff, v17  }
0x4c3: {  	[tilespmem:v9+s11+$0x0] =	vst.idx.add.f32.msk $0xffff, v22  }
0x4c4: {  	[tilespmem:v9+s12+$0x0] =	vst.idx.add.f32.msk $0xffff, v28  }
0x4c5: {  	[tilespmem:v10+s11+$0x0] =	vst.idx.add.f32.msk $0xffff, v23  }
0x4c6: {  	[tilespmem:v10+s12+$0x0] =	vst.idx.add.f32.msk $0xffff, v18  }
0x4c7: {  	[tilespmem:v2+s11+$0x0] =	vst.idx.add.f32.msk $0xffff, v24  }
0x4c8: {  	[tilespmem:v2+s12+$0x0] =	vst.idx.add.f32.msk $0xffff, v26  }
0x4c9: {  	v5 =	vld.idx.msk [tilespmem:v13+s15+$0x0], $0xffff  }
0x4ca: {  	v11 =	vld.idx.msk [tilespmem:v12+s15+$0x0], $0xffff  }
0x4cb: {  	v12 =	vld.idx.msk [tilespmem:v15+s15+$0x0], $0xffff  }
0x4cc: {  	v13 =	vld.idx.msk [tilespmem:v16+s15+$0x0], $0xffff  }
0x4cd: {  	v4 =	vld.idx.msk [tilespmem:v4+s15+$0x0], $0xffff  }
0x4ce: {  	v3 =	vld.idx.msk [tilespmem:v3+s15+$0x0], $0xffff  }
0x4cf: {  	v15 =	vunpack.i.u.bf16.f32 v5;
	v5 =	vunpack.i.l.bf16.f32 v5;
	v16 =	vld.idx.msk [tilespmem:v19+s15+$0x0], $0xffff  }
0x4d0: {  	[tilespmem:v14+s16+$0x0] =	vst.idx.add.f32.msk $0xffff, v5;
	v5 =	vunpack.i.u.bf16.f32 v11;
	v11 =	vunpack.i.l.bf16.f32 v11  }
0x4d1: {  	[tilespmem:v14+s7+$0x0] =	vst.idx.add.f32.msk $0xffff, v15;
	v14 =	vunpack.i.u.bf16.f32 v12;
	v12 =	vunpack.i.l.bf16.f32 v12  }
0x4d2: {  	[tilespmem:v6+s16+$0x0] =	vst.idx.add.f32.msk $0xffff, v11;
	v11 =	vunpack.i.u.bf16.f32 v13;
	v13 =	vunpack.i.l.bf16.f32 v13  }
0x4d3: {  	[tilespmem:v6+s7+$0x0] =	vst.idx.add.f32.msk $0xffff, v5;
	v5 =	vunpack.i.u.bf16.f32 v4;
	v6 =	vunpack.i.l.bf16.f32 v4  }
0x4d4: {  	v15 =	vunpack.i.l.bf16.f32 v3;
	[tilespmem:v7+s16+$0x0] =	vst.idx.add.f32.msk $0xffff, v12;
	v12 =	vunpack.i.u.bf16.f32 v3  }
0x4d5: {  	v3 =	vunpack.i.u.bf16.f32 v16;
	v4 =	vunpack.i.l.bf16.f32 v16;
	[tilespmem:v7+s7+$0x0] =	vst.idx.add.f32.msk $0xffff, v14  }
0x4d6: {  	[tilespmem:v8+s16+$0x0] =	vst.idx.add.f32.msk $0xffff, v13  }
.Ltmp26:
0x4d7: {  	[tilespmem:v8+s7+$0x0] =	vst.idx.add.f32.msk $0xffff, v11;
	(pc) =	sbr.rel @p1 .LBB2_51-.Ltmp26, $4  }
0x4d8: {  	[tilespmem:v9+s16+$0x0] =	vst.idx.add.f32.msk $0xffff, v6  }
0x4d9: {  	[tilespmem:v9+s7+$0x0] =	vst.idx.add.f32.msk $0xffff, v5  }
0x4da: {  	[tilespmem:v10+s16+$0x0] =	vst.idx.add.f32.msk $0xffff, v15  }
0x4db: {  	s14 =	sadd.s32 $0x80, s14;
	[tilespmem:v10+s7+$0x0] =	vst.idx.add.f32.msk $0xffff, v12  }
0x4dc: {  	_ = 	snop  }
.Ltmp27:
0x4dd: {  	_ = 	snop;
	(pc) =	sbr.rel @p0 .LBB2_54-.Ltmp27, $3  }
0x4de: {  	_ =	sdelay $0x1  }
0x4df: {  	[tilespmem:v2+s16+$0x0] =	vst.idx.add.f32.msk $0xffff, v4  }
0x4e0: {  	[tilespmem:v2+s7+$0x0] =	vst.idx.add.f32.msk $0xffff, v3  }
0x4e1: {  	s13 =	smul.u32 $0xFA00, s10  }
.Ltmp28:
0x4e2: {  	_ = 	snop;
	(pc) =	sbr.rel .LBB2_48-.Ltmp28, $4  }
0x4e3: {  	s13 =	sadd.s32 s22, s13  }
0x4e4: {  	s13 =	sshrl.u32 s13, $0x3  }
0x4e5: {  	s10 =	sadd.s32 $0x1, s10;
	s13 =	sadd.s32 s5, s13  }
0x4e6: {  	[tilespmem:s29], [sflag:$0x2] =	stream.strided.gather [hbm4b:s13+s25], $0x3E80, s26, s25, $0x38;
	[tilespmem:$0x1E880] =	vst v63  }
.LBB2_54:
0x4e7: {  	_ =	swait.ge [sflag:s4], $0x2780  }
0x4e8: {  	[sflag:s4] =	ssyncset.done $0x0  }
0x4e9: {  	[sflag:s4] =	ssyncadd.s32 $0xFFFFD880  }
0x4ea: {  	_ =	swait.ge [sflag:s8], $0x2780  }
0x4eb: {  	[sflag:s8] =	ssyncset.done $0x0  }
0x4ec: {  	s17 =	simm.s32 $0xEB20;
	[sflag:s8] =	ssyncadd.s32 $0xFFFFD880  }
0x4ed: {  	s10 =	simm.s32 $0x75D0;
	v2 =	vld [tilespmem:s17+$0x20]  }
0x4ee: {  	v3 =	vld [tilespmem:s10+$0x0]  }
0x4ef: {  	s13 =	simm.s32 $0x1C120;
	v4 =	vld [tilespmem:s10+$0xFFFFD8B0]  }
0x4f0: {  	v5 =	vld [tilespmem:s13+$0x20]  }
0x4f1: {  	v6 =	vld [tilespmem:s10+$0xFFFFFFC0]  }
0x4f2: {  	v7 =	vld [tilespmem:s17+$0xFFFFFFF0]  }
0x4f3: {  	v8 =	vld [tilespmem:s10+$0xFFFFD8C0]  }
0x4f4: {  	v9 =	vld [tilespmem:s10+$0xFFFFFFD0]  }
0x4f5: {  	v10 =	vld [tilespmem:s17+$0x0]  }
0x4f6: {  	s14 =	simm.s32 $0x199A0;
	v11 =	vld [tilespmem:s10+$0xFFFFD8D0]  }
0x4f7: {  	v12 =	vld [tilespmem:s14+$0x20]  }
0x4f8: {  	v13 =	vld [tilespmem:s10+$0xFFFFFFE0];
	v3 =	vmul.f32 v3, v2  }
0x4f9: {  	v15 =	vld [tilespmem:s17+$0x10]  }
0x4fa: {  	v14 =	vld [tilespmem:s10+$0xFFFFD8E0];
	v3 =	vadd.f32 v5, v3  }
0x4fb: {  	v16 =	vld [tilespmem:s10+$0xFFFFFFF0]  }
0x4fc: {  	[tilespmem:s10+$0x0] =	vst v3;
	v3 =	vld [tilespmem:s10+$0xFFFFD8F0]  }
0x4fd: {  	v5 =	vld [tilespmem:s17+$0xFFFFFFE0]  }
0x4fe: {  	v17 =	vld [tilespmem:s14+$0xFFFFFFE0]  }
0x4ff: {  	v18 =	vld [tilespmem:s13+$0xFFFFFFE0]  }
0x500: {  	v19 =	vld [tilespmem:s14+$0xFFFFFFF0]  }
0x501: {  	v20 =	vmul.f32 v8, v7;
	v8 =	vld [tilespmem:s13+$0xFFFFFFF0];
	v21 =	vmul.f32 v3, v2  }
0x502: {  	v22 =	vmul.f32 v4, v5;
	v2 =	vmul.f32 v9, v7;
	v9 =	vld [tilespmem:s14+$0x0]  }
0x503: {  	v23 =	vmul.f32 v6, v5;
	v5 =	vmul.f32 v13, v10;
	v7 =	vld [tilespmem:s13+$0x0];
	v21 =	vadd.f32 v12, v21  }
0x504: {  	v4 =	vmul.f32 v14, v15;
	v3 =	vmul.f32 v11, v10;
	v14 =	vadd.f32 v17, v22;
	v10 =	vld [tilespmem:s14+$0x10]  }
0x505: {  	s18 =	simm.s32 $0xEB70;
	s19 =	simm.s32 $0x75D0;
	s17 =	simm.s32 $0x0;
	v6 =	vmul.f32 v16, v15;
	v13 =	vadd.f32 v18, v23;
	v11 =	vld [tilespmem:s13+$0x10];
	v12 =	vadd.f32 v19, v20;
	[tilespmem:s10+$0xFFFFD8F0] =	vst v21  }
.LBB2_55:
0x506: {  	v15 =	vld [tilespmem:s18+$0x20];
	[tilespmem:s10+$0xFFFFD8B0] =	vst v14;
	v2 =	vadd.f32 v8, v2;
	s19 =	sadd.s32 $0x50, s19  }
0x507: {  	s17 =	sadd.s32 $0x5, s17;
	v8 =	vld [tilespmem:s19+$0x0];
	[tilespmem:s10+$0xFFFFFFC0] =	vst v13;
	v3 =	vadd.f32 v9, v3  }
0x508: {  	s13 =	sadd.s32 $0x50, s13;
	p0 =	slt.u32 s17, $0x26C;
	v9 =	vld [tilespmem:s19+$0xFFFFD8B0];
	[tilespmem:s10+$0xFFFFD8C0] =	vst v12;
	v5 =	vadd.f32 v7, v5  }
0x509: {  	v7 =	vld [tilespmem:s13+$0x20];
	[tilespmem:s10+$0xFFFFFFD0] =	vst v2;
	v2 =	vadd.f32 v10, v4  }
0x50a: {  	v10 =	vld [tilespmem:s19+$0xFFFFFFC0];
	[tilespmem:s10+$0xFFFFD8D0] =	vst v3;
	v3 =	vadd.f32 v11, v6  }
0x50b: {  	v4 =	vld [tilespmem:s18+$0xFFFFFFF0];
	[tilespmem:s10+$0xFFFFFFE0] =	vst v5  }
0x50c: {  	v5 =	vld [tilespmem:s19+$0xFFFFD8C0];
	v6 =	vmul.f32 v8, v15;
	[tilespmem:s10+$0xFFFFD8E0] =	vst v2  }
0x50d: {  	v2 =	vld [tilespmem:s19+$0xFFFFFFD0];
	[tilespmem:s10+$0xFFFFFFF0] =	vst v3;
	s10 =	smov.u32 s19  }
0x50e: {  	v8 =	vld [tilespmem:s18+$0x0];
	v3 =	vadd.f32 v7, v6  }
0x50f: {  	s14 =	sadd.s32 $0x50, s14;
	v6 =	vld [tilespmem:s19+$0xFFFFD8D0]  }
0x510: {  	v11 =	vld [tilespmem:s14+$0x20];
	[tilespmem:s19+$0x0] =	vst v3  }
0x511: {  	v12 =	vmul.f32 v5, v4;
	v5 =	vld [tilespmem:s19+$0xFFFFFFE0]  }
0x512: {  	v2 =	vmul.f32 v2, v4;
	v7 =	vld [tilespmem:s18+$0x10]  }
0x513: {  	v4 =	vld [tilespmem:s19+$0xFFFFD8E0]  }
0x514: {  	v3 =	vmul.f32 v6, v8;
	v6 =	vld [tilespmem:s19+$0xFFFFFFF0]  }
0x515: {  	v13 =	vld [tilespmem:s19+$0xFFFFD8F0]  }
0x516: {  	v14 =	vld [tilespmem:s18+$0xFFFFFFE0];
	v5 =	vmul.f32 v5, v8  }
0x517: {  	v16 =	vld [tilespmem:s14+$0xFFFFFFE0]  }
0x518: {  	v17 =	vld [tilespmem:s13+$0xFFFFFFE0];
	v4 =	vmul.f32 v4, v7  }
0x519: {  	v18 =	vld [tilespmem:s14+$0xFFFFFFF0];
	v6 =	vmul.f32 v6, v7  }
.Ltmp29:
0x51a: {  	v8 =	vld [tilespmem:s13+$0xFFFFFFF0];
	v13 =	vmul.f32 v13, v15;
	(pc) =	sbr.rel @p0 .LBB2_55-.Ltmp29, $4  }
0x51b: {  	v15 =	vmul.f32 v9, v14;
	v10 =	vmul.f32 v10, v14;
	v9 =	vld [tilespmem:s14+$0x0]  }
0x51c: {  	v7 =	vld [tilespmem:s13+$0x0];
	v19 =	vadd.f32 v11, v13  }
0x51d: {  	v14 =	vadd.f32 v16, v15;
	v13 =	vadd.f32 v17, v10;
	v10 =	vld [tilespmem:s14+$0x10]  }
0x51e: {  	s18 =	sadd.s32 $0x50, s18;
	v12 =	vadd.f32 v18, v12;
	v11 =	vld [tilespmem:s13+$0x10];
	[tilespmem:s19+$0xFFFFD8F0] =	vst v19  }
0x51f: {  	[tilespmem:s10+$0xFFFFD8B0] =	vst v14  }
0x520: {  	v2 =	vadd.f32 v8, v2;
	[tilespmem:s10+$0xFFFFFFC0] =	vst v13  }
0x521: {  	v3 =	vadd.f32 v9, v3;
	[tilespmem:s10+$0xFFFFD8C0] =	vst v12  }
0x522: {  	v5 =	vadd.f32 v7, v5;
	[tilespmem:s10+$0xFFFFFFD0] =	vst v2  }
0x523: {  	v2 =	vadd.f32 v10, v4;
	[tilespmem:s10+$0xFFFFD8D0] =	vst v3  }
0x524: {  	v3 =	vadd.f32 v11, v6;
	[tilespmem:s10+$0xFFFFFFE0] =	vst v5  }
0x525: {  	[tilespmem:s10+$0xFFFFD8E0] =	vst v2  }
0x526: {  	[tilespmem:s10+$0xFFFFFFF0] =	vst v3  }
0x527: {  	s10 =	rddreg [dreg:$0xc]  }
0x528: {  	[tilespmem:s23], [sflag:$0x3] =	stream.strided.gather [hbm4b:s10+s25], $0x2780, s9, s25, $0x38;
	[tilespmem:$0x1E880] =	vst v63  }
0x529: {  	s28 =	rddreg [dreg:$0xd]  }
0x52a: {  	[tilespmem:s24], [sflag:$0x4] =	stream.strided.gather [hbm4b:s28+s25], $0x2780, s9, s25, $0x38;
	[tilespmem:$0x1E880] =	vst v63  }
0x52b: {  	_ =	swait.ge [sflag:s4], $0x2780  }
0x52c: {  	[sflag:s4] =	ssyncset.done $0x0  }
0x52d: {  	[sflag:s4] =	ssyncadd.s32 $0xFFFFD880  }
0x52e: {  	_ =	swait.ge [sflag:s8], $0x2780  }
0x52f: {  	[sflag:s8] =	ssyncset.done $0x0  }
0x530: {  	s10 =	simm.s32 $0x0;
	[sflag:s8] =	ssyncadd.s32 $0xFFFFD880  }
0x531: {  	v2 =	vld [tilespmem:s10+$0xEB40]  }
0x532: {  	v3 =	vld [tilespmem:s10+$0xC3F0]  }
0x533: {  	v4 =	vld [tilespmem:s10+$0xEB00]  }
0x534: {  	v5 =	vld [tilespmem:s10+$0x1C140]  }
0x535: {  	v6 =	vld [tilespmem:s10+$0x9CA0]  }
0x536: {  	v7 =	vld [tilespmem:s10+$0xC3B0]  }
0x537: {  	v8 =	vld [tilespmem:s10+$0xEB10]  }
0x538: {  	v9 =	vld [tilespmem:s10+$0x9CB0]  }
0x539: {  	v10 =	vld [tilespmem:s10+$0xC3C0]  }
0x53a: {  	v12 =	vld [tilespmem:s10+$0xEB20]  }
0x53b: {  	v13 =	vld [tilespmem:s10+$0x9CC0]  }
0x53c: {  	v14 =	vld [tilespmem:s10+$0xC3D0]  }
0x53d: {  	v15 =	vld [tilespmem:s10+$0xEB30]  }
0x53e: {  	v16 =	vld [tilespmem:s10+$0x9CD0]  }
0x53f: {  	v17 =	vld [tilespmem:s10+$0xC3E0]  }
0x540: {  	v18 =	vld [tilespmem:s10+$0x9CE0]  }
0x541: {  	v19 =	vld [tilespmem:s10+$0x19980]  }
0x542: {  	v20 =	vld [tilespmem:s10+$0x1C100];
	v3 =	vmul.f32 v3, v2  }
0x543: {  	v21 =	vld [tilespmem:s10+$0x19990]  }
0x544: {  	v11 =	vld [tilespmem:s10+$0x1C110];
	v6 =	vmul.f32 v6, v4;
	v22 =	vmul.f32 v7, v4;
	v3 =	vadd.f32 v5, v3  }
0x545: {  	v23 =	vmul.f32 v9, v8;
	v7 =	vmul.f32 v10, v8;
	v8 =	vld [tilespmem:s10+$0x199A0]  }
0x546: {  	v9 =	vld [tilespmem:s10+$0x1C120];
	v5 =	vmul.f32 v13, v12;
	[tilespmem:s10+$0xC3F0] =	vst v3;
	v3 =	vmul.f32 v14, v12;
	v12 =	vadd.f32 v19, v6  }
0x547: {  	v4 =	vmul.f32 v17, v15;
	v10 =	vld [tilespmem:s10+$0x199B0];
	v14 =	vadd.f32 v20, v22  }
0x548: {  	s13 =	simm.s32 $0x0;
	s14 =	simm.s32 $0x140;
	v2 =	vmul.f32 v18, v2;
	v13 =	vadd.f32 v21, v23;
	v6 =	vmul.f32 v16, v15;
	[tilespmem:s10+$0x9CA0] =	vst v12;
	v12 =	vld [tilespmem:s10+$0x1C130]  }
.LBB2_57:
0x549: {  	s17 =	sshra.s32 s14, $0x2;
	[tilespmem:s10+$0xC3B0] =	vst v14;
	v7 =	vadd.f32 v11, v7;
	v11 =	vld [tilespmem:s10+$0x199C0]  }
0x54a: {  	s13 =	sadd.s32 $0x5, s13;
	v14 =	vld [tilespmem:s17+$0xEB40];
	[tilespmem:s10+$0x9CB0] =	vst v13;
	v5 =	vadd.f32 v8, v5  }
0x54b: {  	p0 =	slt.u32 s13, $0x26C;
	v8 =	vld [tilespmem:s17+$0xC3F0];
	[tilespmem:s10+$0xC3C0] =	vst v7;
	v3 =	vadd.f32 v9, v3  }
0x54c: {  	v7 =	vld [tilespmem:s17+$0xEB00];
	[tilespmem:s10+$0x9CC0] =	vst v5;
	v5 =	vadd.f32 v10, v6  }
0x54d: {  	v6 =	vld [tilespmem:s17+$0x1C140];
	[tilespmem:s10+$0xC3D0] =	vst v3;
	v3 =	vadd.f32 v12, v4  }
0x54e: {  	v4 =	vld [tilespmem:s17+$0x9CA0];
	[tilespmem:s10+$0x9CD0] =	vst v5;
	v2 =	vadd.f32 v11, v2  }
0x54f: {  	v5 =	vld [tilespmem:s17+$0xC3B0];
	[tilespmem:s10+$0xC3E0] =	vst v3  }
0x550: {  	v3 =	vld [tilespmem:s17+$0xEB10];
	v8 =	vmul.f32 v8, v14;
	[tilespmem:s10+$0x9CE0] =	vst v2;
	s10 =	smov.u32 s17  }
0x551: {  	v2 =	vld [tilespmem:s10+$0x9CB0]  }
0x552: {  	v9 =	vld [tilespmem:s10+$0xC3C0];
	v6 =	vadd.f32 v6, v8  }
0x553: {  	v10 =	vmul.f32 v4, v7;
	v4 =	vld [tilespmem:s10+$0xEB20]  }
0x554: {  	v12 =	vmul.f32 v5, v7;
	v5 =	vld [tilespmem:s10+$0x9CC0];
	[tilespmem:s10+$0xC3F0] =	vst v6  }
0x555: {  	v6 =	vld [tilespmem:s10+$0xC3D0]  }
0x556: {  	v13 =	vmul.f32 v2, v3;
	v2 =	vld [tilespmem:s10+$0xEB30]  }
0x557: {  	v7 =	vmul.f32 v9, v3;
	v8 =	vld [tilespmem:s10+$0x9CD0]  }
0x558: {  	v9 =	vld [tilespmem:s10+$0xC3E0]  }
0x559: {  	v5 =	vmul.f32 v5, v4;
	v15 =	vld [tilespmem:s10+$0x9CE0]  }
0x55a: {  	v16 =	vld [tilespmem:s10+$0x19980];
	v3 =	vmul.f32 v6, v4  }
0x55b: {  	v17 =	vld [tilespmem:s10+$0x1C100]  }
0x55c: {  	v18 =	vld [tilespmem:s10+$0x19990];
	v6 =	vmul.f32 v8, v2  }
.Ltmp30:
0x55d: {  	v11 =	vld [tilespmem:s10+$0x1C110];
	v4 =	vmul.f32 v9, v2;
	(pc) =	sbr.rel @p0 .LBB2_57-.Ltmp30, $4  }
0x55e: {  	v8 =	vld [tilespmem:s10+$0x199A0];
	v2 =	vmul.f32 v15, v14  }
0x55f: {  	v15 =	vadd.f32 v16, v10;
	v9 =	vld [tilespmem:s10+$0x1C120]  }
0x560: {  	v14 =	vadd.f32 v17, v12;
	v10 =	vld [tilespmem:s10+$0x199B0]  }
0x561: {  	s14 =	sadd.s32 $0x140, s14;
	[tilespmem:s10+$0x9CA0] =	vst v15;
	v13 =	vadd.f32 v18, v13;
	v12 =	vld [tilespmem:s10+$0x1C130]  }
0x562: {  	[tilespmem:s10+$0xC3B0] =	vst v14;
	v7 =	vadd.f32 v11, v7;
	v62 =	vld [tilespmem:s10+$0x199C0]  }
0x563: {  	[tilespmem:s10+$0x9CB0] =	vst v13;
	v5 =	vadd.f32 v8, v5  }
0x564: {  	[tilespmem:s10+$0xC3C0] =	vst v7;
	v3 =	vadd.f32 v9, v3  }
0x565: {  	[tilespmem:s10+$0x9CC0] =	vst v5;
	v63 =	vadd.f32 v10, v6  }
0x566: {  	[tilespmem:s10+$0xC3D0] =	vst v3;
	v3 =	vadd.f32 v12, v4  }
0x567: {  	[tilespmem:s10+$0x9CD0] =	vst v63;
	v2 =	vadd.f32 v62, v2  }
0x568: {  	[tilespmem:s10+$0xC3E0] =	vst v3  }
0x569: {  	[tilespmem:s10+$0x9CE0] =	vst v2  }
0x56a: {  	s10 =	rddreg [dreg:$0x12]  }
0x56b: {  	[hbm4b:s10+s25] =	stream.strided.scatter [tilespmem:s11], [sflag:$0x5], $0x9C80, s9, s25, $0x38;
	[tilespmem:$0x1E880] =	vst v63  }
0x56c: {  	_ =	swait.ge [sflag:s0], $0x9C80  }
0x56d: {  	s13 =	rddreg [dreg:$0x14]  }
0x56e: {  	s28 =	rddreg [dreg:$0x13];
	s13 =	sadd.s32 $0x1, s13  }
0x56f: {  	p0 =	sne.s32 s13, s28  }
.Ltmp31:
0x570: {  	_ = 	snop;
	(pc) =	sbr.rel @p0 .LBB2_1-.Ltmp31, $3  }
0x571: {  	_ =	sdelay $0x1  }
0x572: {  	[sflag:s0] =	ssyncset.done $0x0  }
0x573: {  	[sflag:s0] =	ssyncadd.s32 $0xFFFF6380  }
0x574: {  	_ =	sfence.sel $0x180000  }
0x575: {  	[bflag:$0x0] =	sbarrier.arrive $0xFFFF  }
0x576: {  	_ =	strace $0x90000047  }
0x577: {  	s0 =	stileid.u32;
	[bflag:$0x2] =	sbarrier.arrive $0xFFFF  }
0x578: {  	p0 =	sne.s32 s0, $0x0;
	s0 =	rddreg [dreg:$0x2]  }
0x579: {  	s0 =	sadd.s32 @!p0 $0x100000, s0  }
0x57a: {  	[sflag:s0] =	ssyncadd.tile.s32 @!p0 $0x1;
	_ =	shalt  }
.Lfunc_end2:
_tile_overlayer_lowered:
.L_overlay_start_2:
0x57b: {  	(tag) =	ssettag $0x2  }
0x57c: {  	s0 =	rddreg [dreg:$0x0];
	s2 =	stileid.u32  }
0x57d: {  	s1 =	rddreg [dreg:$0x1];
	p0 =	sne.s32 s2, $0x0  }
0x57e: {  	s3 =	rddreg [dreg:$0x2];
	[bflag:$0x3] =	sbarrier.arrive $0xFFFF;
	s2 =	simm.s32 @!p0 $0x1C05  }
0x57f: {  	[timem:s3], [sflag:s2] =	dma.local @!p0 [hbm:s0], s1  }
0x580: {  	s0 =	simm.s32 @!p0 $0x5  }
0x581: {  	_ =	swait.ge @!p0 [sflag:s0], s1  }
0x582: {  	s1 =	ssub.s32 @!p0 $0x0, s1;
	[sflag:s0] =	ssyncset.done @!p0 $0x0  }
0x583: {  	[sflag:s0] =	ssyncadd.s32 @!p0 s1  }
0x584: {  	[bflag:$0x3] =	sbarrier.arrive $0xFFFF  }
0x585: {  	_ =	shalt  }

</sc_bundles>
